<compile_context>
chip_gen: v7x
topology: tpu7x:2x2x1
jax: 0.10.2.dev20260603
libtpu: 0.0.44.dev20260713+nightly
codegen_flags: <defaults>
</compile_context>

<pallas_src>
import functools

import jax
import jax.numpy as jnp
from jax import lax
from jax.experimental import pallas as pl
from jax.experimental.pallas import tpu as pltpu
from jax.experimental.pallas import tpu_sc as plsc

N = 10000
E = 320000
D = 128
NUM_LAYER = 5
EPS = 0.5
BN_EPS = 1e-5

NC = 2
NS = 16
NW = NC * NS

N_PAD = 10240
ROWS_W = N_PAD // NW
STRIPE = N_PAD // NS
E_W = E // NW
EK = 125
ECH = E_W // EK
GK = 80
GCH = ROWS_W // GK

_mesh = plsc.VectorSubcoreMesh(
    core_axis_name="c", subcore_axis_name="s", num_cores=NC, num_subcores=NS
)


def _k0_body(emb_ref, idx_ref, h0_ref, idx_v, rows_v, sem):
    c = lax.axis_index("c")
    s = lax.axis_index("s")
    w = c * NS + s

    @pl.loop(0, GCH)
    def _(j):
        pltpu.sync_copy(idx_ref.at[w, j], idx_v)
        pltpu.async_copy(emb_ref.at[idx_v], rows_v, sem).wait()
        pltpu.sync_copy(rows_v, h0_ref.at[pl.ds(w * ROWS_W + j * GK, GK)])


_k0 = pl.kernel(
    _k0_body,
    out_type=jax.ShapeDtypeStruct((N_PAD, D), jnp.float32),
    mesh=_mesh,
    scratch_types=[
        pltpu.VMEM((GK,), jnp.int32),
        pltpu.VMEM((GK, D), jnp.float32),
        pltpu.SemaphoreType.DMA,
    ],
)


def _ka_body(h_ref, sd_ref, out_ref, sd_a, sd_b, rows0, rows1, agg_sh,
             gsem, isem, ssem):
    c = lax.axis_index("c")
    s = lax.axis_index("s")
    w = c * NS + s

    zero16 = jnp.zeros((16,), jnp.float32)

    @pl.loop(0, 80)
    def _(i):
        for j in range(D // 16):
            rows0[i, pl.ds(j * 16, 16)] = zero16

    @pl.loop(0, STRIPE // 80)
    def _(k):
        pltpu.sync_copy(rows0.at[pl.ds(0, 80)],
                        agg_sh.at[pl.ds(s * STRIPE + k * 80, 80)])

    plsc.subcore_barrier()

    pltpu.sync_copy(sd_ref.at[w, 0], sd_a)

    def _quad(sd, pref_desc, pref_late):
        g0 = pltpu.async_copy(h_ref.at[sd.at[0]], rows0, gsem)
        g1 = pltpu.async_copy(h_ref.at[sd.at[2]], rows1, gsem)
        g0.wait()
        s0 = pltpu.async_copy(rows0, agg_sh.at[sd.at[1]], ssem, add=True)
        g1.wait()
        s1 = pltpu.async_copy(rows1, agg_sh.at[sd.at[3]], ssem, add=True)
        s0.wait()
        g2 = pltpu.async_copy(h_ref.at[sd.at[4]], rows0, gsem)
        s1.wait()
        g3 = pltpu.async_copy(h_ref.at[sd.at[6]], rows1, gsem)
        g2.wait()
        s2 = pltpu.async_copy(rows0, agg_sh.at[sd.at[5]], ssem, add=True)
        if pref_desc is not None:
            pref_desc.wait()
        g3.wait()
        s3 = pltpu.async_copy(rows1, agg_sh.at[sd.at[7]], ssem, add=True)
        s2.wait()
        s3.wait()
        return pref_late()

    NG = ECH // 4

    @pl.loop(0, NG, step=2)
    def _(g):
        pb = pltpu.async_copy(sd_ref.at[w, g + 1], sd_b, isem)
        ga = jnp.minimum(g + 2, NG - 1)
        pa = _quad(sd_a, pb,
                   lambda: pltpu.async_copy(sd_ref.at[w, ga], sd_a, isem))
        _quad(sd_b, pa, lambda: None)

    plsc.subcore_barrier()

    pltpu.sync_copy(agg_sh.at[pl.ds(s * STRIPE, STRIPE)],
                    out_ref.at[c, pl.ds(s * STRIPE, STRIPE)])


_ka = pl.kernel(
    _ka_body,
    out_type=jax.ShapeDtypeStruct((NC, N_PAD, D), jnp.float32),
    mesh=_mesh,
    scratch_types=[
        pltpu.VMEM((8, EK), jnp.int32),
        pltpu.VMEM((8, EK), jnp.int32),
        pltpu.VMEM((EK, D), jnp.float32),
        pltpu.VMEM((EK, D), jnp.float32),
        pltpu.VMEM_SHARED((N_PAD, D), jnp.float32),
        pltpu.SemaphoreType.DMA,
        pltpu.SemaphoreType.DMA,
        pltpu.SemaphoreType.DMA,
    ],
)


def _kbc_body(a0_ref, a1_ref, h_ref, out_ref):
    h2 = a0_ref[...] + a1_ref[...] + EPS * h_ref[...]
    rows = lax.broadcasted_iota(jnp.int32, (N_PAD, 1), 0)
    maskf = jnp.where(rows < N, 1.0, 0.0).astype(jnp.float32)
    hm = h2 * maskf
    inv_n = jnp.float32(1.0 / N)
    mean = jnp.sum(hm, axis=0, keepdims=True) * inv_n
    var = jnp.sum(hm * h2, axis=0, keepdims=True) * inv_n - mean * mean
    rs = lax.rsqrt(var + BN_EPS)
    out_ref[...] = (h2 - mean) * rs


_kbc = pl.pallas_call(
    _kbc_body,
    out_shape=jax.ShapeDtypeStruct((N_PAD, D), jnp.float32),
)


@jax.jit
def kernel(x, edge_index, node_embedding):
    idx0 = x[:, 0].astype(jnp.int32)
    idx0_pad = jnp.concatenate(
        [idx0, jnp.full((N_PAD - N,), 120, jnp.int32)]
    ).reshape(NW, GCH, GK)
    emb_pad = jnp.concatenate(
        [node_embedding.astype(jnp.float32), jnp.zeros((8, D), jnp.float32)]
    )
    src_g = edge_index[0].astype(jnp.int32).reshape(NW, ECH // 4, 4, EK)
    dst_g = edge_index[1].astype(jnp.int32).reshape(NW, ECH // 4, 4, EK)
    sd_r = jnp.stack([src_g, dst_g], axis=3).reshape(NW, ECH // 4, 8, EK)

    h = _k0(emb_pad, idx0_pad)

    for _ in range(NUM_LAYER):
        agg = _ka(h, sd_r)
        h = _kbc(agg[0], agg[1], h)
    return h[:N]

# --- scband reference (transcript-rebuilt; emitter-appended) ---
"""Pipeline reference for scband-tokenizer-50955491999984 (READ-ONLY COPY).

The authoritative reference and input builder live on the scoring server;
editing this copy changes nothing except your own understanding.
"""

import jax, jax.numpy as jnp
import numpy as np

N_NODES = 10000
N_EDGES = 320000
EMB_DIM = 128
NUM_LAYER = 5
EPS = 0.5
NUM_ATOM_TYPE = 120
BN_EPS = 1e-5


def setup_inputs(seed: int = 0) -> dict:
    key = jax.random.key(seed)
    k1, k2, k3 = jax.random.split(key, 3)
    x = jax.random.randint(k1, (N_NODES, 2), 0, NUM_ATOM_TYPE)
    edge_index = jax.random.randint(k2, (2, N_EDGES), 0, N_NODES)
    node_embedding = jax.random.normal(k3, (NUM_ATOM_TYPE, EMB_DIM), dtype=jnp.float32)
    return {"x": x, "edge_index": edge_index, "node_embedding": node_embedding}


def reference(x, edge_index, node_embedding):
    # embedding lookup on atom type (first column of x)
    h = jnp.take(node_embedding, x[:, 0], axis=0)  # [N, emb_dim]
    src = edge_index[0]
    dst = edge_index[1]
    for _ in range(NUM_LAYER):
        # NonParaGINConv: propagate(edge_index, x=h) + h * eps
        # message: x_j = h[src]; aggr='add' at dst
        msg = jnp.take(h, src, axis=0)                       # gather [E, d]
        agg = jax.ops.segment_sum(msg, dst, num_segments=N_NODES)  # scatter-add [N, d]
        h2 = agg + h * EPS
        # BatchNorm1d(affine=False), training-mode batch statistics
        mean = jnp.mean(h2, axis=0)
        var = jnp.var(h2, axis=0)
        h = (h2 - mean) / jnp.sqrt(var + BN_EPS)
    # JK == 'last'
    return h

if __name__ == "__main__":
    import jax
    _d = setup_inputs()
    print(jax.jit(kernel)(*tuple(_d.values())))

</pallas_src>

<mosaic_0001>
#map = affine_map<(d0, d1) -> (0, 0)>
#map1 = affine_map<(d0, d1) -> (0, 0, 0)>
module attributes {stable_mosaic.version = 14 : i64} {
  func.func @_k0_body(%arg0: i32, %arg1: i32, %arg2: memref<128x128xf32, #tpu.memory_space<hbm>>, %arg3: memref<32x4x80xi32, #tpu.memory_space<hbm>>, %arg4: memref<10240x128xf32, #tpu.memory_space<hbm>>, %arg5: memref<80xi32, #tpu.memory_space<vmem>>, %arg6: memref<80x128xf32, #tpu.memory_space<vmem>>, %arg7: memref<!tpu.dma_semaphore, #tpu.memory_space<semaphore_mem>>) attributes {dimension_semantics = [#tpu.dimension_semantics<core_parallel>, #tpu.dimension_semantics<subcore_parallel>], iteration_bounds = array<i64: 2, 16>, scalar_prefetch = 0 : i64, scratch_operands = 3 : i64, tpu.core_type = #tpu.core_type<sc_vector_subcore>, window_params = [{transform_indices = #map}, {transform_indices = #map1}, {transform_indices = #map}]} {
    %mul3A = arith.constant 16 : i32
    %mul3A_0 = arith.muli %arg0, %mul3A : i32
    %add3A = arith.addi %mul3A_0, %arg1 : i32
    %scan3A = arith.constant 0 : i32
    %scan3A_1 = arith.constant 4 : i32
    %scan3A_2 = arith.addi %scan3A, %scan3A_1 : i32
    %scan3A_3 = arith.constant 1 : i32
    scf.for %scan3A_5 = %scan3A to %scan3A_2 step %scan3A_3  : i32 {
      %mul3A_6 = arith.constant 1 : i32
      %mul3A_7 = arith.muli %scan3A_5, %mul3A_6 : i32
      %add3A_8 = arith.constant 0 : i32
      %add3A_9 = arith.addi %add3A_8, %mul3A_7 : i32
      "tpu.region"() ({
        %run_scoped3A = tpu.sem_alloc : memref<!tpu.dma_semaphore, #tpu.memory_space<semaphore_mem>>
        %dma_start3A_19 = arith.constant 0 : i32
        %dma_start3A_20 = tpu.memref_slice %arg3[%add3A, %add3A_9, %dma_start3A_19] : memref<32x4x80xi32, #tpu.memory_space<hbm>> -> memref<1x1x80xi32, #tpu.memory_space<hbm>>
        %dma_start3A_21 = tpu.memref_squeeze %dma_start3A_20 : memref<1x1x80xi32, #tpu.memory_space<hbm>> -> memref<80xi32, #tpu.memory_space<hbm>>
        %dma_start3A_22 = arith.constant 0 : i32
        %dma_start3A_23 = tpu.memref_slice %arg3[%add3A, %add3A_9, %dma_start3A_22] : memref<32x4x80xi32, #tpu.memory_space<hbm>> -> memref<1x1x80xi32, #tpu.memory_space<hbm>>
        %dma_start3A_24 = tpu.memref_squeeze %dma_start3A_23 : memref<1x1x80xi32, #tpu.memory_space<hbm>> -> memref<80xi32, #tpu.memory_space<hbm>>
        tpu.enqueue_dma source(%dma_start3A_24 : memref<80xi32, #tpu.memory_space<hbm>>) target(%arg5 : memref<80xi32, #tpu.memory_space<vmem>>) target_semaphore(%run_scoped3A : memref<!tpu.dma_semaphore, #tpu.memory_space<semaphore_mem>>)
        %dma_wait3A_25 = arith.constant 0 : i32
        %dma_wait3A_26 = tpu.memref_slice %arg3[%add3A, %add3A_9, %dma_wait3A_25] : memref<32x4x80xi32, #tpu.memory_space<hbm>> -> memref<1x1x80xi32, #tpu.memory_space<hbm>>
        %dma_wait3A_27 = tpu.memref_squeeze %dma_wait3A_26 : memref<1x1x80xi32, #tpu.memory_space<hbm>> -> memref<80xi32, #tpu.memory_space<hbm>>
        %dma_wait3A_28 = arith.constant 0 : i32
        %dma_wait3A_29 = tpu.memref_slice %arg3[%add3A, %add3A_9, %dma_wait3A_28] : memref<32x4x80xi32, #tpu.memory_space<hbm>> -> memref<1x1x80xi32, #tpu.memory_space<hbm>>
        %dma_wait3A_30 = tpu.memref_squeeze %dma_wait3A_29 : memref<1x1x80xi32, #tpu.memory_space<hbm>> -> memref<80xi32, #tpu.memory_space<hbm>>
        tpu.wait_dma2 semaphore(%run_scoped3A : memref<!tpu.dma_semaphore, #tpu.memory_space<semaphore_mem>>) src(%dma_wait3A_30 : memref<80xi32, #tpu.memory_space<hbm>>) dst(%arg5 : memref<80xi32, #tpu.memory_space<vmem>>)
        tpu.yield
      }) : () -> ()
      %dma_start3A = arith.constant 0 : i32
      %dma_start3A_10 = arith.constant 0 : i32
      %dma_start3A_11 = tpu.memref_slice %arg2[%dma_start3A, %dma_start3A_10] : memref<128x128xf32, #tpu.memory_space<hbm>> -> memref<128x128xf32, #tpu.memory_space<hbm>>
      tpu.enqueue_indirect_dma source(%dma_start3A_11 : memref<128x128xf32, #tpu.memory_space<hbm>>) target(%arg6 : memref<80x128xf32, #tpu.memory_space<vmem>>) offsets(%arg5 : memref<80xi32, #tpu.memory_space<vmem>>) semaphore(%arg7 : memref<!tpu.dma_semaphore, #tpu.memory_space<semaphore_mem>>)
      %dma_wait3A = arith.constant 0 : i32
      %dma_wait3A_12 = arith.constant 0 : i32
      %dma_wait3A_13 = tpu.memref_slice %arg2[%dma_wait3A, %dma_wait3A_12] : memref<128x128xf32, #tpu.memory_space<hbm>> -> memref<128x128xf32, #tpu.memory_space<hbm>>
      tpu.wait_indirect_dma semaphore(%arg7 : memref<!tpu.dma_semaphore, #tpu.memory_space<semaphore_mem>>) src(%dma_wait3A_13 : memref<128x128xf32, #tpu.memory_space<hbm>>) dst(%arg6 : memref<80x128xf32, #tpu.memory_space<vmem>>)
      %mul3A_14 = arith.constant 320 : i32
      %mul3A_15 = arith.muli %add3A, %mul3A_14 : i32
      %mul3A_16 = arith.constant 80 : i32
      %mul3A_17 = arith.muli %add3A_9, %mul3A_16 : i32
      %add3A_18 = arith.addi %mul3A_15, %mul3A_17 : i32
      "tpu.region"() ({
        %run_scoped3A = tpu.sem_alloc : memref<!tpu.dma_semaphore, #tpu.memory_space<semaphore_mem>>
        %dma_start3A_19 = arith.constant 0 : i32
        %dma_start3A_20 = tpu.memref_slice %arg4[%add3A_18, %dma_start3A_19] : memref<10240x128xf32, #tpu.memory_space<hbm>> -> memref<80x128xf32, #tpu.memory_space<hbm>>
        %dma_start3A_21 = arith.constant 0 : i32
        %dma_start3A_22 = tpu.memref_slice %arg4[%add3A_18, %dma_start3A_21] : memref<10240x128xf32, #tpu.memory_space<hbm>> -> memref<80x128xf32, #tpu.memory_space<hbm>>
        tpu.enqueue_dma source(%arg6 : memref<80x128xf32, #tpu.memory_space<vmem>>) target(%dma_start3A_22 : memref<80x128xf32, #tpu.memory_space<hbm>>) target_semaphore(%run_scoped3A : memref<!tpu.dma_semaphore, #tpu.memory_space<semaphore_mem>>)
        %dma_wait3A_23 = arith.constant 0 : i32
        %dma_wait3A_24 = tpu.memref_slice %arg4[%add3A_18, %dma_wait3A_23] : memref<10240x128xf32, #tpu.memory_space<hbm>> -> memref<80x128xf32, #tpu.memory_space<hbm>>
        %dma_wait3A_25 = arith.constant 0 : i32
        %dma_wait3A_26 = tpu.memref_slice %arg4[%add3A_18, %dma_wait3A_25] : memref<10240x128xf32, #tpu.memory_space<hbm>> -> memref<80x128xf32, #tpu.memory_space<hbm>>
        tpu.wait_dma2 semaphore(%run_scoped3A : memref<!tpu.dma_semaphore, #tpu.memory_space<semaphore_mem>>) src(%arg6 : memref<80x128xf32, #tpu.memory_space<vmem>>) dst(%dma_wait3A_26 : memref<80x128xf32, #tpu.memory_space<hbm>>)
        tpu.yield
      }) : () -> ()
    }
    %scan3A_4 = arith.constant 4 : i32
    return
  }
}

#map = affine_map<(d0, d1) -> (0, 0)>
#map1 = affine_map<(d0, d1) -> (0, 0, 0, 0)>
#map2 = affine_map<(d0, d1) -> (0, 0, 0)>
module attributes {stable_mosaic.version = 14 : i64} {
  func.func @_ka_body(%arg0: i32, %arg1: i32, %arg2: memref<10240x128xf32, #tpu.memory_space<hbm>>, %arg3: memref<32x20x8x125xi32, #tpu.memory_space<hbm>>, %arg4: memref<2x10240x128xf32, #tpu.memory_space<hbm>>, %arg5: memref<8x125xi32, #tpu.memory_space<vmem>>, %arg6: memref<8x125xi32, #tpu.memory_space<vmem>>, %arg7: memref<125x128xf32, #tpu.memory_space<vmem>>, %arg8: memref<125x128xf32, #tpu.memory_space<vmem>>, %arg9: memref<10240x128xf32, #tpu.memory_space<vmem_shared>>, %arg10: memref<!tpu.dma_semaphore, #tpu.memory_space<semaphore_mem>>, %arg11: memref<!tpu.dma_semaphore, #tpu.memory_space<semaphore_mem>>, %arg12: memref<!tpu.dma_semaphore, #tpu.memory_space<semaphore_mem>>) attributes {dimension_semantics = [#tpu.dimension_semantics<core_parallel>, #tpu.dimension_semantics<subcore_parallel>], iteration_bounds = array<i64: 2, 16>, scalar_prefetch = 0 : i64, scratch_operands = 8 : i64, tpu.core_type = #tpu.core_type<sc_vector_subcore>, window_params = [{transform_indices = #map}, {transform_indices = #map1}, {transform_indices = #map2}]} {
    %mul3A = arith.constant 16 : i32
    %mul3A_0 = arith.muli %arg0, %mul3A : i32
    %add3A = arith.addi %mul3A_0, %arg1 : i32
    %broadcast_in_dim3A = arith.constant 0.000000e+00 : f32
    %broadcast_in_dim3A_1 = vector.broadcast %broadcast_in_dim3A : f32 to vector<16xf32>
    %scan3A = arith.constant 0 : i32
    %scan3A_2 = arith.constant 80 : i32
    %scan3A_3 = arith.addi %scan3A, %scan3A_2 : i32
    %scan3A_4 = arith.constant 1 : i32
    scf.for %scan3A_21 = %scan3A to %scan3A_3 step %scan3A_4  : i32 {
      %mul3A_22 = arith.constant 1 : i32
      %mul3A_23 = arith.muli %scan3A_21, %mul3A_22 : i32
      %add3A_24 = arith.constant 0 : i32
      %add3A_25 = arith.addi %add3A_24, %mul3A_23 : i32
      %swap3A = arith.index_cast %add3A_25 : i32 to index
      %swap3A_26 = arith.constant 0 : index
      %swap3A_27 = tpu.vector_load %arg7[%swap3A, %swap3A_26] {strides = array<i32>} : memref<125x128xf32, #tpu.memory_space<vmem>>, vector<1x16xf32>,
      %swap3A_28 = vector.shape_cast %swap3A_27 : vector<1x16xf32> to vector<16xf32>
      %swap3A_29 = vector.shape_cast %broadcast_in_dim3A_1 : vector<16xf32> to vector<1x16xf32>
      tpu.vector_store %arg7[%swap3A, %swap3A_26], %swap3A_29 {strides = array<i32>} : memref<125x128xf32, #tpu.memory_space<vmem>>, vector<1x16xf32>,
      %swap3A_30 = arith.index_cast %add3A_25 : i32 to index
      %swap3A_31 = arith.constant 16 : index
      %swap3A_32 = tpu.vector_load %arg7[%swap3A_30, %swap3A_31] {strides = array<i32>} : memref<125x128xf32, #tpu.memory_space<vmem>>, vector<1x16xf32>,
      %swap3A_33 = vector.shape_cast %swap3A_32 : vector<1x16xf32> to vector<16xf32>
      %swap3A_34 = vector.shape_cast %broadcast_in_dim3A_1 : vector<16xf32> to vector<1x16xf32>
      tpu.vector_store %arg7[%swap3A_30, %swap3A_31], %swap3A_34 {strides = array<i32>} : memref<125x128xf32, #tpu.memory_space<vmem>>, vector<1x16xf32>,
      %swap3A_35 = arith.index_cast %add3A_25 : i32 to index
      %swap3A_36 = arith.constant 32 : index
      %swap3A_37 = tpu.vector_load %arg7[%swap3A_35, %swap3A_36] {strides = array<i32>} : memref<125x128xf32, #tpu.memory_space<vmem>>, vector<1x16xf32>,
      %swap3A_38 = vector.shape_cast %swap3A_37 : vector<1x16xf32> to vector<16xf32>
      %swap3A_39 = vector.shape_cast %broadcast_in_dim3A_1 : vector<16xf32> to vector<1x16xf32>
      tpu.vector_store %arg7[%swap3A_35, %swap3A_36], %swap3A_39 {strides = array<i32>} : memref<125x128xf32, #tpu.memory_space<vmem>>, vector<1x16xf32>,
      %swap3A_40 = arith.index_cast %add3A_25 : i32 to index
      %swap3A_41 = arith.constant 48 : index
      %swap3A_42 = tpu.vector_load %arg7[%swap3A_40, %swap3A_41] {strides = array<i32>} : memref<125x128xf32, #tpu.memory_space<vmem>>, vector<1x16xf32>,
      %swap3A_43 = vector.shape_cast %swap3A_42 : vector<1x16xf32> to vector<16xf32>
      %swap3A_44 = vector.shape_cast %broadcast_in_dim3A_1 : vector<16xf32> to vector<1x16xf32>
      tpu.vector_store %arg7[%swap3A_40, %swap3A_41], %swap3A_44 {strides = array<i32>} : memref<125x128xf32, #tpu.memory_space<vmem>>, vector<1x16xf32>,
      %swap3A_45 = arith.index_cast %add3A_25 : i32 to index
      %swap3A_46 = arith.constant 64 : index
      %swap3A_47 = tpu.vector_load %arg7[%swap3A_45, %swap3A_46] {strides = array<i32>} : memref<125x128xf32, #tpu.memory_space<vmem>>, vector<1x16xf32>,
      %swap3A_48 = vector.shape_cast %swap3A_47 : vector<1x16xf32> to vector<16xf32>
      %swap3A_49 = vector.shape_cast %broadcast_in_dim3A_1 : vector<16xf32> to vector<1x16xf32>
      tpu.vector_store %arg7[%swap3A_45, %swap3A_46], %swap3A_49 {strides = array<i32>} : memref<125x128xf32, #tpu.memory_space<vmem>>, vector<1x16xf32>,
      %swap3A_50 = arith.index_cast %add3A_25 : i32 to index
      %swap3A_51 = arith.constant 80 : index
      %swap3A_52 = tpu.vector_load %arg7[%swap3A_50, %swap3A_51] {strides = array<i32>} : memref<125x128xf32, #tpu.memory_space<vmem>>, vector<1x16xf32>,
      %swap3A_53 = vector.shape_cast %swap3A_52 : vector<1x16xf32> to vector<16xf32>
      %swap3A_54 = vector.shape_cast %broadcast_in_dim3A_1 : vector<16xf32> to vector<1x16xf32>
      tpu.vector_store %arg7[%swap3A_50, %swap3A_51], %swap3A_54 {strides = array<i32>} : memref<125x128xf32, #tpu.memory_space<vmem>>, vector<1x16xf32>,
      %swap3A_55 = arith.index_cast %add3A_25 : i32 to index
      %swap3A_56 = arith.constant 96 : index
      %swap3A_57 = tpu.vector_load %arg7[%swap3A_55, %swap3A_56] {strides = array<i32>} : memref<125x128xf32, #tpu.memory_space<vmem>>, vector<1x16xf32>,
      %swap3A_58 = vector.shape_cast %swap3A_57 : vector<1x16xf32> to vector<16xf32>
      %swap3A_59 = vector.shape_cast %broadcast_in_dim3A_1 : vector<16xf32> to vector<1x16xf32>
      tpu.vector_store %arg7[%swap3A_55, %swap3A_56], %swap3A_59 {strides = array<i32>} : memref<125x128xf32, #tpu.memory_space<vmem>>, vector<1x16xf32>,
      %swap3A_60 = arith.index_cast %add3A_25 : i32 to index
      %swap3A_61 = arith.constant 112 : index
      %swap3A_62 = tpu.vector_load %arg7[%swap3A_60, %swap3A_61] {strides = array<i32>} : memref<125x128xf32, #tpu.memory_space<vmem>>, vector<1x16xf32>,
      %swap3A_63 = vector.shape_cast %swap3A_62 : vector<1x16xf32> to vector<16xf32>
      %swap3A_64 = vector.shape_cast %broadcast_in_dim3A_1 : vector<16xf32> to vector<1x16xf32>
      tpu.vector_store %arg7[%swap3A_60, %swap3A_61], %swap3A_64 {strides = array<i32>} : memref<125x128xf32, #tpu.memory_space<vmem>>, vector<1x16xf32>,
    }
    %scan3A_5 = arith.constant 80 : i32
    %scan3A_6 = arith.constant 0 : i32
    %scan3A_7 = arith.constant 8 : i32
    %scan3A_8 = arith.addi %scan3A_6, %scan3A_7 : i32
    %scan3A_9 = arith.constant 1 : i32
    scf.for %scan3A_21 = %scan3A_6 to %scan3A_8 step %scan3A_9  : i32 {
      %mul3A_22 = arith.constant 1 : i32
      %mul3A_23 = arith.muli %scan3A_21, %mul3A_22 : i32
      %add3A_24 = arith.constant 0 : i32
      %add3A_25 = arith.addi %add3A_24, %mul3A_23 : i32
      %mul3A_26 = arith.constant 640 : i32
      %mul3A_27 = arith.muli %arg1, %mul3A_26 : i32
      %mul3A_28 = arith.constant 80 : i32
      %mul3A_29 = arith.muli %add3A_25, %mul3A_28 : i32
      %add3A_30 = arith.addi %mul3A_27, %mul3A_29 : i32
      "tpu.region"() ({
        %run_scoped3A_31 = tpu.sem_alloc : memref<!tpu.dma_semaphore, #tpu.memory_space<semaphore_mem>>
        %dma_start3A = arith.constant 0 : i32
        %dma_start3A_32 = arith.constant 0 : i32
        %dma_start3A_33 = tpu.memref_slice %arg7[%dma_start3A, %dma_start3A_32] : memref<125x128xf32, #tpu.memory_space<vmem>> -> memref<80x128xf32, #tpu.memory_space<vmem>>
        %dma_start3A_34 = arith.constant 0 : i32
        %dma_start3A_35 = tpu.memref_slice %arg9[%add3A_30, %dma_start3A_34] : memref<10240x128xf32, #tpu.memory_space<vmem_shared>> -> memref<80x128xf32, #tpu.memory_space<vmem_shared>>
        %dma_start3A_36 = arith.constant 0 : i32
        %dma_start3A_37 = tpu.memref_slice %arg9[%add3A_30, %dma_start3A_36] : memref<10240x128xf32, #tpu.memory_space<vmem_shared>> -> memref<80x128xf32, #tpu.memory_space<vmem_shared>>
        %dma_start3A_38 = arith.constant 0 : i32
        %dma_start3A_39 = arith.constant 0 : i32
        %dma_start3A_40 = tpu.memref_slice %arg7[%dma_start3A_38, %dma_start3A_39] : memref<125x128xf32, #tpu.memory_space<vmem>> -> memref<80x128xf32, #tpu.memory_space<vmem>>
        tpu.enqueue_dma source(%dma_start3A_40 : memref<80x128xf32, #tpu.memory_space<vmem>>) target(%dma_start3A_37 : memref<80x128xf32, #tpu.memory_space<vmem_shared>>) target_semaphore(%run_scoped3A_31 : memref<!tpu.dma_semaphore, #tpu.memory_space<semaphore_mem>>)
        %dma_wait3A = arith.constant 0 : i32
        %dma_wait3A_41 = arith.constant 0 : i32
        %dma_wait3A_42 = tpu.memref_slice %arg7[%dma_wait3A, %dma_wait3A_41] : memref<125x128xf32, #tpu.memory_space<vmem>> -> memref<80x128xf32, #tpu.memory_space<vmem>>
        %dma_wait3A_43 = arith.constant 0 : i32
        %dma_wait3A_44 = tpu.memref_slice %arg9[%add3A_30, %dma_wait3A_43] : memref<10240x128xf32, #tpu.memory_space<vmem_shared>> -> memref<80x128xf32, #tpu.memory_space<vmem_shared>>
        %dma_wait3A_45 = arith.constant 0 : i32
        %dma_wait3A_46 = tpu.memref_slice %arg9[%add3A_30, %dma_wait3A_45] : memref<10240x128xf32, #tpu.memory_space<vmem_shared>> -> memref<80x128xf32, #tpu.memory_space<vmem_shared>>
        %dma_wait3A_47 = arith.constant 0 : i32
        %dma_wait3A_48 = arith.constant 0 : i32
        %dma_wait3A_49 = tpu.memref_slice %arg7[%dma_wait3A_47, %dma_wait3A_48] : memref<125x128xf32, #tpu.memory_space<vmem>> -> memref<80x128xf32, #tpu.memory_space<vmem>>
        tpu.wait_dma2 semaphore(%run_scoped3A_31 : memref<!tpu.dma_semaphore, #tpu.memory_space<semaphore_mem>>) src(%dma_wait3A_49 : memref<80x128xf32, #tpu.memory_space<vmem>>) dst(%dma_wait3A_46 : memref<80x128xf32, #tpu.memory_space<vmem_shared>>)
        tpu.yield
      }) : () -> ()
    }
    %scan3A_10 = arith.constant 8 : i32
    %barrier3A = arith.constant 0 : index
    tpu.barrier barrier_id(%barrier3A)
    %run_scoped3A = arith.constant 0 : i32
    "tpu.region"() ({
      %run_scoped3A_21 = tpu.sem_alloc : memref<!tpu.dma_semaphore, #tpu.memory_space<semaphore_mem>>
      %dma_start3A = arith.constant 0 : i32
      %dma_start3A_22 = arith.constant 0 : i32
      %dma_start3A_23 = tpu.memref_slice %arg3[%add3A, %run_scoped3A, %dma_start3A, %dma_start3A_22] : memref<32x20x8x125xi32, #tpu.memory_space<hbm>> -> memref<1x1x8x125xi32, #tpu.memory_space<hbm>>
      %dma_start3A_24 = tpu.memref_squeeze %dma_start3A_23 : memref<1x1x8x125xi32, #tpu.memory_space<hbm>> -> memref<8x125xi32, #tpu.memory_space<hbm>>
      %dma_start3A_25 = arith.constant 0 : i32
      %dma_start3A_26 = arith.constant 0 : i32
      %dma_start3A_27 = tpu.memref_slice %arg3[%add3A, %run_scoped3A, %dma_start3A_25, %dma_start3A_26] : memref<32x20x8x125xi32, #tpu.memory_space<hbm>> -> memref<1x1x8x125xi32, #tpu.memory_space<hbm>>
      %dma_start3A_28 = tpu.memref_squeeze %dma_start3A_27 : memref<1x1x8x125xi32, #tpu.memory_space<hbm>> -> memref<8x125xi32, #tpu.memory_space<hbm>>
      tpu.enqueue_dma source(%dma_start3A_28 : memref<8x125xi32, #tpu.memory_space<hbm>>) target(%arg5 : memref<8x125xi32, #tpu.memory_space<vmem>>) target_semaphore(%run_scoped3A_21 : memref<!tpu.dma_semaphore, #tpu.memory_space<semaphore_mem>>)
      %dma_wait3A = arith.constant 0 : i32
      %dma_wait3A_29 = arith.constant 0 : i32
      %dma_wait3A_30 = tpu.memref_slice %arg3[%add3A, %run_scoped3A, %dma_wait3A, %dma_wait3A_29] : memref<32x20x8x125xi32, #tpu.memory_space<hbm>> -> memref<1x1x8x125xi32, #tpu.memory_space<hbm>>
      %dma_wait3A_31 = tpu.memref_squeeze %dma_wait3A_30 : memref<1x1x8x125xi32, #tpu.memory_space<hbm>> -> memref<8x125xi32, #tpu.memory_space<hbm>>
      %dma_wait3A_32 = arith.constant 0 : i32
      %dma_wait3A_33 = arith.constant 0 : i32
      %dma_wait3A_34 = tpu.memref_slice %arg3[%add3A, %run_scoped3A, %dma_wait3A_32, %dma_wait3A_33] : memref<32x20x8x125xi32, #tpu.memory_space<hbm>> -> memref<1x1x8x125xi32, #tpu.memory_space<hbm>>
      %dma_wait3A_35 = tpu.memref_squeeze %dma_wait3A_34 : memref<1x1x8x125xi32, #tpu.memory_space<hbm>> -> memref<8x125xi32, #tpu.memory_space<hbm>>
      tpu.wait_dma2 semaphore(%run_scoped3A_21 : memref<!tpu.dma_semaphore, #tpu.memory_space<semaphore_mem>>) src(%dma_wait3A_35 : memref<8x125xi32, #tpu.memory_space<hbm>>) dst(%arg5 : memref<8x125xi32, #tpu.memory_space<vmem>>)
      tpu.yield
    }) : () -> ()
    %scan3A_11 = arith.constant 0 : i32
    %scan3A_12 = arith.constant 10 : i32
    %scan3A_13 = arith.addi %scan3A_11, %scan3A_12 : i32
    %scan3A_14 = arith.constant 1 : i32
    scf.for %scan3A_21 = %scan3A_11 to %scan3A_13 step %scan3A_14  : i32 {
      %mul3A_22 = arith.constant 2 : i32
      %mul3A_23 = arith.muli %scan3A_21, %mul3A_22 : i32
      %add3A_24 = arith.constant 0 : i32
      %add3A_25 = arith.addi %add3A_24, %mul3A_23 : i32
      %add3A_26 = arith.constant 1 : i32
      %add3A_27 = arith.addi %add3A_25, %add3A_26 : i32
      %dma_start3A = arith.constant 0 : i32
      %dma_start3A_28 = arith.constant 0 : i32
      %dma_start3A_29 = tpu.memref_slice %arg3[%add3A, %add3A_27, %dma_start3A, %dma_start3A_28] : memref<32x20x8x125xi32, #tpu.memory_space<hbm>> -> memref<1x1x8x125xi32, #tpu.memory_space<hbm>>
      %dma_start3A_30 = tpu.memref_squeeze %dma_start3A_29 : memref<1x1x8x125xi32, #tpu.memory_space<hbm>> -> memref<8x125xi32, #tpu.memory_space<hbm>>
      %dma_start3A_31 = arith.constant 0 : i32
      %dma_start3A_32 = arith.constant 0 : i32
      %dma_start3A_33 = tpu.memref_slice %arg3[%add3A, %add3A_27, %dma_start3A_31, %dma_start3A_32] : memref<32x20x8x125xi32, #tpu.memory_space<hbm>> -> memref<1x1x8x125xi32, #tpu.memory_space<hbm>>
      %dma_start3A_34 = tpu.memref_squeeze %dma_start3A_33 : memref<1x1x8x125xi32, #tpu.memory_space<hbm>> -> memref<8x125xi32, #tpu.memory_space<hbm>>
      tpu.enqueue_dma source(%dma_start3A_34 : memref<8x125xi32, #tpu.memory_space<hbm>>) target(%arg6 : memref<8x125xi32, #tpu.memory_space<vmem>>) target_semaphore(%arg11 : memref<!tpu.dma_semaphore, #tpu.memory_space<semaphore_mem>>)
      %add3A_35 = arith.constant 2 : i32
      %add3A_36 = arith.addi %add3A_25, %add3A_35 : i32
      %min3A = arith.constant 19 : i32
      %min3A_37 = arith.minsi %add3A_36, %min3A : i32
      %dma_start3A_38 = arith.constant 0 : i32
      %dma_start3A_39 = arith.constant 0 : i32
      %dma_start3A_40 = tpu.memref_slice %arg5[%dma_start3A_38, %dma_start3A_39] : memref<8x125xi32, #tpu.memory_space<vmem>> -> memref<1x125xi32, #tpu.memory_space<vmem>>
      %dma_start3A_41 = tpu.memref_squeeze %dma_start3A_40 : memref<1x125xi32, #tpu.memory_space<vmem>> -> memref<125xi32, #tpu.memory_space<vmem>>
      %dma_start3A_42 = arith.constant 0 : i32
      %dma_start3A_43 = arith.constant 0 : i32
      %dma_start3A_44 = tpu.memref_slice %arg2[%dma_start3A_42, %dma_start3A_43] : memref<10240x128xf32, #tpu.memory_space<hbm>> -> memref<10240x128xf32, #tpu.memory_space<hbm>>
      tpu.enqueue_indirect_dma source(%dma_start3A_44 : memref<10240x128xf32, #tpu.memory_space<hbm>>) target(%arg7 : memref<125x128xf32, #tpu.memory_space<vmem>>) offsets(%dma_start3A_41 : memref<125xi32, #tpu.memory_space<vmem>>) semaphore(%arg10 : memref<!tpu.dma_semaphore, #tpu.memory_space<semaphore_mem>>)
      %dma_start3A_45 = arith.constant 2 : i32
      %dma_start3A_46 = arith.constant 0 : i32
      %dma_start3A_47 = tpu.memref_slice %arg5[%dma_start3A_45, %dma_start3A_46] : memref<8x125xi32, #tpu.memory_space<vmem>> -> memref<1x125xi32, #tpu.memory_space<vmem>>
      %dma_start3A_48 = tpu.memref_squeeze %dma_start3A_47 : memref<1x125xi32, #tpu.memory_space<vmem>> -> memref<125xi32, #tpu.memory_space<vmem>>
      %dma_start3A_49 = arith.constant 0 : i32
      %dma_start3A_50 = arith.constant 0 : i32
      %dma_start3A_51 = tpu.memref_slice %arg2[%dma_start3A_49, %dma_start3A_50] : memref<10240x128xf32, #tpu.memory_space<hbm>> -> memref<10240x128xf32, #tpu.memory_space<hbm>>
      tpu.enqueue_indirect_dma source(%dma_start3A_51 : memref<10240x128xf32, #tpu.memory_space<hbm>>) target(%arg8 : memref<125x128xf32, #tpu.memory_space<vmem>>) offsets(%dma_start3A_48 : memref<125xi32, #tpu.memory_space<vmem>>) semaphore(%arg10 : memref<!tpu.dma_semaphore, #tpu.memory_space<semaphore_mem>>)
      %dma_wait3A = arith.constant 0 : i32
      %dma_wait3A_52 = arith.constant 0 : i32
      %dma_wait3A_53 = tpu.memref_slice %arg5[%dma_wait3A, %dma_wait3A_52] : memref<8x125xi32, #tpu.memory_space<vmem>> -> memref<1x125xi32, #tpu.memory_space<vmem>>
      %dma_wait3A_54 = tpu.memref_squeeze %dma_wait3A_53 : memref<1x125xi32, #tpu.memory_space<vmem>> -> memref<125xi32, #tpu.memory_space<vmem>>
      %dma_wait3A_55 = arith.constant 0 : i32
      %dma_wait3A_56 = arith.constant 0 : i32
      %dma_wait3A_57 = tpu.memref_slice %arg2[%dma_wait3A_55, %dma_wait3A_56] : memref<10240x128xf32, #tpu.memory_space<hbm>> -> memref<10240x128xf32, #tpu.memory_space<hbm>>
      tpu.wait_indirect_dma semaphore(%arg10 : memref<!tpu.dma_semaphore, #tpu.memory_space<semaphore_mem>>) src(%dma_wait3A_57 : memref<10240x128xf32, #tpu.memory_space<hbm>>) dst(%arg7 : memref<125x128xf32, #tpu.memory_space<vmem>>)
      %dma_start3A_58 = arith.constant 1 : i32
      %dma_start3A_59 = arith.constant 0 : i32
      %dma_start3A_60 = tpu.memref_slice %arg5[%dma_start3A_58, %dma_start3A_59] : memref<8x125xi32, #tpu.memory_space<vmem>> -> memref<1x125xi32, #tpu.memory_space<vmem>>
      %dma_start3A_61 = tpu.memref_squeeze %dma_start3A_60 : memref<1x125xi32, #tpu.memory_space<vmem>> -> memref<125xi32, #tpu.memory_space<vmem>>
      %dma_start3A_62 = arith.constant 0 : i32
      %dma_start3A_63 = arith.constant 0 : i32
      %dma_start3A_64 = tpu.memref_slice %arg9[%dma_start3A_62, %dma_start3A_63] : memref<10240x128xf32, #tpu.memory_space<vmem_shared>> -> memref<10240x128xf32, #tpu.memory_space<vmem_shared>>
      tpu.enqueue_indirect_dma source(%arg7 : memref<125x128xf32, #tpu.memory_space<vmem>>) target(%dma_start3A_64 : memref<10240x128xf32, #tpu.memory_space<vmem_shared>>) offsets(%dma_start3A_61 : memref<125xi32, #tpu.memory_space<vmem>>) semaphore(%arg12 : memref<!tpu.dma_semaphore, #tpu.memory_space<semaphore_mem>>) {add = true}
      %dma_wait3A_65 = arith.constant 2 : i32
      %dma_wait3A_66 = arith.constant 0 : i32
      %dma_wait3A_67 = tpu.memref_slice %arg5[%dma_wait3A_65, %dma_wait3A_66] : memref<8x125xi32, #tpu.memory_space<vmem>> -> memref<1x125xi32, #tpu.memory_space<vmem>>
      %dma_wait3A_68 = tpu.memref_squeeze %dma_wait3A_67 : memref<1x125xi32, #tpu.memory_space<vmem>> -> memref<125xi32, #tpu.memory_space<vmem>>
      %dma_wait3A_69 = arith.constant 0 : i32
      %dma_wait3A_70 = arith.constant 0 : i32
      %dma_wait3A_71 = tpu.memref_slice %arg2[%dma_wait3A_69, %dma_wait3A_70] : memref<10240x128xf32, #tpu.memory_space<hbm>> -> memref<10240x128xf32, #tpu.memory_space<hbm>>
      tpu.wait_indirect_dma semaphore(%arg10 : memref<!tpu.dma_semaphore, #tpu.memory_space<semaphore_mem>>) src(%dma_wait3A_71 : memref<10240x128xf32, #tpu.memory_space<hbm>>) dst(%arg8 : memref<125x128xf32, #tpu.memory_space<vmem>>)
      %dma_start3A_72 = arith.constant 3 : i32
      %dma_start3A_73 = arith.constant 0 : i32
      %dma_start3A_74 = tpu.memref_slice %arg5[%dma_start3A_72, %dma_start3A_73] : memref<8x125xi32, #tpu.memory_space<vmem>> -> memref<1x125xi32, #tpu.memory_space<vmem>>
      %dma_start3A_75 = tpu.memref_squeeze %dma_start3A_74 : memref<1x125xi32, #tpu.memory_space<vmem>> -> memref<125xi32, #tpu.memory_space<vmem>>
      %dma_start3A_76 = arith.constant 0 : i32
      %dma_start3A_77 = arith.constant 0 : i32
      %dma_start3A_78 = tpu.memref_slice %arg9[%dma_start3A_76, %dma_start3A_77] : memref<10240x128xf32, #tpu.memory_space<vmem_shared>> -> memref<10240x128xf32, #tpu.memory_space<vmem_shared>>
      tpu.enqueue_indirect_dma source(%arg8 : memref<125x128xf32, #tpu.memory_space<vmem>>) target(%dma_start3A_78 : memref<10240x128xf32, #tpu.memory_space<vmem_shared>>) offsets(%dma_start3A_75 : memref<125xi32, #tpu.memory_space<vmem>>) semaphore(%arg12 : memref<!tpu.dma_semaphore, #tpu.memory_space<semaphore_mem>>) {add = true}
      %dma_wait3A_79 = arith.constant 1 : i32
      %dma_wait3A_80 = arith.constant 0 : i32
      %dma_wait3A_81 = tpu.memref_slice %arg5[%dma_wait3A_79, %dma_wait3A_80] : memref<8x125xi32, #tpu.memory_space<vmem>> -> memref<1x125xi32, #tpu.memory_space<vmem>>
      %dma_wait3A_82 = tpu.memref_squeeze %dma_wait3A_81 : memref<1x125xi32, #tpu.memory_space<vmem>> -> memref<125xi32, #tpu.memory_space<vmem>>
      %dma_wait3A_83 = arith.constant 0 : i32
      %dma_wait3A_84 = arith.constant 0 : i32
      %dma_wait3A_85 = tpu.memref_slice %arg9[%dma_wait3A_83, %dma_wait3A_84] : memref<10240x128xf32, #tpu.memory_space<vmem_shared>> -> memref<10240x128xf32, #tpu.memory_space<vmem_shared>>
      tpu.wait_indirect_dma semaphore(%arg12 : memref<!tpu.dma_semaphore, #tpu.memory_space<semaphore_mem>>) src(%arg7 : memref<125x128xf32, #tpu.memory_space<vmem>>) dst(%dma_wait3A_85 : memref<10240x128xf32, #tpu.memory_space<vmem_shared>>)
      %dma_start3A_86 = arith.constant 4 : i32
      %dma_start3A_87 = arith.constant 0 : i32
      %dma_start3A_88 = tpu.memref_slice %arg5[%dma_start3A_86, %dma_start3A_87] : memref<8x125xi32, #tpu.memory_space<vmem>> -> memref<1x125xi32, #tpu.memory_space<vmem>>
      %dma_start3A_89 = tpu.memref_squeeze %dma_start3A_88 : memref<1x125xi32, #tpu.memory_space<vmem>> -> memref<125xi32, #tpu.memory_space<vmem>>
      %dma_start3A_90 = arith.constant 0 : i32
      %dma_start3A_91 = arith.constant 0 : i32
      %dma_start3A_92 = tpu.memref_slice %arg2[%dma_start3A_90, %dma_start3A_91] : memref<10240x128xf32, #tpu.memory_space<hbm>> -> memref<10240x128xf32, #tpu.memory_space<hbm>>
      tpu.enqueue_indirect_dma source(%dma_start3A_92 : memref<10240x128xf32, #tpu.memory_space<hbm>>) target(%arg7 : memref<125x128xf32, #tpu.memory_space<vmem>>) offsets(%dma_start3A_89 : memref<125xi32, #tpu.memory_space<vmem>>) semaphore(%arg10 : memref<!tpu.dma_semaphore, #tpu.memory_space<semaphore_mem>>)
      %dma_wait3A_93 = arith.constant 3 : i32
      %dma_wait3A_94 = arith.constant 0 : i32
      %dma_wait3A_95 = tpu.memref_slice %arg5[%dma_wait3A_93, %dma_wait3A_94] : memref<8x125xi32, #tpu.memory_space<vmem>> -> memref<1x125xi32, #tpu.memory_space<vmem>>
      %dma_wait3A_96 = tpu.memref_squeeze %dma_wait3A_95 : memref<1x125xi32, #tpu.memory_space<vmem>> -> memref<125xi32, #tpu.memory_space<vmem>>
      %dma_wait3A_97 = arith.constant 0 : i32
      %dma_wait3A_98 = arith.constant 0 : i32
      %dma_wait3A_99 = tpu.memref_slice %arg9[%dma_wait3A_97, %dma_wait3A_98] : memref<10240x128xf32, #tpu.memory_space<vmem_shared>> -> memref<10240x128xf32, #tpu.memory_space<vmem_shared>>
      tpu.wait_indirect_dma semaphore(%arg12 : memref<!tpu.dma_semaphore, #tpu.memory_space<semaphore_mem>>) src(%arg8 : memref<125x128xf32, #tpu.memory_space<vmem>>) dst(%dma_wait3A_99 : memref<10240x128xf32, #tpu.memory_space<vmem_shared>>)
      %dma_start3A_100 = arith.constant 6 : i32
      %dma_start3A_101 = arith.constant 0 : i32
      %dma_start3A_102 = tpu.memref_slice %arg5[%dma_start3A_100, %dma_start3A_101] : memref<8x125xi32, #tpu.memory_space<vmem>> -> memref<1x125xi32, #tpu.memory_space<vmem>>
      %dma_start3A_103 = tpu.memref_squeeze %dma_start3A_102 : memref<1x125xi32, #tpu.memory_space<vmem>> -> memref<125xi32, #tpu.memory_space<vmem>>
      %dma_start3A_104 = arith.constant 0 : i32
      %dma_start3A_105 = arith.constant 0 : i32
      %dma_start3A_106 = tpu.memref_slice %arg2[%dma_start3A_104, %dma_start3A_105] : memref<10240x128xf32, #tpu.memory_space<hbm>> -> memref<10240x128xf32, #tpu.memory_space<hbm>>
      tpu.enqueue_indirect_dma source(%dma_start3A_106 : memref<10240x128xf32, #tpu.memory_space<hbm>>) target(%arg8 : memref<125x128xf32, #tpu.memory_space<vmem>>) offsets(%dma_start3A_103 : memref<125xi32, #tpu.memory_space<vmem>>) semaphore(%arg10 : memref<!tpu.dma_semaphore, #tpu.memory_space<semaphore_mem>>)
      %dma_wait3A_107 = arith.constant 4 : i32
      %dma_wait3A_108 = arith.constant 0 : i32
      %dma_wait3A_109 = tpu.memref_slice %arg5[%dma_wait3A_107, %dma_wait3A_108] : memref<8x125xi32, #tpu.memory_space<vmem>> -> memref<1x125xi32, #tpu.memory_space<vmem>>
      %dma_wait3A_110 = tpu.memref_squeeze %dma_wait3A_109 : memref<1x125xi32, #tpu.memory_space<vmem>> -> memref<125xi32, #tpu.memory_space<vmem>>
      %dma_wait3A_111 = arith.constant 0 : i32
      %dma_wait3A_112 = arith.constant 0 : i32
      %dma_wait3A_113 = tpu.memref_slice %arg2[%dma_wait3A_111, %dma_wait3A_112] : memref<10240x128xf32, #tpu.memory_space<hbm>> -> memref<10240x128xf32, #tpu.memory_space<hbm>>
      tpu.wait_indirect_dma semaphore(%arg10 : memref<!tpu.dma_semaphore, #tpu.memory_space<semaphore_mem>>) src(%dma_wait3A_113 : memref<10240x128xf32, #tpu.memory_space<hbm>>) dst(%arg7 : memref<125x128xf32, #tpu.memory_space<vmem>>)
      %dma_start3A_114 = arith.constant 5 : i32
      %dma_start3A_115 = arith.constant 0 : i32
      %dma_start3A_116 = tpu.memref_slice %arg5[%dma_start3A_114, %dma_start3A_115] : memref<8x125xi32, #tpu.memory_space<vmem>> -> memref<1x125xi32, #tpu.memory_space<vmem>>
      %dma_start3A_117 = tpu.memref_squeeze %dma_start3A_116 : memref<1x125xi32, #tpu.memory_space<vmem>> -> memref<125xi32, #tpu.memory_space<vmem>>
      %dma_start3A_118 = arith.constant 0 : i32
      %dma_start3A_119 = arith.constant 0 : i32
      %dma_start3A_120 = tpu.memref_slice %arg9[%dma_start3A_118, %dma_start3A_119] : memref<10240x128xf32, #tpu.memory_space<vmem_shared>> -> memref<10240x128xf32, #tpu.memory_space<vmem_shared>>
      tpu.enqueue_indirect_dma source(%arg7 : memref<125x128xf32, #tpu.memory_space<vmem>>) target(%dma_start3A_120 : memref<10240x128xf32, #tpu.memory_space<vmem_shared>>) offsets(%dma_start3A_117 : memref<125xi32, #tpu.memory_space<vmem>>) semaphore(%arg12 : memref<!tpu.dma_semaphore, #tpu.memory_space<semaphore_mem>>) {add = true}
      %dma_wait3A_121 = arith.constant 0 : i32
      %dma_wait3A_122 = arith.constant 0 : i32
      %dma_wait3A_123 = tpu.memref_slice %arg3[%add3A, %add3A_27, %dma_wait3A_121, %dma_wait3A_122] : memref<32x20x8x125xi32, #tpu.memory_space<hbm>> -> memref<1x1x8x125xi32, #tpu.memory_space<hbm>>
      %dma_wait3A_124 = tpu.memref_squeeze %dma_wait3A_123 : memref<1x1x8x125xi32, #tpu.memory_space<hbm>> -> memref<8x125xi32, #tpu.memory_space<hbm>>
      %dma_wait3A_125 = arith.constant 0 : i32
      %dma_wait3A_126 = arith.constant 0 : i32
      %dma_wait3A_127 = tpu.memref_slice %arg3[%add3A, %add3A_27, %dma_wait3A_125, %dma_wait3A_126] : memref<32x20x8x125xi32, #tpu.memory_space<hbm>> -> memref<1x1x8x125xi32, #tpu.memory_space<hbm>>
      %dma_wait3A_128 = tpu.memref_squeeze %dma_wait3A_127 : memref<1x1x8x125xi32, #tpu.memory_space<hbm>> -> memref<8x125xi32, #tpu.memory_space<hbm>>
      tpu.wait_dma2 semaphore(%arg11 : memref<!tpu.dma_semaphore, #tpu.memory_space<semaphore_mem>>) src(%dma_wait3A_128 : memref<8x125xi32, #tpu.memory_space<hbm>>) dst(%arg6 : memref<8x125xi32, #tpu.memory_space<vmem>>)
      %dma_wait3A_129 = arith.constant 6 : i32
      %dma_wait3A_130 = arith.constant 0 : i32
      %dma_wait3A_131 = tpu.memref_slice %arg5[%dma_wait3A_129, %dma_wait3A_130] : memref<8x125xi32, #tpu.memory_space<vmem>> -> memref<1x125xi32, #tpu.memory_space<vmem>>
      %dma_wait3A_132 = tpu.memref_squeeze %dma_wait3A_131 : memref<1x125xi32, #tpu.memory_space<vmem>> -> memref<125xi32, #tpu.memory_space<vmem>>
      %dma_wait3A_133 = arith.constant 0 : i32
      %dma_wait3A_134 = arith.constant 0 : i32
      %dma_wait3A_135 = tpu.memref_slice %arg2[%dma_wait3A_133, %dma_wait3A_134] : memref<10240x128xf32, #tpu.memory_space<hbm>> -> memref<10240x128xf32, #tpu.memory_space<hbm>>
      tpu.wait_indirect_dma semaphore(%arg10 : memref<!tpu.dma_semaphore, #tpu.memory_space<semaphore_mem>>) src(%dma_wait3A_135 : memref<10240x128xf32, #tpu.memory_space<hbm>>) dst(%arg8 : memref<125x128xf32, #tpu.memory_space<vmem>>)
      %dma_start3A_136 = arith.constant 7 : i32
      %dma_start3A_137 = arith.constant 0 : i32
      %dma_start3A_138 = tpu.memref_slice %arg5[%dma_start3A_136, %dma_start3A_137] : memref<8x125xi32, #tpu.memory_space<vmem>> -> memref<1x125xi32, #tpu.memory_space<vmem>>
      %dma_start3A_139 = tpu.memref_squeeze %dma_start3A_138 : memref<1x125xi32, #tpu.memory_space<vmem>> -> memref<125xi32, #tpu.memory_space<vmem>>
      %dma_start3A_140 = arith.constant 0 : i32
      %dma_start3A_141 = arith.constant 0 : i32
      %dma_start3A_142 = tpu.memref_slice %arg9[%dma_start3A_140, %dma_start3A_141] : memref<10240x128xf32, #tpu.memory_space<vmem_shared>> -> memref<10240x128xf32, #tpu.memory_space<vmem_shared>>
      tpu.enqueue_indirect_dma source(%arg8 : memref<125x128xf32, #tpu.memory_space<vmem>>) target(%dma_start3A_142 : memref<10240x128xf32, #tpu.memory_space<vmem_shared>>) offsets(%dma_start3A_139 : memref<125xi32, #tpu.memory_space<vmem>>) semaphore(%arg12 : memref<!tpu.dma_semaphore, #tpu.memory_space<semaphore_mem>>) {add = true}
      %dma_wait3A_143 = arith.constant 5 : i32
      %dma_wait3A_144 = arith.constant 0 : i32
      %dma_wait3A_145 = tpu.memref_slice %arg5[%dma_wait3A_143, %dma_wait3A_144] : memref<8x125xi32, #tpu.memory_space<vmem>> -> memref<1x125xi32, #tpu.memory_space<vmem>>
      %dma_wait3A_146 = tpu.memref_squeeze %dma_wait3A_145 : memref<1x125xi32, #tpu.memory_space<vmem>> -> memref<125xi32, #tpu.memory_space<vmem>>
      %dma_wait3A_147 = arith.constant 0 : i32
      %dma_wait3A_148 = arith.constant 0 : i32
      %dma_wait3A_149 = tpu.memref_slice %arg9[%dma_wait3A_147, %dma_wait3A_148] : memref<10240x128xf32, #tpu.memory_space<vmem_shared>> -> memref<10240x128xf32, #tpu.memory_space<vmem_shared>>
      tpu.wait_indirect_dma semaphore(%arg12 : memref<!tpu.dma_semaphore, #tpu.memory_space<semaphore_mem>>) src(%arg7 : memref<125x128xf32, #tpu.memory_space<vmem>>) dst(%dma_wait3A_149 : memref<10240x128xf32, #tpu.memory_space<vmem_shared>>)
      %dma_wait3A_150 = arith.constant 7 : i32
      %dma_wait3A_151 = arith.constant 0 : i32
      %dma_wait3A_152 = tpu.memref_slice %arg5[%dma_wait3A_150, %dma_wait3A_151] : memref<8x125xi32, #tpu.memory_space<vmem>> -> memref<1x125xi32, #tpu.memory_space<vmem>>
      %dma_wait3A_153 = tpu.memref_squeeze %dma_wait3A_152 : memref<1x125xi32, #tpu.memory_space<vmem>> -> memref<125xi32, #tpu.memory_space<vmem>>
      %dma_wait3A_154 = arith.constant 0 : i32
      %dma_wait3A_155 = arith.constant 0 : i32
      %dma_wait3A_156 = tpu.memref_slice %arg9[%dma_wait3A_154, %dma_wait3A_155] : memref<10240x128xf32, #tpu.memory_space<vmem_shared>> -> memref<10240x128xf32, #tpu.memory_space<vmem_shared>>
      tpu.wait_indirect_dma semaphore(%arg12 : memref<!tpu.dma_semaphore, #tpu.memory_space<semaphore_mem>>) src(%arg8 : memref<125x128xf32, #tpu.memory_space<vmem>>) dst(%dma_wait3A_156 : memref<10240x128xf32, #tpu.memory_space<vmem_shared>>)
      %dma_start3A_157 = arith.constant 0 : i32
      %dma_start3A_158 = arith.constant 0 : i32
      %dma_start3A_159 = tpu.memref_slice %arg3[%add3A, %min3A_37, %dma_start3A_157, %dma_start3A_158] : memref<32x20x8x125xi32, #tpu.memory_space<hbm>> -> memref<1x1x8x125xi32, #tpu.memory_space<hbm>>
      %dma_start3A_160 = tpu.memref_squeeze %dma_start3A_159 : memref<1x1x8x125xi32, #tpu.memory_space<hbm>> -> memref<8x125xi32, #tpu.memory_space<hbm>>
      %dma_start3A_161 = arith.constant 0 : i32
      %dma_start3A_162 = arith.constant 0 : i32
      %dma_start3A_163 = tpu.memref_slice %arg3[%add3A, %min3A_37, %dma_start3A_161, %dma_start3A_162] : memref<32x20x8x125xi32, #tpu.memory_space<hbm>> -> memref<1x1x8x125xi32, #tpu.memory_space<hbm>>
      %dma_start3A_164 = tpu.memref_squeeze %dma_start3A_163 : memref<1x1x8x125xi32, #tpu.memory_space<hbm>> -> memref<8x125xi32, #tpu.memory_space<hbm>>
      tpu.enqueue_dma source(%dma_start3A_164 : memref<8x125xi32, #tpu.memory_space<hbm>>) target(%arg5 : memref<8x125xi32, #tpu.memory_space<vmem>>) target_semaphore(%arg11 : memref<!tpu.dma_semaphore, #tpu.memory_space<semaphore_mem>>)
      %dma_start3A_165 = arith.constant 0 : i32
      %dma_start3A_166 = arith.constant 0 : i32
      %dma_start3A_167 = tpu.memref_slice %arg6[%dma_start3A_165, %dma_start3A_166] : memref<8x125xi32, #tpu.memory_space<vmem>> -> memref<1x125xi32, #tpu.memory_space<vmem>>
      %dma_start3A_168 = tpu.memref_squeeze %dma_start3A_167 : memref<1x125xi32, #tpu.memory_space<vmem>> -> memref<125xi32, #tpu.memory_space<vmem>>
      %dma_start3A_169 = arith.constant 0 : i32
      %dma_start3A_170 = arith.constant 0 : i32
      %dma_start3A_171 = tpu.memref_slice %arg2[%dma_start3A_169, %dma_start3A_170] : memref<10240x128xf32, #tpu.memory_space<hbm>> -> memref<10240x128xf32, #tpu.memory_space<hbm>>
      tpu.enqueue_indirect_dma source(%dma_start3A_171 : memref<10240x128xf32, #tpu.memory_space<hbm>>) target(%arg7 : memref<125x128xf32, #tpu.memory_space<vmem>>) offsets(%dma_start3A_168 : memref<125xi32, #tpu.memory_space<vmem>>) semaphore(%arg10 : memref<!tpu.dma_semaphore, #tpu.memory_space<semaphore_mem>>)
      %dma_start3A_172 = arith.constant 2 : i32
      %dma_start3A_173 = arith.constant 0 : i32
      %dma_start3A_174 = tpu.memref_slice %arg6[%dma_start3A_172, %dma_start3A_173] : memref<8x125xi32, #tpu.memory_space<vmem>> -> memref<1x125xi32, #tpu.memory_space<vmem>>
      %dma_start3A_175 = tpu.memref_squeeze %dma_start3A_174 : memref<1x125xi32, #tpu.memory_space<vmem>> -> memref<125xi32, #tpu.memory_space<vmem>>
      %dma_start3A_176 = arith.constant 0 : i32
      %dma_start3A_177 = arith.constant 0 : i32
      %dma_start3A_178 = tpu.memref_slice %arg2[%dma_start3A_176, %dma_start3A_177] : memref<10240x128xf32, #tpu.memory_space<hbm>> -> memref<10240x128xf32, #tpu.memory_space<hbm>>
      tpu.enqueue_indirect_dma source(%dma_start3A_178 : memref<10240x128xf32, #tpu.memory_space<hbm>>) target(%arg8 : memref<125x128xf32, #tpu.memory_space<vmem>>) offsets(%dma_start3A_175 : memref<125xi32, #tpu.memory_space<vmem>>) semaphore(%arg10 : memref<!tpu.dma_semaphore, #tpu.memory_space<semaphore_mem>>)
      %dma_wait3A_179 = arith.constant 0 : i32
      %dma_wait3A_180 = arith.constant 0 : i32
      %dma_wait3A_181 = tpu.memref_slice %arg6[%dma_wait3A_179, %dma_wait3A_180] : memref<8x125xi32, #tpu.memory_space<vmem>> -> memref<1x125xi32, #tpu.memory_space<vmem>>
      %dma_wait3A_182 = tpu.memref_squeeze %dma_wait3A_181 : memref<1x125xi32, #tpu.memory_space<vmem>> -> memref<125xi32, #tpu.memory_space<vmem>>
      %dma_wait3A_183 = arith.constant 0 : i32
      %dma_wait3A_184 = arith.constant 0 : i32
      %dma_wait3A_185 = tpu.memref_slice %arg2[%dma_wait3A_183, %dma_wait3A_184] : memref<10240x128xf32, #tpu.memory_space<hbm>> -> memref<10240x128xf32, #tpu.memory_space<hbm>>
      tpu.wait_indirect_dma semaphore(%arg10 : memref<!tpu.dma_semaphore, #tpu.memory_space<semaphore_mem>>) src(%dma_wait3A_185 : memref<10240x128xf32, #tpu.memory_space<hbm>>) dst(%arg7 : memref<125x128xf32, #tpu.memory_space<vmem>>)
      %dma_start3A_186 = arith.constant 1 : i32
      %dma_start3A_187 = arith.constant 0 : i32
      %dma_start3A_188 = tpu.memref_slice %arg6[%dma_start3A_186, %dma_start3A_187] : memref<8x125xi32, #tpu.memory_space<vmem>> -> memref<1x125xi32, #tpu.memory_space<vmem>>
      %dma_start3A_189 = tpu.memref_squeeze %dma_start3A_188 : memref<1x125xi32, #tpu.memory_space<vmem>> -> memref<125xi32, #tpu.memory_space<vmem>>
      %dma_start3A_190 = arith.constant 0 : i32
      %dma_start3A_191 = arith.constant 0 : i32
      %dma_start3A_192 = tpu.memref_slice %arg9[%dma_start3A_190, %dma_start3A_191] : memref<10240x128xf32, #tpu.memory_space<vmem_shared>> -> memref<10240x128xf32, #tpu.memory_space<vmem_shared>>
      tpu.enqueue_indirect_dma source(%arg7 : memref<125x128xf32, #tpu.memory_space<vmem>>) target(%dma_start3A_192 : memref<10240x128xf32, #tpu.memory_space<vmem_shared>>) offsets(%dma_start3A_189 : memref<125xi32, #tpu.memory_space<vmem>>) semaphore(%arg12 : memref<!tpu.dma_semaphore, #tpu.memory_space<semaphore_mem>>) {add = true}
      %dma_wait3A_193 = arith.constant 2 : i32
      %dma_wait3A_194 = arith.constant 0 : i32
      %dma_wait3A_195 = tpu.memref_slice %arg6[%dma_wait3A_193, %dma_wait3A_194] : memref<8x125xi32, #tpu.memory_space<vmem>> -> memref<1x125xi32, #tpu.memory_space<vmem>>
      %dma_wait3A_196 = tpu.memref_squeeze %dma_wait3A_195 : memref<1x125xi32, #tpu.memory_space<vmem>> -> memref<125xi32, #tpu.memory_space<vmem>>
      %dma_wait3A_197 = arith.constant 0 : i32
      %dma_wait3A_198 = arith.constant 0 : i32
      %dma_wait3A_199 = tpu.memref_slice %arg2[%dma_wait3A_197, %dma_wait3A_198] : memref<10240x128xf32, #tpu.memory_space<hbm>> -> memref<10240x128xf32, #tpu.memory_space<hbm>>
      tpu.wait_indirect_dma semaphore(%arg10 : memref<!tpu.dma_semaphore, #tpu.memory_space<semaphore_mem>>) src(%dma_wait3A_199 : memref<10240x128xf32, #tpu.memory_space<hbm>>) dst(%arg8 : memref<125x128xf32, #tpu.memory_space<vmem>>)
      %dma_start3A_200 = arith.constant 3 : i32
      %dma_start3A_201 = arith.constant 0 : i32
      %dma_start3A_202 = tpu.memref_slice %arg6[%dma_start3A_200, %dma_start3A_201] : memref<8x125xi32, #tpu.memory_space<vmem>> -> memref<1x125xi32, #tpu.memory_space<vmem>>
      %dma_start3A_203 = tpu.memref_squeeze %dma_start3A_202 : memref<1x125xi32, #tpu.memory_space<vmem>> -> memref<125xi32, #tpu.memory_space<vmem>>
      %dma_start3A_204 = arith.constant 0 : i32
      %dma_start3A_205 = arith.constant 0 : i32
      %dma_start3A_206 = tpu.memref_slice %arg9[%dma_start3A_204, %dma_start3A_205] : memref<10240x128xf32, #tpu.memory_space<vmem_shared>> -> memref<10240x128xf32, #tpu.memory_space<vmem_shared>>
      tpu.enqueue_indirect_dma source(%arg8 : memref<125x128xf32, #tpu.memory_space<vmem>>) target(%dma_start3A_206 : memref<10240x128xf32, #tpu.memory_space<vmem_shared>>) offsets(%dma_start3A_203 : memref<125xi32, #tpu.memory_space<vmem>>) semaphore(%arg12 : memref<!tpu.dma_semaphore, #tpu.memory_space<semaphore_mem>>) {add = true}
      %dma_wait3A_207 = arith.constant 1 : i32
      %dma_wait3A_208 = arith.constant 0 : i32
      %dma_wait3A_209 = tpu.memref_slice %arg6[%dma_wait3A_207, %dma_wait3A_208] : memref<8x125xi32, #tpu.memory_space<vmem>> -> memref<1x125xi32, #tpu.memory_space<vmem>>
      %dma_wait3A_210 = tpu.memref_squeeze %dma_wait3A_209 : memref<1x125xi32, #tpu.memory_space<vmem>> -> memref<125xi32, #tpu.memory_space<vmem>>
      %dma_wait3A_211 = arith.constant 0 : i32
      %dma_wait3A_212 = arith.constant 0 : i32
      %dma_wait3A_213 = tpu.memref_slice %arg9[%dma_wait3A_211, %dma_wait3A_212] : memref<10240x128xf32, #tpu.memory_space<vmem_shared>> -> memref<10240x128xf32, #tpu.memory_space<vmem_shared>>
      tpu.wait_indirect_dma semaphore(%arg12 : memref<!tpu.dma_semaphore, #tpu.memory_space<semaphore_mem>>) src(%arg7 : memref<125x128xf32, #tpu.memory_space<vmem>>) dst(%dma_wait3A_213 : memref<10240x128xf32, #tpu.memory_space<vmem_shared>>)
      %dma_start3A_214 = arith.constant 4 : i32
      %dma_start3A_215 = arith.constant 0 : i32
      %dma_start3A_216 = tpu.memref_slice %arg6[%dma_start3A_214, %dma_start3A_215] : memref<8x125xi32, #tpu.memory_space<vmem>> -> memref<1x125xi32, #tpu.memory_space<vmem>>
      %dma_start3A_217 = tpu.memref_squeeze %dma_start3A_216 : memref<1x125xi32, #tpu.memory_space<vmem>> -> memref<125xi32, #tpu.memory_space<vmem>>
      %dma_start3A_218 = arith.constant 0 : i32
      %dma_start3A_219 = arith.constant 0 : i32
      %dma_start3A_220 = tpu.memref_slice %arg2[%dma_start3A_218, %dma_start3A_219] : memref<10240x128xf32, #tpu.memory_space<hbm>> -> memref<10240x128xf32, #tpu.memory_space<hbm>>
      tpu.enqueue_indirect_dma source(%dma_start3A_220 : memref<10240x128xf32, #tpu.memory_space<hbm>>) target(%arg7 : memref<125x128xf32, #tpu.memory_space<vmem>>) offsets(%dma_start3A_217 : memref<125xi32, #tpu.memory_space<vmem>>) semaphore(%arg10 : memref<!tpu.dma_semaphore, #tpu.memory_space<semaphore_mem>>)
      %dma_wait3A_221 = arith.constant 3 : i32
      %dma_wait3A_222 = arith.constant 0 : i32
      %dma_wait3A_223 = tpu.memref_slice %arg6[%dma_wait3A_221, %dma_wait3A_222] : memref<8x125xi32, #tpu.memory_space<vmem>> -> memref<1x125xi32, #tpu.memory_space<vmem>>
      %dma_wait3A_224 = tpu.memref_squeeze %dma_wait3A_223 : memref<1x125xi32, #tpu.memory_space<vmem>> -> memref<125xi32, #tpu.memory_space<vmem>>
      %dma_wait3A_225 = arith.constant 0 : i32
      %dma_wait3A_226 = arith.constant 0 : i32
      %dma_wait3A_227 = tpu.memref_slice %arg9[%dma_wait3A_225, %dma_wait3A_226] : memref<10240x128xf32, #tpu.memory_space<vmem_shared>> -> memref<10240x128xf32, #tpu.memory_space<vmem_shared>>
      tpu.wait_indirect_dma semaphore(%arg12 : memref<!tpu.dma_semaphore, #tpu.memory_space<semaphore_mem>>) src(%arg8 : memref<125x128xf32, #tpu.memory_space<vmem>>) dst(%dma_wait3A_227 : memref<10240x128xf32, #tpu.memory_space<vmem_shared>>)
      %dma_start3A_228 = arith.constant 6 : i32
      %dma_start3A_229 = arith.constant 0 : i32
      %dma_start3A_230 = tpu.memref_slice %arg6[%dma_start3A_228, %dma_start3A_229] : memref<8x125xi32, #tpu.memory_space<vmem>> -> memref<1x125xi32, #tpu.memory_space<vmem>>
      %dma_start3A_231 = tpu.memref_squeeze %dma_start3A_230 : memref<1x125xi32, #tpu.memory_space<vmem>> -> memref<125xi32, #tpu.memory_space<vmem>>
      %dma_start3A_232 = arith.constant 0 : i32
      %dma_start3A_233 = arith.constant 0 : i32
      %dma_start3A_234 = tpu.memref_slice %arg2[%dma_start3A_232, %dma_start3A_233] : memref<10240x128xf32, #tpu.memory_space<hbm>> -> memref<10240x128xf32, #tpu.memory_space<hbm>>
      tpu.enqueue_indirect_dma source(%dma_start3A_234 : memref<10240x128xf32, #tpu.memory_space<hbm>>) target(%arg8 : memref<125x128xf32, #tpu.memory_space<vmem>>) offsets(%dma_start3A_231 : memref<125xi32, #tpu.memory_space<vmem>>) semaphore(%arg10 : memref<!tpu.dma_semaphore, #tpu.memory_space<semaphore_mem>>)
      %dma_wait3A_235 = arith.constant 4 : i32
      %dma_wait3A_236 = arith.constant 0 : i32
      %dma_wait3A_237 = tpu.memref_slice %arg6[%dma_wait3A_235, %dma_wait3A_236] : memref<8x125xi32, #tpu.memory_space<vmem>> -> memref<1x125xi32, #tpu.memory_space<vmem>>
      %dma_wait3A_238 = tpu.memref_squeeze %dma_wait3A_237 : memref<1x125xi32, #tpu.memory_space<vmem>> -> memref<125xi32, #tpu.memory_space<vmem>>
      %dma_wait3A_239 = arith.constant 0 : i32
      %dma_wait3A_240 = arith.constant 0 : i32
      %dma_wait3A_241 = tpu.memref_slice %arg2[%dma_wait3A_239, %dma_wait3A_240] : memref<10240x128xf32, #tpu.memory_space<hbm>> -> memref<10240x128xf32, #tpu.memory_space<hbm>>
      tpu.wait_indirect_dma semaphore(%arg10 : memref<!tpu.dma_semaphore, #tpu.memory_space<semaphore_mem>>) src(%dma_wait3A_241 : memref<10240x128xf32, #tpu.memory_space<hbm>>) dst(%arg7 : memref<125x128xf32, #tpu.memory_space<vmem>>)
      %dma_start3A_242 = arith.constant 5 : i32
      %dma_start3A_243 = arith.constant 0 : i32
      %dma_start3A_244 = tpu.memref_slice %arg6[%dma_start3A_242, %dma_start3A_243] : memref<8x125xi32, #tpu.memory_space<vmem>> -> memref<1x125xi32, #tpu.memory_space<vmem>>
      %dma_start3A_245 = tpu.memref_squeeze %dma_start3A_244 : memref<1x125xi32, #tpu.memory_space<vmem>> -> memref<125xi32, #tpu.memory_space<vmem>>
      %dma_start3A_246 = arith.constant 0 : i32
      %dma_start3A_247 = arith.constant 0 : i32
      %dma_start3A_248 = tpu.memref_slice %arg9[%dma_start3A_246, %dma_start3A_247] : memref<10240x128xf32, #tpu.memory_space<vmem_shared>> -> memref<10240x128xf32, #tpu.memory_space<vmem_shared>>
      tpu.enqueue_indirect_dma source(%arg7 : memref<125x128xf32, #tpu.memory_space<vmem>>) target(%dma_start3A_248 : memref<10240x128xf32, #tpu.memory_space<vmem_shared>>) offsets(%dma_start3A_245 : memref<125xi32, #tpu.memory_space<vmem>>) semaphore(%arg12 : memref<!tpu.dma_semaphore, #tpu.memory_space<semaphore_mem>>) {add = true}
      %dma_wait3A_249 = arith.constant 0 : i32
      %dma_wait3A_250 = arith.constant 0 : i32
      %dma_wait3A_251 = tpu.memref_slice %arg3[%add3A, %min3A_37, %dma_wait3A_249, %dma_wait3A_250] : memref<32x20x8x125xi32, #tpu.memory_space<hbm>> -> memref<1x1x8x125xi32, #tpu.memory_space<hbm>>
      %dma_wait3A_252 = tpu.memref_squeeze %dma_wait3A_251 : memref<1x1x8x125xi32, #tpu.memory_space<hbm>> -> memref<8x125xi32, #tpu.memory_space<hbm>>
      %dma_wait3A_253 = arith.constant 0 : i32
      %dma_wait3A_254 = arith.constant 0 : i32
      %dma_wait3A_255 = tpu.memref_slice %arg3[%add3A, %min3A_37, %dma_wait3A_253, %dma_wait3A_254] : memref<32x20x8x125xi32, #tpu.memory_space<hbm>> -> memref<1x1x8x125xi32, #tpu.memory_space<hbm>>
      %dma_wait3A_256 = tpu.memref_squeeze %dma_wait3A_255 : memref<1x1x8x125xi32, #tpu.memory_space<hbm>> -> memref<8x125xi32, #tpu.memory_space<hbm>>
      tpu.wait_dma2 semaphore(%arg11 : memref<!tpu.dma_semaphore, #tpu.memory_space<semaphore_mem>>) src(%dma_wait3A_256 : memref<8x125xi32, #tpu.memory_space<hbm>>) dst(%arg5 : memref<8x125xi32, #tpu.memory_space<vmem>>)
      %dma_wait3A_257 = arith.constant 6 : i32
      %dma_wait3A_258 = arith.constant 0 : i32
      %dma_wait3A_259 = tpu.memref_slice %arg6[%dma_wait3A_257, %dma_wait3A_258] : memref<8x125xi32, #tpu.memory_space<vmem>> -> memref<1x125xi32, #tpu.memory_space<vmem>>
      %dma_wait3A_260 = tpu.memref_squeeze %dma_wait3A_259 : memref<1x125xi32, #tpu.memory_space<vmem>> -> memref<125xi32, #tpu.memory_space<vmem>>
      %dma_wait3A_261 = arith.constant 0 : i32
      %dma_wait3A_262 = arith.constant 0 : i32
      %dma_wait3A_263 = tpu.memref_slice %arg2[%dma_wait3A_261, %dma_wait3A_262] : memref<10240x128xf32, #tpu.memory_space<hbm>> -> memref<10240x128xf32, #tpu.memory_space<hbm>>
      tpu.wait_indirect_dma semaphore(%arg10 : memref<!tpu.dma_semaphore, #tpu.memory_space<semaphore_mem>>) src(%dma_wait3A_263 : memref<10240x128xf32, #tpu.memory_space<hbm>>) dst(%arg8 : memref<125x128xf32, #tpu.memory_space<vmem>>)
      %dma_start3A_264 = arith.constant 7 : i32
      %dma_start3A_265 = arith.constant 0 : i32
      %dma_start3A_266 = tpu.memref_slice %arg6[%dma_start3A_264, %dma_start3A_265] : memref<8x125xi32, #tpu.memory_space<vmem>> -> memref<1x125xi32, #tpu.memory_space<vmem>>
      %dma_start3A_267 = tpu.memref_squeeze %dma_start3A_266 : memref<1x125xi32, #tpu.memory_space<vmem>> -> memref<125xi32, #tpu.memory_space<vmem>>
      %dma_start3A_268 = arith.constant 0 : i32
      %dma_start3A_269 = arith.constant 0 : i32
      %dma_start3A_270 = tpu.memref_slice %arg9[%dma_start3A_268, %dma_start3A_269] : memref<10240x128xf32, #tpu.memory_space<vmem_shared>> -> memref<10240x128xf32, #tpu.memory_space<vmem_shared>>
      tpu.enqueue_indirect_dma source(%arg8 : memref<125x128xf32, #tpu.memory_space<vmem>>) target(%dma_start3A_270 : memref<10240x128xf32, #tpu.memory_space<vmem_shared>>) offsets(%dma_start3A_267 : memref<125xi32, #tpu.memory_space<vmem>>) semaphore(%arg12 : memref<!tpu.dma_semaphore, #tpu.memory_space<semaphore_mem>>) {add = true}
      %dma_wait3A_271 = arith.constant 5 : i32
      %dma_wait3A_272 = arith.constant 0 : i32
      %dma_wait3A_273 = tpu.memref_slice %arg6[%dma_wait3A_271, %dma_wait3A_272] : memref<8x125xi32, #tpu.memory_space<vmem>> -> memref<1x125xi32, #tpu.memory_space<vmem>>
      %dma_wait3A_274 = tpu.memref_squeeze %dma_wait3A_273 : memref<1x125xi32, #tpu.memory_space<vmem>> -> memref<125xi32, #tpu.memory_space<vmem>>
      %dma_wait3A_275 = arith.constant 0 : i32
      %dma_wait3A_276 = arith.constant 0 : i32
      %dma_wait3A_277 = tpu.memref_slice %arg9[%dma_wait3A_275, %dma_wait3A_276] : memref<10240x128xf32, #tpu.memory_space<vmem_shared>> -> memref<10240x128xf32, #tpu.memory_space<vmem_shared>>
      tpu.wait_indirect_dma semaphore(%arg12 : memref<!tpu.dma_semaphore, #tpu.memory_space<semaphore_mem>>) src(%arg7 : memref<125x128xf32, #tpu.memory_space<vmem>>) dst(%dma_wait3A_277 : memref<10240x128xf32, #tpu.memory_space<vmem_shared>>)
      %dma_wait3A_278 = arith.constant 7 : i32
      %dma_wait3A_279 = arith.constant 0 : i32
      %dma_wait3A_280 = tpu.memref_slice %arg6[%dma_wait3A_278, %dma_wait3A_279] : memref<8x125xi32, #tpu.memory_space<vmem>> -> memref<1x125xi32, #tpu.memory_space<vmem>>
      %dma_wait3A_281 = tpu.memref_squeeze %dma_wait3A_280 : memref<1x125xi32, #tpu.memory_space<vmem>> -> memref<125xi32, #tpu.memory_space<vmem>>
      %dma_wait3A_282 = arith.constant 0 : i32
      %dma_wait3A_283 = arith.constant 0 : i32
      %dma_wait3A_284 = tpu.memref_slice %arg9[%dma_wait3A_282, %dma_wait3A_283] : memref<10240x128xf32, #tpu.memory_space<vmem_shared>> -> memref<10240x128xf32, #tpu.memory_space<vmem_shared>>
      tpu.wait_indirect_dma semaphore(%arg12 : memref<!tpu.dma_semaphore, #tpu.memory_space<semaphore_mem>>) src(%arg8 : memref<125x128xf32, #tpu.memory_space<vmem>>) dst(%dma_wait3A_284 : memref<10240x128xf32, #tpu.memory_space<vmem_shared>>)
    }
    %scan3A_15 = arith.constant 10 : i32
    %barrier3A_16 = arith.constant 0 : index
    tpu.barrier barrier_id(%barrier3A_16)
    %mul3A_17 = arith.constant 640 : i32
    %mul3A_18 = arith.muli %arg1, %mul3A_17 : i32
    %mul3A_19 = arith.constant 640 : i32
    %mul3A_20 = arith.muli %arg1, %mul3A_19 : i32
    "tpu.region"() ({
      %run_scoped3A_21 = tpu.sem_alloc : memref<!tpu.dma_semaphore, #tpu.memory_space<semaphore_mem>>
      %dma_start3A = arith.constant 0 : i32
      %dma_start3A_22 = tpu.memref_slice %arg4[%arg0, %mul3A_20, %dma_start3A] : memref<2x10240x128xf32, #tpu.memory_space<hbm>> -> memref<1x640x128xf32, #tpu.memory_space<hbm>>
      %dma_start3A_23 = tpu.memref_squeeze %dma_start3A_22 : memref<1x640x128xf32, #tpu.memory_space<hbm>> -> memref<640x128xf32, #tpu.memory_space<hbm>>
      %dma_start3A_24 = arith.constant 0 : i32
      %dma_start3A_25 = tpu.memref_slice %arg9[%mul3A_18, %dma_start3A_24] : memref<10240x128xf32, #tpu.memory_space<vmem_shared>> -> memref<640x128xf32, #tpu.memory_space<vmem_shared>>
      tpu.enqueue_dma source(%dma_start3A_25 : memref<640x128xf32, #tpu.memory_space<vmem_shared>>) target(%dma_start3A_23 : memref<640x128xf32, #tpu.memory_space<hbm>>) target_semaphore(%run_scoped3A_21 : memref<!tpu.dma_semaphore, #tpu.memory_space<semaphore_mem>>)
      %dma_wait3A = arith.constant 0 : i32
      %dma_wait3A_26 = tpu.memref_slice %arg4[%arg0, %mul3A_20, %dma_wait3A] : memref<2x10240x128xf32, #tpu.memory_space<hbm>> -> memref<1x640x128xf32, #tpu.memory_space<hbm>>
      %dma_wait3A_27 = tpu.memref_squeeze %dma_wait3A_26 : memref<1x640x128xf32, #tpu.memory_space<hbm>> -> memref<640x128xf32, #tpu.memory_space<hbm>>
      %dma_wait3A_28 = arith.constant 0 : i32
      %dma_wait3A_29 = tpu.memref_slice %arg9[%mul3A_18, %dma_wait3A_28] : memref<10240x128xf32, #tpu.memory_space<vmem_shared>> -> memref<640x128xf32, #tpu.memory_space<vmem_shared>>
      tpu.wait_dma2 semaphore(%run_scoped3A_21 : memref<!tpu.dma_semaphore, #tpu.memory_space<semaphore_mem>>) src(%dma_wait3A_29 : memref<640x128xf32, #tpu.memory_space<vmem_shared>>) dst(%dma_wait3A_27 : memref<640x128xf32, #tpu.memory_space<hbm>>)
      tpu.yield
    }) : () -> ()
    return
  }
}

#map = affine_map<(d0, d1) -> (0, 0)>
#map1 = affine_map<(d0, d1) -> (0, 0, 0, 0)>
#map2 = affine_map<(d0, d1) -> (0, 0, 0)>
module attributes {stable_mosaic.version = 14 : i64} {
  func.func @_ka_body(%arg0: i32, %arg1: i32, %arg2: memref<10240x128xf32, #tpu.memory_space<hbm>>, %arg3: memref<32x20x8x125xi32, #tpu.memory_space<hbm>>, %arg4: memref<2x10240x128xf32, #tpu.memory_space<hbm>>, %arg5: memref<8x125xi32, #tpu.memory_space<vmem>>, %arg6: memref<8x125xi32, #tpu.memory_space<vmem>>, %arg7: memref<125x128xf32, #tpu.memory_space<vmem>>, %arg8: memref<125x128xf32, #tpu.memory_space<vmem>>, %arg9: memref<10240x128xf32, #tpu.memory_space<vmem_shared>>, %arg10: memref<!tpu.dma_semaphore, #tpu.memory_space<semaphore_mem>>, %arg11: memref<!tpu.dma_semaphore, #tpu.memory_space<semaphore_mem>>, %arg12: memref<!tpu.dma_semaphore, #tpu.memory_space<semaphore_mem>>) attributes {dimension_semantics = [#tpu.dimension_semantics<core_parallel>, #tpu.dimension_semantics<subcore_parallel>], iteration_bounds = array<i64: 2, 16>, scalar_prefetch = 0 : i64, scratch_operands = 8 : i64, tpu.core_type = #tpu.core_type<sc_vector_subcore>, window_params = [{transform_indices = #map}, {transform_indices = #map1}, {transform_indices = #map2}]} {
    %mul3A = arith.constant 16 : i32
    %mul3A_0 = arith.muli %arg0, %mul3A : i32
    %add3A = arith.addi %mul3A_0, %arg1 : i32
    %broadcast_in_dim3A = arith.constant 0.000000e+00 : f32
    %broadcast_in_dim3A_1 = vector.broadcast %broadcast_in_dim3A : f32 to vector<16xf32>
    %scan3A = arith.constant 0 : i32
    %scan3A_2 = arith.constant 80 : i32
    %scan3A_3 = arith.addi %scan3A, %scan3A_2 : i32
    %scan3A_4 = arith.constant 1 : i32
    scf.for %scan3A_21 = %scan3A to %scan3A_3 step %scan3A_4  : i32 {
      %mul3A_22 = arith.constant 1 : i32
      %mul3A_23 = arith.muli %scan3A_21, %mul3A_22 : i32
      %add3A_24 = arith.constant 0 : i32
      %add3A_25 = arith.addi %add3A_24, %mul3A_23 : i32
      %swap3A = arith.index_cast %add3A_25 : i32 to index
      %swap3A_26 = arith.constant 0 : index
      %swap3A_27 = tpu.vector_load %arg7[%swap3A, %swap3A_26] {strides = array<i32>} : memref<125x128xf32, #tpu.memory_space<vmem>>, vector<1x16xf32>,
      %swap3A_28 = vector.shape_cast %swap3A_27 : vector<1x16xf32> to vector<16xf32>
      %swap3A_29 = vector.shape_cast %broadcast_in_dim3A_1 : vector<16xf32> to vector<1x16xf32>
      tpu.vector_store %arg7[%swap3A, %swap3A_26], %swap3A_29 {strides = array<i32>} : memref<125x128xf32, #tpu.memory_space<vmem>>, vector<1x16xf32>,
      %swap3A_30 = arith.index_cast %add3A_25 : i32 to index
      %swap3A_31 = arith.constant 16 : index
      %swap3A_32 = tpu.vector_load %arg7[%swap3A_30, %swap3A_31] {strides = array<i32>} : memref<125x128xf32, #tpu.memory_space<vmem>>, vector<1x16xf32>,
      %swap3A_33 = vector.shape_cast %swap3A_32 : vector<1x16xf32> to vector<16xf32>
      %swap3A_34 = vector.shape_cast %broadcast_in_dim3A_1 : vector<16xf32> to vector<1x16xf32>
      tpu.vector_store %arg7[%swap3A_30, %swap3A_31], %swap3A_34 {strides = array<i32>} : memref<125x128xf32, #tpu.memory_space<vmem>>, vector<1x16xf32>,
      %swap3A_35 = arith.index_cast %add3A_25 : i32 to index
      %swap3A_36 = arith.constant 32 : index
      %swap3A_37 = tpu.vector_load %arg7[%swap3A_35, %swap3A_36] {strides = array<i32>} : memref<125x128xf32, #tpu.memory_space<vmem>>, vector<1x16xf32>,
      %swap3A_38 = vector.shape_cast %swap3A_37 : vector<1x16xf32> to vector<16xf32>
      %swap3A_39 = vector.shape_cast %broadcast_in_dim3A_1 : vector<16xf32> to vector<1x16xf32>
      tpu.vector_store %arg7[%swap3A_35, %swap3A_36], %swap3A_39 {strides = array<i32>} : memref<125x128xf32, #tpu.memory_space<vmem>>, vector<1x16xf32>,
      %swap3A_40 = arith.index_cast %add3A_25 : i32 to index
      %swap3A_41 = arith.constant 48 : index
      %swap3A_42 = tpu.vector_load %arg7[%swap3A_40, %swap3A_41] {strides = array<i32>} : memref<125x128xf32, #tpu.memory_space<vmem>>, vector<1x16xf32>,
      %swap3A_43 = vector.shape_cast %swap3A_42 : vector<1x16xf32> to vector<16xf32>
      %swap3A_44 = vector.shape_cast %broadcast_in_dim3A_1 : vector<16xf32> to vector<1x16xf32>
      tpu.vector_store %arg7[%swap3A_40, %swap3A_41], %swap3A_44 {strides = array<i32>} : memref<125x128xf32, #tpu.memory_space<vmem>>, vector<1x16xf32>,
      %swap3A_45 = arith.index_cast %add3A_25 : i32 to index
      %swap3A_46 = arith.constant 64 : index
      %swap3A_47 = tpu.vector_load %arg7[%swap3A_45, %swap3A_46] {strides = array<i32>} : memref<125x128xf32, #tpu.memory_space<vmem>>, vector<1x16xf32>,
      %swap3A_48 = vector.shape_cast %swap3A_47 : vector<1x16xf32> to vector<16xf32>
      %swap3A_49 = vector.shape_cast %broadcast_in_dim3A_1 : vector<16xf32> to vector<1x16xf32>
      tpu.vector_store %arg7[%swap3A_45, %swap3A_46], %swap3A_49 {strides = array<i32>} : memref<125x128xf32, #tpu.memory_space<vmem>>, vector<1x16xf32>,
      %swap3A_50 = arith.index_cast %add3A_25 : i32 to index
      %swap3A_51 = arith.constant 80 : index
      %swap3A_52 = tpu.vector_load %arg7[%swap3A_50, %swap3A_51] {strides = array<i32>} : memref<125x128xf32, #tpu.memory_space<vmem>>, vector<1x16xf32>,
      %swap3A_53 = vector.shape_cast %swap3A_52 : vector<1x16xf32> to vector<16xf32>
      %swap3A_54 = vector.shape_cast %broadcast_in_dim3A_1 : vector<16xf32> to vector<1x16xf32>
      tpu.vector_store %arg7[%swap3A_50, %swap3A_51], %swap3A_54 {strides = array<i32>} : memref<125x128xf32, #tpu.memory_space<vmem>>, vector<1x16xf32>,
      %swap3A_55 = arith.index_cast %add3A_25 : i32 to index
      %swap3A_56 = arith.constant 96 : index
      %swap3A_57 = tpu.vector_load %arg7[%swap3A_55, %swap3A_56] {strides = array<i32>} : memref<125x128xf32, #tpu.memory_space<vmem>>, vector<1x16xf32>,
      %swap3A_58 = vector.shape_cast %swap3A_57 : vector<1x16xf32> to vector<16xf32>
      %swap3A_59 = vector.shape_cast %broadcast_in_dim3A_1 : vector<16xf32> to vector<1x16xf32>
      tpu.vector_store %arg7[%swap3A_55, %swap3A_56], %swap3A_59 {strides = array<i32>} : memref<125x128xf32, #tpu.memory_space<vmem>>, vector<1x16xf32>,
      %swap3A_60 = arith.index_cast %add3A_25 : i32 to index
      %swap3A_61 = arith.constant 112 : index
      %swap3A_62 = tpu.vector_load %arg7[%swap3A_60, %swap3A_61] {strides = array<i32>} : memref<125x128xf32, #tpu.memory_space<vmem>>, vector<1x16xf32>,
      %swap3A_63 = vector.shape_cast %swap3A_62 : vector<1x16xf32> to vector<16xf32>
      %swap3A_64 = vector.shape_cast %broadcast_in_dim3A_1 : vector<16xf32> to vector<1x16xf32>
      tpu.vector_store %arg7[%swap3A_60, %swap3A_61], %swap3A_64 {strides = array<i32>} : memref<125x128xf32, #tpu.memory_space<vmem>>, vector<1x16xf32>,
    }
    %scan3A_5 = arith.constant 80 : i32
    %scan3A_6 = arith.constant 0 : i32
    %scan3A_7 = arith.constant 8 : i32
    %scan3A_8 = arith.addi %scan3A_6, %scan3A_7 : i32
    %scan3A_9 = arith.constant 1 : i32
    scf.for %scan3A_21 = %scan3A_6 to %scan3A_8 step %scan3A_9  : i32 {
      %mul3A_22 = arith.constant 1 : i32
      %mul3A_23 = arith.muli %scan3A_21, %mul3A_22 : i32
      %add3A_24 = arith.constant 0 : i32
      %add3A_25 = arith.addi %add3A_24, %mul3A_23 : i32
      %mul3A_26 = arith.constant 640 : i32
      %mul3A_27 = arith.muli %arg1, %mul3A_26 : i32
      %mul3A_28 = arith.constant 80 : i32
      %mul3A_29 = arith.muli %add3A_25, %mul3A_28 : i32
      %add3A_30 = arith.addi %mul3A_27, %mul3A_29 : i32
      "tpu.region"() ({
        %run_scoped3A_31 = tpu.sem_alloc : memref<!tpu.dma_semaphore, #tpu.memory_space<semaphore_mem>>
        %dma_start3A = arith.constant 0 : i32
        %dma_start3A_32 = arith.constant 0 : i32
        %dma_start3A_33 = tpu.memref_slice %arg7[%dma_start3A, %dma_start3A_32] : memref<125x128xf32, #tpu.memory_space<vmem>> -> memref<80x128xf32, #tpu.memory_space<vmem>>
        %dma_start3A_34 = arith.constant 0 : i32
        %dma_start3A_35 = tpu.memref_slice %arg9[%add3A_30, %dma_start3A_34] : memref<10240x128xf32, #tpu.memory_space<vmem_shared>> -> memref<80x128xf32, #tpu.memory_space<vmem_shared>>
        %dma_start3A_36 = arith.constant 0 : i32
        %dma_start3A_37 = tpu.memref_slice %arg9[%add3A_30, %dma_start3A_36] : memref<10240x128xf32, #tpu.memory_space<vmem_shared>> -> memref<80x128xf32, #tpu.memory_space<vmem_shared>>
        %dma_start3A_38 = arith.constant 0 : i32
        %dma_start3A_39 = arith.constant 0 : i32
        %dma_start3A_40 = tpu.memref_slice %arg7[%dma_start3A_38, %dma_start3A_39] : memref<125x128xf32, #tpu.memory_space<vmem>> -> memref<80x128xf32, #tpu.memory_space<vmem>>
        tpu.enqueue_dma source(%dma_start3A_40 : memref<80x128xf32, #tpu.memory_space<vmem>>) target(%dma_start3A_37 : memref<80x128xf32, #tpu.memory_space<vmem_shared>>) target_semaphore(%run_scoped3A_31 : memref<!tpu.dma_semaphore, #tpu.memory_space<semaphore_mem>>)
        %dma_wait3A = arith.constant 0 : i32
        %dma_wait3A_41 = arith.constant 0 : i32
        %dma_wait3A_42 = tpu.memref_slice %arg7[%dma_wait3A, %dma_wait3A_41] : memref<125x128xf32, #tpu.memory_space<vmem>> -> memref<80x128xf32, #tpu.memory_space<vmem>>
        %dma_wait3A_43 = arith.constant 0 : i32
        %dma_wait3A_44 = tpu.memref_slice %arg9[%add3A_30, %dma_wait3A_43] : memref<10240x128xf32, #tpu.memory_space<vmem_shared>> -> memref<80x128xf32, #tpu.memory_space<vmem_shared>>
        %dma_wait3A_45 = arith.constant 0 : i32
        %dma_wait3A_46 = tpu.memref_slice %arg9[%add3A_30, %dma_wait3A_45] : memref<10240x128xf32, #tpu.memory_space<vmem_shared>> -> memref<80x128xf32, #tpu.memory_space<vmem_shared>>
        %dma_wait3A_47 = arith.constant 0 : i32
        %dma_wait3A_48 = arith.constant 0 : i32
        %dma_wait3A_49 = tpu.memref_slice %arg7[%dma_wait3A_47, %dma_wait3A_48] : memref<125x128xf32, #tpu.memory_space<vmem>> -> memref<80x128xf32, #tpu.memory_space<vmem>>
        tpu.wait_dma2 semaphore(%run_scoped3A_31 : memref<!tpu.dma_semaphore, #tpu.memory_space<semaphore_mem>>) src(%dma_wait3A_49 : memref<80x128xf32, #tpu.memory_space<vmem>>) dst(%dma_wait3A_46 : memref<80x128xf32, #tpu.memory_space<vmem_shared>>)
        tpu.yield
      }) : () -> ()
    }
    %scan3A_10 = arith.constant 8 : i32
    %barrier3A = arith.constant 0 : index
    tpu.barrier barrier_id(%barrier3A)
    %run_scoped3A = arith.constant 0 : i32
    "tpu.region"() ({
      %run_scoped3A_21 = tpu.sem_alloc : memref<!tpu.dma_semaphore, #tpu.memory_space<semaphore_mem>>
      %dma_start3A = arith.constant 0 : i32
      %dma_start3A_22 = arith.constant 0 : i32
      %dma_start3A_23 = tpu.memref_slice %arg3[%add3A, %run_scoped3A, %dma_start3A, %dma_start3A_22] : memref<32x20x8x125xi32, #tpu.memory_space<hbm>> -> memref<1x1x8x125xi32, #tpu.memory_space<hbm>>
      %dma_start3A_24 = tpu.memref_squeeze %dma_start3A_23 : memref<1x1x8x125xi32, #tpu.memory_space<hbm>> -> memref<8x125xi32, #tpu.memory_space<hbm>>
      %dma_start3A_25 = arith.constant 0 : i32
      %dma_start3A_26 = arith.constant 0 : i32
      %dma_start3A_27 = tpu.memref_slice %arg3[%add3A, %run_scoped3A, %dma_start3A_25, %dma_start3A_26] : memref<32x20x8x125xi32, #tpu.memory_space<hbm>> -> memref<1x1x8x125xi32, #tpu.memory_space<hbm>>
      %dma_start3A_28 = tpu.memref_squeeze %dma_start3A_27 : memref<1x1x8x125xi32, #tpu.memory_space<hbm>> -> memref<8x125xi32, #tpu.memory_space<hbm>>
      tpu.enqueue_dma source(%dma_start3A_28 : memref<8x125xi32, #tpu.memory_space<hbm>>) target(%arg5 : memref<8x125xi32, #tpu.memory_space<vmem>>) target_semaphore(%run_scoped3A_21 : memref<!tpu.dma_semaphore, #tpu.memory_space<semaphore_mem>>)
      %dma_wait3A = arith.constant 0 : i32
      %dma_wait3A_29 = arith.constant 0 : i32
      %dma_wait3A_30 = tpu.memref_slice %arg3[%add3A, %run_scoped3A, %dma_wait3A, %dma_wait3A_29] : memref<32x20x8x125xi32, #tpu.memory_space<hbm>> -> memref<1x1x8x125xi32, #tpu.memory_space<hbm>>
      %dma_wait3A_31 = tpu.memref_squeeze %dma_wait3A_30 : memref<1x1x8x125xi32, #tpu.memory_space<hbm>> -> memref<8x125xi32, #tpu.memory_space<hbm>>
      %dma_wait3A_32 = arith.constant 0 : i32
      %dma_wait3A_33 = arith.constant 0 : i32
      %dma_wait3A_34 = tpu.memref_slice %arg3[%add3A, %run_scoped3A, %dma_wait3A_32, %dma_wait3A_33] : memref<32x20x8x125xi32, #tpu.memory_space<hbm>> -> memref<1x1x8x125xi32, #tpu.memory_space<hbm>>
      %dma_wait3A_35 = tpu.memref_squeeze %dma_wait3A_34 : memref<1x1x8x125xi32, #tpu.memory_space<hbm>> -> memref<8x125xi32, #tpu.memory_space<hbm>>
      tpu.wait_dma2 semaphore(%run_scoped3A_21 : memref<!tpu.dma_semaphore, #tpu.memory_space<semaphore_mem>>) src(%dma_wait3A_35 : memref<8x125xi32, #tpu.memory_space<hbm>>) dst(%arg5 : memref<8x125xi32, #tpu.memory_space<vmem>>)
      tpu.yield
    }) : () -> ()
    %scan3A_11 = arith.constant 0 : i32
    %scan3A_12 = arith.constant 10 : i32
    %scan3A_13 = arith.addi %scan3A_11, %scan3A_12 : i32
    %scan3A_14 = arith.constant 1 : i32
    scf.for %scan3A_21 = %scan3A_11 to %scan3A_13 step %scan3A_14  : i32 {
      %mul3A_22 = arith.constant 2 : i32
      %mul3A_23 = arith.muli %scan3A_21, %mul3A_22 : i32
      %add3A_24 = arith.constant 0 : i32
      %add3A_25 = arith.addi %add3A_24, %mul3A_23 : i32
      %add3A_26 = arith.constant 1 : i32
      %add3A_27 = arith.addi %add3A_25, %add3A_26 : i32
      %dma_start3A = arith.constant 0 : i32
      %dma_start3A_28 = arith.constant 0 : i32
      %dma_start3A_29 = tpu.memref_slice %arg3[%add3A, %add3A_27, %dma_start3A, %dma_start3A_28] : memref<32x20x8x125xi32, #tpu.memory_space<hbm>> -> memref<1x1x8x125xi32, #tpu.memory_space<hbm>>
      %dma_start3A_30 = tpu.memref_squeeze %dma_start3A_29 : memref<1x1x8x125xi32, #tpu.memory_space<hbm>> -> memref<8x125xi32, #tpu.memory_space<hbm>>
      %dma_start3A_31 = arith.constant 0 : i32
      %dma_start3A_32 = arith.constant 0 : i32
      %dma_start3A_33 = tpu.memref_slice %arg3[%add3A, %add3A_27, %dma_start3A_31, %dma_start3A_32] : memref<32x20x8x125xi32, #tpu.memory_space<hbm>> -> memref<1x1x8x125xi32, #tpu.memory_space<hbm>>
      %dma_start3A_34 = tpu.memref_squeeze %dma_start3A_33 : memref<1x1x8x125xi32, #tpu.memory_space<hbm>> -> memref<8x125xi32, #tpu.memory_space<hbm>>
      tpu.enqueue_dma source(%dma_start3A_34 : memref<8x125xi32, #tpu.memory_space<hbm>>) target(%arg6 : memref<8x125xi32, #tpu.memory_space<vmem>>) target_semaphore(%arg11 : memref<!tpu.dma_semaphore, #tpu.memory_space<semaphore_mem>>)
      %add3A_35 = arith.constant 2 : i32
      %add3A_36 = arith.addi %add3A_25, %add3A_35 : i32
      %min3A = arith.constant 19 : i32
      %min3A_37 = arith.minsi %add3A_36, %min3A : i32
      %dma_start3A_38 = arith.constant 0 : i32
      %dma_start3A_39 = arith.constant 0 : i32
      %dma_start3A_40 = tpu.memref_slice %arg5[%dma_start3A_38, %dma_start3A_39] : memref<8x125xi32, #tpu.memory_space<vmem>> -> memref<1x125xi32, #tpu.memory_space<vmem>>
      %dma_start3A_41 = tpu.memref_squeeze %dma_start3A_40 : memref<1x125xi32, #tpu.memory_space<vmem>> -> memref<125xi32, #tpu.memory_space<vmem>>
      %dma_start3A_42 = arith.constant 0 : i32
      %dma_start3A_43 = arith.constant 0 : i32
      %dma_start3A_44 = tpu.memref_slice %arg2[%dma_start3A_42, %dma_start3A_43] : memref<10240x128xf32, #tpu.memory_space<hbm>> -> memref<10240x128xf32, #tpu.memory_space<hbm>>
      tpu.enqueue_indirect_dma source(%dma_start3A_44 : memref<10240x128xf32, #tpu.memory_space<hbm>>) target(%arg7 : memref<125x128xf32, #tpu.memory_space<vmem>>) offsets(%dma_start3A_41 : memref<125xi32, #tpu.memory_space<vmem>>) semaphore(%arg10 : memref<!tpu.dma_semaphore, #tpu.memory_space<semaphore_mem>>)
      %dma_start3A_45 = arith.constant 2 : i32
      %dma_start3A_46 = arith.constant 0 : i32
      %dma_start3A_47 = tpu.memref_slice %arg5[%dma_start3A_45, %dma_start3A_46] : memref<8x125xi32, #tpu.memory_space<vmem>> -> memref<1x125xi32, #tpu.memory_space<vmem>>
      %dma_start3A_48 = tpu.memref_squeeze %dma_start3A_47 : memref<1x125xi32, #tpu.memory_space<vmem>> -> memref<125xi32, #tpu.memory_space<vmem>>
      %dma_start3A_49 = arith.constant 0 : i32
      %dma_start3A_50 = arith.constant 0 : i32
      %dma_start3A_51 = tpu.memref_slice %arg2[%dma_start3A_49, %dma_start3A_50] : memref<10240x128xf32, #tpu.memory_space<hbm>> -> memref<10240x128xf32, #tpu.memory_space<hbm>>
      tpu.enqueue_indirect_dma source(%dma_start3A_51 : memref<10240x128xf32, #tpu.memory_space<hbm>>) target(%arg8 : memref<125x128xf32, #tpu.memory_space<vmem>>) offsets(%dma_start3A_48 : memref<125xi32, #tpu.memory_space<vmem>>) semaphore(%arg10 : memref<!tpu.dma_semaphore, #tpu.memory_space<semaphore_mem>>)
      %dma_wait3A = arith.constant 0 : i32
      %dma_wait3A_52 = arith.constant 0 : i32
      %dma_wait3A_53 = tpu.memref_slice %arg5[%dma_wait3A, %dma_wait3A_52] : memref<8x125xi32, #tpu.memory_space<vmem>> -> memref<1x125xi32, #tpu.memory_space<vmem>>
      %dma_wait3A_54 = tpu.memref_squeeze %dma_wait3A_53 : memref<1x125xi32, #tpu.memory_space<vmem>> -> memref<125xi32, #tpu.memory_space<vmem>>
      %dma_wait3A_55 = arith.constant 0 : i32
      %dma_wait3A_56 = arith.constant 0 : i32
      %dma_wait3A_57 = tpu.memref_slice %arg2[%dma_wait3A_55, %dma_wait3A_56] : memref<10240x128xf32, #tpu.memory_space<hbm>> -> memref<10240x128xf32, #tpu.memory_space<hbm>>
      tpu.wait_indirect_dma semaphore(%arg10 : memref<!tpu.dma_semaphore, #tpu.memory_space<semaphore_mem>>) src(%dma_wait3A_57 : memref<10240x128xf32, #tpu.memory_space<hbm>>) dst(%arg7 : memref<125x128xf32, #tpu.memory_space<vmem>>)
      %dma_start3A_58 = arith.constant 1 : i32
      %dma_start3A_59 = arith.constant 0 : i32
      %dma_start3A_60 = tpu.memref_slice %arg5[%dma_start3A_58, %dma_start3A_59] : memref<8x125xi32, #tpu.memory_space<vmem>> -> memref<1x125xi32, #tpu.memory_space<vmem>>
      %dma_start3A_61 = tpu.memref_squeeze %dma_start3A_60 : memref<1x125xi32, #tpu.memory_space<vmem>> -> memref<125xi32, #tpu.memory_space<vmem>>
      %dma_start3A_62 = arith.constant 0 : i32
      %dma_start3A_63 = arith.constant 0 : i32
      %dma_start3A_64 = tpu.memref_slice %arg9[%dma_start3A_62, %dma_start3A_63] : memref<10240x128xf32, #tpu.memory_space<vmem_shared>> -> memref<10240x128xf32, #tpu.memory_space<vmem_shared>>
      tpu.enqueue_indirect_dma source(%arg7 : memref<125x128xf32, #tpu.memory_space<vmem>>) target(%dma_start3A_64 : memref<10240x128xf32, #tpu.memory_space<vmem_shared>>) offsets(%dma_start3A_61 : memref<125xi32, #tpu.memory_space<vmem>>) semaphore(%arg12 : memref<!tpu.dma_semaphore, #tpu.memory_space<semaphore_mem>>) {add = true}
      %dma_wait3A_65 = arith.constant 2 : i32
      %dma_wait3A_66 = arith.constant 0 : i32
      %dma_wait3A_67 = tpu.memref_slice %arg5[%dma_wait3A_65, %dma_wait3A_66] : memref<8x125xi32, #tpu.memory_space<vmem>> -> memref<1x125xi32, #tpu.memory_space<vmem>>
      %dma_wait3A_68 = tpu.memref_squeeze %dma_wait3A_67 : memref<1x125xi32, #tpu.memory_space<vmem>> -> memref<125xi32, #tpu.memory_space<vmem>>
      %dma_wait3A_69 = arith.constant 0 : i32
      %dma_wait3A_70 = arith.constant 0 : i32
      %dma_wait3A_71 = tpu.memref_slice %arg2[%dma_wait3A_69, %dma_wait3A_70] : memref<10240x128xf32, #tpu.memory_space<hbm>> -> memref<10240x128xf32, #tpu.memory_space<hbm>>
      tpu.wait_indirect_dma semaphore(%arg10 : memref<!tpu.dma_semaphore, #tpu.memory_space<semaphore_mem>>) src(%dma_wait3A_71 : memref<10240x128xf32, #tpu.memory_space<hbm>>) dst(%arg8 : memref<125x128xf32, #tpu.memory_space<vmem>>)
      %dma_start3A_72 = arith.constant 3 : i32
      %dma_start3A_73 = arith.constant 0 : i32
      %dma_start3A_74 = tpu.memref_slice %arg5[%dma_start3A_72, %dma_start3A_73] : memref<8x125xi32, #tpu.memory_space<vmem>> -> memref<1x125xi32, #tpu.memory_space<vmem>>
      %dma_start3A_75 = tpu.memref_squeeze %dma_start3A_74 : memref<1x125xi32, #tpu.memory_space<vmem>> -> memref<125xi32, #tpu.memory_space<vmem>>
      %dma_start3A_76 = arith.constant 0 : i32
      %dma_start3A_77 = arith.constant 0 : i32
      %dma_start3A_78 = tpu.memref_slice %arg9[%dma_start3A_76, %dma_start3A_77] : memref<10240x128xf32, #tpu.memory_space<vmem_shared>> -> memref<10240x128xf32, #tpu.memory_space<vmem_shared>>
      tpu.enqueue_indirect_dma source(%arg8 : memref<125x128xf32, #tpu.memory_space<vmem>>) target(%dma_start3A_78 : memref<10240x128xf32, #tpu.memory_space<vmem_shared>>) offsets(%dma_start3A_75 : memref<125xi32, #tpu.memory_space<vmem>>) semaphore(%arg12 : memref<!tpu.dma_semaphore, #tpu.memory_space<semaphore_mem>>) {add = true}
      %dma_wait3A_79 = arith.constant 1 : i32
      %dma_wait3A_80 = arith.constant 0 : i32
      %dma_wait3A_81 = tpu.memref_slice %arg5[%dma_wait3A_79, %dma_wait3A_80] : memref<8x125xi32, #tpu.memory_space<vmem>> -> memref<1x125xi32, #tpu.memory_space<vmem>>
      %dma_wait3A_82 = tpu.memref_squeeze %dma_wait3A_81 : memref<1x125xi32, #tpu.memory_space<vmem>> -> memref<125xi32, #tpu.memory_space<vmem>>
      %dma_wait3A_83 = arith.constant 0 : i32
      %dma_wait3A_84 = arith.constant 0 : i32
      %dma_wait3A_85 = tpu.memref_slice %arg9[%dma_wait3A_83, %dma_wait3A_84] : memref<10240x128xf32, #tpu.memory_space<vmem_shared>> -> memref<10240x128xf32, #tpu.memory_space<vmem_shared>>
      tpu.wait_indirect_dma semaphore(%arg12 : memref<!tpu.dma_semaphore, #tpu.memory_space<semaphore_mem>>) src(%arg7 : memref<125x128xf32, #tpu.memory_space<vmem>>) dst(%dma_wait3A_85 : memref<10240x128xf32, #tpu.memory_space<vmem_shared>>)
      %dma_start3A_86 = arith.constant 4 : i32
      %dma_start3A_87 = arith.constant 0 : i32
      %dma_start3A_88 = tpu.memref_slice %arg5[%dma_start3A_86, %dma_start3A_87] : memref<8x125xi32, #tpu.memory_space<vmem>> -> memref<1x125xi32, #tpu.memory_space<vmem>>
      %dma_start3A_89 = tpu.memref_squeeze %dma_start3A_88 : memref<1x125xi32, #tpu.memory_space<vmem>> -> memref<125xi32, #tpu.memory_space<vmem>>
      %dma_start3A_90 = arith.constant 0 : i32
      %dma_start3A_91 = arith.constant 0 : i32
      %dma_start3A_92 = tpu.memref_slice %arg2[%dma_start3A_90, %dma_start3A_91] : memref<10240x128xf32, #tpu.memory_space<hbm>> -> memref<10240x128xf32, #tpu.memory_space<hbm>>
      tpu.enqueue_indirect_dma source(%dma_start3A_92 : memref<10240x128xf32, #tpu.memory_space<hbm>>) target(%arg7 : memref<125x128xf32, #tpu.memory_space<vmem>>) offsets(%dma_start3A_89 : memref<125xi32, #tpu.memory_space<vmem>>) semaphore(%arg10 : memref<!tpu.dma_semaphore, #tpu.memory_space<semaphore_mem>>)
      %dma_wait3A_93 = arith.constant 3 : i32
      %dma_wait3A_94 = arith.constant 0 : i32
      %dma_wait3A_95 = tpu.memref_slice %arg5[%dma_wait3A_93, %dma_wait3A_94] : memref<8x125xi32, #tpu.memory_space<vmem>> -> memref<1x125xi32, #tpu.memory_space<vmem>>
      %dma_wait3A_96 = tpu.memref_squeeze %dma_wait3A_95 : memref<1x125xi32, #tpu.memory_space<vmem>> -> memref<125xi32, #tpu.memory_space<vmem>>
      %dma_wait3A_97 = arith.constant 0 : i32
      %dma_wait3A_98 = arith.constant 0 : i32
      %dma_wait3A_99 = tpu.memref_slice %arg9[%dma_wait3A_97, %dma_wait3A_98] : memref<10240x128xf32, #tpu.memory_space<vmem_shared>> -> memref<10240x128xf32, #tpu.memory_space<vmem_shared>>
      tpu.wait_indirect_dma semaphore(%arg12 : memref<!tpu.dma_semaphore, #tpu.memory_space<semaphore_mem>>) src(%arg8 : memref<125x128xf32, #tpu.memory_space<vmem>>) dst(%dma_wait3A_99 : memref<10240x128xf32, #tpu.memory_space<vmem_shared>>)
      %dma_start3A_100 = arith.constant 6 : i32
      %dma_start3A_101 = arith.constant 0 : i32
      %dma_start3A_102 = tpu.memref_slice %arg5[%dma_start3A_100, %dma_start3A_101] : memref<8x125xi32, #tpu.memory_space<vmem>> -> memref<1x125xi32, #tpu.memory_space<vmem>>
      %dma_start3A_103 = tpu.memref_squeeze %dma_start3A_102 : memref<1x125xi32, #tpu.memory_space<vmem>> -> memref<125xi32, #tpu.memory_space<vmem>>
      %dma_start3A_104 = arith.constant 0 : i32
      %dma_start3A_105 = arith.constant 0 : i32
      %dma_start3A_106 = tpu.memref_slice %arg2[%dma_start3A_104, %dma_start3A_105] : memref<10240x128xf32, #tpu.memory_space<hbm>> -> memref<10240x128xf32, #tpu.memory_space<hbm>>
      tpu.enqueue_indirect_dma source(%dma_start3A_106 : memref<10240x128xf32, #tpu.memory_space<hbm>>) target(%arg8 : memref<125x128xf32, #tpu.memory_space<vmem>>) offsets(%dma_start3A_103 : memref<125xi32, #tpu.memory_space<vmem>>) semaphore(%arg10 : memref<!tpu.dma_semaphore, #tpu.memory_space<semaphore_mem>>)
      %dma_wait3A_107 = arith.constant 4 : i32
      %dma_wait3A_108 = arith.constant 0 : i32
      %dma_wait3A_109 = tpu.memref_slice %arg5[%dma_wait3A_107, %dma_wait3A_108] : memref<8x125xi32, #tpu.memory_space<vmem>> -> memref<1x125xi32, #tpu.memory_space<vmem>>
      %dma_wait3A_110 = tpu.memref_squeeze %dma_wait3A_109 : memref<1x125xi32, #tpu.memory_space<vmem>> -> memref<125xi32, #tpu.memory_space<vmem>>
      %dma_wait3A_111 = arith.constant 0 : i32
      %dma_wait3A_112 = arith.constant 0 : i32
      %dma_wait3A_113 = tpu.memref_slice %arg2[%dma_wait3A_111, %dma_wait3A_112] : memref<10240x128xf32, #tpu.memory_space<hbm>> -> memref<10240x128xf32, #tpu.memory_space<hbm>>
      tpu.wait_indirect_dma semaphore(%arg10 : memref<!tpu.dma_semaphore, #tpu.memory_space<semaphore_mem>>) src(%dma_wait3A_113 : memref<10240x128xf32, #tpu.memory_space<hbm>>) dst(%arg7 : memref<125x128xf32, #tpu.memory_space<vmem>>)
      %dma_start3A_114 = arith.constant 5 : i32
      %dma_start3A_115 = arith.constant 0 : i32
      %dma_start3A_116 = tpu.memref_slice %arg5[%dma_start3A_114, %dma_start3A_115] : memref<8x125xi32, #tpu.memory_space<vmem>> -> memref<1x125xi32, #tpu.memory_space<vmem>>
      %dma_start3A_117 = tpu.memref_squeeze %dma_start3A_116 : memref<1x125xi32, #tpu.memory_space<vmem>> -> memref<125xi32, #tpu.memory_space<vmem>>
      %dma_start3A_118 = arith.constant 0 : i32
      %dma_start3A_119 = arith.constant 0 : i32
      %dma_start3A_120 = tpu.memref_slice %arg9[%dma_start3A_118, %dma_start3A_119] : memref<10240x128xf32, #tpu.memory_space<vmem_shared>> -> memref<10240x128xf32, #tpu.memory_space<vmem_shared>>
      tpu.enqueue_indirect_dma source(%arg7 : memref<125x128xf32, #tpu.memory_space<vmem>>) target(%dma_start3A_120 : memref<10240x128xf32, #tpu.memory_space<vmem_shared>>) offsets(%dma_start3A_117 : memref<125xi32, #tpu.memory_space<vmem>>) semaphore(%arg12 : memref<!tpu.dma_semaphore, #tpu.memory_space<semaphore_mem>>) {add = true}
      %dma_wait3A_121 = arith.constant 0 : i32
      %dma_wait3A_122 = arith.constant 0 : i32
      %dma_wait3A_123 = tpu.memref_slice %arg3[%add3A, %add3A_27, %dma_wait3A_121, %dma_wait3A_122] : memref<32x20x8x125xi32, #tpu.memory_space<hbm>> -> memref<1x1x8x125xi32, #tpu.memory_space<hbm>>
      %dma_wait3A_124 = tpu.memref_squeeze %dma_wait3A_123 : memref<1x1x8x125xi32, #tpu.memory_space<hbm>> -> memref<8x125xi32, #tpu.memory_space<hbm>>
      %dma_wait3A_125 = arith.constant 0 : i32
      %dma_wait3A_126 = arith.constant 0 : i32
      %dma_wait3A_127 = tpu.memref_slice %arg3[%add3A, %add3A_27, %dma_wait3A_125, %dma_wait3A_126] : memref<32x20x8x125xi32, #tpu.memory_space<hbm>> -> memref<1x1x8x125xi32, #tpu.memory_space<hbm>>
      %dma_wait3A_128 = tpu.memref_squeeze %dma_wait3A_127 : memref<1x1x8x125xi32, #tpu.memory_space<hbm>> -> memref<8x125xi32, #tpu.memory_space<hbm>>
      tpu.wait_dma2 semaphore(%arg11 : memref<!tpu.dma_semaphore, #tpu.memory_space<semaphore_mem>>) src(%dma_wait3A_128 : memref<8x125xi32, #tpu.memory_space<hbm>>) dst(%arg6 : memref<8x125xi32, #tpu.memory_space<vmem>>)
      %dma_wait3A_129 = arith.constant 6 : i32
      %dma_wait3A_130 = arith.constant 0 : i32
      %dma_wait3A_131 = tpu.memref_slice %arg5[%dma_wait3A_129, %dma_wait3A_130] : memref<8x125xi32, #tpu.memory_space<vmem>> -> memref<1x125xi32, #tpu.memory_space<vmem>>
      %dma_wait3A_132 = tpu.memref_squeeze %dma_wait3A_131 : memref<1x125xi32, #tpu.memory_space<vmem>> -> memref<125xi32, #tpu.memory_space<vmem>>
      %dma_wait3A_133 = arith.constant 0 : i32
      %dma_wait3A_134 = arith.constant 0 : i32
      %dma_wait3A_135 = tpu.memref_slice %arg2[%dma_wait3A_133, %dma_wait3A_134] : memref<10240x128xf32, #tpu.memory_space<hbm>> -> memref<10240x128xf32, #tpu.memory_space<hbm>>
      tpu.wait_indirect_dma semaphore(%arg10 : memref<!tpu.dma_semaphore, #tpu.memory_space<semaphore_mem>>) src(%dma_wait3A_135 : memref<10240x128xf32, #tpu.memory_space<hbm>>) dst(%arg8 : memref<125x128xf32, #tpu.memory_space<vmem>>)
      %dma_start3A_136 = arith.constant 7 : i32
      %dma_start3A_137 = arith.constant 0 : i32
      %dma_start3A_138 = tpu.memref_slice %arg5[%dma_start3A_136, %dma_start3A_137] : memref<8x125xi32, #tpu.memory_space<vmem>> -> memref<1x125xi32, #tpu.memory_space<vmem>>
      %dma_start3A_139 = tpu.memref_squeeze %dma_start3A_138 : memref<1x125xi32, #tpu.memory_space<vmem>> -> memref<125xi32, #tpu.memory_space<vmem>>
      %dma_start3A_140 = arith.constant 0 : i32
      %dma_start3A_141 = arith.constant 0 : i32
      %dma_start3A_142 = tpu.memref_slice %arg9[%dma_start3A_140, %dma_start3A_141] : memref<10240x128xf32, #tpu.memory_space<vmem_shared>> -> memref<10240x128xf32, #tpu.memory_space<vmem_shared>>
      tpu.enqueue_indirect_dma source(%arg8 : memref<125x128xf32, #tpu.memory_space<vmem>>) target(%dma_start3A_142 : memref<10240x128xf32, #tpu.memory_space<vmem_shared>>) offsets(%dma_start3A_139 : memref<125xi32, #tpu.memory_space<vmem>>) semaphore(%arg12 : memref<!tpu.dma_semaphore, #tpu.memory_space<semaphore_mem>>) {add = true}
      %dma_wait3A_143 = arith.constant 5 : i32
      %dma_wait3A_144 = arith.constant 0 : i32
      %dma_wait3A_145 = tpu.memref_slice %arg5[%dma_wait3A_143, %dma_wait3A_144] : memref<8x125xi32, #tpu.memory_space<vmem>> -> memref<1x125xi32, #tpu.memory_space<vmem>>
      %dma_wait3A_146 = tpu.memref_squeeze %dma_wait3A_145 : memref<1x125xi32, #tpu.memory_space<vmem>> -> memref<125xi32, #tpu.memory_space<vmem>>
      %dma_wait3A_147 = arith.constant 0 : i32
      %dma_wait3A_148 = arith.constant 0 : i32
      %dma_wait3A_149 = tpu.memref_slice %arg9[%dma_wait3A_147, %dma_wait3A_148] : memref<10240x128xf32, #tpu.memory_space<vmem_shared>> -> memref<10240x128xf32, #tpu.memory_space<vmem_shared>>
      tpu.wait_indirect_dma semaphore(%arg12 : memref<!tpu.dma_semaphore, #tpu.memory_space<semaphore_mem>>) src(%arg7 : memref<125x128xf32, #tpu.memory_space<vmem>>) dst(%dma_wait3A_149 : memref<10240x128xf32, #tpu.memory_space<vmem_shared>>)
      %dma_wait3A_150 = arith.constant 7 : i32
      %dma_wait3A_151 = arith.constant 0 : i32
      %dma_wait3A_152 = tpu.memref_slice %arg5[%dma_wait3A_150, %dma_wait3A_151] : memref<8x125xi32, #tpu.memory_space<vmem>> -> memref<1x125xi32, #tpu.memory_space<vmem>>
      %dma_wait3A_153 = tpu.memref_squeeze %dma_wait3A_152 : memref<1x125xi32, #tpu.memory_space<vmem>> -> memref<125xi32, #tpu.memory_space<vmem>>
      %dma_wait3A_154 = arith.constant 0 : i32
      %dma_wait3A_155 = arith.constant 0 : i32
      %dma_wait3A_156 = tpu.memref_slice %arg9[%dma_wait3A_154, %dma_wait3A_155] : memref<10240x128xf32, #tpu.memory_space<vmem_shared>> -> memref<10240x128xf32, #tpu.memory_space<vmem_shared>>
      tpu.wait_indirect_dma semaphore(%arg12 : memref<!tpu.dma_semaphore, #tpu.memory_space<semaphore_mem>>) src(%arg8 : memref<125x128xf32, #tpu.memory_space<vmem>>) dst(%dma_wait3A_156 : memref<10240x128xf32, #tpu.memory_space<vmem_shared>>)
      %dma_start3A_157 = arith.constant 0 : i32
      %dma_start3A_158 = arith.constant 0 : i32
      %dma_start3A_159 = tpu.memref_slice %arg3[%add3A, %min3A_37, %dma_start3A_157, %dma_start3A_158] : memref<32x20x8x125xi32, #tpu.memory_space<hbm>> -> memref<1x1x8x125xi32, #tpu.memory_space<hbm>>
      %dma_start3A_160 = tpu.memref_squeeze %dma_start3A_159 : memref<1x1x8x125xi32, #tpu.memory_space<hbm>> -> memref<8x125xi32, #tpu.memory_space<hbm>>
      %dma_start3A_161 = arith.constant 0 : i32
      %dma_start3A_162 = arith.constant 0 : i32
      %dma_start3A_163 = tpu.memref_slice %arg3[%add3A, %min3A_37, %dma_start3A_161, %dma_start3A_162] : memref<32x20x8x125xi32, #tpu.memory_space<hbm>> -> memref<1x1x8x125xi32, #tpu.memory_space<hbm>>
      %dma_start3A_164 = tpu.memref_squeeze %dma_start3A_163 : memref<1x1x8x125xi32, #tpu.memory_space<hbm>> -> memref<8x125xi32, #tpu.memory_space<hbm>>
      tpu.enqueue_dma source(%dma_start3A_164 : memref<8x125xi32, #tpu.memory_space<hbm>>) target(%arg5 : memref<8x125xi32, #tpu.memory_space<vmem>>) target_semaphore(%arg11 : memref<!tpu.dma_semaphore, #tpu.memory_space<semaphore_mem>>)
      %dma_start3A_165 = arith.constant 0 : i32
      %dma_start3A_166 = arith.constant 0 : i32
      %dma_start3A_167 = tpu.memref_slice %arg6[%dma_start3A_165, %dma_start3A_166] : memref<8x125xi32, #tpu.memory_space<vmem>> -> memref<1x125xi32, #tpu.memory_space<vmem>>
      %dma_start3A_168 = tpu.memref_squeeze %dma_start3A_167 : memref<1x125xi32, #tpu.memory_space<vmem>> -> memref<125xi32, #tpu.memory_space<vmem>>
      %dma_start3A_169 = arith.constant 0 : i32
      %dma_start3A_170 = arith.constant 0 : i32
      %dma_start3A_171 = tpu.memref_slice %arg2[%dma_start3A_169, %dma_start3A_170] : memref<10240x128xf32, #tpu.memory_space<hbm>> -> memref<10240x128xf32, #tpu.memory_space<hbm>>
      tpu.enqueue_indirect_dma source(%dma_start3A_171 : memref<10240x128xf32, #tpu.memory_space<hbm>>) target(%arg7 : memref<125x128xf32, #tpu.memory_space<vmem>>) offsets(%dma_start3A_168 : memref<125xi32, #tpu.memory_space<vmem>>) semaphore(%arg10 : memref<!tpu.dma_semaphore, #tpu.memory_space<semaphore_mem>>)
      %dma_start3A_172 = arith.constant 2 : i32
      %dma_start3A_173 = arith.constant 0 : i32
      %dma_start3A_174 = tpu.memref_slice %arg6[%dma_start3A_172, %dma_start3A_173] : memref<8x125xi32, #tpu.memory_space<vmem>> -> memref<1x125xi32, #tpu.memory_space<vmem>>
      %dma_start3A_175 = tpu.memref_squeeze %dma_start3A_174 : memref<1x125xi32, #tpu.memory_space<vmem>> -> memref<125xi32, #tpu.memory_space<vmem>>
      %dma_start3A_176 = arith.constant 0 : i32
      %dma_start3A_177 = arith.constant 0 : i32
      %dma_start3A_178 = tpu.memref_slice %arg2[%dma_start3A_176, %dma_start3A_177] : memref<10240x128xf32, #tpu.memory_space<hbm>> -> memref<10240x128xf32, #tpu.memory_space<hbm>>
      tpu.enqueue_indirect_dma source(%dma_start3A_178 : memref<10240x128xf32, #tpu.memory_space<hbm>>) target(%arg8 : memref<125x128xf32, #tpu.memory_space<vmem>>) offsets(%dma_start3A_175 : memref<125xi32, #tpu.memory_space<vmem>>) semaphore(%arg10 : memref<!tpu.dma_semaphore, #tpu.memory_space<semaphore_mem>>)
      %dma_wait3A_179 = arith.constant 0 : i32
      %dma_wait3A_180 = arith.constant 0 : i32
      %dma_wait3A_181 = tpu.memref_slice %arg6[%dma_wait3A_179, %dma_wait3A_180] : memref<8x125xi32, #tpu.memory_space<vmem>> -> memref<1x125xi32, #tpu.memory_space<vmem>>
      %dma_wait3A_182 = tpu.memref_squeeze %dma_wait3A_181 : memref<1x125xi32, #tpu.memory_space<vmem>> -> memref<125xi32, #tpu.memory_space<vmem>>
      %dma_wait3A_183 = arith.constant 0 : i32
      %dma_wait3A_184 = arith.constant 0 : i32
      %dma_wait3A_185 = tpu.memref_slice %arg2[%dma_wait3A_183, %dma_wait3A_184] : memref<10240x128xf32, #tpu.memory_space<hbm>> -> memref<10240x128xf32, #tpu.memory_space<hbm>>
      tpu.wait_indirect_dma semaphore(%arg10 : memref<!tpu.dma_semaphore, #tpu.memory_space<semaphore_mem>>) src(%dma_wait3A_185 : memref<10240x128xf32, #tpu.memory_space<hbm>>) dst(%arg7 : memref<125x128xf32, #tpu.memory_space<vmem>>)
      %dma_start3A_186 = arith.constant 1 : i32
      %dma_start3A_187 = arith.constant 0 : i32
      %dma_start3A_188 = tpu.memref_slice %arg6[%dma_start3A_186, %dma_start3A_187] : memref<8x125xi32, #tpu.memory_space<vmem>> -> memref<1x125xi32, #tpu.memory_space<vmem>>
      %dma_start3A_189 = tpu.memref_squeeze %dma_start3A_188 : memref<1x125xi32, #tpu.memory_space<vmem>> -> memref<125xi32, #tpu.memory_space<vmem>>
      %dma_start3A_190 = arith.constant 0 : i32
      %dma_start3A_191 = arith.constant 0 : i32
      %dma_start3A_192 = tpu.memref_slice %arg9[%dma_start3A_190, %dma_start3A_191] : memref<10240x128xf32, #tpu.memory_space<vmem_shared>> -> memref<10240x128xf32, #tpu.memory_space<vmem_shared>>
      tpu.enqueue_indirect_dma source(%arg7 : memref<125x128xf32, #tpu.memory_space<vmem>>) target(%dma_start3A_192 : memref<10240x128xf32, #tpu.memory_space<vmem_shared>>) offsets(%dma_start3A_189 : memref<125xi32, #tpu.memory_space<vmem>>) semaphore(%arg12 : memref<!tpu.dma_semaphore, #tpu.memory_space<semaphore_mem>>) {add = true}
      %dma_wait3A_193 = arith.constant 2 : i32
      %dma_wait3A_194 = arith.constant 0 : i32
      %dma_wait3A_195 = tpu.memref_slice %arg6[%dma_wait3A_193, %dma_wait3A_194] : memref<8x125xi32, #tpu.memory_space<vmem>> -> memref<1x125xi32, #tpu.memory_space<vmem>>
      %dma_wait3A_196 = tpu.memref_squeeze %dma_wait3A_195 : memref<1x125xi32, #tpu.memory_space<vmem>> -> memref<125xi32, #tpu.memory_space<vmem>>
      %dma_wait3A_197 = arith.constant 0 : i32
      %dma_wait3A_198 = arith.constant 0 : i32
      %dma_wait3A_199 = tpu.memref_slice %arg2[%dma_wait3A_197, %dma_wait3A_198] : memref<10240x128xf32, #tpu.memory_space<hbm>> -> memref<10240x128xf32, #tpu.memory_space<hbm>>
      tpu.wait_indirect_dma semaphore(%arg10 : memref<!tpu.dma_semaphore, #tpu.memory_space<semaphore_mem>>) src(%dma_wait3A_199 : memref<10240x128xf32, #tpu.memory_space<hbm>>) dst(%arg8 : memref<125x128xf32, #tpu.memory_space<vmem>>)
      %dma_start3A_200 = arith.constant 3 : i32
      %dma_start3A_201 = arith.constant 0 : i32
      %dma_start3A_202 = tpu.memref_slice %arg6[%dma_start3A_200, %dma_start3A_201] : memref<8x125xi32, #tpu.memory_space<vmem>> -> memref<1x125xi32, #tpu.memory_space<vmem>>
      %dma_start3A_203 = tpu.memref_squeeze %dma_start3A_202 : memref<1x125xi32, #tpu.memory_space<vmem>> -> memref<125xi32, #tpu.memory_space<vmem>>
      %dma_start3A_204 = arith.constant 0 : i32
      %dma_start3A_205 = arith.constant 0 : i32
      %dma_start3A_206 = tpu.memref_slice %arg9[%dma_start3A_204, %dma_start3A_205] : memref<10240x128xf32, #tpu.memory_space<vmem_shared>> -> memref<10240x128xf32, #tpu.memory_space<vmem_shared>>
      tpu.enqueue_indirect_dma source(%arg8 : memref<125x128xf32, #tpu.memory_space<vmem>>) target(%dma_start3A_206 : memref<10240x128xf32, #tpu.memory_space<vmem_shared>>) offsets(%dma_start3A_203 : memref<125xi32, #tpu.memory_space<vmem>>) semaphore(%arg12 : memref<!tpu.dma_semaphore, #tpu.memory_space<semaphore_mem>>) {add = true}
      %dma_wait3A_207 = arith.constant 1 : i32
      %dma_wait3A_208 = arith.constant 0 : i32
      %dma_wait3A_209 = tpu.memref_slice %arg6[%dma_wait3A_207, %dma_wait3A_208] : memref<8x125xi32, #tpu.memory_space<vmem>> -> memref<1x125xi32, #tpu.memory_space<vmem>>
      %dma_wait3A_210 = tpu.memref_squeeze %dma_wait3A_209 : memref<1x125xi32, #tpu.memory_space<vmem>> -> memref<125xi32, #tpu.memory_space<vmem>>
      %dma_wait3A_211 = arith.constant 0 : i32
      %dma_wait3A_212 = arith.constant 0 : i32
      %dma_wait3A_213 = tpu.memref_slice %arg9[%dma_wait3A_211, %dma_wait3A_212] : memref<10240x128xf32, #tpu.memory_space<vmem_shared>> -> memref<10240x128xf32, #tpu.memory_space<vmem_shared>>
      tpu.wait_indirect_dma semaphore(%arg12 : memref<!tpu.dma_semaphore, #tpu.memory_space<semaphore_mem>>) src(%arg7 : memref<125x128xf32, #tpu.memory_space<vmem>>) dst(%dma_wait3A_213 : memref<10240x128xf32, #tpu.memory_space<vmem_shared>>)
      %dma_start3A_214 = arith.constant 4 : i32
      %dma_start3A_215 = arith.constant 0 : i32
      %dma_start3A_216 = tpu.memref_slice %arg6[%dma_start3A_214, %dma_start3A_215] : memref<8x125xi32, #tpu.memory_space<vmem>> -> memref<1x125xi32, #tpu.memory_space<vmem>>
      %dma_start3A_217 = tpu.memref_squeeze %dma_start3A_216 : memref<1x125xi32, #tpu.memory_space<vmem>> -> memref<125xi32, #tpu.memory_space<vmem>>
      %dma_start3A_218 = arith.constant 0 : i32
      %dma_start3A_219 = arith.constant 0 : i32
      %dma_start3A_220 = tpu.memref_slice %arg2[%dma_start3A_218, %dma_start3A_219] : memref<10240x128xf32, #tpu.memory_space<hbm>> -> memref<10240x128xf32, #tpu.memory_space<hbm>>
      tpu.enqueue_indirect_dma source(%dma_start3A_220 : memref<10240x128xf32, #tpu.memory_space<hbm>>) target(%arg7 : memref<125x128xf32, #tpu.memory_space<vmem>>) offsets(%dma_start3A_217 : memref<125xi32, #tpu.memory_space<vmem>>) semaphore(%arg10 : memref<!tpu.dma_semaphore, #tpu.memory_space<semaphore_mem>>)
      %dma_wait3A_221 = arith.constant 3 : i32
      %dma_wait3A_222 = arith.constant 0 : i32
      %dma_wait3A_223 = tpu.memref_slice %arg6[%dma_wait3A_221, %dma_wait3A_222] : memref<8x125xi32, #tpu.memory_space<vmem>> -> memref<1x125xi32, #tpu.memory_space<vmem>>
      %dma_wait3A_224 = tpu.memref_squeeze %dma_wait3A_223 : memref<1x125xi32, #tpu.memory_space<vmem>> -> memref<125xi32, #tpu.memory_space<vmem>>
      %dma_wait3A_225 = arith.constant 0 : i32
      %dma_wait3A_226 = arith.constant 0 : i32
      %dma_wait3A_227 = tpu.memref_slice %arg9[%dma_wait3A_225, %dma_wait3A_226] : memref<10240x128xf32, #tpu.memory_space<vmem_shared>> -> memref<10240x128xf32, #tpu.memory_space<vmem_shared>>
      tpu.wait_indirect_dma semaphore(%arg12 : memref<!tpu.dma_semaphore, #tpu.memory_space<semaphore_mem>>) src(%arg8 : memref<125x128xf32, #tpu.memory_space<vmem>>) dst(%dma_wait3A_227 : memref<10240x128xf32, #tpu.memory_space<vmem_shared>>)
      %dma_start3A_228 = arith.constant 6 : i32
      %dma_start3A_229 = arith.constant 0 : i32
      %dma_start3A_230 = tpu.memref_slice %arg6[%dma_start3A_228, %dma_start3A_229] : memref<8x125xi32, #tpu.memory_space<vmem>> -> memref<1x125xi32, #tpu.memory_space<vmem>>
      %dma_start3A_231 = tpu.memref_squeeze %dma_start3A_230 : memref<1x125xi32, #tpu.memory_space<vmem>> -> memref<125xi32, #tpu.memory_space<vmem>>
      %dma_start3A_232 = arith.constant 0 : i32
      %dma_start3A_233 = arith.constant 0 : i32
      %dma_start3A_234 = tpu.memref_slice %arg2[%dma_start3A_232, %dma_start3A_233] : memref<10240x128xf32, #tpu.memory_space<hbm>> -> memref<10240x128xf32, #tpu.memory_space<hbm>>
      tpu.enqueue_indirect_dma source(%dma_start3A_234 : memref<10240x128xf32, #tpu.memory_space<hbm>>) target(%arg8 : memref<125x128xf32, #tpu.memory_space<vmem>>) offsets(%dma_start3A_231 : memref<125xi32, #tpu.memory_space<vmem>>) semaphore(%arg10 : memref<!tpu.dma_semaphore, #tpu.memory_space<semaphore_mem>>)
      %dma_wait3A_235 = arith.constant 4 : i32
      %dma_wait3A_236 = arith.constant 0 : i32
      %dma_wait3A_237 = tpu.memref_slice %arg6[%dma_wait3A_235, %dma_wait3A_236] : memref<8x125xi32, #tpu.memory_space<vmem>> -> memref<1x125xi32, #tpu.memory_space<vmem>>
      %dma_wait3A_238 = tpu.memref_squeeze %dma_wait3A_237 : memref<1x125xi32, #tpu.memory_space<vmem>> -> memref<125xi32, #tpu.memory_space<vmem>>
      %dma_wait3A_239 = arith.constant 0 : i32
      %dma_wait3A_240 = arith.constant 0 : i32
      %dma_wait3A_241 = tpu.memref_slice %arg2[%dma_wait3A_239, %dma_wait3A_240] : memref<10240x128xf32, #tpu.memory_space<hbm>> -> memref<10240x128xf32, #tpu.memory_space<hbm>>
      tpu.wait_indirect_dma semaphore(%arg10 : memref<!tpu.dma_semaphore, #tpu.memory_space<semaphore_mem>>) src(%dma_wait3A_241 : memref<10240x128xf32, #tpu.memory_space<hbm>>) dst(%arg7 : memref<125x128xf32, #tpu.memory_space<vmem>>)
      %dma_start3A_242 = arith.constant 5 : i32
      %dma_start3A_243 = arith.constant 0 : i32
      %dma_start3A_244 = tpu.memref_slice %arg6[%dma_start3A_242, %dma_start3A_243] : memref<8x125xi32, #tpu.memory_space<vmem>> -> memref<1x125xi32, #tpu.memory_space<vmem>>
      %dma_start3A_245 = tpu.memref_squeeze %dma_start3A_244 : memref<1x125xi32, #tpu.memory_space<vmem>> -> memref<125xi32, #tpu.memory_space<vmem>>
      %dma_start3A_246 = arith.constant 0 : i32
      %dma_start3A_247 = arith.constant 0 : i32
      %dma_start3A_248 = tpu.memref_slice %arg9[%dma_start3A_246, %dma_start3A_247] : memref<10240x128xf32, #tpu.memory_space<vmem_shared>> -> memref<10240x128xf32, #tpu.memory_space<vmem_shared>>
      tpu.enqueue_indirect_dma source(%arg7 : memref<125x128xf32, #tpu.memory_space<vmem>>) target(%dma_start3A_248 : memref<10240x128xf32, #tpu.memory_space<vmem_shared>>) offsets(%dma_start3A_245 : memref<125xi32, #tpu.memory_space<vmem>>) semaphore(%arg12 : memref<!tpu.dma_semaphore, #tpu.memory_space<semaphore_mem>>) {add = true}
      %dma_wait3A_249 = arith.constant 0 : i32
      %dma_wait3A_250 = arith.constant 0 : i32
      %dma_wait3A_251 = tpu.memref_slice %arg3[%add3A, %min3A_37, %dma_wait3A_249, %dma_wait3A_250] : memref<32x20x8x125xi32, #tpu.memory_space<hbm>> -> memref<1x1x8x125xi32, #tpu.memory_space<hbm>>
      %dma_wait3A_252 = tpu.memref_squeeze %dma_wait3A_251 : memref<1x1x8x125xi32, #tpu.memory_space<hbm>> -> memref<8x125xi32, #tpu.memory_space<hbm>>
      %dma_wait3A_253 = arith.constant 0 : i32
      %dma_wait3A_254 = arith.constant 0 : i32
      %dma_wait3A_255 = tpu.memref_slice %arg3[%add3A, %min3A_37, %dma_wait3A_253, %dma_wait3A_254] : memref<32x20x8x125xi32, #tpu.memory_space<hbm>> -> memref<1x1x8x125xi32, #tpu.memory_space<hbm>>
      %dma_wait3A_256 = tpu.memref_squeeze %dma_wait3A_255 : memref<1x1x8x125xi32, #tpu.memory_space<hbm>> -> memref<8x125xi32, #tpu.memory_space<hbm>>
      tpu.wait_dma2 semaphore(%arg11 : memref<!tpu.dma_semaphore, #tpu.memory_space<semaphore_mem>>) src(%dma_wait3A_256 : memref<8x125xi32, #tpu.memory_space<hbm>>) dst(%arg5 : memref<8x125xi32, #tpu.memory_space<vmem>>)
      %dma_wait3A_257 = arith.constant 6 : i32
      %dma_wait3A_258 = arith.constant 0 : i32
      %dma_wait3A_259 = tpu.memref_slice %arg6[%dma_wait3A_257, %dma_wait3A_258] : memref<8x125xi32, #tpu.memory_space<vmem>> -> memref<1x125xi32, #tpu.memory_space<vmem>>
      %dma_wait3A_260 = tpu.memref_squeeze %dma_wait3A_259 : memref<1x125xi32, #tpu.memory_space<vmem>> -> memref<125xi32, #tpu.memory_space<vmem>>
      %dma_wait3A_261 = arith.constant 0 : i32
      %dma_wait3A_262 = arith.constant 0 : i32
      %dma_wait3A_263 = tpu.memref_slice %arg2[%dma_wait3A_261, %dma_wait3A_262] : memref<10240x128xf32, #tpu.memory_space<hbm>> -> memref<10240x128xf32, #tpu.memory_space<hbm>>
      tpu.wait_indirect_dma semaphore(%arg10 : memref<!tpu.dma_semaphore, #tpu.memory_space<semaphore_mem>>) src(%dma_wait3A_263 : memref<10240x128xf32, #tpu.memory_space<hbm>>) dst(%arg8 : memref<125x128xf32, #tpu.memory_space<vmem>>)
      %dma_start3A_264 = arith.constant 7 : i32
      %dma_start3A_265 = arith.constant 0 : i32
      %dma_start3A_266 = tpu.memref_slice %arg6[%dma_start3A_264, %dma_start3A_265] : memref<8x125xi32, #tpu.memory_space<vmem>> -> memref<1x125xi32, #tpu.memory_space<vmem>>
      %dma_start3A_267 = tpu.memref_squeeze %dma_start3A_266 : memref<1x125xi32, #tpu.memory_space<vmem>> -> memref<125xi32, #tpu.memory_space<vmem>>
      %dma_start3A_268 = arith.constant 0 : i32
      %dma_start3A_269 = arith.constant 0 : i32
      %dma_start3A_270 = tpu.memref_slice %arg9[%dma_start3A_268, %dma_start3A_269] : memref<10240x128xf32, #tpu.memory_space<vmem_shared>> -> memref<10240x128xf32, #tpu.memory_space<vmem_shared>>
      tpu.enqueue_indirect_dma source(%arg8 : memref<125x128xf32, #tpu.memory_space<vmem>>) target(%dma_start3A_270 : memref<10240x128xf32, #tpu.memory_space<vmem_shared>>) offsets(%dma_start3A_267 : memref<125xi32, #tpu.memory_space<vmem>>) semaphore(%arg12 : memref<!tpu.dma_semaphore, #tpu.memory_space<semaphore_mem>>) {add = true}
      %dma_wait3A_271 = arith.constant 5 : i32
      %dma_wait3A_272 = arith.constant 0 : i32
      %dma_wait3A_273 = tpu.memref_slice %arg6[%dma_wait3A_271, %dma_wait3A_272] : memref<8x125xi32, #tpu.memory_space<vmem>> -> memref<1x125xi32, #tpu.memory_space<vmem>>
      %dma_wait3A_274 = tpu.memref_squeeze %dma_wait3A_273 : memref<1x125xi32, #tpu.memory_space<vmem>> -> memref<125xi32, #tpu.memory_space<vmem>>
      %dma_wait3A_275 = arith.constant 0 : i32
      %dma_wait3A_276 = arith.constant 0 : i32
      %dma_wait3A_277 = tpu.memref_slice %arg9[%dma_wait3A_275, %dma_wait3A_276] : memref<10240x128xf32, #tpu.memory_space<vmem_shared>> -> memref<10240x128xf32, #tpu.memory_space<vmem_shared>>
      tpu.wait_indirect_dma semaphore(%arg12 : memref<!tpu.dma_semaphore, #tpu.memory_space<semaphore_mem>>) src(%arg7 : memref<125x128xf32, #tpu.memory_space<vmem>>) dst(%dma_wait3A_277 : memref<10240x128xf32, #tpu.memory_space<vmem_shared>>)
      %dma_wait3A_278 = arith.constant 7 : i32
      %dma_wait3A_279 = arith.constant 0 : i32
      %dma_wait3A_280 = tpu.memref_slice %arg6[%dma_wait3A_278, %dma_wait3A_279] : memref<8x125xi32, #tpu.memory_space<vmem>> -> memref<1x125xi32, #tpu.memory_space<vmem>>
      %dma_wait3A_281 = tpu.memref_squeeze %dma_wait3A_280 : memref<1x125xi32, #tpu.memory_space<vmem>> -> memref<125xi32, #tpu.memory_space<vmem>>
      %dma_wait3A_282 = arith.constant 0 : i32
      %dma_wait3A_283 = arith.constant 0 : i32
      %dma_wait3A_284 = tpu.memref_slice %arg9[%dma_wait3A_282, %dma_wait3A_283] : memref<10240x128xf32, #tpu.memory_space<vmem_shared>> -> memref<10240x128xf32, #tpu.memory_space<vmem_shared>>
      tpu.wait_indirect_dma semaphore(%arg12 : memref<!tpu.dma_semaphore, #tpu.memory_space<semaphore_mem>>) src(%arg8 : memref<125x128xf32, #tpu.memory_space<vmem>>) dst(%dma_wait3A_284 : memref<10240x128xf32, #tpu.memory_space<vmem_shared>>)
    }
    %scan3A_15 = arith.constant 10 : i32
    %barrier3A_16 = arith.constant 0 : index
    tpu.barrier barrier_id(%barrier3A_16)
    %mul3A_17 = arith.constant 640 : i32
    %mul3A_18 = arith.muli %arg1, %mul3A_17 : i32
    %mul3A_19 = arith.constant 640 : i32
    %mul3A_20 = arith.muli %arg1, %mul3A_19 : i32
    "tpu.region"() ({
      %run_scoped3A_21 = tpu.sem_alloc : memref<!tpu.dma_semaphore, #tpu.memory_space<semaphore_mem>>
      %dma_start3A = arith.constant 0 : i32
      %dma_start3A_22 = tpu.memref_slice %arg4[%arg0, %mul3A_20, %dma_start3A] : memref<2x10240x128xf32, #tpu.memory_space<hbm>> -> memref<1x640x128xf32, #tpu.memory_space<hbm>>
      %dma_start3A_23 = tpu.memref_squeeze %dma_start3A_22 : memref<1x640x128xf32, #tpu.memory_space<hbm>> -> memref<640x128xf32, #tpu.memory_space<hbm>>
      %dma_start3A_24 = arith.constant 0 : i32
      %dma_start3A_25 = tpu.memref_slice %arg9[%mul3A_18, %dma_start3A_24] : memref<10240x128xf32, #tpu.memory_space<vmem_shared>> -> memref<640x128xf32, #tpu.memory_space<vmem_shared>>
      tpu.enqueue_dma source(%dma_start3A_25 : memref<640x128xf32, #tpu.memory_space<vmem_shared>>) target(%dma_start3A_23 : memref<640x128xf32, #tpu.memory_space<hbm>>) target_semaphore(%run_scoped3A_21 : memref<!tpu.dma_semaphore, #tpu.memory_space<semaphore_mem>>)
      %dma_wait3A = arith.constant 0 : i32
      %dma_wait3A_26 = tpu.memref_slice %arg4[%arg0, %mul3A_20, %dma_wait3A] : memref<2x10240x128xf32, #tpu.memory_space<hbm>> -> memref<1x640x128xf32, #tpu.memory_space<hbm>>
      %dma_wait3A_27 = tpu.memref_squeeze %dma_wait3A_26 : memref<1x640x128xf32, #tpu.memory_space<hbm>> -> memref<640x128xf32, #tpu.memory_space<hbm>>
      %dma_wait3A_28 = arith.constant 0 : i32
      %dma_wait3A_29 = tpu.memref_slice %arg9[%mul3A_18, %dma_wait3A_28] : memref<10240x128xf32, #tpu.memory_space<vmem_shared>> -> memref<640x128xf32, #tpu.memory_space<vmem_shared>>
      tpu.wait_dma2 semaphore(%run_scoped3A_21 : memref<!tpu.dma_semaphore, #tpu.memory_space<semaphore_mem>>) src(%dma_wait3A_29 : memref<640x128xf32, #tpu.memory_space<vmem_shared>>) dst(%dma_wait3A_27 : memref<640x128xf32, #tpu.memory_space<hbm>>)
      tpu.yield
    }) : () -> ()
    return
  }
}

#map = affine_map<(d0, d1) -> (0, 0)>
#map1 = affine_map<(d0, d1) -> (0, 0, 0, 0)>
#map2 = affine_map<(d0, d1) -> (0, 0, 0)>
module attributes {stable_mosaic.version = 14 : i64} {
  func.func @_ka_body(%arg0: i32, %arg1: i32, %arg2: memref<10240x128xf32, #tpu.memory_space<hbm>>, %arg3: memref<32x20x8x125xi32, #tpu.memory_space<hbm>>, %arg4: memref<2x10240x128xf32, #tpu.memory_space<hbm>>, %arg5: memref<8x125xi32, #tpu.memory_space<vmem>>, %arg6: memref<8x125xi32, #tpu.memory_space<vmem>>, %arg7: memref<125x128xf32, #tpu.memory_space<vmem>>, %arg8: memref<125x128xf32, #tpu.memory_space<vmem>>, %arg9: memref<10240x128xf32, #tpu.memory_space<vmem_shared>>, %arg10: memref<!tpu.dma_semaphore, #tpu.memory_space<semaphore_mem>>, %arg11: memref<!tpu.dma_semaphore, #tpu.memory_space<semaphore_mem>>, %arg12: memref<!tpu.dma_semaphore, #tpu.memory_space<semaphore_mem>>) attributes {dimension_semantics = [#tpu.dimension_semantics<core_parallel>, #tpu.dimension_semantics<subcore_parallel>], iteration_bounds = array<i64: 2, 16>, scalar_prefetch = 0 : i64, scratch_operands = 8 : i64, tpu.core_type = #tpu.core_type<sc_vector_subcore>, window_params = [{transform_indices = #map}, {transform_indices = #map1}, {transform_indices = #map2}]} {
    %mul3A = arith.constant 16 : i32
    %mul3A_0 = arith.muli %arg0, %mul3A : i32
    %add3A = arith.addi %mul3A_0, %arg1 : i32
    %broadcast_in_dim3A = arith.constant 0.000000e+00 : f32
    %broadcast_in_dim3A_1 = vector.broadcast %broadcast_in_dim3A : f32 to vector<16xf32>
    %scan3A = arith.constant 0 : i32
    %scan3A_2 = arith.constant 80 : i32
    %scan3A_3 = arith.addi %scan3A, %scan3A_2 : i32
    %scan3A_4 = arith.constant 1 : i32
    scf.for %scan3A_21 = %scan3A to %scan3A_3 step %scan3A_4  : i32 {
      %mul3A_22 = arith.constant 1 : i32
      %mul3A_23 = arith.muli %scan3A_21, %mul3A_22 : i32
      %add3A_24 = arith.constant 0 : i32
      %add3A_25 = arith.addi %add3A_24, %mul3A_23 : i32
      %swap3A = arith.index_cast %add3A_25 : i32 to index
      %swap3A_26 = arith.constant 0 : index
      %swap3A_27 = tpu.vector_load %arg7[%swap3A, %swap3A_26] {strides = array<i32>} : memref<125x128xf32, #tpu.memory_space<vmem>>, vector<1x16xf32>,
      %swap3A_28 = vector.shape_cast %swap3A_27 : vector<1x16xf32> to vector<16xf32>
      %swap3A_29 = vector.shape_cast %broadcast_in_dim3A_1 : vector<16xf32> to vector<1x16xf32>
      tpu.vector_store %arg7[%swap3A, %swap3A_26], %swap3A_29 {strides = array<i32>} : memref<125x128xf32, #tpu.memory_space<vmem>>, vector<1x16xf32>,
      %swap3A_30 = arith.index_cast %add3A_25 : i32 to index
      %swap3A_31 = arith.constant 16 : index
      %swap3A_32 = tpu.vector_load %arg7[%swap3A_30, %swap3A_31] {strides = array<i32>} : memref<125x128xf32, #tpu.memory_space<vmem>>, vector<1x16xf32>,
      %swap3A_33 = vector.shape_cast %swap3A_32 : vector<1x16xf32> to vector<16xf32>
      %swap3A_34 = vector.shape_cast %broadcast_in_dim3A_1 : vector<16xf32> to vector<1x16xf32>
      tpu.vector_store %arg7[%swap3A_30, %swap3A_31], %swap3A_34 {strides = array<i32>} : memref<125x128xf32, #tpu.memory_space<vmem>>, vector<1x16xf32>,
      %swap3A_35 = arith.index_cast %add3A_25 : i32 to index
      %swap3A_36 = arith.constant 32 : index
      %swap3A_37 = tpu.vector_load %arg7[%swap3A_35, %swap3A_36] {strides = array<i32>} : memref<125x128xf32, #tpu.memory_space<vmem>>, vector<1x16xf32>,
      %swap3A_38 = vector.shape_cast %swap3A_37 : vector<1x16xf32> to vector<16xf32>
      %swap3A_39 = vector.shape_cast %broadcast_in_dim3A_1 : vector<16xf32> to vector<1x16xf32>
      tpu.vector_store %arg7[%swap3A_35, %swap3A_36], %swap3A_39 {strides = array<i32>} : memref<125x128xf32, #tpu.memory_space<vmem>>, vector<1x16xf32>,
      %swap3A_40 = arith.index_cast %add3A_25 : i32 to index
      %swap3A_41 = arith.constant 48 : index
      %swap3A_42 = tpu.vector_load %arg7[%swap3A_40, %swap3A_41] {strides = array<i32>} : memref<125x128xf32, #tpu.memory_space<vmem>>, vector<1x16xf32>,
      %swap3A_43 = vector.shape_cast %swap3A_42 : vector<1x16xf32> to vector<16xf32>
      %swap3A_44 = vector.shape_cast %broadcast_in_dim3A_1 : vector<16xf32> to vector<1x16xf32>
      tpu.vector_store %arg7[%swap3A_40, %swap3A_41], %swap3A_44 {strides = array<i32>} : memref<125x128xf32, #tpu.memory_space<vmem>>, vector<1x16xf32>,
      %swap3A_45 = arith.index_cast %add3A_25 : i32 to index
      %swap3A_46 = arith.constant 64 : index
      %swap3A_47 = tpu.vector_load %arg7[%swap3A_45, %swap3A_46] {strides = array<i32>} : memref<125x128xf32, #tpu.memory_space<vmem>>, vector<1x16xf32>,
      %swap3A_48 = vector.shape_cast %swap3A_47 : vector<1x16xf32> to vector<16xf32>
      %swap3A_49 = vector.shape_cast %broadcast_in_dim3A_1 : vector<16xf32> to vector<1x16xf32>
      tpu.vector_store %arg7[%swap3A_45, %swap3A_46], %swap3A_49 {strides = array<i32>} : memref<125x128xf32, #tpu.memory_space<vmem>>, vector<1x16xf32>,
      %swap3A_50 = arith.index_cast %add3A_25 : i32 to index
      %swap3A_51 = arith.constant 80 : index
      %swap3A_52 = tpu.vector_load %arg7[%swap3A_50, %swap3A_51] {strides = array<i32>} : memref<125x128xf32, #tpu.memory_space<vmem>>, vector<1x16xf32>,
      %swap3A_53 = vector.shape_cast %swap3A_52 : vector<1x16xf32> to vector<16xf32>
      %swap3A_54 = vector.shape_cast %broadcast_in_dim3A_1 : vector<16xf32> to vector<1x16xf32>
      tpu.vector_store %arg7[%swap3A_50, %swap3A_51], %swap3A_54 {strides = array<i32>} : memref<125x128xf32, #tpu.memory_space<vmem>>, vector<1x16xf32>,
      %swap3A_55 = arith.index_cast %add3A_25 : i32 to index
      %swap3A_56 = arith.constant 96 : index
      %swap3A_57 = tpu.vector_load %arg7[%swap3A_55, %swap3A_56] {strides = array<i32>} : memref<125x128xf32, #tpu.memory_space<vmem>>, vector<1x16xf32>,
      %swap3A_58 = vector.shape_cast %swap3A_57 : vector<1x16xf32> to vector<16xf32>
      %swap3A_59 = vector.shape_cast %broadcast_in_dim3A_1 : vector<16xf32> to vector<1x16xf32>
      tpu.vector_store %arg7[%swap3A_55, %swap3A_56], %swap3A_59 {strides = array<i32>} : memref<125x128xf32, #tpu.memory_space<vmem>>, vector<1x16xf32>,
      %swap3A_60 = arith.index_cast %add3A_25 : i32 to index
      %swap3A_61 = arith.constant 112 : index
      %swap3A_62 = tpu.vector_load %arg7[%swap3A_60, %swap3A_61] {strides = array<i32>} : memref<125x128xf32, #tpu.memory_space<vmem>>, vector<1x16xf32>,
      %swap3A_63 = vector.shape_cast %swap3A_62 : vector<1x16xf32> to vector<16xf32>
      %swap3A_64 = vector.shape_cast %broadcast_in_dim3A_1 : vector<16xf32> to vector<1x16xf32>
      tpu.vector_store %arg7[%swap3A_60, %swap3A_61], %swap3A_64 {strides = array<i32>} : memref<125x128xf32, #tpu.memory_space<vmem>>, vector<1x16xf32>,
    }
    %scan3A_5 = arith.constant 80 : i32
    %scan3A_6 = arith.constant 0 : i32
    %scan3A_7 = arith.constant 8 : i32
    %scan3A_8 = arith.addi %scan3A_6, %scan3A_7 : i32
    %scan3A_9 = arith.constant 1 : i32
    scf.for %scan3A_21 = %scan3A_6 to %scan3A_8 step %scan3A_9  : i32 {
      %mul3A_22 = arith.constant 1 : i32
      %mul3A_23 = arith.muli %scan3A_21, %mul3A_22 : i32
      %add3A_24 = arith.constant 0 : i32
      %add3A_25 = arith.addi %add3A_24, %mul3A_23 : i32
      %mul3A_26 = arith.constant 640 : i32
      %mul3A_27 = arith.muli %arg1, %mul3A_26 : i32
      %mul3A_28 = arith.constant 80 : i32
      %mul3A_29 = arith.muli %add3A_25, %mul3A_28 : i32
      %add3A_30 = arith.addi %mul3A_27, %mul3A_29 : i32
      "tpu.region"() ({
        %run_scoped3A_31 = tpu.sem_alloc : memref<!tpu.dma_semaphore, #tpu.memory_space<semaphore_mem>>
        %dma_start3A = arith.constant 0 : i32
        %dma_start3A_32 = arith.constant 0 : i32
        %dma_start3A_33 = tpu.memref_slice %arg7[%dma_start3A, %dma_start3A_32] : memref<125x128xf32, #tpu.memory_space<vmem>> -> memref<80x128xf32, #tpu.memory_space<vmem>>
        %dma_start3A_34 = arith.constant 0 : i32
        %dma_start3A_35 = tpu.memref_slice %arg9[%add3A_30, %dma_start3A_34] : memref<10240x128xf32, #tpu.memory_space<vmem_shared>> -> memref<80x128xf32, #tpu.memory_space<vmem_shared>>
        %dma_start3A_36 = arith.constant 0 : i32
        %dma_start3A_37 = tpu.memref_slice %arg9[%add3A_30, %dma_start3A_36] : memref<10240x128xf32, #tpu.memory_space<vmem_shared>> -> memref<80x128xf32, #tpu.memory_space<vmem_shared>>
        %dma_start3A_38 = arith.constant 0 : i32
        %dma_start3A_39 = arith.constant 0 : i32
        %dma_start3A_40 = tpu.memref_slice %arg7[%dma_start3A_38, %dma_start3A_39] : memref<125x128xf32, #tpu.memory_space<vmem>> -> memref<80x128xf32, #tpu.memory_space<vmem>>
        tpu.enqueue_dma source(%dma_start3A_40 : memref<80x128xf32, #tpu.memory_space<vmem>>) target(%dma_start3A_37 : memref<80x128xf32, #tpu.memory_space<vmem_shared>>) target_semaphore(%run_scoped3A_31 : memref<!tpu.dma_semaphore, #tpu.memory_space<semaphore_mem>>)
        %dma_wait3A = arith.constant 0 : i32
        %dma_wait3A_41 = arith.constant 0 : i32
        %dma_wait3A_42 = tpu.memref_slice %arg7[%dma_wait3A, %dma_wait3A_41] : memref<125x128xf32, #tpu.memory_space<vmem>> -> memref<80x128xf32, #tpu.memory_space<vmem>>
        %dma_wait3A_43 = arith.constant 0 : i32
        %dma_wait3A_44 = tpu.memref_slice %arg9[%add3A_30, %dma_wait3A_43] : memref<10240x128xf32, #tpu.memory_space<vmem_shared>> -> memref<80x128xf32, #tpu.memory_space<vmem_shared>>
        %dma_wait3A_45 = arith.constant 0 : i32
        %dma_wait3A_46 = tpu.memref_slice %arg9[%add3A_30, %dma_wait3A_45] : memref<10240x128xf32, #tpu.memory_space<vmem_shared>> -> memref<80x128xf32, #tpu.memory_space<vmem_shared>>
        %dma_wait3A_47 = arith.constant 0 : i32
        %dma_wait3A_48 = arith.constant 0 : i32
        %dma_wait3A_49 = tpu.memref_slice %arg7[%dma_wait3A_47, %dma_wait3A_48] : memref<125x128xf32, #tpu.memory_space<vmem>> -> memref<80x128xf32, #tpu.memory_space<vmem>>
        tpu.wait_dma2 semaphore(%run_scoped3A_31 : memref<!tpu.dma_semaphore, #tpu.memory_space<semaphore_mem>>) src(%dma_wait3A_49 : memref<80x128xf32, #tpu.memory_space<vmem>>) dst(%dma_wait3A_46 : memref<80x128xf32, #tpu.memory_space<vmem_shared>>)
        tpu.yield
      }) : () -> ()
    }
    %scan3A_10 = arith.constant 8 : i32
    %barrier3A = arith.constant 0 : index
    tpu.barrier barrier_id(%barrier3A)
    %run_scoped3A = arith.constant 0 : i32
    "tpu.region"() ({
      %run_scoped3A_21 = tpu.sem_alloc : memref<!tpu.dma_semaphore, #tpu.memory_space<semaphore_mem>>
      %dma_start3A = arith.constant 0 : i32
      %dma_start3A_22 = arith.constant 0 : i32
      %dma_start3A_23 = tpu.memref_slice %arg3[%add3A, %run_scoped3A, %dma_start3A, %dma_start3A_22] : memref<32x20x8x125xi32, #tpu.memory_space<hbm>> -> memref<1x1x8x125xi32, #tpu.memory_space<hbm>>
      %dma_start3A_24 = tpu.memref_squeeze %dma_start3A_23 : memref<1x1x8x125xi32, #tpu.memory_space<hbm>> -> memref<8x125xi32, #tpu.memory_space<hbm>>
      %dma_start3A_25 = arith.constant 0 : i32
      %dma_start3A_26 = arith.constant 0 : i32
      %dma_start3A_27 = tpu.memref_slice %arg3[%add3A, %run_scoped3A, %dma_start3A_25, %dma_start3A_26] : memref<32x20x8x125xi32, #tpu.memory_space<hbm>> -> memref<1x1x8x125xi32, #tpu.memory_space<hbm>>
      %dma_start3A_28 = tpu.memref_squeeze %dma_start3A_27 : memref<1x1x8x125xi32, #tpu.memory_space<hbm>> -> memref<8x125xi32, #tpu.memory_space<hbm>>
      tpu.enqueue_dma source(%dma_start3A_28 : memref<8x125xi32, #tpu.memory_space<hbm>>) target(%arg5 : memref<8x125xi32, #tpu.memory_space<vmem>>) target_semaphore(%run_scoped3A_21 : memref<!tpu.dma_semaphore, #tpu.memory_space<semaphore_mem>>)
      %dma_wait3A = arith.constant 0 : i32
      %dma_wait3A_29 = arith.constant 0 : i32
      %dma_wait3A_30 = tpu.memref_slice %arg3[%add3A, %run_scoped3A, %dma_wait3A, %dma_wait3A_29] : memref<32x20x8x125xi32, #tpu.memory_space<hbm>> -> memref<1x1x8x125xi32, #tpu.memory_space<hbm>>
      %dma_wait3A_31 = tpu.memref_squeeze %dma_wait3A_30 : memref<1x1x8x125xi32, #tpu.memory_space<hbm>> -> memref<8x125xi32, #tpu.memory_space<hbm>>
      %dma_wait3A_32 = arith.constant 0 : i32
      %dma_wait3A_33 = arith.constant 0 : i32
      %dma_wait3A_34 = tpu.memref_slice %arg3[%add3A, %run_scoped3A, %dma_wait3A_32, %dma_wait3A_33] : memref<32x20x8x125xi32, #tpu.memory_space<hbm>> -> memref<1x1x8x125xi32, #tpu.memory_space<hbm>>
      %dma_wait3A_35 = tpu.memref_squeeze %dma_wait3A_34 : memref<1x1x8x125xi32, #tpu.memory_space<hbm>> -> memref<8x125xi32, #tpu.memory_space<hbm>>
      tpu.wait_dma2 semaphore(%run_scoped3A_21 : memref<!tpu.dma_semaphore, #tpu.memory_space<semaphore_mem>>) src(%dma_wait3A_35 : memref<8x125xi32, #tpu.memory_space<hbm>>) dst(%arg5 : memref<8x125xi32, #tpu.memory_space<vmem>>)
      tpu.yield
    }) : () -> ()
    %scan3A_11 = arith.constant 0 : i32
    %scan3A_12 = arith.constant 10 : i32
    %scan3A_13 = arith.addi %scan3A_11, %scan3A_12 : i32
    %scan3A_14 = arith.constant 1 : i32
    scf.for %scan3A_21 = %scan3A_11 to %scan3A_13 step %scan3A_14  : i32 {
      %mul3A_22 = arith.constant 2 : i32
      %mul3A_23 = arith.muli %scan3A_21, %mul3A_22 : i32
      %add3A_24 = arith.constant 0 : i32
      %add3A_25 = arith.addi %add3A_24, %mul3A_23 : i32
      %add3A_26 = arith.constant 1 : i32
      %add3A_27 = arith.addi %add3A_25, %add3A_26 : i32
      %dma_start3A = arith.constant 0 : i32
      %dma_start3A_28 = arith.constant 0 : i32
      %dma_start3A_29 = tpu.memref_slice %arg3[%add3A, %add3A_27, %dma_start3A, %dma_start3A_28] : memref<32x20x8x125xi32, #tpu.memory_space<hbm>> -> memref<1x1x8x125xi32, #tpu.memory_space<hbm>>
      %dma_start3A_30 = tpu.memref_squeeze %dma_start3A_29 : memref<1x1x8x125xi32, #tpu.memory_space<hbm>> -> memref<8x125xi32, #tpu.memory_space<hbm>>
      %dma_start3A_31 = arith.constant 0 : i32
      %dma_start3A_32 = arith.constant 0 : i32
      %dma_start3A_33 = tpu.memref_slice %arg3[%add3A, %add3A_27, %dma_start3A_31, %dma_start3A_32] : memref<32x20x8x125xi32, #tpu.memory_space<hbm>> -> memref<1x1x8x125xi32, #tpu.memory_space<hbm>>
      %dma_start3A_34 = tpu.memref_squeeze %dma_start3A_33 : memref<1x1x8x125xi32, #tpu.memory_space<hbm>> -> memref<8x125xi32, #tpu.memory_space<hbm>>
      tpu.enqueue_dma source(%dma_start3A_34 : memref<8x125xi32, #tpu.memory_space<hbm>>) target(%arg6 : memref<8x125xi32, #tpu.memory_space<vmem>>) target_semaphore(%arg11 : memref<!tpu.dma_semaphore, #tpu.memory_space<semaphore_mem>>)
      %add3A_35 = arith.constant 2 : i32
      %add3A_36 = arith.addi %add3A_25, %add3A_35 : i32
      %min3A = arith.constant 19 : i32
      %min3A_37 = arith.minsi %add3A_36, %min3A : i32
      %dma_start3A_38 = arith.constant 0 : i32
      %dma_start3A_39 = arith.constant 0 : i32
      %dma_start3A_40 = tpu.memref_slice %arg5[%dma_start3A_38, %dma_start3A_39] : memref<8x125xi32, #tpu.memory_space<vmem>> -> memref<1x125xi32, #tpu.memory_space<vmem>>
      %dma_start3A_41 = tpu.memref_squeeze %dma_start3A_40 : memref<1x125xi32, #tpu.memory_space<vmem>> -> memref<125xi32, #tpu.memory_space<vmem>>
      %dma_start3A_42 = arith.constant 0 : i32
      %dma_start3A_43 = arith.constant 0 : i32
      %dma_start3A_44 = tpu.memref_slice %arg2[%dma_start3A_42, %dma_start3A_43] : memref<10240x128xf32, #tpu.memory_space<hbm>> -> memref<10240x128xf32, #tpu.memory_space<hbm>>
      tpu.enqueue_indirect_dma source(%dma_start3A_44 : memref<10240x128xf32, #tpu.memory_space<hbm>>) target(%arg7 : memref<125x128xf32, #tpu.memory_space<vmem>>) offsets(%dma_start3A_41 : memref<125xi32, #tpu.memory_space<vmem>>) semaphore(%arg10 : memref<!tpu.dma_semaphore, #tpu.memory_space<semaphore_mem>>)
      %dma_start3A_45 = arith.constant 2 : i32
      %dma_start3A_46 = arith.constant 0 : i32
      %dma_start3A_47 = tpu.memref_slice %arg5[%dma_start3A_45, %dma_start3A_46] : memref<8x125xi32, #tpu.memory_space<vmem>> -> memref<1x125xi32, #tpu.memory_space<vmem>>
      %dma_start3A_48 = tpu.memref_squeeze %dma_start3A_47 : memref<1x125xi32, #tpu.memory_space<vmem>> -> memref<125xi32, #tpu.memory_space<vmem>>
      %dma_start3A_49 = arith.constant 0 : i32
      %dma_start3A_50 = arith.constant 0 : i32
      %dma_start3A_51 = tpu.memref_slice %arg2[%dma_start3A_49, %dma_start3A_50] : memref<10240x128xf32, #tpu.memory_space<hbm>> -> memref<10240x128xf32, #tpu.memory_space<hbm>>
      tpu.enqueue_indirect_dma source(%dma_start3A_51 : memref<10240x128xf32, #tpu.memory_space<hbm>>) target(%arg8 : memref<125x128xf32, #tpu.memory_space<vmem>>) offsets(%dma_start3A_48 : memref<125xi32, #tpu.memory_space<vmem>>) semaphore(%arg10 : memref<!tpu.dma_semaphore, #tpu.memory_space<semaphore_mem>>)
      %dma_wait3A = arith.constant 0 : i32
      %dma_wait3A_52 = arith.constant 0 : i32
      %dma_wait3A_53 = tpu.memref_slice %arg5[%dma_wait3A, %dma_wait3A_52] : memref<8x125xi32, #tpu.memory_space<vmem>> -> memref<1x125xi32, #tpu.memory_space<vmem>>
      %dma_wait3A_54 = tpu.memref_squeeze %dma_wait3A_53 : memref<1x125xi32, #tpu.memory_space<vmem>> -> memref<125xi32, #tpu.memory_space<vmem>>
      %dma_wait3A_55 = arith.constant 0 : i32
      %dma_wait3A_56 = arith.constant 0 : i32
      %dma_wait3A_57 = tpu.memref_slice %arg2[%dma_wait3A_55, %dma_wait3A_56] : memref<10240x128xf32, #tpu.memory_space<hbm>> -> memref<10240x128xf32, #tpu.memory_space<hbm>>
      tpu.wait_indirect_dma semaphore(%arg10 : memref<!tpu.dma_semaphore, #tpu.memory_space<semaphore_mem>>) src(%dma_wait3A_57 : memref<10240x128xf32, #tpu.memory_space<hbm>>) dst(%arg7 : memref<125x128xf32, #tpu.memory_space<vmem>>)
      %dma_start3A_58 = arith.constant 1 : i32
      %dma_start3A_59 = arith.constant 0 : i32
      %dma_start3A_60 = tpu.memref_slice %arg5[%dma_start3A_58, %dma_start3A_59] : memref<8x125xi32, #tpu.memory_space<vmem>> -> memref<1x125xi32, #tpu.memory_space<vmem>>
      %dma_start3A_61 = tpu.memref_squeeze %dma_start3A_60 : memref<1x125xi32, #tpu.memory_space<vmem>> -> memref<125xi32, #tpu.memory_space<vmem>>
      %dma_start3A_62 = arith.constant 0 : i32
      %dma_start3A_63 = arith.constant 0 : i32
      %dma_start3A_64 = tpu.memref_slice %arg9[%dma_start3A_62, %dma_start3A_63] : memref<10240x128xf32, #tpu.memory_space<vmem_shared>> -> memref<10240x128xf32, #tpu.memory_space<vmem_shared>>
      tpu.enqueue_indirect_dma source(%arg7 : memref<125x128xf32, #tpu.memory_space<vmem>>) target(%dma_start3A_64 : memref<10240x128xf32, #tpu.memory_space<vmem_shared>>) offsets(%dma_start3A_61 : memref<125xi32, #tpu.memory_space<vmem>>) semaphore(%arg12 : memref<!tpu.dma_semaphore, #tpu.memory_space<semaphore_mem>>) {add = true}
      %dma_wait3A_65 = arith.constant 2 : i32
      %dma_wait3A_66 = arith.constant 0 : i32
      %dma_wait3A_67 = tpu.memref_slice %arg5[%dma_wait3A_65, %dma_wait3A_66] : memref<8x125xi32, #tpu.memory_space<vmem>> -> memref<1x125xi32, #tpu.memory_space<vmem>>
      %dma_wait3A_68 = tpu.memref_squeeze %dma_wait3A_67 : memref<1x125xi32, #tpu.memory_space<vmem>> -> memref<125xi32, #tpu.memory_space<vmem>>
      %dma_wait3A_69 = arith.constant 0 : i32
      %dma_wait3A_70 = arith.constant 0 : i32
      %dma_wait3A_71 = tpu.memref_slice %arg2[%dma_wait3A_69, %dma_wait3A_70] : memref<10240x128xf32, #tpu.memory_space<hbm>> -> memref<10240x128xf32, #tpu.memory_space<hbm>>
      tpu.wait_indirect_dma semaphore(%arg10 : memref<!tpu.dma_semaphore, #tpu.memory_space<semaphore_mem>>) src(%dma_wait3A_71 : memref<10240x128xf32, #tpu.memory_space<hbm>>) dst(%arg8 : memref<125x128xf32, #tpu.memory_space<vmem>>)
      %dma_start3A_72 = arith.constant 3 : i32
      %dma_start3A_73 = arith.constant 0 : i32
      %dma_start3A_74 = tpu.memref_slice %arg5[%dma_start3A_72, %dma_start3A_73] : memref<8x125xi32, #tpu.memory_space<vmem>> -> memref<1x125xi32, #tpu.memory_space<vmem>>
      %dma_start3A_75 = tpu.memref_squeeze %dma_start3A_74 : memref<1x125xi32, #tpu.memory_space<vmem>> -> memref<125xi32, #tpu.memory_space<vmem>>
      %dma_start3A_76 = arith.constant 0 : i32
      %dma_start3A_77 = arith.constant 0 : i32
      %dma_start3A_78 = tpu.memref_slice %arg9[%dma_start3A_76, %dma_start3A_77] : memref<10240x128xf32, #tpu.memory_space<vmem_shared>> -> memref<10240x128xf32, #tpu.memory_space<vmem_shared>>
      tpu.enqueue_indirect_dma source(%arg8 : memref<125x128xf32, #tpu.memory_space<vmem>>) target(%dma_start3A_78 : memref<10240x128xf32, #tpu.memory_space<vmem_shared>>) offsets(%dma_start3A_75 : memref<125xi32, #tpu.memory_space<vmem>>) semaphore(%arg12 : memref<!tpu.dma_semaphore, #tpu.memory_space<semaphore_mem>>) {add = true}
      %dma_wait3A_79 = arith.constant 1 : i32
      %dma_wait3A_80 = arith.constant 0 : i32
      %dma_wait3A_81 = tpu.memref_slice %arg5[%dma_wait3A_79, %dma_wait3A_80] : memref<8x125xi32, #tpu.memory_space<vmem>> -> memref<1x125xi32, #tpu.memory_space<vmem>>
      %dma_wait3A_82 = tpu.memref_squeeze %dma_wait3A_81 : memref<1x125xi32, #tpu.memory_space<vmem>> -> memref<125xi32, #tpu.memory_space<vmem>>
      %dma_wait3A_83 = arith.constant 0 : i32
      %dma_wait3A_84 = arith.constant 0 : i32
      %dma_wait3A_85 = tpu.memref_slice %arg9[%dma_wait3A_83, %dma_wait3A_84] : memref<10240x128xf32, #tpu.memory_space<vmem_shared>> -> memref<10240x128xf32, #tpu.memory_space<vmem_shared>>
      tpu.wait_indirect_dma semaphore(%arg12 : memref<!tpu.dma_semaphore, #tpu.memory_space<semaphore_mem>>) src(%arg7 : memref<125x128xf32, #tpu.memory_space<vmem>>) dst(%dma_wait3A_85 : memref<10240x128xf32, #tpu.memory_space<vmem_shared>>)
      %dma_start3A_86 = arith.constant 4 : i32
      %dma_start3A_87 = arith.constant 0 : i32
      %dma_start3A_88 = tpu.memref_slice %arg5[%dma_start3A_86, %dma_start3A_87] : memref<8x125xi32, #tpu.memory_space<vmem>> -> memref<1x125xi32, #tpu.memory_space<vmem>>
      %dma_start3A_89 = tpu.memref_squeeze %dma_start3A_88 : memref<1x125xi32, #tpu.memory_space<vmem>> -> memref<125xi32, #tpu.memory_space<vmem>>
      %dma_start3A_90 = arith.constant 0 : i32
      %dma_start3A_91 = arith.constant 0 : i32
      %dma_start3A_92 = tpu.memref_slice %arg2[%dma_start3A_90, %dma_start3A_91] : memref<10240x128xf32, #tpu.memory_space<hbm>> -> memref<10240x128xf32, #tpu.memory_space<hbm>>
      tpu.enqueue_indirect_dma source(%dma_start3A_92 : memref<10240x128xf32, #tpu.memory_space<hbm>>) target(%arg7 : memref<125x128xf32, #tpu.memory_space<vmem>>) offsets(%dma_start3A_89 : memref<125xi32, #tpu.memory_space<vmem>>) semaphore(%arg10 : memref<!tpu.dma_semaphore, #tpu.memory_space<semaphore_mem>>)
      %dma_wait3A_93 = arith.constant 3 : i32
      %dma_wait3A_94 = arith.constant 0 : i32
      %dma_wait3A_95 = tpu.memref_slice %arg5[%dma_wait3A_93, %dma_wait3A_94] : memref<8x125xi32, #tpu.memory_space<vmem>> -> memref<1x125xi32, #tpu.memory_space<vmem>>
      %dma_wait3A_96 = tpu.memref_squeeze %dma_wait3A_95 : memref<1x125xi32, #tpu.memory_space<vmem>> -> memref<125xi32, #tpu.memory_space<vmem>>
      %dma_wait3A_97 = arith.constant 0 : i32
      %dma_wait3A_98 = arith.constant 0 : i32
      %dma_wait3A_99 = tpu.memref_slice %arg9[%dma_wait3A_97, %dma_wait3A_98] : memref<10240x128xf32, #tpu.memory_space<vmem_shared>> -> memref<10240x128xf32, #tpu.memory_space<vmem_shared>>
      tpu.wait_indirect_dma semaphore(%arg12 : memref<!tpu.dma_semaphore, #tpu.memory_space<semaphore_mem>>) src(%arg8 : memref<125x128xf32, #tpu.memory_space<vmem>>) dst(%dma_wait3A_99 : memref<10240x128xf32, #tpu.memory_space<vmem_shared>>)
      %dma_start3A_100 = arith.constant 6 : i32
      %dma_start3A_101 = arith.constant 0 : i32
      %dma_start3A_102 = tpu.memref_slice %arg5[%dma_start3A_100, %dma_start3A_101] : memref<8x125xi32, #tpu.memory_space<vmem>> -> memref<1x125xi32, #tpu.memory_space<vmem>>
      %dma_start3A_103 = tpu.memref_squeeze %dma_start3A_102 : memref<1x125xi32, #tpu.memory_space<vmem>> -> memref<125xi32, #tpu.memory_space<vmem>>
      %dma_start3A_104 = arith.constant 0 : i32
      %dma_start3A_105 = arith.constant 0 : i32
      %dma_start3A_106 = tpu.memref_slice %arg2[%dma_start3A_104, %dma_start3A_105] : memref<10240x128xf32, #tpu.memory_space<hbm>> -> memref<10240x128xf32, #tpu.memory_space<hbm>>
      tpu.enqueue_indirect_dma source(%dma_start3A_106 : memref<10240x128xf32, #tpu.memory_space<hbm>>) target(%arg8 : memref<125x128xf32, #tpu.memory_space<vmem>>) offsets(%dma_start3A_103 : memref<125xi32, #tpu.memory_space<vmem>>) semaphore(%arg10 : memref<!tpu.dma_semaphore, #tpu.memory_space<semaphore_mem>>)
      %dma_wait3A_107 = arith.constant 4 : i32
      %dma_wait3A_108 = arith.constant 0 : i32
      %dma_wait3A_109 = tpu.memref_slice %arg5[%dma_wait3A_107, %dma_wait3A_108] : memref<8x125xi32, #tpu.memory_space<vmem>> -> memref<1x125xi32, #tpu.memory_space<vmem>>
      %dma_wait3A_110 = tpu.memref_squeeze %dma_wait3A_109 : memref<1x125xi32, #tpu.memory_space<vmem>> -> memref<125xi32, #tpu.memory_space<vmem>>
      %dma_wait3A_111 = arith.constant 0 : i32
      %dma_wait3A_112 = arith.constant 0 : i32
      %dma_wait3A_113 = tpu.memref_slice %arg2[%dma_wait3A_111, %dma_wait3A_112] : memref<10240x128xf32, #tpu.memory_space<hbm>> -> memref<10240x128xf32, #tpu.memory_space<hbm>>
      tpu.wait_indirect_dma semaphore(%arg10 : memref<!tpu.dma_semaphore, #tpu.memory_space<semaphore_mem>>) src(%dma_wait3A_113 : memref<10240x128xf32, #tpu.memory_space<hbm>>) dst(%arg7 : memref<125x128xf32, #tpu.memory_space<vmem>>)
      %dma_start3A_114 = arith.constant 5 : i32
      %dma_start3A_115 = arith.constant 0 : i32
      %dma_start3A_116 = tpu.memref_slice %arg5[%dma_start3A_114, %dma_start3A_115] : memref<8x125xi32, #tpu.memory_space<vmem>> -> memref<1x125xi32, #tpu.memory_space<vmem>>
      %dma_start3A_117 = tpu.memref_squeeze %dma_start3A_116 : memref<1x125xi32, #tpu.memory_space<vmem>> -> memref<125xi32, #tpu.memory_space<vmem>>
      %dma_start3A_118 = arith.constant 0 : i32
      %dma_start3A_119 = arith.constant 0 : i32
      %dma_start3A_120 = tpu.memref_slice %arg9[%dma_start3A_118, %dma_start3A_119] : memref<10240x128xf32, #tpu.memory_space<vmem_shared>> -> memref<10240x128xf32, #tpu.memory_space<vmem_shared>>
      tpu.enqueue_indirect_dma source(%arg7 : memref<125x128xf32, #tpu.memory_space<vmem>>) target(%dma_start3A_120 : memref<10240x128xf32, #tpu.memory_space<vmem_shared>>) offsets(%dma_start3A_117 : memref<125xi32, #tpu.memory_space<vmem>>) semaphore(%arg12 : memref<!tpu.dma_semaphore, #tpu.memory_space<semaphore_mem>>) {add = true}
      %dma_wait3A_121 = arith.constant 0 : i32
      %dma_wait3A_122 = arith.constant 0 : i32
      %dma_wait3A_123 = tpu.memref_slice %arg3[%add3A, %add3A_27, %dma_wait3A_121, %dma_wait3A_122] : memref<32x20x8x125xi32, #tpu.memory_space<hbm>> -> memref<1x1x8x125xi32, #tpu.memory_space<hbm>>
      %dma_wait3A_124 = tpu.memref_squeeze %dma_wait3A_123 : memref<1x1x8x125xi32, #tpu.memory_space<hbm>> -> memref<8x125xi32, #tpu.memory_space<hbm>>
      %dma_wait3A_125 = arith.constant 0 : i32
      %dma_wait3A_126 = arith.constant 0 : i32
      %dma_wait3A_127 = tpu.memref_slice %arg3[%add3A, %add3A_27, %dma_wait3A_125, %dma_wait3A_126] : memref<32x20x8x125xi32, #tpu.memory_space<hbm>> -> memref<1x1x8x125xi32, #tpu.memory_space<hbm>>
      %dma_wait3A_128 = tpu.memref_squeeze %dma_wait3A_127 : memref<1x1x8x125xi32, #tpu.memory_space<hbm>> -> memref<8x125xi32, #tpu.memory_space<hbm>>
      tpu.wait_dma2 semaphore(%arg11 : memref<!tpu.dma_semaphore, #tpu.memory_space<semaphore_mem>>) src(%dma_wait3A_128 : memref<8x125xi32, #tpu.memory_space<hbm>>) dst(%arg6 : memref<8x125xi32, #tpu.memory_space<vmem>>)
      %dma_wait3A_129 = arith.constant 6 : i32
      %dma_wait3A_130 = arith.constant 0 : i32
      %dma_wait3A_131 = tpu.memref_slice %arg5[%dma_wait3A_129, %dma_wait3A_130] : memref<8x125xi32, #tpu.memory_space<vmem>> -> memref<1x125xi32, #tpu.memory_space<vmem>>
      %dma_wait3A_132 = tpu.memref_squeeze %dma_wait3A_131 : memref<1x125xi32, #tpu.memory_space<vmem>> -> memref<125xi32, #tpu.memory_space<vmem>>
      %dma_wait3A_133 = arith.constant 0 : i32
      %dma_wait3A_134 = arith.constant 0 : i32
      %dma_wait3A_135 = tpu.memref_slice %arg2[%dma_wait3A_133, %dma_wait3A_134] : memref<10240x128xf32, #tpu.memory_space<hbm>> -> memref<10240x128xf32, #tpu.memory_space<hbm>>
      tpu.wait_indirect_dma semaphore(%arg10 : memref<!tpu.dma_semaphore, #tpu.memory_space<semaphore_mem>>) src(%dma_wait3A_135 : memref<10240x128xf32, #tpu.memory_space<hbm>>) dst(%arg8 : memref<125x128xf32, #tpu.memory_space<vmem>>)
      %dma_start3A_136 = arith.constant 7 : i32
      %dma_start3A_137 = arith.constant 0 : i32
      %dma_start3A_138 = tpu.memref_slice %arg5[%dma_start3A_136, %dma_start3A_137] : memref<8x125xi32, #tpu.memory_space<vmem>> -> memref<1x125xi32, #tpu.memory_space<vmem>>
      %dma_start3A_139 = tpu.memref_squeeze %dma_start3A_138 : memref<1x125xi32, #tpu.memory_space<vmem>> -> memref<125xi32, #tpu.memory_space<vmem>>
      %dma_start3A_140 = arith.constant 0 : i32
      %dma_start3A_141 = arith.constant 0 : i32
      %dma_start3A_142 = tpu.memref_slice %arg9[%dma_start3A_140, %dma_start3A_141] : memref<10240x128xf32, #tpu.memory_space<vmem_shared>> -> memref<10240x128xf32, #tpu.memory_space<vmem_shared>>
      tpu.enqueue_indirect_dma source(%arg8 : memref<125x128xf32, #tpu.memory_space<vmem>>) target(%dma_start3A_142 : memref<10240x128xf32, #tpu.memory_space<vmem_shared>>) offsets(%dma_start3A_139 : memref<125xi32, #tpu.memory_space<vmem>>) semaphore(%arg12 : memref<!tpu.dma_semaphore, #tpu.memory_space<semaphore_mem>>) {add = true}
      %dma_wait3A_143 = arith.constant 5 : i32
      %dma_wait3A_144 = arith.constant 0 : i32
      %dma_wait3A_145 = tpu.memref_slice %arg5[%dma_wait3A_143, %dma_wait3A_144] : memref<8x125xi32, #tpu.memory_space<vmem>> -> memref<1x125xi32, #tpu.memory_space<vmem>>
      %dma_wait3A_146 = tpu.memref_squeeze %dma_wait3A_145 : memref<1x125xi32, #tpu.memory_space<vmem>> -> memref<125xi32, #tpu.memory_space<vmem>>
      %dma_wait3A_147 = arith.constant 0 : i32
      %dma_wait3A_148 = arith.constant 0 : i32
      %dma_wait3A_149 = tpu.memref_slice %arg9[%dma_wait3A_147, %dma_wait3A_148] : memref<10240x128xf32, #tpu.memory_space<vmem_shared>> -> memref<10240x128xf32, #tpu.memory_space<vmem_shared>>
      tpu.wait_indirect_dma semaphore(%arg12 : memref<!tpu.dma_semaphore, #tpu.memory_space<semaphore_mem>>) src(%arg7 : memref<125x128xf32, #tpu.memory_space<vmem>>) dst(%dma_wait3A_149 : memref<10240x128xf32, #tpu.memory_space<vmem_shared>>)
      %dma_wait3A_150 = arith.constant 7 : i32
      %dma_wait3A_151 = arith.constant 0 : i32
      %dma_wait3A_152 = tpu.memref_slice %arg5[%dma_wait3A_150, %dma_wait3A_151] : memref<8x125xi32, #tpu.memory_space<vmem>> -> memref<1x125xi32, #tpu.memory_space<vmem>>
      %dma_wait3A_153 = tpu.memref_squeeze %dma_wait3A_152 : memref<1x125xi32, #tpu.memory_space<vmem>> -> memref<125xi32, #tpu.memory_space<vmem>>
      %dma_wait3A_154 = arith.constant 0 : i32
      %dma_wait3A_155 = arith.constant 0 : i32
      %dma_wait3A_156 = tpu.memref_slice %arg9[%dma_wait3A_154, %dma_wait3A_155] : memref<10240x128xf32, #tpu.memory_space<vmem_shared>> -> memref<10240x128xf32, #tpu.memory_space<vmem_shared>>
      tpu.wait_indirect_dma semaphore(%arg12 : memref<!tpu.dma_semaphore, #tpu.memory_space<semaphore_mem>>) src(%arg8 : memref<125x128xf32, #tpu.memory_space<vmem>>) dst(%dma_wait3A_156 : memref<10240x128xf32, #tpu.memory_space<vmem_shared>>)
      %dma_start3A_157 = arith.constant 0 : i32
      %dma_start3A_158 = arith.constant 0 : i32
      %dma_start3A_159 = tpu.memref_slice %arg3[%add3A, %min3A_37, %dma_start3A_157, %dma_start3A_158] : memref<32x20x8x125xi32, #tpu.memory_space<hbm>> -> memref<1x1x8x125xi32, #tpu.memory_space<hbm>>
      %dma_start3A_160 = tpu.memref_squeeze %dma_start3A_159 : memref<1x1x8x125xi32, #tpu.memory_space<hbm>> -> memref<8x125xi32, #tpu.memory_space<hbm>>
      %dma_start3A_161 = arith.constant 0 : i32
      %dma_start3A_162 = arith.constant 0 : i32
      %dma_start3A_163 = tpu.memref_slice %arg3[%add3A, %min3A_37, %dma_start3A_161, %dma_start3A_162] : memref<32x20x8x125xi32, #tpu.memory_space<hbm>> -> memref<1x1x8x125xi32, #tpu.memory_space<hbm>>
      %dma_start3A_164 = tpu.memref_squeeze %dma_start3A_163 : memref<1x1x8x125xi32, #tpu.memory_space<hbm>> -> memref<8x125xi32, #tpu.memory_space<hbm>>
      tpu.enqueue_dma source(%dma_start3A_164 : memref<8x125xi32, #tpu.memory_space<hbm>>) target(%arg5 : memref<8x125xi32, #tpu.memory_space<vmem>>) target_semaphore(%arg11 : memref<!tpu.dma_semaphore, #tpu.memory_space<semaphore_mem>>)
      %dma_start3A_165 = arith.constant 0 : i32
      %dma_start3A_166 = arith.constant 0 : i32
      %dma_start3A_167 = tpu.memref_slice %arg6[%dma_start3A_165, %dma_start3A_166] : memref<8x125xi32, #tpu.memory_space<vmem>> -> memref<1x125xi32, #tpu.memory_space<vmem>>
      %dma_start3A_168 = tpu.memref_squeeze %dma_start3A_167 : memref<1x125xi32, #tpu.memory_space<vmem>> -> memref<125xi32, #tpu.memory_space<vmem>>
      %dma_start3A_169 = arith.constant 0 : i32
      %dma_start3A_170 = arith.constant 0 : i32
      %dma_start3A_171 = tpu.memref_slice %arg2[%dma_start3A_169, %dma_start3A_170] : memref<10240x128xf32, #tpu.memory_space<hbm>> -> memref<10240x128xf32, #tpu.memory_space<hbm>>
      tpu.enqueue_indirect_dma source(%dma_start3A_171 : memref<10240x128xf32, #tpu.memory_space<hbm>>) target(%arg7 : memref<125x128xf32, #tpu.memory_space<vmem>>) offsets(%dma_start3A_168 : memref<125xi32, #tpu.memory_space<vmem>>) semaphore(%arg10 : memref<!tpu.dma_semaphore, #tpu.memory_space<semaphore_mem>>)
      %dma_start3A_172 = arith.constant 2 : i32
      %dma_start3A_173 = arith.constant 0 : i32
      %dma_start3A_174 = tpu.memref_slice %arg6[%dma_start3A_172, %dma_start3A_173] : memref<8x125xi32, #tpu.memory_space<vmem>> -> memref<1x125xi32, #tpu.memory_space<vmem>>
      %dma_start3A_175 = tpu.memref_squeeze %dma_start3A_174 : memref<1x125xi32, #tpu.memory_space<vmem>> -> memref<125xi32, #tpu.memory_space<vmem>>
      %dma_start3A_176 = arith.constant 0 : i32
      %dma_start3A_177 = arith.constant 0 : i32
      %dma_start3A_178 = tpu.memref_slice %arg2[%dma_start3A_176, %dma_start3A_177] : memref<10240x128xf32, #tpu.memory_space<hbm>> -> memref<10240x128xf32, #tpu.memory_space<hbm>>
      tpu.enqueue_indirect_dma source(%dma_start3A_178 : memref<10240x128xf32, #tpu.memory_space<hbm>>) target(%arg8 : memref<125x128xf32, #tpu.memory_space<vmem>>) offsets(%dma_start3A_175 : memref<125xi32, #tpu.memory_space<vmem>>) semaphore(%arg10 : memref<!tpu.dma_semaphore, #tpu.memory_space<semaphore_mem>>)
      %dma_wait3A_179 = arith.constant 0 : i32
      %dma_wait3A_180 = arith.constant 0 : i32
      %dma_wait3A_181 = tpu.memref_slice %arg6[%dma_wait3A_179, %dma_wait3A_180] : memref<8x125xi32, #tpu.memory_space<vmem>> -> memref<1x125xi32, #tpu.memory_space<vmem>>
      %dma_wait3A_182 = tpu.memref_squeeze %dma_wait3A_181 : memref<1x125xi32, #tpu.memory_space<vmem>> -> memref<125xi32, #tpu.memory_space<vmem>>
      %dma_wait3A_183 = arith.constant 0 : i32
      %dma_wait3A_184 = arith.constant 0 : i32
      %dma_wait3A_185 = tpu.memref_slice %arg2[%dma_wait3A_183, %dma_wait3A_184] : memref<10240x128xf32, #tpu.memory_space<hbm>> -> memref<10240x128xf32, #tpu.memory_space<hbm>>
      tpu.wait_indirect_dma semaphore(%arg10 : memref<!tpu.dma_semaphore, #tpu.memory_space<semaphore_mem>>) src(%dma_wait3A_185 : memref<10240x128xf32, #tpu.memory_space<hbm>>) dst(%arg7 : memref<125x128xf32, #tpu.memory_space<vmem>>)
      %dma_start3A_186 = arith.constant 1 : i32
      %dma_start3A_187 = arith.constant 0 : i32
      %dma_start3A_188 = tpu.memref_slice %arg6[%dma_start3A_186, %dma_start3A_187] : memref<8x125xi32, #tpu.memory_space<vmem>> -> memref<1x125xi32, #tpu.memory_space<vmem>>
      %dma_start3A_189 = tpu.memref_squeeze %dma_start3A_188 : memref<1x125xi32, #tpu.memory_space<vmem>> -> memref<125xi32, #tpu.memory_space<vmem>>
      %dma_start3A_190 = arith.constant 0 : i32
      %dma_start3A_191 = arith.constant 0 : i32
      %dma_start3A_192 = tpu.memref_slice %arg9[%dma_start3A_190, %dma_start3A_191] : memref<10240x128xf32, #tpu.memory_space<vmem_shared>> -> memref<10240x128xf32, #tpu.memory_space<vmem_shared>>
      tpu.enqueue_indirect_dma source(%arg7 : memref<125x128xf32, #tpu.memory_space<vmem>>) target(%dma_start3A_192 : memref<10240x128xf32, #tpu.memory_space<vmem_shared>>) offsets(%dma_start3A_189 : memref<125xi32, #tpu.memory_space<vmem>>) semaphore(%arg12 : memref<!tpu.dma_semaphore, #tpu.memory_space<semaphore_mem>>) {add = true}
      %dma_wait3A_193 = arith.constant 2 : i32
      %dma_wait3A_194 = arith.constant 0 : i32
      %dma_wait3A_195 = tpu.memref_slice %arg6[%dma_wait3A_193, %dma_wait3A_194] : memref<8x125xi32, #tpu.memory_space<vmem>> -> memref<1x125xi32, #tpu.memory_space<vmem>>
      %dma_wait3A_196 = tpu.memref_squeeze %dma_wait3A_195 : memref<1x125xi32, #tpu.memory_space<vmem>> -> memref<125xi32, #tpu.memory_space<vmem>>
      %dma_wait3A_197 = arith.constant 0 : i32
      %dma_wait3A_198 = arith.constant 0 : i32
      %dma_wait3A_199 = tpu.memref_slice %arg2[%dma_wait3A_197, %dma_wait3A_198] : memref<10240x128xf32, #tpu.memory_space<hbm>> -> memref<10240x128xf32, #tpu.memory_space<hbm>>
      tpu.wait_indirect_dma semaphore(%arg10 : memref<!tpu.dma_semaphore, #tpu.memory_space<semaphore_mem>>) src(%dma_wait3A_199 : memref<10240x128xf32, #tpu.memory_space<hbm>>) dst(%arg8 : memref<125x128xf32, #tpu.memory_space<vmem>>)
      %dma_start3A_200 = arith.constant 3 : i32
      %dma_start3A_201 = arith.constant 0 : i32
      %dma_start3A_202 = tpu.memref_slice %arg6[%dma_start3A_200, %dma_start3A_201] : memref<8x125xi32, #tpu.memory_space<vmem>> -> memref<1x125xi32, #tpu.memory_space<vmem>>
      %dma_start3A_203 = tpu.memref_squeeze %dma_start3A_202 : memref<1x125xi32, #tpu.memory_space<vmem>> -> memref<125xi32, #tpu.memory_space<vmem>>
      %dma_start3A_204 = arith.constant 0 : i32
      %dma_start3A_205 = arith.constant 0 : i32
      %dma_start3A_206 = tpu.memref_slice %arg9[%dma_start3A_204, %dma_start3A_205] : memref<10240x128xf32, #tpu.memory_space<vmem_shared>> -> memref<10240x128xf32, #tpu.memory_space<vmem_shared>>
      tpu.enqueue_indirect_dma source(%arg8 : memref<125x128xf32, #tpu.memory_space<vmem>>) target(%dma_start3A_206 : memref<10240x128xf32, #tpu.memory_space<vmem_shared>>) offsets(%dma_start3A_203 : memref<125xi32, #tpu.memory_space<vmem>>) semaphore(%arg12 : memref<!tpu.dma_semaphore, #tpu.memory_space<semaphore_mem>>) {add = true}
      %dma_wait3A_207 = arith.constant 1 : i32
      %dma_wait3A_208 = arith.constant 0 : i32
      %dma_wait3A_209 = tpu.memref_slice %arg6[%dma_wait3A_207, %dma_wait3A_208] : memref<8x125xi32, #tpu.memory_space<vmem>> -> memref<1x125xi32, #tpu.memory_space<vmem>>
      %dma_wait3A_210 = tpu.memref_squeeze %dma_wait3A_209 : memref<1x125xi32, #tpu.memory_space<vmem>> -> memref<125xi32, #tpu.memory_space<vmem>>
      %dma_wait3A_211 = arith.constant 0 : i32
      %dma_wait3A_212 = arith.constant 0 : i32
      %dma_wait3A_213 = tpu.memref_slice %arg9[%dma_wait3A_211, %dma_wait3A_212] : memref<10240x128xf32, #tpu.memory_space<vmem_shared>> -> memref<10240x128xf32, #tpu.memory_space<vmem_shared>>
      tpu.wait_indirect_dma semaphore(%arg12 : memref<!tpu.dma_semaphore, #tpu.memory_space<semaphore_mem>>) src(%arg7 : memref<125x128xf32, #tpu.memory_space<vmem>>) dst(%dma_wait3A_213 : memref<10240x128xf32, #tpu.memory_space<vmem_shared>>)
      %dma_start3A_214 = arith.constant 4 : i32
      %dma_start3A_215 = arith.constant 0 : i32
      %dma_start3A_216 = tpu.memref_slice %arg6[%dma_start3A_214, %dma_start3A_215] : memref<8x125xi32, #tpu.memory_space<vmem>> -> memref<1x125xi32, #tpu.memory_space<vmem>>
      %dma_start3A_217 = tpu.memref_squeeze %dma_start3A_216 : memref<1x125xi32, #tpu.memory_space<vmem>> -> memref<125xi32, #tpu.memory_space<vmem>>
      %dma_start3A_218 = arith.constant 0 : i32
      %dma_start3A_219 = arith.constant 0 : i32
      %dma_start3A_220 = tpu.memref_slice %arg2[%dma_start3A_218, %dma_start3A_219] : memref<10240x128xf32, #tpu.memory_space<hbm>> -> memref<10240x128xf32, #tpu.memory_space<hbm>>
      tpu.enqueue_indirect_dma source(%dma_start3A_220 : memref<10240x128xf32, #tpu.memory_space<hbm>>) target(%arg7 : memref<125x128xf32, #tpu.memory_space<vmem>>) offsets(%dma_start3A_217 : memref<125xi32, #tpu.memory_space<vmem>>) semaphore(%arg10 : memref<!tpu.dma_semaphore, #tpu.memory_space<semaphore_mem>>)
      %dma_wait3A_221 = arith.constant 3 : i32
      %dma_wait3A_222 = arith.constant 0 : i32
      %dma_wait3A_223 = tpu.memref_slice %arg6[%dma_wait3A_221, %dma_wait3A_222] : memref<8x125xi32, #tpu.memory_space<vmem>> -> memref<1x125xi32, #tpu.memory_space<vmem>>
      %dma_wait3A_224 = tpu.memref_squeeze %dma_wait3A_223 : memref<1x125xi32, #tpu.memory_space<vmem>> -> memref<125xi32, #tpu.memory_space<vmem>>
      %dma_wait3A_225 = arith.constant 0 : i32
      %dma_wait3A_226 = arith.constant 0 : i32
      %dma_wait3A_227 = tpu.memref_slice %arg9[%dma_wait3A_225, %dma_wait3A_226] : memref<10240x128xf32, #tpu.memory_space<vmem_shared>> -> memref<10240x128xf32, #tpu.memory_space<vmem_shared>>
      tpu.wait_indirect_dma semaphore(%arg12 : memref<!tpu.dma_semaphore, #tpu.memory_space<semaphore_mem>>) src(%arg8 : memref<125x128xf32, #tpu.memory_space<vmem>>) dst(%dma_wait3A_227 : memref<10240x128xf32, #tpu.memory_space<vmem_shared>>)
      %dma_start3A_228 = arith.constant 6 : i32
      %dma_start3A_229 = arith.constant 0 : i32
      %dma_start3A_230 = tpu.memref_slice %arg6[%dma_start3A_228, %dma_start3A_229] : memref<8x125xi32, #tpu.memory_space<vmem>> -> memref<1x125xi32, #tpu.memory_space<vmem>>
      %dma_start3A_231 = tpu.memref_squeeze %dma_start3A_230 : memref<1x125xi32, #tpu.memory_space<vmem>> -> memref<125xi32, #tpu.memory_space<vmem>>
      %dma_start3A_232 = arith.constant 0 : i32
      %dma_start3A_233 = arith.constant 0 : i32
      %dma_start3A_234 = tpu.memref_slice %arg2[%dma_start3A_232, %dma_start3A_233] : memref<10240x128xf32, #tpu.memory_space<hbm>> -> memref<10240x128xf32, #tpu.memory_space<hbm>>
      tpu.enqueue_indirect_dma source(%dma_start3A_234 : memref<10240x128xf32, #tpu.memory_space<hbm>>) target(%arg8 : memref<125x128xf32, #tpu.memory_space<vmem>>) offsets(%dma_start3A_231 : memref<125xi32, #tpu.memory_space<vmem>>) semaphore(%arg10 : memref<!tpu.dma_semaphore, #tpu.memory_space<semaphore_mem>>)
      %dma_wait3A_235 = arith.constant 4 : i32
      %dma_wait3A_236 = arith.constant 0 : i32
      %dma_wait3A_237 = tpu.memref_slice %arg6[%dma_wait3A_235, %dma_wait3A_236] : memref<8x125xi32, #tpu.memory_space<vmem>> -> memref<1x125xi32, #tpu.memory_space<vmem>>
      %dma_wait3A_238 = tpu.memref_squeeze %dma_wait3A_237 : memref<1x125xi32, #tpu.memory_space<vmem>> -> memref<125xi32, #tpu.memory_space<vmem>>
      %dma_wait3A_239 = arith.constant 0 : i32
      %dma_wait3A_240 = arith.constant 0 : i32
      %dma_wait3A_241 = tpu.memref_slice %arg2[%dma_wait3A_239, %dma_wait3A_240] : memref<10240x128xf32, #tpu.memory_space<hbm>> -> memref<10240x128xf32, #tpu.memory_space<hbm>>
      tpu.wait_indirect_dma semaphore(%arg10 : memref<!tpu.dma_semaphore, #tpu.memory_space<semaphore_mem>>) src(%dma_wait3A_241 : memref<10240x128xf32, #tpu.memory_space<hbm>>) dst(%arg7 : memref<125x128xf32, #tpu.memory_space<vmem>>)
      %dma_start3A_242 = arith.constant 5 : i32
      %dma_start3A_243 = arith.constant 0 : i32
      %dma_start3A_244 = tpu.memref_slice %arg6[%dma_start3A_242, %dma_start3A_243] : memref<8x125xi32, #tpu.memory_space<vmem>> -> memref<1x125xi32, #tpu.memory_space<vmem>>
      %dma_start3A_245 = tpu.memref_squeeze %dma_start3A_244 : memref<1x125xi32, #tpu.memory_space<vmem>> -> memref<125xi32, #tpu.memory_space<vmem>>
      %dma_start3A_246 = arith.constant 0 : i32
      %dma_start3A_247 = arith.constant 0 : i32
      %dma_start3A_248 = tpu.memref_slice %arg9[%dma_start3A_246, %dma_start3A_247] : memref<10240x128xf32, #tpu.memory_space<vmem_shared>> -> memref<10240x128xf32, #tpu.memory_space<vmem_shared>>
      tpu.enqueue_indirect_dma source(%arg7 : memref<125x128xf32, #tpu.memory_space<vmem>>) target(%dma_start3A_248 : memref<10240x128xf32, #tpu.memory_space<vmem_shared>>) offsets(%dma_start3A_245 : memref<125xi32, #tpu.memory_space<vmem>>) semaphore(%arg12 : memref<!tpu.dma_semaphore, #tpu.memory_space<semaphore_mem>>) {add = true}
      %dma_wait3A_249 = arith.constant 0 : i32
      %dma_wait3A_250 = arith.constant 0 : i32
      %dma_wait3A_251 = tpu.memref_slice %arg3[%add3A, %min3A_37, %dma_wait3A_249, %dma_wait3A_250] : memref<32x20x8x125xi32, #tpu.memory_space<hbm>> -> memref<1x1x8x125xi32, #tpu.memory_space<hbm>>
      %dma_wait3A_252 = tpu.memref_squeeze %dma_wait3A_251 : memref<1x1x8x125xi32, #tpu.memory_space<hbm>> -> memref<8x125xi32, #tpu.memory_space<hbm>>
      %dma_wait3A_253 = arith.constant 0 : i32
      %dma_wait3A_254 = arith.constant 0 : i32
      %dma_wait3A_255 = tpu.memref_slice %arg3[%add3A, %min3A_37, %dma_wait3A_253, %dma_wait3A_254] : memref<32x20x8x125xi32, #tpu.memory_space<hbm>> -> memref<1x1x8x125xi32, #tpu.memory_space<hbm>>
      %dma_wait3A_256 = tpu.memref_squeeze %dma_wait3A_255 : memref<1x1x8x125xi32, #tpu.memory_space<hbm>> -> memref<8x125xi32, #tpu.memory_space<hbm>>
      tpu.wait_dma2 semaphore(%arg11 : memref<!tpu.dma_semaphore, #tpu.memory_space<semaphore_mem>>) src(%dma_wait3A_256 : memref<8x125xi32, #tpu.memory_space<hbm>>) dst(%arg5 : memref<8x125xi32, #tpu.memory_space<vmem>>)
      %dma_wait3A_257 = arith.constant 6 : i32
      %dma_wait3A_258 = arith.constant 0 : i32
      %dma_wait3A_259 = tpu.memref_slice %arg6[%dma_wait3A_257, %dma_wait3A_258] : memref<8x125xi32, #tpu.memory_space<vmem>> -> memref<1x125xi32, #tpu.memory_space<vmem>>
      %dma_wait3A_260 = tpu.memref_squeeze %dma_wait3A_259 : memref<1x125xi32, #tpu.memory_space<vmem>> -> memref<125xi32, #tpu.memory_space<vmem>>
      %dma_wait3A_261 = arith.constant 0 : i32
      %dma_wait3A_262 = arith.constant 0 : i32
      %dma_wait3A_263 = tpu.memref_slice %arg2[%dma_wait3A_261, %dma_wait3A_262] : memref<10240x128xf32, #tpu.memory_space<hbm>> -> memref<10240x128xf32, #tpu.memory_space<hbm>>
      tpu.wait_indirect_dma semaphore(%arg10 : memref<!tpu.dma_semaphore, #tpu.memory_space<semaphore_mem>>) src(%dma_wait3A_263 : memref<10240x128xf32, #tpu.memory_space<hbm>>) dst(%arg8 : memref<125x128xf32, #tpu.memory_space<vmem>>)
      %dma_start3A_264 = arith.constant 7 : i32
      %dma_start3A_265 = arith.constant 0 : i32
      %dma_start3A_266 = tpu.memref_slice %arg6[%dma_start3A_264, %dma_start3A_265] : memref<8x125xi32, #tpu.memory_space<vmem>> -> memref<1x125xi32, #tpu.memory_space<vmem>>
      %dma_start3A_267 = tpu.memref_squeeze %dma_start3A_266 : memref<1x125xi32, #tpu.memory_space<vmem>> -> memref<125xi32, #tpu.memory_space<vmem>>
      %dma_start3A_268 = arith.constant 0 : i32
      %dma_start3A_269 = arith.constant 0 : i32
      %dma_start3A_270 = tpu.memref_slice %arg9[%dma_start3A_268, %dma_start3A_269] : memref<10240x128xf32, #tpu.memory_space<vmem_shared>> -> memref<10240x128xf32, #tpu.memory_space<vmem_shared>>
      tpu.enqueue_indirect_dma source(%arg8 : memref<125x128xf32, #tpu.memory_space<vmem>>) target(%dma_start3A_270 : memref<10240x128xf32, #tpu.memory_space<vmem_shared>>) offsets(%dma_start3A_267 : memref<125xi32, #tpu.memory_space<vmem>>) semaphore(%arg12 : memref<!tpu.dma_semaphore, #tpu.memory_space<semaphore_mem>>) {add = true}
      %dma_wait3A_271 = arith.constant 5 : i32
      %dma_wait3A_272 = arith.constant 0 : i32
      %dma_wait3A_273 = tpu.memref_slice %arg6[%dma_wait3A_271, %dma_wait3A_272] : memref<8x125xi32, #tpu.memory_space<vmem>> -> memref<1x125xi32, #tpu.memory_space<vmem>>
      %dma_wait3A_274 = tpu.memref_squeeze %dma_wait3A_273 : memref<1x125xi32, #tpu.memory_space<vmem>> -> memref<125xi32, #tpu.memory_space<vmem>>
      %dma_wait3A_275 = arith.constant 0 : i32
      %dma_wait3A_276 = arith.constant 0 : i32
      %dma_wait3A_277 = tpu.memref_slice %arg9[%dma_wait3A_275, %dma_wait3A_276] : memref<10240x128xf32, #tpu.memory_space<vmem_shared>> -> memref<10240x128xf32, #tpu.memory_space<vmem_shared>>
      tpu.wait_indirect_dma semaphore(%arg12 : memref<!tpu.dma_semaphore, #tpu.memory_space<semaphore_mem>>) src(%arg7 : memref<125x128xf32, #tpu.memory_space<vmem>>) dst(%dma_wait3A_277 : memref<10240x128xf32, #tpu.memory_space<vmem_shared>>)
      %dma_wait3A_278 = arith.constant 7 : i32
      %dma_wait3A_279 = arith.constant 0 : i32
      %dma_wait3A_280 = tpu.memref_slice %arg6[%dma_wait3A_278, %dma_wait3A_279] : memref<8x125xi32, #tpu.memory_space<vmem>> -> memref<1x125xi32, #tpu.memory_space<vmem>>
      %dma_wait3A_281 = tpu.memref_squeeze %dma_wait3A_280 : memref<1x125xi32, #tpu.memory_space<vmem>> -> memref<125xi32, #tpu.memory_space<vmem>>
      %dma_wait3A_282 = arith.constant 0 : i32
      %dma_wait3A_283 = arith.constant 0 : i32
      %dma_wait3A_284 = tpu.memref_slice %arg9[%dma_wait3A_282, %dma_wait3A_283] : memref<10240x128xf32, #tpu.memory_space<vmem_shared>> -> memref<10240x128xf32, #tpu.memory_space<vmem_shared>>
      tpu.wait_indirect_dma semaphore(%arg12 : memref<!tpu.dma_semaphore, #tpu.memory_space<semaphore_mem>>) src(%arg8 : memref<125x128xf32, #tpu.memory_space<vmem>>) dst(%dma_wait3A_284 : memref<10240x128xf32, #tpu.memory_space<vmem_shared>>)
    }
    %scan3A_15 = arith.constant 10 : i32
    %barrier3A_16 = arith.constant 0 : index
    tpu.barrier barrier_id(%barrier3A_16)
    %mul3A_17 = arith.constant 640 : i32
    %mul3A_18 = arith.muli %arg1, %mul3A_17 : i32
    %mul3A_19 = arith.constant 640 : i32
    %mul3A_20 = arith.muli %arg1, %mul3A_19 : i32
    "tpu.region"() ({
      %run_scoped3A_21 = tpu.sem_alloc : memref<!tpu.dma_semaphore, #tpu.memory_space<semaphore_mem>>
      %dma_start3A = arith.constant 0 : i32
      %dma_start3A_22 = tpu.memref_slice %arg4[%arg0, %mul3A_20, %dma_start3A] : memref<2x10240x128xf32, #tpu.memory_space<hbm>> -> memref<1x640x128xf32, #tpu.memory_space<hbm>>
      %dma_start3A_23 = tpu.memref_squeeze %dma_start3A_22 : memref<1x640x128xf32, #tpu.memory_space<hbm>> -> memref<640x128xf32, #tpu.memory_space<hbm>>
      %dma_start3A_24 = arith.constant 0 : i32
      %dma_start3A_25 = tpu.memref_slice %arg9[%mul3A_18, %dma_start3A_24] : memref<10240x128xf32, #tpu.memory_space<vmem_shared>> -> memref<640x128xf32, #tpu.memory_space<vmem_shared>>
      tpu.enqueue_dma source(%dma_start3A_25 : memref<640x128xf32, #tpu.memory_space<vmem_shared>>) target(%dma_start3A_23 : memref<640x128xf32, #tpu.memory_space<hbm>>) target_semaphore(%run_scoped3A_21 : memref<!tpu.dma_semaphore, #tpu.memory_space<semaphore_mem>>)
      %dma_wait3A = arith.constant 0 : i32
      %dma_wait3A_26 = tpu.memref_slice %arg4[%arg0, %mul3A_20, %dma_wait3A] : memref<2x10240x128xf32, #tpu.memory_space<hbm>> -> memref<1x640x128xf32, #tpu.memory_space<hbm>>
      %dma_wait3A_27 = tpu.memref_squeeze %dma_wait3A_26 : memref<1x640x128xf32, #tpu.memory_space<hbm>> -> memref<640x128xf32, #tpu.memory_space<hbm>>
      %dma_wait3A_28 = arith.constant 0 : i32
      %dma_wait3A_29 = tpu.memref_slice %arg9[%mul3A_18, %dma_wait3A_28] : memref<10240x128xf32, #tpu.memory_space<vmem_shared>> -> memref<640x128xf32, #tpu.memory_space<vmem_shared>>
      tpu.wait_dma2 semaphore(%run_scoped3A_21 : memref<!tpu.dma_semaphore, #tpu.memory_space<semaphore_mem>>) src(%dma_wait3A_29 : memref<640x128xf32, #tpu.memory_space<vmem_shared>>) dst(%dma_wait3A_27 : memref<640x128xf32, #tpu.memory_space<hbm>>)
      tpu.yield
    }) : () -> ()
    return
  }
}

#map = affine_map<(d0, d1) -> (0, 0)>
#map1 = affine_map<(d0, d1) -> (0, 0, 0, 0)>
#map2 = affine_map<(d0, d1) -> (0, 0, 0)>
module attributes {stable_mosaic.version = 14 : i64} {
  func.func @_ka_body(%arg0: i32, %arg1: i32, %arg2: memref<10240x128xf32, #tpu.memory_space<hbm>>, %arg3: memref<32x20x8x125xi32, #tpu.memory_space<hbm>>, %arg4: memref<2x10240x128xf32, #tpu.memory_space<hbm>>, %arg5: memref<8x125xi32, #tpu.memory_space<vmem>>, %arg6: memref<8x125xi32, #tpu.memory_space<vmem>>, %arg7: memref<125x128xf32, #tpu.memory_space<vmem>>, %arg8: memref<125x128xf32, #tpu.memory_space<vmem>>, %arg9: memref<10240x128xf32, #tpu.memory_space<vmem_shared>>, %arg10: memref<!tpu.dma_semaphore, #tpu.memory_space<semaphore_mem>>, %arg11: memref<!tpu.dma_semaphore, #tpu.memory_space<semaphore_mem>>, %arg12: memref<!tpu.dma_semaphore, #tpu.memory_space<semaphore_mem>>) attributes {dimension_semantics = [#tpu.dimension_semantics<core_parallel>, #tpu.dimension_semantics<subcore_parallel>], iteration_bounds = array<i64: 2, 16>, scalar_prefetch = 0 : i64, scratch_operands = 8 : i64, tpu.core_type = #tpu.core_type<sc_vector_subcore>, window_params = [{transform_indices = #map}, {transform_indices = #map1}, {transform_indices = #map2}]} {
    %mul3A = arith.constant 16 : i32
    %mul3A_0 = arith.muli %arg0, %mul3A : i32
    %add3A = arith.addi %mul3A_0, %arg1 : i32
    %broadcast_in_dim3A = arith.constant 0.000000e+00 : f32
    %broadcast_in_dim3A_1 = vector.broadcast %broadcast_in_dim3A : f32 to vector<16xf32>
    %scan3A = arith.constant 0 : i32
    %scan3A_2 = arith.constant 80 : i32
    %scan3A_3 = arith.addi %scan3A, %scan3A_2 : i32
    %scan3A_4 = arith.constant 1 : i32
    scf.for %scan3A_21 = %scan3A to %scan3A_3 step %scan3A_4  : i32 {
      %mul3A_22 = arith.constant 1 : i32
      %mul3A_23 = arith.muli %scan3A_21, %mul3A_22 : i32
      %add3A_24 = arith.constant 0 : i32
      %add3A_25 = arith.addi %add3A_24, %mul3A_23 : i32
      %swap3A = arith.index_cast %add3A_25 : i32 to index
      %swap3A_26 = arith.constant 0 : index
      %swap3A_27 = tpu.vector_load %arg7[%swap3A, %swap3A_26] {strides = array<i32>} : memref<125x128xf32, #tpu.memory_space<vmem>>, vector<1x16xf32>,
      %swap3A_28 = vector.shape_cast %swap3A_27 : vector<1x16xf32> to vector<16xf32>
      %swap3A_29 = vector.shape_cast %broadcast_in_dim3A_1 : vector<16xf32> to vector<1x16xf32>
      tpu.vector_store %arg7[%swap3A, %swap3A_26], %swap3A_29 {strides = array<i32>} : memref<125x128xf32, #tpu.memory_space<vmem>>, vector<1x16xf32>,
      %swap3A_30 = arith.index_cast %add3A_25 : i32 to index
      %swap3A_31 = arith.constant 16 : index
      %swap3A_32 = tpu.vector_load %arg7[%swap3A_30, %swap3A_31] {strides = array<i32>} : memref<125x128xf32, #tpu.memory_space<vmem>>, vector<1x16xf32>,
      %swap3A_33 = vector.shape_cast %swap3A_32 : vector<1x16xf32> to vector<16xf32>
      %swap3A_34 = vector.shape_cast %broadcast_in_dim3A_1 : vector<16xf32> to vector<1x16xf32>
      tpu.vector_store %arg7[%swap3A_30, %swap3A_31], %swap3A_34 {strides = array<i32>} : memref<125x128xf32, #tpu.memory_space<vmem>>, vector<1x16xf32>,
      %swap3A_35 = arith.index_cast %add3A_25 : i32 to index
      %swap3A_36 = arith.constant 32 : index
      %swap3A_37 = tpu.vector_load %arg7[%swap3A_35, %swap3A_36] {strides = array<i32>} : memref<125x128xf32, #tpu.memory_space<vmem>>, vector<1x16xf32>,
      %swap3A_38 = vector.shape_cast %swap3A_37 : vector<1x16xf32> to vector<16xf32>
      %swap3A_39 = vector.shape_cast %broadcast_in_dim3A_1 : vector<16xf32> to vector<1x16xf32>
      tpu.vector_store %arg7[%swap3A_35, %swap3A_36], %swap3A_39 {strides = array<i32>} : memref<125x128xf32, #tpu.memory_space<vmem>>, vector<1x16xf32>,
      %swap3A_40 = arith.index_cast %add3A_25 : i32 to index
      %swap3A_41 = arith.constant 48 : index
      %swap3A_42 = tpu.vector_load %arg7[%swap3A_40, %swap3A_41] {strides = array<i32>} : memref<125x128xf32, #tpu.memory_space<vmem>>, vector<1x16xf32>,
      %swap3A_43 = vector.shape_cast %swap3A_42 : vector<1x16xf32> to vector<16xf32>
      %swap3A_44 = vector.shape_cast %broadcast_in_dim3A_1 : vector<16xf32> to vector<1x16xf32>
      tpu.vector_store %arg7[%swap3A_40, %swap3A_41], %swap3A_44 {strides = array<i32>} : memref<125x128xf32, #tpu.memory_space<vmem>>, vector<1x16xf32>,
      %swap3A_45 = arith.index_cast %add3A_25 : i32 to index
      %swap3A_46 = arith.constant 64 : index
      %swap3A_47 = tpu.vector_load %arg7[%swap3A_45, %swap3A_46] {strides = array<i32>} : memref<125x128xf32, #tpu.memory_space<vmem>>, vector<1x16xf32>,
      %swap3A_48 = vector.shape_cast %swap3A_47 : vector<1x16xf32> to vector<16xf32>
      %swap3A_49 = vector.shape_cast %broadcast_in_dim3A_1 : vector<16xf32> to vector<1x16xf32>
      tpu.vector_store %arg7[%swap3A_45, %swap3A_46], %swap3A_49 {strides = array<i32>} : memref<125x128xf32, #tpu.memory_space<vmem>>, vector<1x16xf32>,
      %swap3A_50 = arith.index_cast %add3A_25 : i32 to index
      %swap3A_51 = arith.constant 80 : index
      %swap3A_52 = tpu.vector_load %arg7[%swap3A_50, %swap3A_51] {strides = array<i32>} : memref<125x128xf32, #tpu.memory_space<vmem>>, vector<1x16xf32>,
      %swap3A_53 = vector.shape_cast %swap3A_52 : vector<1x16xf32> to vector<16xf32>
      %swap3A_54 = vector.shape_cast %broadcast_in_dim3A_1 : vector<16xf32> to vector<1x16xf32>
      tpu.vector_store %arg7[%swap3A_50, %swap3A_51], %swap3A_54 {strides = array<i32>} : memref<125x128xf32, #tpu.memory_space<vmem>>, vector<1x16xf32>,
      %swap3A_55 = arith.index_cast %add3A_25 : i32 to index
      %swap3A_56 = arith.constant 96 : index
      %swap3A_57 = tpu.vector_load %arg7[%swap3A_55, %swap3A_56] {strides = array<i32>} : memref<125x128xf32, #tpu.memory_space<vmem>>, vector<1x16xf32>,
      %swap3A_58 = vector.shape_cast %swap3A_57 : vector<1x16xf32> to vector<16xf32>
      %swap3A_59 = vector.shape_cast %broadcast_in_dim3A_1 : vector<16xf32> to vector<1x16xf32>
      tpu.vector_store %arg7[%swap3A_55, %swap3A_56], %swap3A_59 {strides = array<i32>} : memref<125x128xf32, #tpu.memory_space<vmem>>, vector<1x16xf32>,
      %swap3A_60 = arith.index_cast %add3A_25 : i32 to index
      %swap3A_61 = arith.constant 112 : index
      %swap3A_62 = tpu.vector_load %arg7[%swap3A_60, %swap3A_61] {strides = array<i32>} : memref<125x128xf32, #tpu.memory_space<vmem>>, vector<1x16xf32>,
      %swap3A_63 = vector.shape_cast %swap3A_62 : vector<1x16xf32> to vector<16xf32>
      %swap3A_64 = vector.shape_cast %broadcast_in_dim3A_1 : vector<16xf32> to vector<1x16xf32>
      tpu.vector_store %arg7[%swap3A_60, %swap3A_61], %swap3A_64 {strides = array<i32>} : memref<125x128xf32, #tpu.memory_space<vmem>>, vector<1x16xf32>,
    }
    %scan3A_5 = arith.constant 80 : i32
    %scan3A_6 = arith.constant 0 : i32
    %scan3A_7 = arith.constant 8 : i32
    %scan3A_8 = arith.addi %scan3A_6, %scan3A_7 : i32
    %scan3A_9 = arith.constant 1 : i32
    scf.for %scan3A_21 = %scan3A_6 to %scan3A_8 step %scan3A_9  : i32 {
      %mul3A_22 = arith.constant 1 : i32
      %mul3A_23 = arith.muli %scan3A_21, %mul3A_22 : i32
      %add3A_24 = arith.constant 0 : i32
      %add3A_25 = arith.addi %add3A_24, %mul3A_23 : i32
      %mul3A_26 = arith.constant 640 : i32
      %mul3A_27 = arith.muli %arg1, %mul3A_26 : i32
      %mul3A_28 = arith.constant 80 : i32
      %mul3A_29 = arith.muli %add3A_25, %mul3A_28 : i32
      %add3A_30 = arith.addi %mul3A_27, %mul3A_29 : i32
      "tpu.region"() ({
        %run_scoped3A_31 = tpu.sem_alloc : memref<!tpu.dma_semaphore, #tpu.memory_space<semaphore_mem>>
        %dma_start3A = arith.constant 0 : i32
        %dma_start3A_32 = arith.constant 0 : i32
        %dma_start3A_33 = tpu.memref_slice %arg7[%dma_start3A, %dma_start3A_32] : memref<125x128xf32, #tpu.memory_space<vmem>> -> memref<80x128xf32, #tpu.memory_space<vmem>>
        %dma_start3A_34 = arith.constant 0 : i32
        %dma_start3A_35 = tpu.memref_slice %arg9[%add3A_30, %dma_start3A_34] : memref<10240x128xf32, #tpu.memory_space<vmem_shared>> -> memref<80x128xf32, #tpu.memory_space<vmem_shared>>
        %dma_start3A_36 = arith.constant 0 : i32
        %dma_start3A_37 = tpu.memref_slice %arg9[%add3A_30, %dma_start3A_36] : memref<10240x128xf32, #tpu.memory_space<vmem_shared>> -> memref<80x128xf32, #tpu.memory_space<vmem_shared>>
        %dma_start3A_38 = arith.constant 0 : i32
        %dma_start3A_39 = arith.constant 0 : i32
        %dma_start3A_40 = tpu.memref_slice %arg7[%dma_start3A_38, %dma_start3A_39] : memref<125x128xf32, #tpu.memory_space<vmem>> -> memref<80x128xf32, #tpu.memory_space<vmem>>
        tpu.enqueue_dma source(%dma_start3A_40 : memref<80x128xf32, #tpu.memory_space<vmem>>) target(%dma_start3A_37 : memref<80x128xf32, #tpu.memory_space<vmem_shared>>) target_semaphore(%run_scoped3A_31 : memref<!tpu.dma_semaphore, #tpu.memory_space<semaphore_mem>>)
        %dma_wait3A = arith.constant 0 : i32
        %dma_wait3A_41 = arith.constant 0 : i32
        %dma_wait3A_42 = tpu.memref_slice %arg7[%dma_wait3A, %dma_wait3A_41] : memref<125x128xf32, #tpu.memory_space<vmem>> -> memref<80x128xf32, #tpu.memory_space<vmem>>
        %dma_wait3A_43 = arith.constant 0 : i32
        %dma_wait3A_44 = tpu.memref_slice %arg9[%add3A_30, %dma_wait3A_43] : memref<10240x128xf32, #tpu.memory_space<vmem_shared>> -> memref<80x128xf32, #tpu.memory_space<vmem_shared>>
        %dma_wait3A_45 = arith.constant 0 : i32
        %dma_wait3A_46 = tpu.memref_slice %arg9[%add3A_30, %dma_wait3A_45] : memref<10240x128xf32, #tpu.memory_space<vmem_shared>> -> memref<80x128xf32, #tpu.memory_space<vmem_shared>>
        %dma_wait3A_47 = arith.constant 0 : i32
        %dma_wait3A_48 = arith.constant 0 : i32
        %dma_wait3A_49 = tpu.memref_slice %arg7[%dma_wait3A_47, %dma_wait3A_48] : memref<125x128xf32, #tpu.memory_space<vmem>> -> memref<80x128xf32, #tpu.memory_space<vmem>>
        tpu.wait_dma2 semaphore(%run_scoped3A_31 : memref<!tpu.dma_semaphore, #tpu.memory_space<semaphore_mem>>) src(%dma_wait3A_49 : memref<80x128xf32, #tpu.memory_space<vmem>>) dst(%dma_wait3A_46 : memref<80x128xf32, #tpu.memory_space<vmem_shared>>)
        tpu.yield
      }) : () -> ()
    }
    %scan3A_10 = arith.constant 8 : i32
    %barrier3A = arith.constant 0 : index
    tpu.barrier barrier_id(%barrier3A)
    %run_scoped3A = arith.constant 0 : i32
    "tpu.region"() ({
      %run_scoped3A_21 = tpu.sem_alloc : memref<!tpu.dma_semaphore, #tpu.memory_space<semaphore_mem>>
      %dma_start3A = arith.constant 0 : i32
      %dma_start3A_22 = arith.constant 0 : i32
      %dma_start3A_23 = tpu.memref_slice %arg3[%add3A, %run_scoped3A, %dma_start3A, %dma_start3A_22] : memref<32x20x8x125xi32, #tpu.memory_space<hbm>> -> memref<1x1x8x125xi32, #tpu.memory_space<hbm>>
      %dma_start3A_24 = tpu.memref_squeeze %dma_start3A_23 : memref<1x1x8x125xi32, #tpu.memory_space<hbm>> -> memref<8x125xi32, #tpu.memory_space<hbm>>
      %dma_start3A_25 = arith.constant 0 : i32
      %dma_start3A_26 = arith.constant 0 : i32
      %dma_start3A_27 = tpu.memref_slice %arg3[%add3A, %run_scoped3A, %dma_start3A_25, %dma_start3A_26] : memref<32x20x8x125xi32, #tpu.memory_space<hbm>> -> memref<1x1x8x125xi32, #tpu.memory_space<hbm>>
      %dma_start3A_28 = tpu.memref_squeeze %dma_start3A_27 : memref<1x1x8x125xi32, #tpu.memory_space<hbm>> -> memref<8x125xi32, #tpu.memory_space<hbm>>
      tpu.enqueue_dma source(%dma_start3A_28 : memref<8x125xi32, #tpu.memory_space<hbm>>) target(%arg5 : memref<8x125xi32, #tpu.memory_space<vmem>>) target_semaphore(%run_scoped3A_21 : memref<!tpu.dma_semaphore, #tpu.memory_space<semaphore_mem>>)
      %dma_wait3A = arith.constant 0 : i32
      %dma_wait3A_29 = arith.constant 0 : i32
      %dma_wait3A_30 = tpu.memref_slice %arg3[%add3A, %run_scoped3A, %dma_wait3A, %dma_wait3A_29] : memref<32x20x8x125xi32, #tpu.memory_space<hbm>> -> memref<1x1x8x125xi32, #tpu.memory_space<hbm>>
      %dma_wait3A_31 = tpu.memref_squeeze %dma_wait3A_30 : memref<1x1x8x125xi32, #tpu.memory_space<hbm>> -> memref<8x125xi32, #tpu.memory_space<hbm>>
      %dma_wait3A_32 = arith.constant 0 : i32
      %dma_wait3A_33 = arith.constant 0 : i32
      %dma_wait3A_34 = tpu.memref_slice %arg3[%add3A, %run_scoped3A, %dma_wait3A_32, %dma_wait3A_33] : memref<32x20x8x125xi32, #tpu.memory_space<hbm>> -> memref<1x1x8x125xi32, #tpu.memory_space<hbm>>
      %dma_wait3A_35 = tpu.memref_squeeze %dma_wait3A_34 : memref<1x1x8x125xi32, #tpu.memory_space<hbm>> -> memref<8x125xi32, #tpu.memory_space<hbm>>
      tpu.wait_dma2 semaphore(%run_scoped3A_21 : memref<!tpu.dma_semaphore, #tpu.memory_space<semaphore_mem>>) src(%dma_wait3A_35 : memref<8x125xi32, #tpu.memory_space<hbm>>) dst(%arg5 : memref<8x125xi32, #tpu.memory_space<vmem>>)
      tpu.yield
    }) : () -> ()
    %scan3A_11 = arith.constant 0 : i32
    %scan3A_12 = arith.constant 10 : i32
    %scan3A_13 = arith.addi %scan3A_11, %scan3A_12 : i32
    %scan3A_14 = arith.constant 1 : i32
    scf.for %scan3A_21 = %scan3A_11 to %scan3A_13 step %scan3A_14  : i32 {
      %mul3A_22 = arith.constant 2 : i32
      %mul3A_23 = arith.muli %scan3A_21, %mul3A_22 : i32
      %add3A_24 = arith.constant 0 : i32
      %add3A_25 = arith.addi %add3A_24, %mul3A_23 : i32
      %add3A_26 = arith.constant 1 : i32
      %add3A_27 = arith.addi %add3A_25, %add3A_26 : i32
      %dma_start3A = arith.constant 0 : i32
      %dma_start3A_28 = arith.constant 0 : i32
      %dma_start3A_29 = tpu.memref_slice %arg3[%add3A, %add3A_27, %dma_start3A, %dma_start3A_28] : memref<32x20x8x125xi32, #tpu.memory_space<hbm>> -> memref<1x1x8x125xi32, #tpu.memory_space<hbm>>
      %dma_start3A_30 = tpu.memref_squeeze %dma_start3A_29 : memref<1x1x8x125xi32, #tpu.memory_space<hbm>> -> memref<8x125xi32, #tpu.memory_space<hbm>>
      %dma_start3A_31 = arith.constant 0 : i32
      %dma_start3A_32 = arith.constant 0 : i32
      %dma_start3A_33 = tpu.memref_slice %arg3[%add3A, %add3A_27, %dma_start3A_31, %dma_start3A_32] : memref<32x20x8x125xi32, #tpu.memory_space<hbm>> -> memref<1x1x8x125xi32, #tpu.memory_space<hbm>>
      %dma_start3A_34 = tpu.memref_squeeze %dma_start3A_33 : memref<1x1x8x125xi32, #tpu.memory_space<hbm>> -> memref<8x125xi32, #tpu.memory_space<hbm>>
      tpu.enqueue_dma source(%dma_start3A_34 : memref<8x125xi32, #tpu.memory_space<hbm>>) target(%arg6 : memref<8x125xi32, #tpu.memory_space<vmem>>) target_semaphore(%arg11 : memref<!tpu.dma_semaphore, #tpu.memory_space<semaphore_mem>>)
      %add3A_35 = arith.constant 2 : i32
      %add3A_36 = arith.addi %add3A_25, %add3A_35 : i32
      %min3A = arith.constant 19 : i32
      %min3A_37 = arith.minsi %add3A_36, %min3A : i32
      %dma_start3A_38 = arith.constant 0 : i32
      %dma_start3A_39 = arith.constant 0 : i32
      %dma_start3A_40 = tpu.memref_slice %arg5[%dma_start3A_38, %dma_start3A_39] : memref<8x125xi32, #tpu.memory_space<vmem>> -> memref<1x125xi32, #tpu.memory_space<vmem>>
      %dma_start3A_41 = tpu.memref_squeeze %dma_start3A_40 : memref<1x125xi32, #tpu.memory_space<vmem>> -> memref<125xi32, #tpu.memory_space<vmem>>
      %dma_start3A_42 = arith.constant 0 : i32
      %dma_start3A_43 = arith.constant 0 : i32
      %dma_start3A_44 = tpu.memref_slice %arg2[%dma_start3A_42, %dma_start3A_43] : memref<10240x128xf32, #tpu.memory_space<hbm>> -> memref<10240x128xf32, #tpu.memory_space<hbm>>
      tpu.enqueue_indirect_dma source(%dma_start3A_44 : memref<10240x128xf32, #tpu.memory_space<hbm>>) target(%arg7 : memref<125x128xf32, #tpu.memory_space<vmem>>) offsets(%dma_start3A_41 : memref<125xi32, #tpu.memory_space<vmem>>) semaphore(%arg10 : memref<!tpu.dma_semaphore, #tpu.memory_space<semaphore_mem>>)
      %dma_start3A_45 = arith.constant 2 : i32
      %dma_start3A_46 = arith.constant 0 : i32
      %dma_start3A_47 = tpu.memref_slice %arg5[%dma_start3A_45, %dma_start3A_46] : memref<8x125xi32, #tpu.memory_space<vmem>> -> memref<1x125xi32, #tpu.memory_space<vmem>>
      %dma_start3A_48 = tpu.memref_squeeze %dma_start3A_47 : memref<1x125xi32, #tpu.memory_space<vmem>> -> memref<125xi32, #tpu.memory_space<vmem>>
      %dma_start3A_49 = arith.constant 0 : i32
      %dma_start3A_50 = arith.constant 0 : i32
      %dma_start3A_51 = tpu.memref_slice %arg2[%dma_start3A_49, %dma_start3A_50] : memref<10240x128xf32, #tpu.memory_space<hbm>> -> memref<10240x128xf32, #tpu.memory_space<hbm>>
      tpu.enqueue_indirect_dma source(%dma_start3A_51 : memref<10240x128xf32, #tpu.memory_space<hbm>>) target(%arg8 : memref<125x128xf32, #tpu.memory_space<vmem>>) offsets(%dma_start3A_48 : memref<125xi32, #tpu.memory_space<vmem>>) semaphore(%arg10 : memref<!tpu.dma_semaphore, #tpu.memory_space<semaphore_mem>>)
      %dma_wait3A = arith.constant 0 : i32
      %dma_wait3A_52 = arith.constant 0 : i32
      %dma_wait3A_53 = tpu.memref_slice %arg5[%dma_wait3A, %dma_wait3A_52] : memref<8x125xi32, #tpu.memory_space<vmem>> -> memref<1x125xi32, #tpu.memory_space<vmem>>
      %dma_wait3A_54 = tpu.memref_squeeze %dma_wait3A_53 : memref<1x125xi32, #tpu.memory_space<vmem>> -> memref<125xi32, #tpu.memory_space<vmem>>
      %dma_wait3A_55 = arith.constant 0 : i32
      %dma_wait3A_56 = arith.constant 0 : i32
      %dma_wait3A_57 = tpu.memref_slice %arg2[%dma_wait3A_55, %dma_wait3A_56] : memref<10240x128xf32, #tpu.memory_space<hbm>> -> memref<10240x128xf32, #tpu.memory_space<hbm>>
      tpu.wait_indirect_dma semaphore(%arg10 : memref<!tpu.dma_semaphore, #tpu.memory_space<semaphore_mem>>) src(%dma_wait3A_57 : memref<10240x128xf32, #tpu.memory_space<hbm>>) dst(%arg7 : memref<125x128xf32, #tpu.memory_space<vmem>>)
      %dma_start3A_58 = arith.constant 1 : i32
      %dma_start3A_59 = arith.constant 0 : i32
      %dma_start3A_60 = tpu.memref_slice %arg5[%dma_start3A_58, %dma_start3A_59] : memref<8x125xi32, #tpu.memory_space<vmem>> -> memref<1x125xi32, #tpu.memory_space<vmem>>
      %dma_start3A_61 = tpu.memref_squeeze %dma_start3A_60 : memref<1x125xi32, #tpu.memory_space<vmem>> -> memref<125xi32, #tpu.memory_space<vmem>>
      %dma_start3A_62 = arith.constant 0 : i32
      %dma_start3A_63 = arith.constant 0 : i32
      %dma_start3A_64 = tpu.memref_slice %arg9[%dma_start3A_62, %dma_start3A_63] : memref<10240x128xf32, #tpu.memory_space<vmem_shared>> -> memref<10240x128xf32, #tpu.memory_space<vmem_shared>>
      tpu.enqueue_indirect_dma source(%arg7 : memref<125x128xf32, #tpu.memory_space<vmem>>) target(%dma_start3A_64 : memref<10240x128xf32, #tpu.memory_space<vmem_shared>>) offsets(%dma_start3A_61 : memref<125xi32, #tpu.memory_space<vmem>>) semaphore(%arg12 : memref<!tpu.dma_semaphore, #tpu.memory_space<semaphore_mem>>) {add = true}
      %dma_wait3A_65 = arith.constant 2 : i32
      %dma_wait3A_66 = arith.constant 0 : i32
      %dma_wait3A_67 = tpu.memref_slice %arg5[%dma_wait3A_65, %dma_wait3A_66] : memref<8x125xi32, #tpu.memory_space<vmem>> -> memref<1x125xi32, #tpu.memory_space<vmem>>
      %dma_wait3A_68 = tpu.memref_squeeze %dma_wait3A_67 : memref<1x125xi32, #tpu.memory_space<vmem>> -> memref<125xi32, #tpu.memory_space<vmem>>
      %dma_wait3A_69 = arith.constant 0 : i32
      %dma_wait3A_70 = arith.constant 0 : i32
      %dma_wait3A_71 = tpu.memref_slice %arg2[%dma_wait3A_69, %dma_wait3A_70] : memref<10240x128xf32, #tpu.memory_space<hbm>> -> memref<10240x128xf32, #tpu.memory_space<hbm>>
      tpu.wait_indirect_dma semaphore(%arg10 : memref<!tpu.dma_semaphore, #tpu.memory_space<semaphore_mem>>) src(%dma_wait3A_71 : memref<10240x128xf32, #tpu.memory_space<hbm>>) dst(%arg8 : memref<125x128xf32, #tpu.memory_space<vmem>>)
      %dma_start3A_72 = arith.constant 3 : i32
      %dma_start3A_73 = arith.constant 0 : i32
      %dma_start3A_74 = tpu.memref_slice %arg5[%dma_start3A_72, %dma_start3A_73] : memref<8x125xi32, #tpu.memory_space<vmem>> -> memref<1x125xi32, #tpu.memory_space<vmem>>
      %dma_start3A_75 = tpu.memref_squeeze %dma_start3A_74 : memref<1x125xi32, #tpu.memory_space<vmem>> -> memref<125xi32, #tpu.memory_space<vmem>>
      %dma_start3A_76 = arith.constant 0 : i32
      %dma_start3A_77 = arith.constant 0 : i32
      %dma_start3A_78 = tpu.memref_slice %arg9[%dma_start3A_76, %dma_start3A_77] : memref<10240x128xf32, #tpu.memory_space<vmem_shared>> -> memref<10240x128xf32, #tpu.memory_space<vmem_shared>>
      tpu.enqueue_indirect_dma source(%arg8 : memref<125x128xf32, #tpu.memory_space<vmem>>) target(%dma_start3A_78 : memref<10240x128xf32, #tpu.memory_space<vmem_shared>>) offsets(%dma_start3A_75 : memref<125xi32, #tpu.memory_space<vmem>>) semaphore(%arg12 : memref<!tpu.dma_semaphore, #tpu.memory_space<semaphore_mem>>) {add = true}
      %dma_wait3A_79 = arith.constant 1 : i32
      %dma_wait3A_80 = arith.constant 0 : i32
      %dma_wait3A_81 = tpu.memref_slice %arg5[%dma_wait3A_79, %dma_wait3A_80] : memref<8x125xi32, #tpu.memory_space<vmem>> -> memref<1x125xi32, #tpu.memory_space<vmem>>
      %dma_wait3A_82 = tpu.memref_squeeze %dma_wait3A_81 : memref<1x125xi32, #tpu.memory_space<vmem>> -> memref<125xi32, #tpu.memory_space<vmem>>
      %dma_wait3A_83 = arith.constant 0 : i32
      %dma_wait3A_84 = arith.constant 0 : i32
      %dma_wait3A_85 = tpu.memref_slice %arg9[%dma_wait3A_83, %dma_wait3A_84] : memref<10240x128xf32, #tpu.memory_space<vmem_shared>> -> memref<10240x128xf32, #tpu.memory_space<vmem_shared>>
      tpu.wait_indirect_dma semaphore(%arg12 : memref<!tpu.dma_semaphore, #tpu.memory_space<semaphore_mem>>) src(%arg7 : memref<125x128xf32, #tpu.memory_space<vmem>>) dst(%dma_wait3A_85 : memref<10240x128xf32, #tpu.memory_space<vmem_shared>>)
      %dma_start3A_86 = arith.constant 4 : i32
      %dma_start3A_87 = arith.constant 0 : i32
      %dma_start3A_88 = tpu.memref_slice %arg5[%dma_start3A_86, %dma_start3A_87] : memref<8x125xi32, #tpu.memory_space<vmem>> -> memref<1x125xi32, #tpu.memory_space<vmem>>
      %dma_start3A_89 = tpu.memref_squeeze %dma_start3A_88 : memref<1x125xi32, #tpu.memory_space<vmem>> -> memref<125xi32, #tpu.memory_space<vmem>>
      %dma_start3A_90 = arith.constant 0 : i32
      %dma_start3A_91 = arith.constant 0 : i32
      %dma_start3A_92 = tpu.memref_slice %arg2[%dma_start3A_90, %dma_start3A_91] : memref<10240x128xf32, #tpu.memory_space<hbm>> -> memref<10240x128xf32, #tpu.memory_space<hbm>>
      tpu.enqueue_indirect_dma source(%dma_start3A_92 : memref<10240x128xf32, #tpu.memory_space<hbm>>) target(%arg7 : memref<125x128xf32, #tpu.memory_space<vmem>>) offsets(%dma_start3A_89 : memref<125xi32, #tpu.memory_space<vmem>>) semaphore(%arg10 : memref<!tpu.dma_semaphore, #tpu.memory_space<semaphore_mem>>)
      %dma_wait3A_93 = arith.constant 3 : i32
      %dma_wait3A_94 = arith.constant 0 : i32
      %dma_wait3A_95 = tpu.memref_slice %arg5[%dma_wait3A_93, %dma_wait3A_94] : memref<8x125xi32, #tpu.memory_space<vmem>> -> memref<1x125xi32, #tpu.memory_space<vmem>>
      %dma_wait3A_96 = tpu.memref_squeeze %dma_wait3A_95 : memref<1x125xi32, #tpu.memory_space<vmem>> -> memref<125xi32, #tpu.memory_space<vmem>>
      %dma_wait3A_97 = arith.constant 0 : i32
      %dma_wait3A_98 = arith.constant 0 : i32
      %dma_wait3A_99 = tpu.memref_slice %arg9[%dma_wait3A_97, %dma_wait3A_98] : memref<10240x128xf32, #tpu.memory_space<vmem_shared>> -> memref<10240x128xf32, #tpu.memory_space<vmem_shared>>
      tpu.wait_indirect_dma semaphore(%arg12 : memref<!tpu.dma_semaphore, #tpu.memory_space<semaphore_mem>>) src(%arg8 : memref<125x128xf32, #tpu.memory_space<vmem>>) dst(%dma_wait3A_99 : memref<10240x128xf32, #tpu.memory_space<vmem_shared>>)
      %dma_start3A_100 = arith.constant 6 : i32
      %dma_start3A_101 = arith.constant 0 : i32
      %dma_start3A_102 = tpu.memref_slice %arg5[%dma_start3A_100, %dma_start3A_101] : memref<8x125xi32, #tpu.memory_space<vmem>> -> memref<1x125xi32, #tpu.memory_space<vmem>>
      %dma_start3A_103 = tpu.memref_squeeze %dma_start3A_102 : memref<1x125xi32, #tpu.memory_space<vmem>> -> memref<125xi32, #tpu.memory_space<vmem>>
      %dma_start3A_104 = arith.constant 0 : i32
      %dma_start3A_105 = arith.constant 0 : i32
      %dma_start3A_106 = tpu.memref_slice %arg2[%dma_start3A_104, %dma_start3A_105] : memref<10240x128xf32, #tpu.memory_space<hbm>> -> memref<10240x128xf32, #tpu.memory_space<hbm>>
      tpu.enqueue_indirect_dma source(%dma_start3A_106 : memref<10240x128xf32, #tpu.memory_space<hbm>>) target(%arg8 : memref<125x128xf32, #tpu.memory_space<vmem>>) offsets(%dma_start3A_103 : memref<125xi32, #tpu.memory_space<vmem>>) semaphore(%arg10 : memref<!tpu.dma_semaphore, #tpu.memory_space<semaphore_mem>>)
      %dma_wait3A_107 = arith.constant 4 : i32
      %dma_wait3A_108 = arith.constant 0 : i32
      %dma_wait3A_109 = tpu.memref_slice %arg5[%dma_wait3A_107, %dma_wait3A_108] : memref<8x125xi32, #tpu.memory_space<vmem>> -> memref<1x125xi32, #tpu.memory_space<vmem>>
      %dma_wait3A_110 = tpu.memref_squeeze %dma_wait3A_109 : memref<1x125xi32, #tpu.memory_space<vmem>> -> memref<125xi32, #tpu.memory_space<vmem>>
      %dma_wait3A_111 = arith.constant 0 : i32
      %dma_wait3A_112 = arith.constant 0 : i32
      %dma_wait3A_113 = tpu.memref_slice %arg2[%dma_wait3A_111, %dma_wait3A_112] : memref<10240x128xf32, #tpu.memory_space<hbm>> -> memref<10240x128xf32, #tpu.memory_space<hbm>>
      tpu.wait_indirect_dma semaphore(%arg10 : memref<!tpu.dma_semaphore, #tpu.memory_space<semaphore_mem>>) src(%dma_wait3A_113 : memref<10240x128xf32, #tpu.memory_space<hbm>>) dst(%arg7 : memref<125x128xf32, #tpu.memory_space<vmem>>)
      %dma_start3A_114 = arith.constant 5 : i32
      %dma_start3A_115 = arith.constant 0 : i32
      %dma_start3A_116 = tpu.memref_slice %arg5[%dma_start3A_114, %dma_start3A_115] : memref<8x125xi32, #tpu.memory_space<vmem>> -> memref<1x125xi32, #tpu.memory_space<vmem>>
      %dma_start3A_117 = tpu.memref_squeeze %dma_start3A_116 : memref<1x125xi32, #tpu.memory_space<vmem>> -> memref<125xi32, #tpu.memory_space<vmem>>
      %dma_start3A_118 = arith.constant 0 : i32
      %dma_start3A_119 = arith.constant 0 : i32
      %dma_start3A_120 = tpu.memref_slice %arg9[%dma_start3A_118, %dma_start3A_119] : memref<10240x128xf32, #tpu.memory_space<vmem_shared>> -> memref<10240x128xf32, #tpu.memory_space<vmem_shared>>
      tpu.enqueue_indirect_dma source(%arg7 : memref<125x128xf32, #tpu.memory_space<vmem>>) target(%dma_start3A_120 : memref<10240x128xf32, #tpu.memory_space<vmem_shared>>) offsets(%dma_start3A_117 : memref<125xi32, #tpu.memory_space<vmem>>) semaphore(%arg12 : memref<!tpu.dma_semaphore, #tpu.memory_space<semaphore_mem>>) {add = true}
      %dma_wait3A_121 = arith.constant 0 : i32
      %dma_wait3A_122 = arith.constant 0 : i32
      %dma_wait3A_123 = tpu.memref_slice %arg3[%add3A, %add3A_27, %dma_wait3A_121, %dma_wait3A_122] : memref<32x20x8x125xi32, #tpu.memory_space<hbm>> -> memref<1x1x8x125xi32, #tpu.memory_space<hbm>>
      %dma_wait3A_124 = tpu.memref_squeeze %dma_wait3A_123 : memref<1x1x8x125xi32, #tpu.memory_space<hbm>> -> memref<8x125xi32, #tpu.memory_space<hbm>>
      %dma_wait3A_125 = arith.constant 0 : i32
      %dma_wait3A_126 = arith.constant 0 : i32
      %dma_wait3A_127 = tpu.memref_slice %arg3[%add3A, %add3A_27, %dma_wait3A_125, %dma_wait3A_126] : memref<32x20x8x125xi32, #tpu.memory_space<hbm>> -> memref<1x1x8x125xi32, #tpu.memory_space<hbm>>
      %dma_wait3A_128 = tpu.memref_squeeze %dma_wait3A_127 : memref<1x1x8x125xi32, #tpu.memory_space<hbm>> -> memref<8x125xi32, #tpu.memory_space<hbm>>
      tpu.wait_dma2 semaphore(%arg11 : memref<!tpu.dma_semaphore, #tpu.memory_space<semaphore_mem>>) src(%dma_wait3A_128 : memref<8x125xi32, #tpu.memory_space<hbm>>) dst(%arg6 : memref<8x125xi32, #tpu.memory_space<vmem>>)
      %dma_wait3A_129 = arith.constant 6 : i32
      %dma_wait3A_130 = arith.constant 0 : i32
      %dma_wait3A_131 = tpu.memref_slice %arg5[%dma_wait3A_129, %dma_wait3A_130] : memref<8x125xi32, #tpu.memory_space<vmem>> -> memref<1x125xi32, #tpu.memory_space<vmem>>
      %dma_wait3A_132 = tpu.memref_squeeze %dma_wait3A_131 : memref<1x125xi32, #tpu.memory_space<vmem>> -> memref<125xi32, #tpu.memory_space<vmem>>
      %dma_wait3A_133 = arith.constant 0 : i32
      %dma_wait3A_134 = arith.constant 0 : i32
      %dma_wait3A_135 = tpu.memref_slice %arg2[%dma_wait3A_133, %dma_wait3A_134] : memref<10240x128xf32, #tpu.memory_space<hbm>> -> memref<10240x128xf32, #tpu.memory_space<hbm>>
      tpu.wait_indirect_dma semaphore(%arg10 : memref<!tpu.dma_semaphore, #tpu.memory_space<semaphore_mem>>) src(%dma_wait3A_135 : memref<10240x128xf32, #tpu.memory_space<hbm>>) dst(%arg8 : memref<125x128xf32, #tpu.memory_space<vmem>>)
      %dma_start3A_136 = arith.constant 7 : i32
      %dma_start3A_137 = arith.constant 0 : i32
      %dma_start3A_138 = tpu.memref_slice %arg5[%dma_start3A_136, %dma_start3A_137] : memref<8x125xi32, #tpu.memory_space<vmem>> -> memref<1x125xi32, #tpu.memory_space<vmem>>
      %dma_start3A_139 = tpu.memref_squeeze %dma_start3A_138 : memref<1x125xi32, #tpu.memory_space<vmem>> -> memref<125xi32, #tpu.memory_space<vmem>>
      %dma_start3A_140 = arith.constant 0 : i32
      %dma_start3A_141 = arith.constant 0 : i32
      %dma_start3A_142 = tpu.memref_slice %arg9[%dma_start3A_140, %dma_start3A_141] : memref<10240x128xf32, #tpu.memory_space<vmem_shared>> -> memref<10240x128xf32, #tpu.memory_space<vmem_shared>>
      tpu.enqueue_indirect_dma source(%arg8 : memref<125x128xf32, #tpu.memory_space<vmem>>) target(%dma_start3A_142 : memref<10240x128xf32, #tpu.memory_space<vmem_shared>>) offsets(%dma_start3A_139 : memref<125xi32, #tpu.memory_space<vmem>>) semaphore(%arg12 : memref<!tpu.dma_semaphore, #tpu.memory_space<semaphore_mem>>) {add = true}
      %dma_wait3A_143 = arith.constant 5 : i32
      %dma_wait3A_144 = arith.constant 0 : i32
      %dma_wait3A_145 = tpu.memref_slice %arg5[%dma_wait3A_143, %dma_wait3A_144] : memref<8x125xi32, #tpu.memory_space<vmem>> -> memref<1x125xi32, #tpu.memory_space<vmem>>
      %dma_wait3A_146 = tpu.memref_squeeze %dma_wait3A_145 : memref<1x125xi32, #tpu.memory_space<vmem>> -> memref<125xi32, #tpu.memory_space<vmem>>
      %dma_wait3A_147 = arith.constant 0 : i32
      %dma_wait3A_148 = arith.constant 0 : i32
      %dma_wait3A_149 = tpu.memref_slice %arg9[%dma_wait3A_147, %dma_wait3A_148] : memref<10240x128xf32, #tpu.memory_space<vmem_shared>> -> memref<10240x128xf32, #tpu.memory_space<vmem_shared>>
      tpu.wait_indirect_dma semaphore(%arg12 : memref<!tpu.dma_semaphore, #tpu.memory_space<semaphore_mem>>) src(%arg7 : memref<125x128xf32, #tpu.memory_space<vmem>>) dst(%dma_wait3A_149 : memref<10240x128xf32, #tpu.memory_space<vmem_shared>>)
      %dma_wait3A_150 = arith.constant 7 : i32
      %dma_wait3A_151 = arith.constant 0 : i32
      %dma_wait3A_152 = tpu.memref_slice %arg5[%dma_wait3A_150, %dma_wait3A_151] : memref<8x125xi32, #tpu.memory_space<vmem>> -> memref<1x125xi32, #tpu.memory_space<vmem>>
      %dma_wait3A_153 = tpu.memref_squeeze %dma_wait3A_152 : memref<1x125xi32, #tpu.memory_space<vmem>> -> memref<125xi32, #tpu.memory_space<vmem>>
      %dma_wait3A_154 = arith.constant 0 : i32
      %dma_wait3A_155 = arith.constant 0 : i32
      %dma_wait3A_156 = tpu.memref_slice %arg9[%dma_wait3A_154, %dma_wait3A_155] : memref<10240x128xf32, #tpu.memory_space<vmem_shared>> -> memref<10240x128xf32, #tpu.memory_space<vmem_shared>>
      tpu.wait_indirect_dma semaphore(%arg12 : memref<!tpu.dma_semaphore, #tpu.memory_space<semaphore_mem>>) src(%arg8 : memref<125x128xf32, #tpu.memory_space<vmem>>) dst(%dma_wait3A_156 : memref<10240x128xf32, #tpu.memory_space<vmem_shared>>)
      %dma_start3A_157 = arith.constant 0 : i32
      %dma_start3A_158 = arith.constant 0 : i32
      %dma_start3A_159 = tpu.memref_slice %arg3[%add3A, %min3A_37, %dma_start3A_157, %dma_start3A_158] : memref<32x20x8x125xi32, #tpu.memory_space<hbm>> -> memref<1x1x8x125xi32, #tpu.memory_space<hbm>>
      %dma_start3A_160 = tpu.memref_squeeze %dma_start3A_159 : memref<1x1x8x125xi32, #tpu.memory_space<hbm>> -> memref<8x125xi32, #tpu.memory_space<hbm>>
      %dma_start3A_161 = arith.constant 0 : i32
      %dma_start3A_162 = arith.constant 0 : i32
      %dma_start3A_163 = tpu.memref_slice %arg3[%add3A, %min3A_37, %dma_start3A_161, %dma_start3A_162] : memref<32x20x8x125xi32, #tpu.memory_space<hbm>> -> memref<1x1x8x125xi32, #tpu.memory_space<hbm>>
      %dma_start3A_164 = tpu.memref_squeeze %dma_start3A_163 : memref<1x1x8x125xi32, #tpu.memory_space<hbm>> -> memref<8x125xi32, #tpu.memory_space<hbm>>
      tpu.enqueue_dma source(%dma_start3A_164 : memref<8x125xi32, #tpu.memory_space<hbm>>) target(%arg5 : memref<8x125xi32, #tpu.memory_space<vmem>>) target_semaphore(%arg11 : memref<!tpu.dma_semaphore, #tpu.memory_space<semaphore_mem>>)
      %dma_start3A_165 = arith.constant 0 : i32
      %dma_start3A_166 = arith.constant 0 : i32
      %dma_start3A_167 = tpu.memref_slice %arg6[%dma_start3A_165, %dma_start3A_166] : memref<8x125xi32, #tpu.memory_space<vmem>> -> memref<1x125xi32, #tpu.memory_space<vmem>>
      %dma_start3A_168 = tpu.memref_squeeze %dma_start3A_167 : memref<1x125xi32, #tpu.memory_space<vmem>> -> memref<125xi32, #tpu.memory_space<vmem>>
      %dma_start3A_169 = arith.constant 0 : i32
      %dma_start3A_170 = arith.constant 0 : i32
      %dma_start3A_171 = tpu.memref_slice %arg2[%dma_start3A_169, %dma_start3A_170] : memref<10240x128xf32, #tpu.memory_space<hbm>> -> memref<10240x128xf32, #tpu.memory_space<hbm>>
      tpu.enqueue_indirect_dma source(%dma_start3A_171 : memref<10240x128xf32, #tpu.memory_space<hbm>>) target(%arg7 : memref<125x128xf32, #tpu.memory_space<vmem>>) offsets(%dma_start3A_168 : memref<125xi32, #tpu.memory_space<vmem>>) semaphore(%arg10 : memref<!tpu.dma_semaphore, #tpu.memory_space<semaphore_mem>>)
      %dma_start3A_172 = arith.constant 2 : i32
      %dma_start3A_173 = arith.constant 0 : i32
      %dma_start3A_174 = tpu.memref_slice %arg6[%dma_start3A_172, %dma_start3A_173] : memref<8x125xi32, #tpu.memory_space<vmem>> -> memref<1x125xi32, #tpu.memory_space<vmem>>
      %dma_start3A_175 = tpu.memref_squeeze %dma_start3A_174 : memref<1x125xi32, #tpu.memory_space<vmem>> -> memref<125xi32, #tpu.memory_space<vmem>>
      %dma_start3A_176 = arith.constant 0 : i32
      %dma_start3A_177 = arith.constant 0 : i32
      %dma_start3A_178 = tpu.memref_slice %arg2[%dma_start3A_176, %dma_start3A_177] : memref<10240x128xf32, #tpu.memory_space<hbm>> -> memref<10240x128xf32, #tpu.memory_space<hbm>>
      tpu.enqueue_indirect_dma source(%dma_start3A_178 : memref<10240x128xf32, #tpu.memory_space<hbm>>) target(%arg8 : memref<125x128xf32, #tpu.memory_space<vmem>>) offsets(%dma_start3A_175 : memref<125xi32, #tpu.memory_space<vmem>>) semaphore(%arg10 : memref<!tpu.dma_semaphore, #tpu.memory_space<semaphore_mem>>)
      %dma_wait3A_179 = arith.constant 0 : i32
      %dma_wait3A_180 = arith.constant 0 : i32
      %dma_wait3A_181 = tpu.memref_slice %arg6[%dma_wait3A_179, %dma_wait3A_180] : memref<8x125xi32, #tpu.memory_space<vmem>> -> memref<1x125xi32, #tpu.memory_space<vmem>>
      %dma_wait3A_182 = tpu.memref_squeeze %dma_wait3A_181 : memref<1x125xi32, #tpu.memory_space<vmem>> -> memref<125xi32, #tpu.memory_space<vmem>>
      %dma_wait3A_183 = arith.constant 0 : i32
      %dma_wait3A_184 = arith.constant 0 : i32
      %dma_wait3A_185 = tpu.memref_slice %arg2[%dma_wait3A_183, %dma_wait3A_184] : memref<10240x128xf32, #tpu.memory_space<hbm>> -> memref<10240x128xf32, #tpu.memory_space<hbm>>
      tpu.wait_indirect_dma semaphore(%arg10 : memref<!tpu.dma_semaphore, #tpu.memory_space<semaphore_mem>>) src(%dma_wait3A_185 : memref<10240x128xf32, #tpu.memory_space<hbm>>) dst(%arg7 : memref<125x128xf32, #tpu.memory_space<vmem>>)
      %dma_start3A_186 = arith.constant 1 : i32
      %dma_start3A_187 = arith.constant 0 : i32
      %dma_start3A_188 = tpu.memref_slice %arg6[%dma_start3A_186, %dma_start3A_187] : memref<8x125xi32, #tpu.memory_space<vmem>> -> memref<1x125xi32, #tpu.memory_space<vmem>>
      %dma_start3A_189 = tpu.memref_squeeze %dma_start3A_188 : memref<1x125xi32, #tpu.memory_space<vmem>> -> memref<125xi32, #tpu.memory_space<vmem>>
      %dma_start3A_190 = arith.constant 0 : i32
      %dma_start3A_191 = arith.constant 0 : i32
      %dma_start3A_192 = tpu.memref_slice %arg9[%dma_start3A_190, %dma_start3A_191] : memref<10240x128xf32, #tpu.memory_space<vmem_shared>> -> memref<10240x128xf32, #tpu.memory_space<vmem_shared>>
      tpu.enqueue_indirect_dma source(%arg7 : memref<125x128xf32, #tpu.memory_space<vmem>>) target(%dma_start3A_192 : memref<10240x128xf32, #tpu.memory_space<vmem_shared>>) offsets(%dma_start3A_189 : memref<125xi32, #tpu.memory_space<vmem>>) semaphore(%arg12 : memref<!tpu.dma_semaphore, #tpu.memory_space<semaphore_mem>>) {add = true}
      %dma_wait3A_193 = arith.constant 2 : i32
      %dma_wait3A_194 = arith.constant 0 : i32
      %dma_wait3A_195 = tpu.memref_slice %arg6[%dma_wait3A_193, %dma_wait3A_194] : memref<8x125xi32, #tpu.memory_space<vmem>> -> memref<1x125xi32, #tpu.memory_space<vmem>>
      %dma_wait3A_196 = tpu.memref_squeeze %dma_wait3A_195 : memref<1x125xi32, #tpu.memory_space<vmem>> -> memref<125xi32, #tpu.memory_space<vmem>>
      %dma_wait3A_197 = arith.constant 0 : i32
      %dma_wait3A_198 = arith.constant 0 : i32
      %dma_wait3A_199 = tpu.memref_slice %arg2[%dma_wait3A_197, %dma_wait3A_198] : memref<10240x128xf32, #tpu.memory_space<hbm>> -> memref<10240x128xf32, #tpu.memory_space<hbm>>
      tpu.wait_indirect_dma semaphore(%arg10 : memref<!tpu.dma_semaphore, #tpu.memory_space<semaphore_mem>>) src(%dma_wait3A_199 : memref<10240x128xf32, #tpu.memory_space<hbm>>) dst(%arg8 : memref<125x128xf32, #tpu.memory_space<vmem>>)
      %dma_start3A_200 = arith.constant 3 : i32
      %dma_start3A_201 = arith.constant 0 : i32
      %dma_start3A_202 = tpu.memref_slice %arg6[%dma_start3A_200, %dma_start3A_201] : memref<8x125xi32, #tpu.memory_space<vmem>> -> memref<1x125xi32, #tpu.memory_space<vmem>>
      %dma_start3A_203 = tpu.memref_squeeze %dma_start3A_202 : memref<1x125xi32, #tpu.memory_space<vmem>> -> memref<125xi32, #tpu.memory_space<vmem>>
      %dma_start3A_204 = arith.constant 0 : i32
      %dma_start3A_205 = arith.constant 0 : i32
      %dma_start3A_206 = tpu.memref_slice %arg9[%dma_start3A_204, %dma_start3A_205] : memref<10240x128xf32, #tpu.memory_space<vmem_shared>> -> memref<10240x128xf32, #tpu.memory_space<vmem_shared>>
      tpu.enqueue_indirect_dma source(%arg8 : memref<125x128xf32, #tpu.memory_space<vmem>>) target(%dma_start3A_206 : memref<10240x128xf32, #tpu.memory_space<vmem_shared>>) offsets(%dma_start3A_203 : memref<125xi32, #tpu.memory_space<vmem>>) semaphore(%arg12 : memref<!tpu.dma_semaphore, #tpu.memory_space<semaphore_mem>>) {add = true}
      %dma_wait3A_207 = arith.constant 1 : i32
      %dma_wait3A_208 = arith.constant 0 : i32
      %dma_wait3A_209 = tpu.memref_slice %arg6[%dma_wait3A_207, %dma_wait3A_208] : memref<8x125xi32, #tpu.memory_space<vmem>> -> memref<1x125xi32, #tpu.memory_space<vmem>>
      %dma_wait3A_210 = tpu.memref_squeeze %dma_wait3A_209 : memref<1x125xi32, #tpu.memory_space<vmem>> -> memref<125xi32, #tpu.memory_space<vmem>>
      %dma_wait3A_211 = arith.constant 0 : i32
      %dma_wait3A_212 = arith.constant 0 : i32
      %dma_wait3A_213 = tpu.memref_slice %arg9[%dma_wait3A_211, %dma_wait3A_212] : memref<10240x128xf32, #tpu.memory_space<vmem_shared>> -> memref<10240x128xf32, #tpu.memory_space<vmem_shared>>
      tpu.wait_indirect_dma semaphore(%arg12 : memref<!tpu.dma_semaphore, #tpu.memory_space<semaphore_mem>>) src(%arg7 : memref<125x128xf32, #tpu.memory_space<vmem>>) dst(%dma_wait3A_213 : memref<10240x128xf32, #tpu.memory_space<vmem_shared>>)
      %dma_start3A_214 = arith.constant 4 : i32
      %dma_start3A_215 = arith.constant 0 : i32
      %dma_start3A_216 = tpu.memref_slice %arg6[%dma_start3A_214, %dma_start3A_215] : memref<8x125xi32, #tpu.memory_space<vmem>> -> memref<1x125xi32, #tpu.memory_space<vmem>>
      %dma_start3A_217 = tpu.memref_squeeze %dma_start3A_216 : memref<1x125xi32, #tpu.memory_space<vmem>> -> memref<125xi32, #tpu.memory_space<vmem>>
      %dma_start3A_218 = arith.constant 0 : i32
      %dma_start3A_219 = arith.constant 0 : i32
      %dma_start3A_220 = tpu.memref_slice %arg2[%dma_start3A_218, %dma_start3A_219] : memref<10240x128xf32, #tpu.memory_space<hbm>> -> memref<10240x128xf32, #tpu.memory_space<hbm>>
      tpu.enqueue_indirect_dma source(%dma_start3A_220 : memref<10240x128xf32, #tpu.memory_space<hbm>>) target(%arg7 : memref<125x128xf32, #tpu.memory_space<vmem>>) offsets(%dma_start3A_217 : memref<125xi32, #tpu.memory_space<vmem>>) semaphore(%arg10 : memref<!tpu.dma_semaphore, #tpu.memory_space<semaphore_mem>>)
      %dma_wait3A_221 = arith.constant 3 : i32
      %dma_wait3A_222 = arith.constant 0 : i32
      %dma_wait3A_223 = tpu.memref_slice %arg6[%dma_wait3A_221, %dma_wait3A_222] : memref<8x125xi32, #tpu.memory_space<vmem>> -> memref<1x125xi32, #tpu.memory_space<vmem>>
      %dma_wait3A_224 = tpu.memref_squeeze %dma_wait3A_223 : memref<1x125xi32, #tpu.memory_space<vmem>> -> memref<125xi32, #tpu.memory_space<vmem>>
      %dma_wait3A_225 = arith.constant 0 : i32
      %dma_wait3A_226 = arith.constant 0 : i32
      %dma_wait3A_227 = tpu.memref_slice %arg9[%dma_wait3A_225, %dma_wait3A_226] : memref<10240x128xf32, #tpu.memory_space<vmem_shared>> -> memref<10240x128xf32, #tpu.memory_space<vmem_shared>>
      tpu.wait_indirect_dma semaphore(%arg12 : memref<!tpu.dma_semaphore, #tpu.memory_space<semaphore_mem>>) src(%arg8 : memref<125x128xf32, #tpu.memory_space<vmem>>) dst(%dma_wait3A_227 : memref<10240x128xf32, #tpu.memory_space<vmem_shared>>)
      %dma_start3A_228 = arith.constant 6 : i32
      %dma_start3A_229 = arith.constant 0 : i32
      %dma_start3A_230 = tpu.memref_slice %arg6[%dma_start3A_228, %dma_start3A_229] : memref<8x125xi32, #tpu.memory_space<vmem>> -> memref<1x125xi32, #tpu.memory_space<vmem>>
      %dma_start3A_231 = tpu.memref_squeeze %dma_start3A_230 : memref<1x125xi32, #tpu.memory_space<vmem>> -> memref<125xi32, #tpu.memory_space<vmem>>
      %dma_start3A_232 = arith.constant 0 : i32
      %dma_start3A_233 = arith.constant 0 : i32
      %dma_start3A_234 = tpu.memref_slice %arg2[%dma_start3A_232, %dma_start3A_233] : memref<10240x128xf32, #tpu.memory_space<hbm>> -> memref<10240x128xf32, #tpu.memory_space<hbm>>
      tpu.enqueue_indirect_dma source(%dma_start3A_234 : memref<10240x128xf32, #tpu.memory_space<hbm>>) target(%arg8 : memref<125x128xf32, #tpu.memory_space<vmem>>) offsets(%dma_start3A_231 : memref<125xi32, #tpu.memory_space<vmem>>) semaphore(%arg10 : memref<!tpu.dma_semaphore, #tpu.memory_space<semaphore_mem>>)
      %dma_wait3A_235 = arith.constant 4 : i32
      %dma_wait3A_236 = arith.constant 0 : i32
      %dma_wait3A_237 = tpu.memref_slice %arg6[%dma_wait3A_235, %dma_wait3A_236] : memref<8x125xi32, #tpu.memory_space<vmem>> -> memref<1x125xi32, #tpu.memory_space<vmem>>
      %dma_wait3A_238 = tpu.memref_squeeze %dma_wait3A_237 : memref<1x125xi32, #tpu.memory_space<vmem>> -> memref<125xi32, #tpu.memory_space<vmem>>
      %dma_wait3A_239 = arith.constant 0 : i32
      %dma_wait3A_240 = arith.constant 0 : i32
      %dma_wait3A_241 = tpu.memref_slice %arg2[%dma_wait3A_239, %dma_wait3A_240] : memref<10240x128xf32, #tpu.memory_space<hbm>> -> memref<10240x128xf32, #tpu.memory_space<hbm>>
      tpu.wait_indirect_dma semaphore(%arg10 : memref<!tpu.dma_semaphore, #tpu.memory_space<semaphore_mem>>) src(%dma_wait3A_241 : memref<10240x128xf32, #tpu.memory_space<hbm>>) dst(%arg7 : memref<125x128xf32, #tpu.memory_space<vmem>>)
      %dma_start3A_242 = arith.constant 5 : i32
      %dma_start3A_243 = arith.constant 0 : i32
      %dma_start3A_244 = tpu.memref_slice %arg6[%dma_start3A_242, %dma_start3A_243] : memref<8x125xi32, #tpu.memory_space<vmem>> -> memref<1x125xi32, #tpu.memory_space<vmem>>
      %dma_start3A_245 = tpu.memref_squeeze %dma_start3A_244 : memref<1x125xi32, #tpu.memory_space<vmem>> -> memref<125xi32, #tpu.memory_space<vmem>>
      %dma_start3A_246 = arith.constant 0 : i32
      %dma_start3A_247 = arith.constant 0 : i32
      %dma_start3A_248 = tpu.memref_slice %arg9[%dma_start3A_246, %dma_start3A_247] : memref<10240x128xf32, #tpu.memory_space<vmem_shared>> -> memref<10240x128xf32, #tpu.memory_space<vmem_shared>>
      tpu.enqueue_indirect_dma source(%arg7 : memref<125x128xf32, #tpu.memory_space<vmem>>) target(%dma_start3A_248 : memref<10240x128xf32, #tpu.memory_space<vmem_shared>>) offsets(%dma_start3A_245 : memref<125xi32, #tpu.memory_space<vmem>>) semaphore(%arg12 : memref<!tpu.dma_semaphore, #tpu.memory_space<semaphore_mem>>) {add = true}
      %dma_wait3A_249 = arith.constant 0 : i32
      %dma_wait3A_250 = arith.constant 0 : i32
      %dma_wait3A_251 = tpu.memref_slice %arg3[%add3A, %min3A_37, %dma_wait3A_249, %dma_wait3A_250] : memref<32x20x8x125xi32, #tpu.memory_space<hbm>> -> memref<1x1x8x125xi32, #tpu.memory_space<hbm>>
      %dma_wait3A_252 = tpu.memref_squeeze %dma_wait3A_251 : memref<1x1x8x125xi32, #tpu.memory_space<hbm>> -> memref<8x125xi32, #tpu.memory_space<hbm>>
      %dma_wait3A_253 = arith.constant 0 : i32
      %dma_wait3A_254 = arith.constant 0 : i32
      %dma_wait3A_255 = tpu.memref_slice %arg3[%add3A, %min3A_37, %dma_wait3A_253, %dma_wait3A_254] : memref<32x20x8x125xi32, #tpu.memory_space<hbm>> -> memref<1x1x8x125xi32, #tpu.memory_space<hbm>>
      %dma_wait3A_256 = tpu.memref_squeeze %dma_wait3A_255 : memref<1x1x8x125xi32, #tpu.memory_space<hbm>> -> memref<8x125xi32, #tpu.memory_space<hbm>>
      tpu.wait_dma2 semaphore(%arg11 : memref<!tpu.dma_semaphore, #tpu.memory_space<semaphore_mem>>) src(%dma_wait3A_256 : memref<8x125xi32, #tpu.memory_space<hbm>>) dst(%arg5 : memref<8x125xi32, #tpu.memory_space<vmem>>)
      %dma_wait3A_257 = arith.constant 6 : i32
      %dma_wait3A_258 = arith.constant 0 : i32
      %dma_wait3A_259 = tpu.memref_slice %arg6[%dma_wait3A_257, %dma_wait3A_258] : memref<8x125xi32, #tpu.memory_space<vmem>> -> memref<1x125xi32, #tpu.memory_space<vmem>>
      %dma_wait3A_260 = tpu.memref_squeeze %dma_wait3A_259 : memref<1x125xi32, #tpu.memory_space<vmem>> -> memref<125xi32, #tpu.memory_space<vmem>>
      %dma_wait3A_261 = arith.constant 0 : i32
      %dma_wait3A_262 = arith.constant 0 : i32
      %dma_wait3A_263 = tpu.memref_slice %arg2[%dma_wait3A_261, %dma_wait3A_262] : memref<10240x128xf32, #tpu.memory_space<hbm>> -> memref<10240x128xf32, #tpu.memory_space<hbm>>
      tpu.wait_indirect_dma semaphore(%arg10 : memref<!tpu.dma_semaphore, #tpu.memory_space<semaphore_mem>>) src(%dma_wait3A_263 : memref<10240x128xf32, #tpu.memory_space<hbm>>) dst(%arg8 : memref<125x128xf32, #tpu.memory_space<vmem>>)
      %dma_start3A_264 = arith.constant 7 : i32
      %dma_start3A_265 = arith.constant 0 : i32
      %dma_start3A_266 = tpu.memref_slice %arg6[%dma_start3A_264, %dma_start3A_265] : memref<8x125xi32, #tpu.memory_space<vmem>> -> memref<1x125xi32, #tpu.memory_space<vmem>>
      %dma_start3A_267 = tpu.memref_squeeze %dma_start3A_266 : memref<1x125xi32, #tpu.memory_space<vmem>> -> memref<125xi32, #tpu.memory_space<vmem>>
      %dma_start3A_268 = arith.constant 0 : i32
      %dma_start3A_269 = arith.constant 0 : i32
      %dma_start3A_270 = tpu.memref_slice %arg9[%dma_start3A_268, %dma_start3A_269] : memref<10240x128xf32, #tpu.memory_space<vmem_shared>> -> memref<10240x128xf32, #tpu.memory_space<vmem_shared>>
      tpu.enqueue_indirect_dma source(%arg8 : memref<125x128xf32, #tpu.memory_space<vmem>>) target(%dma_start3A_270 : memref<10240x128xf32, #tpu.memory_space<vmem_shared>>) offsets(%dma_start3A_267 : memref<125xi32, #tpu.memory_space<vmem>>) semaphore(%arg12 : memref<!tpu.dma_semaphore, #tpu.memory_space<semaphore_mem>>) {add = true}
      %dma_wait3A_271 = arith.constant 5 : i32
      %dma_wait3A_272 = arith.constant 0 : i32
      %dma_wait3A_273 = tpu.memref_slice %arg6[%dma_wait3A_271, %dma_wait3A_272] : memref<8x125xi32, #tpu.memory_space<vmem>> -> memref<1x125xi32, #tpu.memory_space<vmem>>
      %dma_wait3A_274 = tpu.memref_squeeze %dma_wait3A_273 : memref<1x125xi32, #tpu.memory_space<vmem>> -> memref<125xi32, #tpu.memory_space<vmem>>
      %dma_wait3A_275 = arith.constant 0 : i32
      %dma_wait3A_276 = arith.constant 0 : i32
      %dma_wait3A_277 = tpu.memref_slice %arg9[%dma_wait3A_275, %dma_wait3A_276] : memref<10240x128xf32, #tpu.memory_space<vmem_shared>> -> memref<10240x128xf32, #tpu.memory_space<vmem_shared>>
      tpu.wait_indirect_dma semaphore(%arg12 : memref<!tpu.dma_semaphore, #tpu.memory_space<semaphore_mem>>) src(%arg7 : memref<125x128xf32, #tpu.memory_space<vmem>>) dst(%dma_wait3A_277 : memref<10240x128xf32, #tpu.memory_space<vmem_shared>>)
      %dma_wait3A_278 = arith.constant 7 : i32
      %dma_wait3A_279 = arith.constant 0 : i32
      %dma_wait3A_280 = tpu.memref_slice %arg6[%dma_wait3A_278, %dma_wait3A_279] : memref<8x125xi32, #tpu.memory_space<vmem>> -> memref<1x125xi32, #tpu.memory_space<vmem>>
      %dma_wait3A_281 = tpu.memref_squeeze %dma_wait3A_280 : memref<1x125xi32, #tpu.memory_space<vmem>> -> memref<125xi32, #tpu.memory_space<vmem>>
      %dma_wait3A_282 = arith.constant 0 : i32
      %dma_wait3A_283 = arith.constant 0 : i32
      %dma_wait3A_284 = tpu.memref_slice %arg9[%dma_wait3A_282, %dma_wait3A_283] : memref<10240x128xf32, #tpu.memory_space<vmem_shared>> -> memref<10240x128xf32, #tpu.memory_space<vmem_shared>>
      tpu.wait_indirect_dma semaphore(%arg12 : memref<!tpu.dma_semaphore, #tpu.memory_space<semaphore_mem>>) src(%arg8 : memref<125x128xf32, #tpu.memory_space<vmem>>) dst(%dma_wait3A_284 : memref<10240x128xf32, #tpu.memory_space<vmem_shared>>)
    }
    %scan3A_15 = arith.constant 10 : i32
    %barrier3A_16 = arith.constant 0 : index
    tpu.barrier barrier_id(%barrier3A_16)
    %mul3A_17 = arith.constant 640 : i32
    %mul3A_18 = arith.muli %arg1, %mul3A_17 : i32
    %mul3A_19 = arith.constant 640 : i32
    %mul3A_20 = arith.muli %arg1, %mul3A_19 : i32
    "tpu.region"() ({
      %run_scoped3A_21 = tpu.sem_alloc : memref<!tpu.dma_semaphore, #tpu.memory_space<semaphore_mem>>
      %dma_start3A = arith.constant 0 : i32
      %dma_start3A_22 = tpu.memref_slice %arg4[%arg0, %mul3A_20, %dma_start3A] : memref<2x10240x128xf32, #tpu.memory_space<hbm>> -> memref<1x640x128xf32, #tpu.memory_space<hbm>>
      %dma_start3A_23 = tpu.memref_squeeze %dma_start3A_22 : memref<1x640x128xf32, #tpu.memory_space<hbm>> -> memref<640x128xf32, #tpu.memory_space<hbm>>
      %dma_start3A_24 = arith.constant 0 : i32
      %dma_start3A_25 = tpu.memref_slice %arg9[%mul3A_18, %dma_start3A_24] : memref<10240x128xf32, #tpu.memory_space<vmem_shared>> -> memref<640x128xf32, #tpu.memory_space<vmem_shared>>
      tpu.enqueue_dma source(%dma_start3A_25 : memref<640x128xf32, #tpu.memory_space<vmem_shared>>) target(%dma_start3A_23 : memref<640x128xf32, #tpu.memory_space<hbm>>) target_semaphore(%run_scoped3A_21 : memref<!tpu.dma_semaphore, #tpu.memory_space<semaphore_mem>>)
      %dma_wait3A = arith.constant 0 : i32
      %dma_wait3A_26 = tpu.memref_slice %arg4[%arg0, %mul3A_20, %dma_wait3A] : memref<2x10240x128xf32, #tpu.memory_space<hbm>> -> memref<1x640x128xf32, #tpu.memory_space<hbm>>
      %dma_wait3A_27 = tpu.memref_squeeze %dma_wait3A_26 : memref<1x640x128xf32, #tpu.memory_space<hbm>> -> memref<640x128xf32, #tpu.memory_space<hbm>>
      %dma_wait3A_28 = arith.constant 0 : i32
      %dma_wait3A_29 = tpu.memref_slice %arg9[%mul3A_18, %dma_wait3A_28] : memref<10240x128xf32, #tpu.memory_space<vmem_shared>> -> memref<640x128xf32, #tpu.memory_space<vmem_shared>>
      tpu.wait_dma2 semaphore(%run_scoped3A_21 : memref<!tpu.dma_semaphore, #tpu.memory_space<semaphore_mem>>) src(%dma_wait3A_29 : memref<640x128xf32, #tpu.memory_space<vmem_shared>>) dst(%dma_wait3A_27 : memref<640x128xf32, #tpu.memory_space<hbm>>)
      tpu.yield
    }) : () -> ()
    return
  }
}

#map = affine_map<(d0, d1) -> (0, 0)>
#map1 = affine_map<(d0, d1) -> (0, 0, 0, 0)>
#map2 = affine_map<(d0, d1) -> (0, 0, 0)>
module attributes {stable_mosaic.version = 14 : i64} {
  func.func @_ka_body(%arg0: i32, %arg1: i32, %arg2: memref<10240x128xf32, #tpu.memory_space<hbm>>, %arg3: memref<32x20x8x125xi32, #tpu.memory_space<hbm>>, %arg4: memref<2x10240x128xf32, #tpu.memory_space<hbm>>, %arg5: memref<8x125xi32, #tpu.memory_space<vmem>>, %arg6: memref<8x125xi32, #tpu.memory_space<vmem>>, %arg7: memref<125x128xf32, #tpu.memory_space<vmem>>, %arg8: memref<125x128xf32, #tpu.memory_space<vmem>>, %arg9: memref<10240x128xf32, #tpu.memory_space<vmem_shared>>, %arg10: memref<!tpu.dma_semaphore, #tpu.memory_space<semaphore_mem>>, %arg11: memref<!tpu.dma_semaphore, #tpu.memory_space<semaphore_mem>>, %arg12: memref<!tpu.dma_semaphore, #tpu.memory_space<semaphore_mem>>) attributes {dimension_semantics = [#tpu.dimension_semantics<core_parallel>, #tpu.dimension_semantics<subcore_parallel>], iteration_bounds = array<i64: 2, 16>, scalar_prefetch = 0 : i64, scratch_operands = 8 : i64, tpu.core_type = #tpu.core_type<sc_vector_subcore>, window_params = [{transform_indices = #map}, {transform_indices = #map1}, {transform_indices = #map2}]} {
    %mul3A = arith.constant 16 : i32
    %mul3A_0 = arith.muli %arg0, %mul3A : i32
    %add3A = arith.addi %mul3A_0, %arg1 : i32
    %broadcast_in_dim3A = arith.constant 0.000000e+00 : f32
    %broadcast_in_dim3A_1 = vector.broadcast %broadcast_in_dim3A : f32 to vector<16xf32>
    %scan3A = arith.constant 0 : i32
    %scan3A_2 = arith.constant 80 : i32
    %scan3A_3 = arith.addi %scan3A, %scan3A_2 : i32
    %scan3A_4 = arith.constant 1 : i32
    scf.for %scan3A_21 = %scan3A to %scan3A_3 step %scan3A_4  : i32 {
      %mul3A_22 = arith.constant 1 : i32
      %mul3A_23 = arith.muli %scan3A_21, %mul3A_22 : i32
      %add3A_24 = arith.constant 0 : i32
      %add3A_25 = arith.addi %add3A_24, %mul3A_23 : i32
      %swap3A = arith.index_cast %add3A_25 : i32 to index
      %swap3A_26 = arith.constant 0 : index
      %swap3A_27 = tpu.vector_load %arg7[%swap3A, %swap3A_26] {strides = array<i32>} : memref<125x128xf32, #tpu.memory_space<vmem>>, vector<1x16xf32>,
      %swap3A_28 = vector.shape_cast %swap3A_27 : vector<1x16xf32> to vector<16xf32>
      %swap3A_29 = vector.shape_cast %broadcast_in_dim3A_1 : vector<16xf32> to vector<1x16xf32>
      tpu.vector_store %arg7[%swap3A, %swap3A_26], %swap3A_29 {strides = array<i32>} : memref<125x128xf32, #tpu.memory_space<vmem>>, vector<1x16xf32>,
      %swap3A_30 = arith.index_cast %add3A_25 : i32 to index
      %swap3A_31 = arith.constant 16 : index
      %swap3A_32 = tpu.vector_load %arg7[%swap3A_30, %swap3A_31] {strides = array<i32>} : memref<125x128xf32, #tpu.memory_space<vmem>>, vector<1x16xf32>,
      %swap3A_33 = vector.shape_cast %swap3A_32 : vector<1x16xf32> to vector<16xf32>
      %swap3A_34 = vector.shape_cast %broadcast_in_dim3A_1 : vector<16xf32> to vector<1x16xf32>
      tpu.vector_store %arg7[%swap3A_30, %swap3A_31], %swap3A_34 {strides = array<i32>} : memref<125x128xf32, #tpu.memory_space<vmem>>, vector<1x16xf32>,
      %swap3A_35 = arith.index_cast %add3A_25 : i32 to index
      %swap3A_36 = arith.constant 32 : index
      %swap3A_37 = tpu.vector_load %arg7[%swap3A_35, %swap3A_36] {strides = array<i32>} : memref<125x128xf32, #tpu.memory_space<vmem>>, vector<1x16xf32>,
      %swap3A_38 = vector.shape_cast %swap3A_37 : vector<1x16xf32> to vector<16xf32>
      %swap3A_39 = vector.shape_cast %broadcast_in_dim3A_1 : vector<16xf32> to vector<1x16xf32>
      tpu.vector_store %arg7[%swap3A_35, %swap3A_36], %swap3A_39 {strides = array<i32>} : memref<125x128xf32, #tpu.memory_space<vmem>>, vector<1x16xf32>,
      %swap3A_40 = arith.index_cast %add3A_25 : i32 to index
      %swap3A_41 = arith.constant 48 : index
      %swap3A_42 = tpu.vector_load %arg7[%swap3A_40, %swap3A_41] {strides = array<i32>} : memref<125x128xf32, #tpu.memory_space<vmem>>, vector<1x16xf32>,
      %swap3A_43 = vector.shape_cast %swap3A_42 : vector<1x16xf32> to vector<16xf32>
      %swap3A_44 = vector.shape_cast %broadcast_in_dim3A_1 : vector<16xf32> to vector<1x16xf32>
      tpu.vector_store %arg7[%swap3A_40, %swap3A_41], %swap3A_44 {strides = array<i32>} : memref<125x128xf32, #tpu.memory_space<vmem>>, vector<1x16xf32>,
      %swap3A_45 = arith.index_cast %add3A_25 : i32 to index
      %swap3A_46 = arith.constant 64 : index
      %swap3A_47 = tpu.vector_load %arg7[%swap3A_45, %swap3A_46] {strides = array<i32>} : memref<125x128xf32, #tpu.memory_space<vmem>>, vector<1x16xf32>,
      %swap3A_48 = vector.shape_cast %swap3A_47 : vector<1x16xf32> to vector<16xf32>
      %swap3A_49 = vector.shape_cast %broadcast_in_dim3A_1 : vector<16xf32> to vector<1x16xf32>
      tpu.vector_store %arg7[%swap3A_45, %swap3A_46], %swap3A_49 {strides = array<i32>} : memref<125x128xf32, #tpu.memory_space<vmem>>, vector<1x16xf32>,
      %swap3A_50 = arith.index_cast %add3A_25 : i32 to index
      %swap3A_51 = arith.constant 80 : index
      %swap3A_52 = tpu.vector_load %arg7[%swap3A_50, %swap3A_51] {strides = array<i32>} : memref<125x128xf32, #tpu.memory_space<vmem>>, vector<1x16xf32>,
      %swap3A_53 = vector.shape_cast %swap3A_52 : vector<1x16xf32> to vector<16xf32>
      %swap3A_54 = vector.shape_cast %broadcast_in_dim3A_1 : vector<16xf32> to vector<1x16xf32>
      tpu.vector_store %arg7[%swap3A_50, %swap3A_51], %swap3A_54 {strides = array<i32>} : memref<125x128xf32, #tpu.memory_space<vmem>>, vector<1x16xf32>,
      %swap3A_55 = arith.index_cast %add3A_25 : i32 to index
      %swap3A_56 = arith.constant 96 : index
      %swap3A_57 = tpu.vector_load %arg7[%swap3A_55, %swap3A_56] {strides = array<i32>} : memref<125x128xf32, #tpu.memory_space<vmem>>, vector<1x16xf32>,
      %swap3A_58 = vector.shape_cast %swap3A_57 : vector<1x16xf32> to vector<16xf32>
      %swap3A_59 = vector.shape_cast %broadcast_in_dim3A_1 : vector<16xf32> to vector<1x16xf32>
      tpu.vector_store %arg7[%swap3A_55, %swap3A_56], %swap3A_59 {strides = array<i32>} : memref<125x128xf32, #tpu.memory_space<vmem>>, vector<1x16xf32>,
      %swap3A_60 = arith.index_cast %add3A_25 : i32 to index
      %swap3A_61 = arith.constant 112 : index
      %swap3A_62 = tpu.vector_load %arg7[%swap3A_60, %swap3A_61] {strides = array<i32>} : memref<125x128xf32, #tpu.memory_space<vmem>>, vector<1x16xf32>,
      %swap3A_63 = vector.shape_cast %swap3A_62 : vector<1x16xf32> to vector<16xf32>
      %swap3A_64 = vector.shape_cast %broadcast_in_dim3A_1 : vector<16xf32> to vector<1x16xf32>
      tpu.vector_store %arg7[%swap3A_60, %swap3A_61], %swap3A_64 {strides = array<i32>} : memref<125x128xf32, #tpu.memory_space<vmem>>, vector<1x16xf32>,
    }
    %scan3A_5 = arith.constant 80 : i32
    %scan3A_6 = arith.constant 0 : i32
    %scan3A_7 = arith.constant 8 : i32
    %scan3A_8 = arith.addi %scan3A_6, %scan3A_7 : i32
    %scan3A_9 = arith.constant 1 : i32
    scf.for %scan3A_21 = %scan3A_6 to %scan3A_8 step %scan3A_9  : i32 {
      %mul3A_22 = arith.constant 1 : i32
      %mul3A_23 = arith.muli %scan3A_21, %mul3A_22 : i32
      %add3A_24 = arith.constant 0 : i32
      %add3A_25 = arith.addi %add3A_24, %mul3A_23 : i32
      %mul3A_26 = arith.constant 640 : i32
      %mul3A_27 = arith.muli %arg1, %mul3A_26 : i32
      %mul3A_28 = arith.constant 80 : i32
      %mul3A_29 = arith.muli %add3A_25, %mul3A_28 : i32
      %add3A_30 = arith.addi %mul3A_27, %mul3A_29 : i32
      "tpu.region"() ({
        %run_scoped3A_31 = tpu.sem_alloc : memref<!tpu.dma_semaphore, #tpu.memory_space<semaphore_mem>>
        %dma_start3A = arith.constant 0 : i32
        %dma_start3A_32 = arith.constant 0 : i32
        %dma_start3A_33 = tpu.memref_slice %arg7[%dma_start3A, %dma_start3A_32] : memref<125x128xf32, #tpu.memory_space<vmem>> -> memref<80x128xf32, #tpu.memory_space<vmem>>
        %dma_start3A_34 = arith.constant 0 : i32
        %dma_start3A_35 = tpu.memref_slice %arg9[%add3A_30, %dma_start3A_34] : memref<10240x128xf32, #tpu.memory_space<vmem_shared>> -> memref<80x128xf32, #tpu.memory_space<vmem_shared>>
        %dma_start3A_36 = arith.constant 0 : i32
        %dma_start3A_37 = tpu.memref_slice %arg9[%add3A_30, %dma_start3A_36] : memref<10240x128xf32, #tpu.memory_space<vmem_shared>> -> memref<80x128xf32, #tpu.memory_space<vmem_shared>>
        %dma_start3A_38 = arith.constant 0 : i32
        %dma_start3A_39 = arith.constant 0 : i32
        %dma_start3A_40 = tpu.memref_slice %arg7[%dma_start3A_38, %dma_start3A_39] : memref<125x128xf32, #tpu.memory_space<vmem>> -> memref<80x128xf32, #tpu.memory_space<vmem>>
        tpu.enqueue_dma source(%dma_start3A_40 : memref<80x128xf32, #tpu.memory_space<vmem>>) target(%dma_start3A_37 : memref<80x128xf32, #tpu.memory_space<vmem_shared>>) target_semaphore(%run_scoped3A_31 : memref<!tpu.dma_semaphore, #tpu.memory_space<semaphore_mem>>)
        %dma_wait3A = arith.constant 0 : i32
        %dma_wait3A_41 = arith.constant 0 : i32
        %dma_wait3A_42 = tpu.memref_slice %arg7[%dma_wait3A, %dma_wait3A_41] : memref<125x128xf32, #tpu.memory_space<vmem>> -> memref<80x128xf32, #tpu.memory_space<vmem>>
        %dma_wait3A_43 = arith.constant 0 : i32
        %dma_wait3A_44 = tpu.memref_slice %arg9[%add3A_30, %dma_wait3A_43] : memref<10240x128xf32, #tpu.memory_space<vmem_shared>> -> memref<80x128xf32, #tpu.memory_space<vmem_shared>>
        %dma_wait3A_45 = arith.constant 0 : i32
        %dma_wait3A_46 = tpu.memref_slice %arg9[%add3A_30, %dma_wait3A_45] : memref<10240x128xf32, #tpu.memory_space<vmem_shared>> -> memref<80x128xf32, #tpu.memory_space<vmem_shared>>
        %dma_wait3A_47 = arith.constant 0 : i32
        %dma_wait3A_48 = arith.constant 0 : i32
        %dma_wait3A_49 = tpu.memref_slice %arg7[%dma_wait3A_47, %dma_wait3A_48] : memref<125x128xf32, #tpu.memory_space<vmem>> -> memref<80x128xf32, #tpu.memory_space<vmem>>
        tpu.wait_dma2 semaphore(%run_scoped3A_31 : memref<!tpu.dma_semaphore, #tpu.memory_space<semaphore_mem>>) src(%dma_wait3A_49 : memref<80x128xf32, #tpu.memory_space<vmem>>) dst(%dma_wait3A_46 : memref<80x128xf32, #tpu.memory_space<vmem_shared>>)
        tpu.yield
      }) : () -> ()
    }
    %scan3A_10 = arith.constant 8 : i32
    %barrier3A = arith.constant 0 : index
    tpu.barrier barrier_id(%barrier3A)
    %run_scoped3A = arith.constant 0 : i32
    "tpu.region"() ({
      %run_scoped3A_21 = tpu.sem_alloc : memref<!tpu.dma_semaphore, #tpu.memory_space<semaphore_mem>>
      %dma_start3A = arith.constant 0 : i32
      %dma_start3A_22 = arith.constant 0 : i32
      %dma_start3A_23 = tpu.memref_slice %arg3[%add3A, %run_scoped3A, %dma_start3A, %dma_start3A_22] : memref<32x20x8x125xi32, #tpu.memory_space<hbm>> -> memref<1x1x8x125xi32, #tpu.memory_space<hbm>>
      %dma_start3A_24 = tpu.memref_squeeze %dma_start3A_23 : memref<1x1x8x125xi32, #tpu.memory_space<hbm>> -> memref<8x125xi32, #tpu.memory_space<hbm>>
      %dma_start3A_25 = arith.constant 0 : i32
      %dma_start3A_26 = arith.constant 0 : i32
      %dma_start3A_27 = tpu.memref_slice %arg3[%add3A, %run_scoped3A, %dma_start3A_25, %dma_start3A_26] : memref<32x20x8x125xi32, #tpu.memory_space<hbm>> -> memref<1x1x8x125xi32, #tpu.memory_space<hbm>>
      %dma_start3A_28 = tpu.memref_squeeze %dma_start3A_27 : memref<1x1x8x125xi32, #tpu.memory_space<hbm>> -> memref<8x125xi32, #tpu.memory_space<hbm>>
      tpu.enqueue_dma source(%dma_start3A_28 : memref<8x125xi32, #tpu.memory_space<hbm>>) target(%arg5 : memref<8x125xi32, #tpu.memory_space<vmem>>) target_semaphore(%run_scoped3A_21 : memref<!tpu.dma_semaphore, #tpu.memory_space<semaphore_mem>>)
      %dma_wait3A = arith.constant 0 : i32
      %dma_wait3A_29 = arith.constant 0 : i32
      %dma_wait3A_30 = tpu.memref_slice %arg3[%add3A, %run_scoped3A, %dma_wait3A, %dma_wait3A_29] : memref<32x20x8x125xi32, #tpu.memory_space<hbm>> -> memref<1x1x8x125xi32, #tpu.memory_space<hbm>>
      %dma_wait3A_31 = tpu.memref_squeeze %dma_wait3A_30 : memref<1x1x8x125xi32, #tpu.memory_space<hbm>> -> memref<8x125xi32, #tpu.memory_space<hbm>>
      %dma_wait3A_32 = arith.constant 0 : i32
      %dma_wait3A_33 = arith.constant 0 : i32
      %dma_wait3A_34 = tpu.memref_slice %arg3[%add3A, %run_scoped3A, %dma_wait3A_32, %dma_wait3A_33] : memref<32x20x8x125xi32, #tpu.memory_space<hbm>> -> memref<1x1x8x125xi32, #tpu.memory_space<hbm>>
      %dma_wait3A_35 = tpu.memref_squeeze %dma_wait3A_34 : memref<1x1x8x125xi32, #tpu.memory_space<hbm>> -> memref<8x125xi32, #tpu.memory_space<hbm>>
      tpu.wait_dma2 semaphore(%run_scoped3A_21 : memref<!tpu.dma_semaphore, #tpu.memory_space<semaphore_mem>>) src(%dma_wait3A_35 : memref<8x125xi32, #tpu.memory_space<hbm>>) dst(%arg5 : memref<8x125xi32, #tpu.memory_space<vmem>>)
      tpu.yield
    }) : () -> ()
    %scan3A_11 = arith.constant 0 : i32
    %scan3A_12 = arith.constant 10 : i32
    %scan3A_13 = arith.addi %scan3A_11, %scan3A_12 : i32
    %scan3A_14 = arith.constant 1 : i32
    scf.for %scan3A_21 = %scan3A_11 to %scan3A_13 step %scan3A_14  : i32 {
      %mul3A_22 = arith.constant 2 : i32
      %mul3A_23 = arith.muli %scan3A_21, %mul3A_22 : i32
      %add3A_24 = arith.constant 0 : i32
      %add3A_25 = arith.addi %add3A_24, %mul3A_23 : i32
      %add3A_26 = arith.constant 1 : i32
      %add3A_27 = arith.addi %add3A_25, %add3A_26 : i32
      %dma_start3A = arith.constant 0 : i32
      %dma_start3A_28 = arith.constant 0 : i32
      %dma_start3A_29 = tpu.memref_slice %arg3[%add3A, %add3A_27, %dma_start3A, %dma_start3A_28] : memref<32x20x8x125xi32, #tpu.memory_space<hbm>> -> memref<1x1x8x125xi32, #tpu.memory_space<hbm>>
      %dma_start3A_30 = tpu.memref_squeeze %dma_start3A_29 : memref<1x1x8x125xi32, #tpu.memory_space<hbm>> -> memref<8x125xi32, #tpu.memory_space<hbm>>
      %dma_start3A_31 = arith.constant 0 : i32
      %dma_start3A_32 = arith.constant 0 : i32
      %dma_start3A_33 = tpu.memref_slice %arg3[%add3A, %add3A_27, %dma_start3A_31, %dma_start3A_32] : memref<32x20x8x125xi32, #tpu.memory_space<hbm>> -> memref<1x1x8x125xi32, #tpu.memory_space<hbm>>
      %dma_start3A_34 = tpu.memref_squeeze %dma_start3A_33 : memref<1x1x8x125xi32, #tpu.memory_space<hbm>> -> memref<8x125xi32, #tpu.memory_space<hbm>>
      tpu.enqueue_dma source(%dma_start3A_34 : memref<8x125xi32, #tpu.memory_space<hbm>>) target(%arg6 : memref<8x125xi32, #tpu.memory_space<vmem>>) target_semaphore(%arg11 : memref<!tpu.dma_semaphore, #tpu.memory_space<semaphore_mem>>)
      %add3A_35 = arith.constant 2 : i32
      %add3A_36 = arith.addi %add3A_25, %add3A_35 : i32
      %min3A = arith.constant 19 : i32
      %min3A_37 = arith.minsi %add3A_36, %min3A : i32
      %dma_start3A_38 = arith.constant 0 : i32
      %dma_start3A_39 = arith.constant 0 : i32
      %dma_start3A_40 = tpu.memref_slice %arg5[%dma_start3A_38, %dma_start3A_39] : memref<8x125xi32, #tpu.memory_space<vmem>> -> memref<1x125xi32, #tpu.memory_space<vmem>>
      %dma_start3A_41 = tpu.memref_squeeze %dma_start3A_40 : memref<1x125xi32, #tpu.memory_space<vmem>> -> memref<125xi32, #tpu.memory_space<vmem>>
      %dma_start3A_42 = arith.constant 0 : i32
      %dma_start3A_43 = arith.constant 0 : i32
      %dma_start3A_44 = tpu.memref_slice %arg2[%dma_start3A_42, %dma_start3A_43] : memref<10240x128xf32, #tpu.memory_space<hbm>> -> memref<10240x128xf32, #tpu.memory_space<hbm>>
      tpu.enqueue_indirect_dma source(%dma_start3A_44 : memref<10240x128xf32, #tpu.memory_space<hbm>>) target(%arg7 : memref<125x128xf32, #tpu.memory_space<vmem>>) offsets(%dma_start3A_41 : memref<125xi32, #tpu.memory_space<vmem>>) semaphore(%arg10 : memref<!tpu.dma_semaphore, #tpu.memory_space<semaphore_mem>>)
      %dma_start3A_45 = arith.constant 2 : i32
      %dma_start3A_46 = arith.constant 0 : i32
      %dma_start3A_47 = tpu.memref_slice %arg5[%dma_start3A_45, %dma_start3A_46] : memref<8x125xi32, #tpu.memory_space<vmem>> -> memref<1x125xi32, #tpu.memory_space<vmem>>
      %dma_start3A_48 = tpu.memref_squeeze %dma_start3A_47 : memref<1x125xi32, #tpu.memory_space<vmem>> -> memref<125xi32, #tpu.memory_space<vmem>>
      %dma_start3A_49 = arith.constant 0 : i32
      %dma_start3A_50 = arith.constant 0 : i32
      %dma_start3A_51 = tpu.memref_slice %arg2[%dma_start3A_49, %dma_start3A_50] : memref<10240x128xf32, #tpu.memory_space<hbm>> -> memref<10240x128xf32, #tpu.memory_space<hbm>>
      tpu.enqueue_indirect_dma source(%dma_start3A_51 : memref<10240x128xf32, #tpu.memory_space<hbm>>) target(%arg8 : memref<125x128xf32, #tpu.memory_space<vmem>>) offsets(%dma_start3A_48 : memref<125xi32, #tpu.memory_space<vmem>>) semaphore(%arg10 : memref<!tpu.dma_semaphore, #tpu.memory_space<semaphore_mem>>)
      %dma_wait3A = arith.constant 0 : i32
      %dma_wait3A_52 = arith.constant 0 : i32
      %dma_wait3A_53 = tpu.memref_slice %arg5[%dma_wait3A, %dma_wait3A_52] : memref<8x125xi32, #tpu.memory_space<vmem>> -> memref<1x125xi32, #tpu.memory_space<vmem>>
      %dma_wait3A_54 = tpu.memref_squeeze %dma_wait3A_53 : memref<1x125xi32, #tpu.memory_space<vmem>> -> memref<125xi32, #tpu.memory_space<vmem>>
      %dma_wait3A_55 = arith.constant 0 : i32
      %dma_wait3A_56 = arith.constant 0 : i32
      %dma_wait3A_57 = tpu.memref_slice %arg2[%dma_wait3A_55, %dma_wait3A_56] : memref<10240x128xf32, #tpu.memory_space<hbm>> -> memref<10240x128xf32, #tpu.memory_space<hbm>>
      tpu.wait_indirect_dma semaphore(%arg10 : memref<!tpu.dma_semaphore, #tpu.memory_space<semaphore_mem>>) src(%dma_wait3A_57 : memref<10240x128xf32, #tpu.memory_space<hbm>>) dst(%arg7 : memref<125x128xf32, #tpu.memory_space<vmem>>)
      %dma_start3A_58 = arith.constant 1 : i32
      %dma_start3A_59 = arith.constant 0 : i32
      %dma_start3A_60 = tpu.memref_slice %arg5[%dma_start3A_58, %dma_start3A_59] : memref<8x125xi32, #tpu.memory_space<vmem>> -> memref<1x125xi32, #tpu.memory_space<vmem>>
      %dma_start3A_61 = tpu.memref_squeeze %dma_start3A_60 : memref<1x125xi32, #tpu.memory_space<vmem>> -> memref<125xi32, #tpu.memory_space<vmem>>
      %dma_start3A_62 = arith.constant 0 : i32
      %dma_start3A_63 = arith.constant 0 : i32
      %dma_start3A_64 = tpu.memref_slice %arg9[%dma_start3A_62, %dma_start3A_63] : memref<10240x128xf32, #tpu.memory_space<vmem_shared>> -> memref<10240x128xf32, #tpu.memory_space<vmem_shared>>
      tpu.enqueue_indirect_dma source(%arg7 : memref<125x128xf32, #tpu.memory_space<vmem>>) target(%dma_start3A_64 : memref<10240x128xf32, #tpu.memory_space<vmem_shared>>) offsets(%dma_start3A_61 : memref<125xi32, #tpu.memory_space<vmem>>) semaphore(%arg12 : memref<!tpu.dma_semaphore, #tpu.memory_space<semaphore_mem>>) {add = true}
      %dma_wait3A_65 = arith.constant 2 : i32
      %dma_wait3A_66 = arith.constant 0 : i32
      %dma_wait3A_67 = tpu.memref_slice %arg5[%dma_wait3A_65, %dma_wait3A_66] : memref<8x125xi32, #tpu.memory_space<vmem>> -> memref<1x125xi32, #tpu.memory_space<vmem>>
      %dma_wait3A_68 = tpu.memref_squeeze %dma_wait3A_67 : memref<1x125xi32, #tpu.memory_space<vmem>> -> memref<125xi32, #tpu.memory_space<vmem>>
      %dma_wait3A_69 = arith.constant 0 : i32
      %dma_wait3A_70 = arith.constant 0 : i32
      %dma_wait3A_71 = tpu.memref_slice %arg2[%dma_wait3A_69, %dma_wait3A_70] : memref<10240x128xf32, #tpu.memory_space<hbm>> -> memref<10240x128xf32, #tpu.memory_space<hbm>>
      tpu.wait_indirect_dma semaphore(%arg10 : memref<!tpu.dma_semaphore, #tpu.memory_space<semaphore_mem>>) src(%dma_wait3A_71 : memref<10240x128xf32, #tpu.memory_space<hbm>>) dst(%arg8 : memref<125x128xf32, #tpu.memory_space<vmem>>)
      %dma_start3A_72 = arith.constant 3 : i32
      %dma_start3A_73 = arith.constant 0 : i32
      %dma_start3A_74 = tpu.memref_slice %arg5[%dma_start3A_72, %dma_start3A_73] : memref<8x125xi32, #tpu.memory_space<vmem>> -> memref<1x125xi32, #tpu.memory_space<vmem>>
      %dma_start3A_75 = tpu.memref_squeeze %dma_start3A_74 : memref<1x125xi32, #tpu.memory_space<vmem>> -> memref<125xi32, #tpu.memory_space<vmem>>
      %dma_start3A_76 = arith.constant 0 : i32
      %dma_start3A_77 = arith.constant 0 : i32
      %dma_start3A_78 = tpu.memref_slice %arg9[%dma_start3A_76, %dma_start3A_77] : memref<10240x128xf32, #tpu.memory_space<vmem_shared>> -> memref<10240x128xf32, #tpu.memory_space<vmem_shared>>
      tpu.enqueue_indirect_dma source(%arg8 : memref<125x128xf32, #tpu.memory_space<vmem>>) target(%dma_start3A_78 : memref<10240x128xf32, #tpu.memory_space<vmem_shared>>) offsets(%dma_start3A_75 : memref<125xi32, #tpu.memory_space<vmem>>) semaphore(%arg12 : memref<!tpu.dma_semaphore, #tpu.memory_space<semaphore_mem>>) {add = true}
      %dma_wait3A_79 = arith.constant 1 : i32
      %dma_wait3A_80 = arith.constant 0 : i32
      %dma_wait3A_81 = tpu.memref_slice %arg5[%dma_wait3A_79, %dma_wait3A_80] : memref<8x125xi32, #tpu.memory_space<vmem>> -> memref<1x125xi32, #tpu.memory_space<vmem>>
      %dma_wait3A_82 = tpu.memref_squeeze %dma_wait3A_81 : memref<1x125xi32, #tpu.memory_space<vmem>> -> memref<125xi32, #tpu.memory_space<vmem>>
      %dma_wait3A_83 = arith.constant 0 : i32
      %dma_wait3A_84 = arith.constant 0 : i32
      %dma_wait3A_85 = tpu.memref_slice %arg9[%dma_wait3A_83, %dma_wait3A_84] : memref<10240x128xf32, #tpu.memory_space<vmem_shared>> -> memref<10240x128xf32, #tpu.memory_space<vmem_shared>>
      tpu.wait_indirect_dma semaphore(%arg12 : memref<!tpu.dma_semaphore, #tpu.memory_space<semaphore_mem>>) src(%arg7 : memref<125x128xf32, #tpu.memory_space<vmem>>) dst(%dma_wait3A_85 : memref<10240x128xf32, #tpu.memory_space<vmem_shared>>)
      %dma_start3A_86 = arith.constant 4 : i32
      %dma_start3A_87 = arith.constant 0 : i32
      %dma_start3A_88 = tpu.memref_slice %arg5[%dma_start3A_86, %dma_start3A_87] : memref<8x125xi32, #tpu.memory_space<vmem>> -> memref<1x125xi32, #tpu.memory_space<vmem>>
      %dma_start3A_89 = tpu.memref_squeeze %dma_start3A_88 : memref<1x125xi32, #tpu.memory_space<vmem>> -> memref<125xi32, #tpu.memory_space<vmem>>
      %dma_start3A_90 = arith.constant 0 : i32
      %dma_start3A_91 = arith.constant 0 : i32
      %dma_start3A_92 = tpu.memref_slice %arg2[%dma_start3A_90, %dma_start3A_91] : memref<10240x128xf32, #tpu.memory_space<hbm>> -> memref<10240x128xf32, #tpu.memory_space<hbm>>
      tpu.enqueue_indirect_dma source(%dma_start3A_92 : memref<10240x128xf32, #tpu.memory_space<hbm>>) target(%arg7 : memref<125x128xf32, #tpu.memory_space<vmem>>) offsets(%dma_start3A_89 : memref<125xi32, #tpu.memory_space<vmem>>) semaphore(%arg10 : memref<!tpu.dma_semaphore, #tpu.memory_space<semaphore_mem>>)
      %dma_wait3A_93 = arith.constant 3 : i32
      %dma_wait3A_94 = arith.constant 0 : i32
      %dma_wait3A_95 = tpu.memref_slice %arg5[%dma_wait3A_93, %dma_wait3A_94] : memref<8x125xi32, #tpu.memory_space<vmem>> -> memref<1x125xi32, #tpu.memory_space<vmem>>
      %dma_wait3A_96 = tpu.memref_squeeze %dma_wait3A_95 : memref<1x125xi32, #tpu.memory_space<vmem>> -> memref<125xi32, #tpu.memory_space<vmem>>
      %dma_wait3A_97 = arith.constant 0 : i32
      %dma_wait3A_98 = arith.constant 0 : i32
      %dma_wait3A_99 = tpu.memref_slice %arg9[%dma_wait3A_97, %dma_wait3A_98] : memref<10240x128xf32, #tpu.memory_space<vmem_shared>> -> memref<10240x128xf32, #tpu.memory_space<vmem_shared>>
      tpu.wait_indirect_dma semaphore(%arg12 : memref<!tpu.dma_semaphore, #tpu.memory_space<semaphore_mem>>) src(%arg8 : memref<125x128xf32, #tpu.memory_space<vmem>>) dst(%dma_wait3A_99 : memref<10240x128xf32, #tpu.memory_space<vmem_shared>>)
      %dma_start3A_100 = arith.constant 6 : i32
      %dma_start3A_101 = arith.constant 0 : i32
      %dma_start3A_102 = tpu.memref_slice %arg5[%dma_start3A_100, %dma_start3A_101] : memref<8x125xi32, #tpu.memory_space<vmem>> -> memref<1x125xi32, #tpu.memory_space<vmem>>
      %dma_start3A_103 = tpu.memref_squeeze %dma_start3A_102 : memref<1x125xi32, #tpu.memory_space<vmem>> -> memref<125xi32, #tpu.memory_space<vmem>>
      %dma_start3A_104 = arith.constant 0 : i32
      %dma_start3A_105 = arith.constant 0 : i32
      %dma_start3A_106 = tpu.memref_slice %arg2[%dma_start3A_104, %dma_start3A_105] : memref<10240x128xf32, #tpu.memory_space<hbm>> -> memref<10240x128xf32, #tpu.memory_space<hbm>>
      tpu.enqueue_indirect_dma source(%dma_start3A_106 : memref<10240x128xf32, #tpu.memory_space<hbm>>) target(%arg8 : memref<125x128xf32, #tpu.memory_space<vmem>>) offsets(%dma_start3A_103 : memref<125xi32, #tpu.memory_space<vmem>>) semaphore(%arg10 : memref<!tpu.dma_semaphore, #tpu.memory_space<semaphore_mem>>)
      %dma_wait3A_107 = arith.constant 4 : i32
      %dma_wait3A_108 = arith.constant 0 : i32
      %dma_wait3A_109 = tpu.memref_slice %arg5[%dma_wait3A_107, %dma_wait3A_108] : memref<8x125xi32, #tpu.memory_space<vmem>> -> memref<1x125xi32, #tpu.memory_space<vmem>>
      %dma_wait3A_110 = tpu.memref_squeeze %dma_wait3A_109 : memref<1x125xi32, #tpu.memory_space<vmem>> -> memref<125xi32, #tpu.memory_space<vmem>>
      %dma_wait3A_111 = arith.constant 0 : i32
      %dma_wait3A_112 = arith.constant 0 : i32
      %dma_wait3A_113 = tpu.memref_slice %arg2[%dma_wait3A_111, %dma_wait3A_112] : memref<10240x128xf32, #tpu.memory_space<hbm>> -> memref<10240x128xf32, #tpu.memory_space<hbm>>
      tpu.wait_indirect_dma semaphore(%arg10 : memref<!tpu.dma_semaphore, #tpu.memory_space<semaphore_mem>>) src(%dma_wait3A_113 : memref<10240x128xf32, #tpu.memory_space<hbm>>) dst(%arg7 : memref<125x128xf32, #tpu.memory_space<vmem>>)
      %dma_start3A_114 = arith.constant 5 : i32
      %dma_start3A_115 = arith.constant 0 : i32
      %dma_start3A_116 = tpu.memref_slice %arg5[%dma_start3A_114, %dma_start3A_115] : memref<8x125xi32, #tpu.memory_space<vmem>> -> memref<1x125xi32, #tpu.memory_space<vmem>>
      %dma_start3A_117 = tpu.memref_squeeze %dma_start3A_116 : memref<1x125xi32, #tpu.memory_space<vmem>> -> memref<125xi32, #tpu.memory_space<vmem>>
      %dma_start3A_118 = arith.constant 0 : i32
      %dma_start3A_119 = arith.constant 0 : i32
      %dma_start3A_120 = tpu.memref_slice %arg9[%dma_start3A_118, %dma_start3A_119] : memref<10240x128xf32, #tpu.memory_space<vmem_shared>> -> memref<10240x128xf32, #tpu.memory_space<vmem_shared>>
      tpu.enqueue_indirect_dma source(%arg7 : memref<125x128xf32, #tpu.memory_space<vmem>>) target(%dma_start3A_120 : memref<10240x128xf32, #tpu.memory_space<vmem_shared>>) offsets(%dma_start3A_117 : memref<125xi32, #tpu.memory_space<vmem>>) semaphore(%arg12 : memref<!tpu.dma_semaphore, #tpu.memory_space<semaphore_mem>>) {add = true}
      %dma_wait3A_121 = arith.constant 0 : i32
      %dma_wait3A_122 = arith.constant 0 : i32
      %dma_wait3A_123 = tpu.memref_slice %arg3[%add3A, %add3A_27, %dma_wait3A_121, %dma_wait3A_122] : memref<32x20x8x125xi32, #tpu.memory_space<hbm>> -> memref<1x1x8x125xi32, #tpu.memory_space<hbm>>
      %dma_wait3A_124 = tpu.memref_squeeze %dma_wait3A_123 : memref<1x1x8x125xi32, #tpu.memory_space<hbm>> -> memref<8x125xi32, #tpu.memory_space<hbm>>
      %dma_wait3A_125 = arith.constant 0 : i32
      %dma_wait3A_126 = arith.constant 0 : i32
      %dma_wait3A_127 = tpu.memref_slice %arg3[%add3A, %add3A_27, %dma_wait3A_125, %dma_wait3A_126] : memref<32x20x8x125xi32, #tpu.memory_space<hbm>> -> memref<1x1x8x125xi32, #tpu.memory_space<hbm>>
      %dma_wait3A_128 = tpu.memref_squeeze %dma_wait3A_127 : memref<1x1x8x125xi32, #tpu.memory_space<hbm>> -> memref<8x125xi32, #tpu.memory_space<hbm>>
      tpu.wait_dma2 semaphore(%arg11 : memref<!tpu.dma_semaphore, #tpu.memory_space<semaphore_mem>>) src(%dma_wait3A_128 : memref<8x125xi32, #tpu.memory_space<hbm>>) dst(%arg6 : memref<8x125xi32, #tpu.memory_space<vmem>>)
      %dma_wait3A_129 = arith.constant 6 : i32
      %dma_wait3A_130 = arith.constant 0 : i32
      %dma_wait3A_131 = tpu.memref_slice %arg5[%dma_wait3A_129, %dma_wait3A_130] : memref<8x125xi32, #tpu.memory_space<vmem>> -> memref<1x125xi32, #tpu.memory_space<vmem>>
      %dma_wait3A_132 = tpu.memref_squeeze %dma_wait3A_131 : memref<1x125xi32, #tpu.memory_space<vmem>> -> memref<125xi32, #tpu.memory_space<vmem>>
      %dma_wait3A_133 = arith.constant 0 : i32
      %dma_wait3A_134 = arith.constant 0 : i32
      %dma_wait3A_135 = tpu.memref_slice %arg2[%dma_wait3A_133, %dma_wait3A_134] : memref<10240x128xf32, #tpu.memory_space<hbm>> -> memref<10240x128xf32, #tpu.memory_space<hbm>>
      tpu.wait_indirect_dma semaphore(%arg10 : memref<!tpu.dma_semaphore, #tpu.memory_space<semaphore_mem>>) src(%dma_wait3A_135 : memref<10240x128xf32, #tpu.memory_space<hbm>>) dst(%arg8 : memref<125x128xf32, #tpu.memory_space<vmem>>)
      %dma_start3A_136 = arith.constant 7 : i32
      %dma_start3A_137 = arith.constant 0 : i32
      %dma_start3A_138 = tpu.memref_slice %arg5[%dma_start3A_136, %dma_start3A_137] : memref<8x125xi32, #tpu.memory_space<vmem>> -> memref<1x125xi32, #tpu.memory_space<vmem>>
      %dma_start3A_139 = tpu.memref_squeeze %dma_start3A_138 : memref<1x125xi32, #tpu.memory_space<vmem>> -> memref<125xi32, #tpu.memory_space<vmem>>
      %dma_start3A_140 = arith.constant 0 : i32
      %dma_start3A_141 = arith.constant 0 : i32
      %dma_start3A_142 = tpu.memref_slice %arg9[%dma_start3A_140, %dma_start3A_141] : memref<10240x128xf32, #tpu.memory_space<vmem_shared>> -> memref<10240x128xf32, #tpu.memory_space<vmem_shared>>
      tpu.enqueue_indirect_dma source(%arg8 : memref<125x128xf32, #tpu.memory_space<vmem>>) target(%dma_start3A_142 : memref<10240x128xf32, #tpu.memory_space<vmem_shared>>) offsets(%dma_start3A_139 : memref<125xi32, #tpu.memory_space<vmem>>) semaphore(%arg12 : memref<!tpu.dma_semaphore, #tpu.memory_space<semaphore_mem>>) {add = true}
      %dma_wait3A_143 = arith.constant 5 : i32
      %dma_wait3A_144 = arith.constant 0 : i32
      %dma_wait3A_145 = tpu.memref_slice %arg5[%dma_wait3A_143, %dma_wait3A_144] : memref<8x125xi32, #tpu.memory_space<vmem>> -> memref<1x125xi32, #tpu.memory_space<vmem>>
      %dma_wait3A_146 = tpu.memref_squeeze %dma_wait3A_145 : memref<1x125xi32, #tpu.memory_space<vmem>> -> memref<125xi32, #tpu.memory_space<vmem>>
      %dma_wait3A_147 = arith.constant 0 : i32
      %dma_wait3A_148 = arith.constant 0 : i32
      %dma_wait3A_149 = tpu.memref_slice %arg9[%dma_wait3A_147, %dma_wait3A_148] : memref<10240x128xf32, #tpu.memory_space<vmem_shared>> -> memref<10240x128xf32, #tpu.memory_space<vmem_shared>>
      tpu.wait_indirect_dma semaphore(%arg12 : memref<!tpu.dma_semaphore, #tpu.memory_space<semaphore_mem>>) src(%arg7 : memref<125x128xf32, #tpu.memory_space<vmem>>) dst(%dma_wait3A_149 : memref<10240x128xf32, #tpu.memory_space<vmem_shared>>)
      %dma_wait3A_150 = arith.constant 7 : i32
      %dma_wait3A_151 = arith.constant 0 : i32
      %dma_wait3A_152 = tpu.memref_slice %arg5[%dma_wait3A_150, %dma_wait3A_151] : memref<8x125xi32, #tpu.memory_space<vmem>> -> memref<1x125xi32, #tpu.memory_space<vmem>>
      %dma_wait3A_153 = tpu.memref_squeeze %dma_wait3A_152 : memref<1x125xi32, #tpu.memory_space<vmem>> -> memref<125xi32, #tpu.memory_space<vmem>>
      %dma_wait3A_154 = arith.constant 0 : i32
      %dma_wait3A_155 = arith.constant 0 : i32
      %dma_wait3A_156 = tpu.memref_slice %arg9[%dma_wait3A_154, %dma_wait3A_155] : memref<10240x128xf32, #tpu.memory_space<vmem_shared>> -> memref<10240x128xf32, #tpu.memory_space<vmem_shared>>
      tpu.wait_indirect_dma semaphore(%arg12 : memref<!tpu.dma_semaphore, #tpu.memory_space<semaphore_mem>>) src(%arg8 : memref<125x128xf32, #tpu.memory_space<vmem>>) dst(%dma_wait3A_156 : memref<10240x128xf32, #tpu.memory_space<vmem_shared>>)
      %dma_start3A_157 = arith.constant 0 : i32
      %dma_start3A_158 = arith.constant 0 : i32
      %dma_start3A_159 = tpu.memref_slice %arg3[%add3A, %min3A_37, %dma_start3A_157, %dma_start3A_158] : memref<32x20x8x125xi32, #tpu.memory_space<hbm>> -> memref<1x1x8x125xi32, #tpu.memory_space<hbm>>
      %dma_start3A_160 = tpu.memref_squeeze %dma_start3A_159 : memref<1x1x8x125xi32, #tpu.memory_space<hbm>> -> memref<8x125xi32, #tpu.memory_space<hbm>>
      %dma_start3A_161 = arith.constant 0 : i32
      %dma_start3A_162 = arith.constant 0 : i32
      %dma_start3A_163 = tpu.memref_slice %arg3[%add3A, %min3A_37, %dma_start3A_161, %dma_start3A_162] : memref<32x20x8x125xi32, #tpu.memory_space<hbm>> -> memref<1x1x8x125xi32, #tpu.memory_space<hbm>>
      %dma_start3A_164 = tpu.memref_squeeze %dma_start3A_163 : memref<1x1x8x125xi32, #tpu.memory_space<hbm>> -> memref<8x125xi32, #tpu.memory_space<hbm>>
      tpu.enqueue_dma source(%dma_start3A_164 : memref<8x125xi32, #tpu.memory_space<hbm>>) target(%arg5 : memref<8x125xi32, #tpu.memory_space<vmem>>) target_semaphore(%arg11 : memref<!tpu.dma_semaphore, #tpu.memory_space<semaphore_mem>>)
      %dma_start3A_165 = arith.constant 0 : i32
      %dma_start3A_166 = arith.constant 0 : i32
      %dma_start3A_167 = tpu.memref_slice %arg6[%dma_start3A_165, %dma_start3A_166] : memref<8x125xi32, #tpu.memory_space<vmem>> -> memref<1x125xi32, #tpu.memory_space<vmem>>
      %dma_start3A_168 = tpu.memref_squeeze %dma_start3A_167 : memref<1x125xi32, #tpu.memory_space<vmem>> -> memref<125xi32, #tpu.memory_space<vmem>>
      %dma_start3A_169 = arith.constant 0 : i32
      %dma_start3A_170 = arith.constant 0 : i32
      %dma_start3A_171 = tpu.memref_slice %arg2[%dma_start3A_169, %dma_start3A_170] : memref<10240x128xf32, #tpu.memory_space<hbm>> -> memref<10240x128xf32, #tpu.memory_space<hbm>>
      tpu.enqueue_indirect_dma source(%dma_start3A_171 : memref<10240x128xf32, #tpu.memory_space<hbm>>) target(%arg7 : memref<125x128xf32, #tpu.memory_space<vmem>>) offsets(%dma_start3A_168 : memref<125xi32, #tpu.memory_space<vmem>>) semaphore(%arg10 : memref<!tpu.dma_semaphore, #tpu.memory_space<semaphore_mem>>)
      %dma_start3A_172 = arith.constant 2 : i32
      %dma_start3A_173 = arith.constant 0 : i32
      %dma_start3A_174 = tpu.memref_slice %arg6[%dma_start3A_172, %dma_start3A_173] : memref<8x125xi32, #tpu.memory_space<vmem>> -> memref<1x125xi32, #tpu.memory_space<vmem>>
      %dma_start3A_175 = tpu.memref_squeeze %dma_start3A_174 : memref<1x125xi32, #tpu.memory_space<vmem>> -> memref<125xi32, #tpu.memory_space<vmem>>
      %dma_start3A_176 = arith.constant 0 : i32
      %dma_start3A_177 = arith.constant 0 : i32
      %dma_start3A_178 = tpu.memref_slice %arg2[%dma_start3A_176, %dma_start3A_177] : memref<10240x128xf32, #tpu.memory_space<hbm>> -> memref<10240x128xf32, #tpu.memory_space<hbm>>
      tpu.enqueue_indirect_dma source(%dma_start3A_178 : memref<10240x128xf32, #tpu.memory_space<hbm>>) target(%arg8 : memref<125x128xf32, #tpu.memory_space<vmem>>) offsets(%dma_start3A_175 : memref<125xi32, #tpu.memory_space<vmem>>) semaphore(%arg10 : memref<!tpu.dma_semaphore, #tpu.memory_space<semaphore_mem>>)
      %dma_wait3A_179 = arith.constant 0 : i32
      %dma_wait3A_180 = arith.constant 0 : i32
      %dma_wait3A_181 = tpu.memref_slice %arg6[%dma_wait3A_179, %dma_wait3A_180] : memref<8x125xi32, #tpu.memory_space<vmem>> -> memref<1x125xi32, #tpu.memory_space<vmem>>
      %dma_wait3A_182 = tpu.memref_squeeze %dma_wait3A_181 : memref<1x125xi32, #tpu.memory_space<vmem>> -> memref<125xi32, #tpu.memory_space<vmem>>
      %dma_wait3A_183 = arith.constant 0 : i32
      %dma_wait3A_184 = arith.constant 0 : i32
      %dma_wait3A_185 = tpu.memref_slice %arg2[%dma_wait3A_183, %dma_wait3A_184] : memref<10240x128xf32, #tpu.memory_space<hbm>> -> memref<10240x128xf32, #tpu.memory_space<hbm>>
      tpu.wait_indirect_dma semaphore(%arg10 : memref<!tpu.dma_semaphore, #tpu.memory_space<semaphore_mem>>) src(%dma_wait3A_185 : memref<10240x128xf32, #tpu.memory_space<hbm>>) dst(%arg7 : memref<125x128xf32, #tpu.memory_space<vmem>>)
      %dma_start3A_186 = arith.constant 1 : i32
      %dma_start3A_187 = arith.constant 0 : i32
      %dma_start3A_188 = tpu.memref_slice %arg6[%dma_start3A_186, %dma_start3A_187] : memref<8x125xi32, #tpu.memory_space<vmem>> -> memref<1x125xi32, #tpu.memory_space<vmem>>
      %dma_start3A_189 = tpu.memref_squeeze %dma_start3A_188 : memref<1x125xi32, #tpu.memory_space<vmem>> -> memref<125xi32, #tpu.memory_space<vmem>>
      %dma_start3A_190 = arith.constant 0 : i32
      %dma_start3A_191 = arith.constant 0 : i32
      %dma_start3A_192 = tpu.memref_slice %arg9[%dma_start3A_190, %dma_start3A_191] : memref<10240x128xf32, #tpu.memory_space<vmem_shared>> -> memref<10240x128xf32, #tpu.memory_space<vmem_shared>>
      tpu.enqueue_indirect_dma source(%arg7 : memref<125x128xf32, #tpu.memory_space<vmem>>) target(%dma_start3A_192 : memref<10240x128xf32, #tpu.memory_space<vmem_shared>>) offsets(%dma_start3A_189 : memref<125xi32, #tpu.memory_space<vmem>>) semaphore(%arg12 : memref<!tpu.dma_semaphore, #tpu.memory_space<semaphore_mem>>) {add = true}
      %dma_wait3A_193 = arith.constant 2 : i32
      %dma_wait3A_194 = arith.constant 0 : i32
      %dma_wait3A_195 = tpu.memref_slice %arg6[%dma_wait3A_193, %dma_wait3A_194] : memref<8x125xi32, #tpu.memory_space<vmem>> -> memref<1x125xi32, #tpu.memory_space<vmem>>
      %dma_wait3A_196 = tpu.memref_squeeze %dma_wait3A_195 : memref<1x125xi32, #tpu.memory_space<vmem>> -> memref<125xi32, #tpu.memory_space<vmem>>
      %dma_wait3A_197 = arith.constant 0 : i32
      %dma_wait3A_198 = arith.constant 0 : i32
      %dma_wait3A_199 = tpu.memref_slice %arg2[%dma_wait3A_197, %dma_wait3A_198] : memref<10240x128xf32, #tpu.memory_space<hbm>> -> memref<10240x128xf32, #tpu.memory_space<hbm>>
      tpu.wait_indirect_dma semaphore(%arg10 : memref<!tpu.dma_semaphore, #tpu.memory_space<semaphore_mem>>) src(%dma_wait3A_199 : memref<10240x128xf32, #tpu.memory_space<hbm>>) dst(%arg8 : memref<125x128xf32, #tpu.memory_space<vmem>>)
      %dma_start3A_200 = arith.constant 3 : i32
      %dma_start3A_201 = arith.constant 0 : i32
      %dma_start3A_202 = tpu.memref_slice %arg6[%dma_start3A_200, %dma_start3A_201] : memref<8x125xi32, #tpu.memory_space<vmem>> -> memref<1x125xi32, #tpu.memory_space<vmem>>
      %dma_start3A_203 = tpu.memref_squeeze %dma_start3A_202 : memref<1x125xi32, #tpu.memory_space<vmem>> -> memref<125xi32, #tpu.memory_space<vmem>>
      %dma_start3A_204 = arith.constant 0 : i32
      %dma_start3A_205 = arith.constant 0 : i32
      %dma_start3A_206 = tpu.memref_slice %arg9[%dma_start3A_204, %dma_start3A_205] : memref<10240x128xf32, #tpu.memory_space<vmem_shared>> -> memref<10240x128xf32, #tpu.memory_space<vmem_shared>>
      tpu.enqueue_indirect_dma source(%arg8 : memref<125x128xf32, #tpu.memory_space<vmem>>) target(%dma_start3A_206 : memref<10240x128xf32, #tpu.memory_space<vmem_shared>>) offsets(%dma_start3A_203 : memref<125xi32, #tpu.memory_space<vmem>>) semaphore(%arg12 : memref<!tpu.dma_semaphore, #tpu.memory_space<semaphore_mem>>) {add = true}
      %dma_wait3A_207 = arith.constant 1 : i32
      %dma_wait3A_208 = arith.constant 0 : i32
      %dma_wait3A_209 = tpu.memref_slice %arg6[%dma_wait3A_207, %dma_wait3A_208] : memref<8x125xi32, #tpu.memory_space<vmem>> -> memref<1x125xi32, #tpu.memory_space<vmem>>
      %dma_wait3A_210 = tpu.memref_squeeze %dma_wait3A_209 : memref<1x125xi32, #tpu.memory_space<vmem>> -> memref<125xi32, #tpu.memory_space<vmem>>
      %dma_wait3A_211 = arith.constant 0 : i32
      %dma_wait3A_212 = arith.constant 0 : i32
      %dma_wait3A_213 = tpu.memref_slice %arg9[%dma_wait3A_211, %dma_wait3A_212] : memref<10240x128xf32, #tpu.memory_space<vmem_shared>> -> memref<10240x128xf32, #tpu.memory_space<vmem_shared>>
      tpu.wait_indirect_dma semaphore(%arg12 : memref<!tpu.dma_semaphore, #tpu.memory_space<semaphore_mem>>) src(%arg7 : memref<125x128xf32, #tpu.memory_space<vmem>>) dst(%dma_wait3A_213 : memref<10240x128xf32, #tpu.memory_space<vmem_shared>>)
      %dma_start3A_214 = arith.constant 4 : i32
      %dma_start3A_215 = arith.constant 0 : i32
      %dma_start3A_216 = tpu.memref_slice %arg6[%dma_start3A_214, %dma_start3A_215] : memref<8x125xi32, #tpu.memory_space<vmem>> -> memref<1x125xi32, #tpu.memory_space<vmem>>
      %dma_start3A_217 = tpu.memref_squeeze %dma_start3A_216 : memref<1x125xi32, #tpu.memory_space<vmem>> -> memref<125xi32, #tpu.memory_space<vmem>>
      %dma_start3A_218 = arith.constant 0 : i32
      %dma_start3A_219 = arith.constant 0 : i32
      %dma_start3A_220 = tpu.memref_slice %arg2[%dma_start3A_218, %dma_start3A_219] : memref<10240x128xf32, #tpu.memory_space<hbm>> -> memref<10240x128xf32, #tpu.memory_space<hbm>>
      tpu.enqueue_indirect_dma source(%dma_start3A_220 : memref<10240x128xf32, #tpu.memory_space<hbm>>) target(%arg7 : memref<125x128xf32, #tpu.memory_space<vmem>>) offsets(%dma_start3A_217 : memref<125xi32, #tpu.memory_space<vmem>>) semaphore(%arg10 : memref<!tpu.dma_semaphore, #tpu.memory_space<semaphore_mem>>)
      %dma_wait3A_221 = arith.constant 3 : i32
      %dma_wait3A_222 = arith.constant 0 : i32
      %dma_wait3A_223 = tpu.memref_slice %arg6[%dma_wait3A_221, %dma_wait3A_222] : memref<8x125xi32, #tpu.memory_space<vmem>> -> memref<1x125xi32, #tpu.memory_space<vmem>>
      %dma_wait3A_224 = tpu.memref_squeeze %dma_wait3A_223 : memref<1x125xi32, #tpu.memory_space<vmem>> -> memref<125xi32, #tpu.memory_space<vmem>>
      %dma_wait3A_225 = arith.constant 0 : i32
      %dma_wait3A_226 = arith.constant 0 : i32
      %dma_wait3A_227 = tpu.memref_slice %arg9[%dma_wait3A_225, %dma_wait3A_226] : memref<10240x128xf32, #tpu.memory_space<vmem_shared>> -> memref<10240x128xf32, #tpu.memory_space<vmem_shared>>
      tpu.wait_indirect_dma semaphore(%arg12 : memref<!tpu.dma_semaphore, #tpu.memory_space<semaphore_mem>>) src(%arg8 : memref<125x128xf32, #tpu.memory_space<vmem>>) dst(%dma_wait3A_227 : memref<10240x128xf32, #tpu.memory_space<vmem_shared>>)
      %dma_start3A_228 = arith.constant 6 : i32
      %dma_start3A_229 = arith.constant 0 : i32
      %dma_start3A_230 = tpu.memref_slice %arg6[%dma_start3A_228, %dma_start3A_229] : memref<8x125xi32, #tpu.memory_space<vmem>> -> memref<1x125xi32, #tpu.memory_space<vmem>>
      %dma_start3A_231 = tpu.memref_squeeze %dma_start3A_230 : memref<1x125xi32, #tpu.memory_space<vmem>> -> memref<125xi32, #tpu.memory_space<vmem>>
      %dma_start3A_232 = arith.constant 0 : i32
      %dma_start3A_233 = arith.constant 0 : i32
      %dma_start3A_234 = tpu.memref_slice %arg2[%dma_start3A_232, %dma_start3A_233] : memref<10240x128xf32, #tpu.memory_space<hbm>> -> memref<10240x128xf32, #tpu.memory_space<hbm>>
      tpu.enqueue_indirect_dma source(%dma_start3A_234 : memref<10240x128xf32, #tpu.memory_space<hbm>>) target(%arg8 : memref<125x128xf32, #tpu.memory_space<vmem>>) offsets(%dma_start3A_231 : memref<125xi32, #tpu.memory_space<vmem>>) semaphore(%arg10 : memref<!tpu.dma_semaphore, #tpu.memory_space<semaphore_mem>>)
      %dma_wait3A_235 = arith.constant 4 : i32
      %dma_wait3A_236 = arith.constant 0 : i32
      %dma_wait3A_237 = tpu.memref_slice %arg6[%dma_wait3A_235, %dma_wait3A_236] : memref<8x125xi32, #tpu.memory_space<vmem>> -> memref<1x125xi32, #tpu.memory_space<vmem>>
      %dma_wait3A_238 = tpu.memref_squeeze %dma_wait3A_237 : memref<1x125xi32, #tpu.memory_space<vmem>> -> memref<125xi32, #tpu.memory_space<vmem>>
      %dma_wait3A_239 = arith.constant 0 : i32
      %dma_wait3A_240 = arith.constant 0 : i32
      %dma_wait3A_241 = tpu.memref_slice %arg2[%dma_wait3A_239, %dma_wait3A_240] : memref<10240x128xf32, #tpu.memory_space<hbm>> -> memref<10240x128xf32, #tpu.memory_space<hbm>>
      tpu.wait_indirect_dma semaphore(%arg10 : memref<!tpu.dma_semaphore, #tpu.memory_space<semaphore_mem>>) src(%dma_wait3A_241 : memref<10240x128xf32, #tpu.memory_space<hbm>>) dst(%arg7 : memref<125x128xf32, #tpu.memory_space<vmem>>)
      %dma_start3A_242 = arith.constant 5 : i32
      %dma_start3A_243 = arith.constant 0 : i32
      %dma_start3A_244 = tpu.memref_slice %arg6[%dma_start3A_242, %dma_start3A_243] : memref<8x125xi32, #tpu.memory_space<vmem>> -> memref<1x125xi32, #tpu.memory_space<vmem>>
      %dma_start3A_245 = tpu.memref_squeeze %dma_start3A_244 : memref<1x125xi32, #tpu.memory_space<vmem>> -> memref<125xi32, #tpu.memory_space<vmem>>
      %dma_start3A_246 = arith.constant 0 : i32
      %dma_start3A_247 = arith.constant 0 : i32
      %dma_start3A_248 = tpu.memref_slice %arg9[%dma_start3A_246, %dma_start3A_247] : memref<10240x128xf32, #tpu.memory_space<vmem_shared>> -> memref<10240x128xf32, #tpu.memory_space<vmem_shared>>
      tpu.enqueue_indirect_dma source(%arg7 : memref<125x128xf32, #tpu.memory_space<vmem>>) target(%dma_start3A_248 : memref<10240x128xf32, #tpu.memory_space<vmem_shared>>) offsets(%dma_start3A_245 : memref<125xi32, #tpu.memory_space<vmem>>) semaphore(%arg12 : memref<!tpu.dma_semaphore, #tpu.memory_space<semaphore_mem>>) {add = true}
      %dma_wait3A_249 = arith.constant 0 : i32
      %dma_wait3A_250 = arith.constant 0 : i32
      %dma_wait3A_251 = tpu.memref_slice %arg3[%add3A, %min3A_37, %dma_wait3A_249, %dma_wait3A_250] : memref<32x20x8x125xi32, #tpu.memory_space<hbm>> -> memref<1x1x8x125xi32, #tpu.memory_space<hbm>>
      %dma_wait3A_252 = tpu.memref_squeeze %dma_wait3A_251 : memref<1x1x8x125xi32, #tpu.memory_space<hbm>> -> memref<8x125xi32, #tpu.memory_space<hbm>>
      %dma_wait3A_253 = arith.constant 0 : i32
      %dma_wait3A_254 = arith.constant 0 : i32
      %dma_wait3A_255 = tpu.memref_slice %arg3[%add3A, %min3A_37, %dma_wait3A_253, %dma_wait3A_254] : memref<32x20x8x125xi32, #tpu.memory_space<hbm>> -> memref<1x1x8x125xi32, #tpu.memory_space<hbm>>
      %dma_wait3A_256 = tpu.memref_squeeze %dma_wait3A_255 : memref<1x1x8x125xi32, #tpu.memory_space<hbm>> -> memref<8x125xi32, #tpu.memory_space<hbm>>
      tpu.wait_dma2 semaphore(%arg11 : memref<!tpu.dma_semaphore, #tpu.memory_space<semaphore_mem>>) src(%dma_wait3A_256 : memref<8x125xi32, #tpu.memory_space<hbm>>) dst(%arg5 : memref<8x125xi32, #tpu.memory_space<vmem>>)
      %dma_wait3A_257 = arith.constant 6 : i32
      %dma_wait3A_258 = arith.constant 0 : i32
      %dma_wait3A_259 = tpu.memref_slice %arg6[%dma_wait3A_257, %dma_wait3A_258] : memref<8x125xi32, #tpu.memory_space<vmem>> -> memref<1x125xi32, #tpu.memory_space<vmem>>
      %dma_wait3A_260 = tpu.memref_squeeze %dma_wait3A_259 : memref<1x125xi32, #tpu.memory_space<vmem>> -> memref<125xi32, #tpu.memory_space<vmem>>
      %dma_wait3A_261 = arith.constant 0 : i32
      %dma_wait3A_262 = arith.constant 0 : i32
      %dma_wait3A_263 = tpu.memref_slice %arg2[%dma_wait3A_261, %dma_wait3A_262] : memref<10240x128xf32, #tpu.memory_space<hbm>> -> memref<10240x128xf32, #tpu.memory_space<hbm>>
      tpu.wait_indirect_dma semaphore(%arg10 : memref<!tpu.dma_semaphore, #tpu.memory_space<semaphore_mem>>) src(%dma_wait3A_263 : memref<10240x128xf32, #tpu.memory_space<hbm>>) dst(%arg8 : memref<125x128xf32, #tpu.memory_space<vmem>>)
      %dma_start3A_264 = arith.constant 7 : i32
      %dma_start3A_265 = arith.constant 0 : i32
      %dma_start3A_266 = tpu.memref_slice %arg6[%dma_start3A_264, %dma_start3A_265] : memref<8x125xi32, #tpu.memory_space<vmem>> -> memref<1x125xi32, #tpu.memory_space<vmem>>
      %dma_start3A_267 = tpu.memref_squeeze %dma_start3A_266 : memref<1x125xi32, #tpu.memory_space<vmem>> -> memref<125xi32, #tpu.memory_space<vmem>>
      %dma_start3A_268 = arith.constant 0 : i32
      %dma_start3A_269 = arith.constant 0 : i32
      %dma_start3A_270 = tpu.memref_slice %arg9[%dma_start3A_268, %dma_start3A_269] : memref<10240x128xf32, #tpu.memory_space<vmem_shared>> -> memref<10240x128xf32, #tpu.memory_space<vmem_shared>>
      tpu.enqueue_indirect_dma source(%arg8 : memref<125x128xf32, #tpu.memory_space<vmem>>) target(%dma_start3A_270 : memref<10240x128xf32, #tpu.memory_space<vmem_shared>>) offsets(%dma_start3A_267 : memref<125xi32, #tpu.memory_space<vmem>>) semaphore(%arg12 : memref<!tpu.dma_semaphore, #tpu.memory_space<semaphore_mem>>) {add = true}
      %dma_wait3A_271 = arith.constant 5 : i32
      %dma_wait3A_272 = arith.constant 0 : i32
      %dma_wait3A_273 = tpu.memref_slice %arg6[%dma_wait3A_271, %dma_wait3A_272] : memref<8x125xi32, #tpu.memory_space<vmem>> -> memref<1x125xi32, #tpu.memory_space<vmem>>
      %dma_wait3A_274 = tpu.memref_squeeze %dma_wait3A_273 : memref<1x125xi32, #tpu.memory_space<vmem>> -> memref<125xi32, #tpu.memory_space<vmem>>
      %dma_wait3A_275 = arith.constant 0 : i32
      %dma_wait3A_276 = arith.constant 0 : i32
      %dma_wait3A_277 = tpu.memref_slice %arg9[%dma_wait3A_275, %dma_wait3A_276] : memref<10240x128xf32, #tpu.memory_space<vmem_shared>> -> memref<10240x128xf32, #tpu.memory_space<vmem_shared>>
      tpu.wait_indirect_dma semaphore(%arg12 : memref<!tpu.dma_semaphore, #tpu.memory_space<semaphore_mem>>) src(%arg7 : memref<125x128xf32, #tpu.memory_space<vmem>>) dst(%dma_wait3A_277 : memref<10240x128xf32, #tpu.memory_space<vmem_shared>>)
      %dma_wait3A_278 = arith.constant 7 : i32
      %dma_wait3A_279 = arith.constant 0 : i32
      %dma_wait3A_280 = tpu.memref_slice %arg6[%dma_wait3A_278, %dma_wait3A_279] : memref<8x125xi32, #tpu.memory_space<vmem>> -> memref<1x125xi32, #tpu.memory_space<vmem>>
      %dma_wait3A_281 = tpu.memref_squeeze %dma_wait3A_280 : memref<1x125xi32, #tpu.memory_space<vmem>> -> memref<125xi32, #tpu.memory_space<vmem>>
      %dma_wait3A_282 = arith.constant 0 : i32
      %dma_wait3A_283 = arith.constant 0 : i32
      %dma_wait3A_284 = tpu.memref_slice %arg9[%dma_wait3A_282, %dma_wait3A_283] : memref<10240x128xf32, #tpu.memory_space<vmem_shared>> -> memref<10240x128xf32, #tpu.memory_space<vmem_shared>>
      tpu.wait_indirect_dma semaphore(%arg12 : memref<!tpu.dma_semaphore, #tpu.memory_space<semaphore_mem>>) src(%arg8 : memref<125x128xf32, #tpu.memory_space<vmem>>) dst(%dma_wait3A_284 : memref<10240x128xf32, #tpu.memory_space<vmem_shared>>)
    }
    %scan3A_15 = arith.constant 10 : i32
    %barrier3A_16 = arith.constant 0 : index
    tpu.barrier barrier_id(%barrier3A_16)
    %mul3A_17 = arith.constant 640 : i32
    %mul3A_18 = arith.muli %arg1, %mul3A_17 : i32
    %mul3A_19 = arith.constant 640 : i32
    %mul3A_20 = arith.muli %arg1, %mul3A_19 : i32
    "tpu.region"() ({
      %run_scoped3A_21 = tpu.sem_alloc : memref<!tpu.dma_semaphore, #tpu.memory_space<semaphore_mem>>
      %dma_start3A = arith.constant 0 : i32
      %dma_start3A_22 = tpu.memref_slice %arg4[%arg0, %mul3A_20, %dma_start3A] : memref<2x10240x128xf32, #tpu.memory_space<hbm>> -> memref<1x640x128xf32, #tpu.memory_space<hbm>>
      %dma_start3A_23 = tpu.memref_squeeze %dma_start3A_22 : memref<1x640x128xf32, #tpu.memory_space<hbm>> -> memref<640x128xf32, #tpu.memory_space<hbm>>
      %dma_start3A_24 = arith.constant 0 : i32
      %dma_start3A_25 = tpu.memref_slice %arg9[%mul3A_18, %dma_start3A_24] : memref<10240x128xf32, #tpu.memory_space<vmem_shared>> -> memref<640x128xf32, #tpu.memory_space<vmem_shared>>
      tpu.enqueue_dma source(%dma_start3A_25 : memref<640x128xf32, #tpu.memory_space<vmem_shared>>) target(%dma_start3A_23 : memref<640x128xf32, #tpu.memory_space<hbm>>) target_semaphore(%run_scoped3A_21 : memref<!tpu.dma_semaphore, #tpu.memory_space<semaphore_mem>>)
      %dma_wait3A = arith.constant 0 : i32
      %dma_wait3A_26 = tpu.memref_slice %arg4[%arg0, %mul3A_20, %dma_wait3A] : memref<2x10240x128xf32, #tpu.memory_space<hbm>> -> memref<1x640x128xf32, #tpu.memory_space<hbm>>
      %dma_wait3A_27 = tpu.memref_squeeze %dma_wait3A_26 : memref<1x640x128xf32, #tpu.memory_space<hbm>> -> memref<640x128xf32, #tpu.memory_space<hbm>>
      %dma_wait3A_28 = arith.constant 0 : i32
      %dma_wait3A_29 = tpu.memref_slice %arg9[%mul3A_18, %dma_wait3A_28] : memref<10240x128xf32, #tpu.memory_space<vmem_shared>> -> memref<640x128xf32, #tpu.memory_space<vmem_shared>>
      tpu.wait_dma2 semaphore(%run_scoped3A_21 : memref<!tpu.dma_semaphore, #tpu.memory_space<semaphore_mem>>) src(%dma_wait3A_29 : memref<640x128xf32, #tpu.memory_space<vmem_shared>>) dst(%dma_wait3A_27 : memref<640x128xf32, #tpu.memory_space<hbm>>)
      tpu.yield
    }) : () -> ()
    return
  }
}

module attributes {stable_mosaic.version = 14 : i64} {
  func.func @_kbc_body(%arg0: memref<10240x128xf32, #tpu.memory_space<vmem>>, %arg1: memref<10240x128xf32, #tpu.memory_space<vmem>>, %arg2: memref<10240x128xf32, #tpu.memory_space<vmem>>, %arg3: memref<10240x128xf32, #tpu.memory_space<vmem>>) attributes {dimension_semantics = [], scalar_prefetch = 0 : i64, scratch_operands = 0 : i64, tpu.core_type = #tpu.core_type<tc>} {
    %get3A = arith.constant 0 : index
    %get3A_0 = arith.constant 0 : index
    %get3A_1 = vector.load %arg0[%get3A, %get3A_0] : memref<10240x128xf32, #tpu.memory_space<vmem>>, vector<10240x128xf32>
    %get3A_2 = arith.constant 0 : index
    %get3A_3 = arith.constant 0 : index
    %get3A_4 = vector.load %arg1[%get3A_2, %get3A_3] : memref<10240x128xf32, #tpu.memory_space<vmem>>, vector<10240x128xf32>
    %add3A = arith.addf %get3A_1, %get3A_4 : vector<10240x128xf32>
    %get3A_5 = arith.constant 0 : index
    %get3A_6 = arith.constant 0 : index
    %get3A_7 = vector.load %arg2[%get3A_5, %get3A_6] : memref<10240x128xf32, #tpu.memory_space<vmem>>, vector<10240x128xf32>
    %mul3A = arith.constant 5.000000e-01 : f32
    %mul3A_8 = vector.broadcast %mul3A : f32 to vector<10240x128xf32>
    %mul3A_9 = arith.mulf %mul3A_8, %get3A_7 : vector<10240x128xf32>
    %add3A_10 = arith.addf %add3A, %mul3A_9 : vector<10240x128xf32>
    %iota3A = tpu.iota {dimensions = array<i32: 0>} : vector<10240x1xi32>
    %lt3A = arith.constant 10000 : i32
    %lt3A_11 = vector.broadcast %lt3A : i32 to vector<10240x1xi32>
    %lt3A_12 = arith.cmpi slt, %iota3A, %lt3A_11 : vector<10240x1xi32>
    %jit3A = arith.constant 1.000000e+00 : f32
    %jit3A_13 = arith.constant 0.000000e+00 : f32
    %broadcast_in_dim3A = vector.broadcast %jit3A : f32 to vector<10240x1xf32>
    %broadcast_in_dim3A_14 = vector.broadcast %jit3A_13 : f32 to vector<10240x1xf32>
    %select_n3A = arith.select %lt3A_12, %broadcast_in_dim3A, %broadcast_in_dim3A_14 : vector<10240x1xi1>, vector<10240x1xf32>
    %mul3A_15 = vector.broadcast %select_n3A : vector<10240x1xf32> to vector<10240x128xf32>
    %mul3A_16 = arith.mulf %add3A_10, %mul3A_15 : vector<10240x128xf32>
    %reduce_sum3A = arith.constant dense<0.000000e+00> : vector<128xf32>
    %reduce_sum3A_17 = vector.multi_reduction <add>, %mul3A_16, %reduce_sum3A [0] : vector<10240x128xf32> to vector<128xf32>
    %broadcast_in_dim3A_18 = vector.shape_cast %reduce_sum3A_17 : vector<128xf32> to vector<1x128xf32>
    %mul3A_19 = arith.constant 9.99999974E-5 : f32
    %mul3A_20 = vector.broadcast %mul3A_19 : f32 to vector<1x128xf32>
    %mul3A_21 = arith.mulf %broadcast_in_dim3A_18, %mul3A_20 : vector<1x128xf32>
    %mul3A_22 = arith.mulf %mul3A_16, %add3A_10 : vector<10240x128xf32>
    %reduce_sum3A_23 = arith.constant dense<0.000000e+00> : vector<128xf32>
    %reduce_sum3A_24 = vector.multi_reduction <add>, %mul3A_22, %reduce_sum3A_23 [0] : vector<10240x128xf32> to vector<128xf32>
    %broadcast_in_dim3A_25 = vector.shape_cast %reduce_sum3A_24 : vector<128xf32> to vector<1x128xf32>
    %mul3A_26 = arith.constant 9.99999974E-5 : f32
    %mul3A_27 = vector.broadcast %mul3A_26 : f32 to vector<1x128xf32>
    %mul3A_28 = arith.mulf %broadcast_in_dim3A_25, %mul3A_27 : vector<1x128xf32>
    %mul3A_29 = arith.mulf %mul3A_21, %mul3A_21 : vector<1x128xf32>
    %sub3A = arith.subf %mul3A_28, %mul3A_29 : vector<1x128xf32>
    %add3A_30 = arith.constant 9.99999974E-6 : f32
    %add3A_31 = vector.broadcast %add3A_30 : f32 to vector<1x128xf32>
    %add3A_32 = arith.addf %sub3A, %add3A_31 : vector<1x128xf32>
    %rsqrt3A = math.rsqrt %add3A_32 : vector<1x128xf32>
    %sub3A_33 = vector.broadcast %mul3A_21 : vector<1x128xf32> to vector<10240x128xf32>
    %sub3A_34 = arith.subf %add3A_10, %sub3A_33 : vector<10240x128xf32>
    %mul3A_35 = vector.broadcast %rsqrt3A : vector<1x128xf32> to vector<10240x128xf32>
    %mul3A_36 = arith.mulf %sub3A_34, %mul3A_35 : vector<10240x128xf32>
    %swap3A = arith.constant 0 : index
    %swap3A_37 = arith.constant 0 : index
    %swap3A_38 = vector.load %arg3[%swap3A, %swap3A_37] : memref<10240x128xf32, #tpu.memory_space<vmem>>, vector<10240x128xf32>
    tpu.vector_store %arg3[%swap3A, %swap3A_37], %mul3A_36 {strides = array<i32>} : memref<10240x128xf32, #tpu.memory_space<vmem>>, vector<10240x128xf32>,
    return
  }
}

</mosaic_0001>

<sc_bundles>
// kernel: kernel.13.cloned.1.call-start
scs
__scs_entry_jumppad:
0x0: {  	(pc) =	sbr.rel $0x88, $3  }
0x1: {  	(tag) =	ssettag $0x0;
	lr =	simm.s32 $0x1  }
0x2: {  	[smem:$0x3F9E] =	sst lr;
	_ =	strace $0xD0000000  }
0x3: {  	_ = 	snop  }
0x4: {  	_ = 	snop  }
0x5: {  	_ = 	snop  }
0x6: {  	_ = 	snop  }
0x7: {  	_ = 	snop  }
__scs_overlays_trampoline_lowered:
0x8: {  	[smem:$0x3FAD] =	sst s0  }
0x9: {  	[smem:$0x3FAE] =	sst s1  }
0xa: {  	[smem:$0x3FAF] =	sst s2  }
0xb: {  	[smem:$0x3FB0] =	sst s3  }
0xc: {  	[smem:$0x3FB1] =	sst s4  }
0xd: {  	[smem:$0x3FB2] =	sst s5  }
0xe: {  	[smem:$0x3FB3] =	sst s6  }
0xf: {  	[smem:$0x3FB4] =	sst s7  }
0x10: {  	[smem:$0x3FB5] =	sst s8  }
0x11: {  	[smem:$0x3FB6] =	sst s9;
	s0 =	simm.s32 @!p0 $0x0  }
0x12: {  	s1 =	sld [smem:$0x3F9C];
	s0 =	simm.s32 @p0 $0x1  }
0x13: {  	[smem:$0x3FB7] =	sst s0;
	s0 =	simm.s32 @!p1 $0x0  }
0x14: {  	s2 =	sld [smem:$0x3F9B];
	s0 =	simm.s32 @p1 $0x1  }
0x15: {  	[smem:$0x3FB8] =	sst s0;
	s0 =	simm.s32 @!p2 $0x0  }
0x16: {  	s3 =	sld [smem:$0x3FDB];
	s0 =	simm.s32 @p2 $0x1  }
0x17: {  	s4 =	simm.s32 $0x1BF5;
	[smem:$0x3FBA] =	sst s0  }
0x18: {  	s0 =	sld [smem:$0x3F9D];
	_ =	swait.ge [sflag:s4], $0x0  }
0x19: {  	s7 =	sld [smem:$0x3F9E]  }
0x1a: {  	s8 =	sadd.s32 $0xFFFFE003, lr  }
0x1b: {  	s9 =	sadd.s32 $0xFFFFFEF7, lr;
	s5 =	simm.s32 $0xFFFFFFFF;
	p2 =	slt.u32 s8, $0xFFFFF086  }
0x1c: {  	p1 =	slt.u32 s9, $0xF7A;
	s5 =	simm.s32 @!p2 $0x0  }
0x1d: {  	s5 =	simm.s32 @p1 $0x1;
	p0 =	seq.s32 s7, s2  }
0x1e: {  	s7 =	smul.u32 @!p0 $0xF7A, s2;
	p2 =	seq.s32 @!p0 s5, $0x0  }
0x1f: {  	s9 =	smul.u32 $0xF7A, s1;
	s8 =	simm.s32 @!p0 $0x1BF5;
	p2 =	por !p2, p0  }
0x20: {  	[sflag:s8] =	ssyncset.s32 @!p0 $0xFFFFF086;
	s6 =	sadd.s32 @!p0 s3, s7;
	s7 =	simm.s32 @!p0 $0x108  }
0x21: {  	s3 =	sadd.s32 s3, s9;
	s6 =	sadd.s32 @!p0 $0x88, s6;
	s7 =	simm.s32 @p2 $0x1082  }
0x22: {  	[simem:s7], [sflag:s8] =	dma.local @!p0 [hbm:s6], $0xF7A  }
0x23: {  	s9 =	sor.u32 $0xD0000000, s2;
	s6 =	simm.s32 $0x108;
	_ =	swait.ge @!p0 [sflag:s8], $0x0  }
0x24: {  	s3 =	sadd.s32 $0x88, s3;
	s6 =	simm.s32 @!p1 $0x1082;
	[sflag:s4] =	ssyncset.s32 $0xFFFFF086  }
0x25: {  	[simem:s6], [sflag:s4] =	dma.local [hbm:s3], $0xF7A  }
0x26: {  	[smem:$0x3F9E] =	sst s1;
	(tag) =	ssettag s2;
	_ =	strace s9  }
0x27: {  	s1 =	sld [smem:$0x3FAE]  }
0x28: {  	s2 =	sld [smem:$0x3FAF]  }
0x29: {  	s4 =	sld [smem:$0x3FB1]  }
0x2a: {  	p0 =	seq.s32 s5, $0x0;
	s5 =	sld [smem:$0x3FB2]  }
0x2b: {  	s6 =	sld [smem:$0x3FB3]  }
0x2c: {  	s7 =	sld [smem:$0x3FB4]  }
0x2d: {  	s3 =	simm.s32 $0x108;
	s8 =	sld [smem:$0x3FB5]  }
0x2e: {  	s3 =	simm.s32 @!p0 $0x1082;
	s9 =	sld [smem:$0x3FB6]  }
0x2f: {  	lr =	sadd.s32 s0, s3;
	s0 =	sld [smem:$0x3FAD]  }
0x30: {  	s3 =	sld [smem:$0x3FB0]  }
0x31: {  	[smem:$0x3FB9] =	sst s10  }
0x32: {  	s10 =	sld [smem:$0x3FB7];
	_ =	sdelay $0x3  }
0x33: {  	p0 =	seq.s32 s10, $0x1;
	s10 =	sld [smem:$0x3FB9];
	_ =	sdelay $0x3  }
0x34: {  	[smem:$0x3FB9] =	sst s10  }
0x35: {  	s10 =	sld [smem:$0x3FB8];
	_ =	sdelay $0x3  }
0x36: {  	p1 =	seq.s32 s10, $0x1;
	s10 =	sld [smem:$0x3FB9];
	_ =	sdelay $0x3  }
0x37: {  	[smem:$0x3FB9] =	sst s10  }
0x38: {  	s10 =	sld [smem:$0x3FBA]  }
0x39: {  	_ = 	snop;
	(pc) =	sbr.ind lr, $3  }
0x3a: {  	_ = 	snop  }
0x3b: {  	_ = 	snop  }
0x3c: {  	p2 =	seq.s32 s10, $0x1;
	s10 =	sld [smem:$0x3FB9]  }
0x3d: {  	_ =	shalt  }
0x3e: {  	_ =	shalt  }
0x3f: {  	_ =	shalt  }
0x40: {  	_ =	shalt  }
0x41: {  	_ =	shalt  }
0x42: {  	_ =	shalt  }
0x43: {  	_ =	shalt  }
0x44: {  	_ =	shalt  }
0x45: {  	_ =	shalt  }
0x46: {  	_ =	shalt  }
0x47: {  	_ =	shalt  }
0x48: {  	_ =	shalt  }
0x49: {  	_ =	shalt  }
0x4a: {  	_ =	shalt  }
0x4b: {  	_ =	shalt  }
0x4c: {  	_ =	shalt  }
0x4d: {  	_ =	shalt  }
0x4e: {  	_ =	shalt  }
0x4f: {  	_ =	shalt  }
0x50: {  	_ =	shalt  }
0x51: {  	_ =	shalt  }
0x52: {  	_ =	shalt  }
0x53: {  	_ =	shalt  }
0x54: {  	_ =	shalt  }
0x55: {  	_ =	shalt  }
0x56: {  	_ =	shalt  }
0x57: {  	_ =	shalt  }
0x58: {  	_ =	shalt  }
0x59: {  	_ =	shalt  }
0x5a: {  	_ =	shalt  }
0x5b: {  	_ =	shalt  }
0x5c: {  	_ =	shalt  }
0x5d: {  	_ =	shalt  }
0x5e: {  	_ =	shalt  }
0x5f: {  	_ =	shalt  }
0x60: {  	_ =	shalt  }
0x61: {  	_ =	shalt  }
0x62: {  	_ =	shalt  }
0x63: {  	_ =	shalt  }
0x64: {  	_ =	shalt  }
0x65: {  	_ =	shalt  }
0x66: {  	_ =	shalt  }
0x67: {  	_ =	shalt  }
0x68: {  	_ =	shalt  }
0x69: {  	_ =	shalt  }
0x6a: {  	_ =	shalt  }
0x6b: {  	_ =	shalt  }
0x6c: {  	_ =	shalt  }
0x6d: {  	_ =	shalt  }
0x6e: {  	_ =	shalt  }
0x6f: {  	_ =	shalt  }
0x70: {  	_ =	shalt  }
0x71: {  	_ =	shalt  }
0x72: {  	_ =	shalt  }
0x73: {  	_ =	shalt  }
0x74: {  	_ =	shalt  }
0x75: {  	_ =	shalt  }
0x76: {  	_ =	shalt  }
0x77: {  	_ =	shalt  }
0x78: {  	_ =	shalt  }
0x79: {  	_ =	shalt  }
0x7a: {  	_ =	shalt  }
0x7b: {  	_ =	shalt  }
0x7c: {  	_ =	shalt  }
0x7d: {  	_ =	shalt  }
0x7e: {  	_ =	shalt  }
0x7f: {  	_ =	shalt  }
0x80: {  	_ =	shalt  }
0x81: {  	_ =	shalt  }
0x82: {  	_ =	shalt  }
0x83: {  	_ =	shalt  }
0x84: {  	_ =	shalt  }
0x85: {  	_ =	shalt  }
0x86: {  	_ =	shalt  }
0x87: {  	_ =	shalt  }
.Lfunc_end0:
.L_simem_size_0:
called_computation_lowered:
.L_overlay_start_0:
0x88: {  	s2 =	sld [smem:$0x3FD9]  }
0x89: {  	s3 =	sld [smem:$0x3FFE];
	_ =	sdelay $0x1  }
0x8a: {  	s1 =	srdreg.scid  }
0x8b: {  	s0 =	sand.u32 $0x1, s1  }
0x8c: {  	s16 =	sshll.u32 s0, $0xA;
	s2 =	sadd.s32 s3, s2  }
0x8d: {  	s2 =	sadd.s32 s2, s16  }
0x8e: {  	[smem:$0x3FC5] =	sst s2  }
0x8f: {  	_ = 	snop  }
0x90: {  	(tm) =	ssettm $0x1  }
0x91: {  	s17 =	sld [smem:$0x3FFB];
	_ =	sdelay $0x3  }
0x92: {  	_ =	strace s17  }
0x93: {  	s2 =	sld [smem:$0x3FFC];
	_ =	sdelay $0x3  }
0x94: {  	_ =	strace s2  }
0x95: {  	s2 =	sld [smem:$0x3FFD];
	_ =	sdelay $0x3  }
0x96: {  	_ =	strace s2  }
0x97: {  	_ =	strace $0x8FFFFFFF  }
0x98: {  	s18 =	sld [smem:$0x3FDB];
	_ =	sdelay $0x1  }
0x99: {  	s19 =	simm.s32 $_scs_section_size  }
0x9a: {  	s4 =	simm.s32 $_size__tile_overlayer_lowered;
	s5 =	simm.s32 $_tile_overlayer_lowered  }
0x9b: {  	s22 =	simm.s32 $0x1BFF;
	s21 =	sshll.u32 s5, $0x1;
	s2 =	sadd.s32 s19, s18  }
0x9c: {  	s6 =	simm.s32 $0x0;
	s20 =	sshll.u32 s4, $0x1;
	s4 =	sadd.s32 s21, s2  }
0x9d: {  	[timem:s6], [sflag:s22] =	dma.local [hbm:s4], s20  }
0x9e: {  	_ =	swait.ge [sflag:s22], s20  }
0x9f: {  	s3 =	ssub.s32 $0x0, s20;
	[sflag:s22] =	ssyncset.done $0x0  }
0xa0: {  	[sflag:s22] =	ssyncadd.s32 s3;
	_ =	sdelay $0x1  }
0xa1: {  	s23 =	simm.s32 $0x1B8B  }
0xa2: {  	_ =	swait.ge [sflag:s23], $0x1  }
0xa3: {  	[sflag:s23] =	ssyncset.done $0x0  }
0xa4: {  	s25 =	simm.s32 $0x1B8E;
	s24 =	sld [smem:$0x3FFE];
	[sflag:s23] =	ssyncadd.s32 $0xFFFFFFFF  }
0xa5: {  	s26 =	simm.s32 $execute0_lowered;
	[smem:$0x3FD2] =	sst s25  }
0xa6: {  	s4 =	sshll.u32 s26, $0x1;
	_ =	strace $0x80000046;
	[dreg:$0x1] =	wrdreg $0xFFFFFFFF  }
0xa7: {  	s28 =	simm.s32 $_size_execute0_lowered;
	s2 =	sadd.s32 s2, s4;
	[dreg:$0x0] =	wrdreg $0x0  }
0xa8: {  	s4 =	sshll.u32 s28, $0x1;
	[dreg:$0x2] =	wrdreg s2  }
0xa9: {  	[dreg:$0x3] =	wrdreg s4  }
0xaa: {  	[dreg:$0x4] =	wrdreg $0xC0  }
0xab: {  	_ =	task [dreg:s6], $0x5FFFF  }
0xac: {  	[dreg:$0x1] =	wrdreg $0xFFFFFFFF  }
0xad: {  	[dreg:$0x0] =	wrdreg $0x60  }
0xae: {  	[dreg:$0x2] =	wrdreg s24  }
0xaf: {  	[dreg:$0x3] =	wrdreg $0x9  }
0xb0: {  	_ =	task.clear_ibuf [dreg:s6], $0x4FFFF;
	_ =	strace $0x90000046  }
0xb1: {  	s29 =	simm.s32 $0x9;
	_ =	strace $0x80000048  }
0xb2: {  	_ =	swait.ge [sflag:s29], $0x1  }
0xb3: {  	[sflag:s29] =	ssyncadd.s32 $0xFFFFFFFF  }
0xb4: {  	_ =	strace $0x90000048  }
0xb5: {  	_ =	sfence  }
0xb6: {  	s30 =	sld [smem:$0x0];
	_ =	sdelay $0x2  }
0xb7: {  	s31 =	sshll.u32 s1, $0xD;
	s1 =	sshrl.u32 s1, $0x2  }
0xb8: {  	s3 =	sand.u32 $0x4000, s31;
	s1 =	sadd.s32 s1, s30  }
0xb9: {  	s0 =	sor.u32 s3, s0;
	s1 =	sshll.u32 s1, $0x11  }
0xba: {  	s0 =	sor.u32 s1, s0  }
0xbb: {  	s0 =	sadd.s32 $0x8F2B, s0  }
0xbc: {  	[sflag:s0] =	ssyncadd.remote.s32 $0x1  }
0xbd: {  	_ =	sfence.sel $0xFFFF  }
0xbe: {  	[dreg:$0x0] =	wrdreg $0xFFFFFFFF;
	(pc) =	sbr.abs _section_cstart, $3  }
0xbf: {  	[dreg:$0x1] =	wrdreg $0xFFFFFFFF  }
0xc0: {  	_ =	task.clear_ibuf [dreg:s6], $0x2FFFF;
	_ =	strace $0x9FFFFFFF  }
0xc1: {  	(tm) =	ssettm $0x7FFFFFFF  }
tec
execute0_lowered:
.L_overlay_start_1:
0x0: {  	(tag) =	ssettag $0x1  }
0x1: {  	s0 =	srdreg.scid  }
0x2: {  	s15 =	sand.u32 $0x1, s0  }
0x3: {  	s0 =	stileid.u32;
	s1 =	sshll.u32 s15, $0x4  }
0x4: {  	s9 =	rddreg [dreg:$0x0];
	s2 =	simm.s32 $0x0;
	s6 =	sor.u32 s0, s1  }
0x5: {  	[smem:$0x7FF] =	sst s2;
	s3 =	sshll.u32 s6, $0x6  }
0x6: {  	s1 =	rddreg [dreg:$0x1];
	s14 =	sadd.s32 s3, s9  }
0x7: {  	_ =	strace $0x80000047;
	s3 =	simm.s32 $0x2;
	s4 =	sadd.s32 $0x4000, s14  }
0x8: {  	[tilespmem:s2], [sflag:$0x2] =	stream.linear.gather [hbm4b:s4+s2], $0x80, $0x38;
	[tilespmem:$0x2880] =	vst v63  }
0x9: {  	s7 =	simm.s32 $0x80;
	_ =	swait.ge [sflag:s3], $0x80  }
0xa: {  	s8 =	simm.s32 $0x1;
	s5 =	sadd.s32 $0x4800, s9;
	[sflag:s3] =	ssyncset.done $0x0  }
0xb: {  	s10 =	smul.u32 $0x1400, s6;
	s6 =	simm.s32 $0x50;
	[sflag:s3] =	ssyncadd.s32 $0xFFFFFF80  }
0xc: {  	[tilespmem:s7], [sflag:$0x1] =	stream.indirect.gather [hbm4b:s5+s6], $0x80, s2, s6, $0xb8;
	[tilespmem:$0x2880] =	vst v63  }
0xd: {  	_ =	swait.ge [sflag:s8], $0x2800  }
0xe: {  	s16 =	sadd.s32 s10, s9;
	[sflag:s8] =	ssyncset.done $0x0  }
0xf: {  	s9 =	sadd.s32 $0x5000, s16;
	[sflag:s8] =	ssyncadd.s32 $0xFFFFD800  }
0x10: {  	[hbm4b:s9+s2] =	stream.linear.scatter [tilespmem:s7], [sflag:$0x2], $0x2800, $0x38;
	[tilespmem:$0x2880] =	vst v63  }
0x11: {  	_ =	swait.ge [sflag:s3], $0x2800  }
0x12: {  	[sflag:s3] =	ssyncset.done $0x0  }
0x13: {  	s10 =	sadd.s32 $0x4010, s14;
	[sflag:s3] =	ssyncadd.s32 $0xFFFFD800  }
0x14: {  	[tilespmem:s2], [sflag:$0x2] =	stream.linear.gather [hbm4b:s10+s2], $0x80, $0x38;
	[tilespmem:$0x2880] =	vst v63  }
0x15: {  	_ =	swait.ge [sflag:s3], $0x80  }
0x16: {  	[sflag:s3] =	ssyncset.done $0x0  }
0x17: {  	[sflag:s3] =	ssyncadd.s32 $0xFFFFFF80  }
0x18: {  	[tilespmem:s7], [sflag:$0x1] =	stream.indirect.gather [hbm4b:s5+s6], $0x80, s2, s6, $0xb8;
	[tilespmem:$0x2880] =	vst v63  }
0x19: {  	_ =	swait.ge [sflag:s8], $0x2800  }
0x1a: {  	[sflag:s8] =	ssyncset.done $0x0  }
0x1b: {  	s11 =	sadd.s32 $0x5500, s16;
	[sflag:s8] =	ssyncadd.s32 $0xFFFFD800  }
0x1c: {  	[hbm4b:s11+s2] =	stream.linear.scatter [tilespmem:s7], [sflag:$0x2], $0x2800, $0x38;
	[tilespmem:$0x2880] =	vst v63  }
0x1d: {  	_ =	swait.ge [sflag:s3], $0x2800  }
0x1e: {  	[sflag:s3] =	ssyncset.done $0x0  }
0x1f: {  	s12 =	sadd.s32 $0x4020, s14;
	[sflag:s3] =	ssyncadd.s32 $0xFFFFD800  }
0x20: {  	[tilespmem:s2], [sflag:$0x2] =	stream.linear.gather [hbm4b:s12+s2], $0x80, $0x38;
	[tilespmem:$0x2880] =	vst v63  }
0x21: {  	_ =	swait.ge [sflag:s3], $0x80  }
0x22: {  	[sflag:s3] =	ssyncset.done $0x0  }
0x23: {  	[sflag:s3] =	ssyncadd.s32 $0xFFFFFF80  }
0x24: {  	[tilespmem:s7], [sflag:$0x1] =	stream.indirect.gather [hbm4b:s5+s6], $0x80, s2, s6, $0xb8;
	[tilespmem:$0x2880] =	vst v63  }
0x25: {  	_ =	swait.ge [sflag:s8], $0x2800  }
0x26: {  	[sflag:s8] =	ssyncset.done $0x0  }
0x27: {  	s13 =	sadd.s32 $0x5A00, s16;
	[sflag:s8] =	ssyncadd.s32 $0xFFFFD800  }
0x28: {  	[hbm4b:s13+s2] =	stream.linear.scatter [tilespmem:s7], [sflag:$0x2], $0x2800, $0x38;
	[tilespmem:$0x2880] =	vst v63  }
0x29: {  	_ =	swait.ge [sflag:s3], $0x2800  }
0x2a: {  	[sflag:s3] =	ssyncset.done $0x0  }
0x2b: {  	s15 =	ssub.s32 $0x2, s15;
	s14 =	sadd.s32 $0x4030, s14;
	[sflag:s3] =	ssyncadd.s32 $0xFFFFD800  }
0x2c: {  	[tilespmem:s2], [sflag:$0x2] =	stream.linear.gather [hbm4b:s14+s2], $0x80, $0x38;
	[tilespmem:$0x2880] =	vst v63  }
0x2d: {  	s17 =	sshrl.u32 s15, $0x1;
	_ =	swait.ge [sflag:s3], $0x80  }
0x2e: {  	s15 =	ssub.s32 s15, s17;
	[sflag:s3] =	ssyncset.done $0x0  }
0x2f: {  	s17 =	smax.u32 s15, $0x1;
	[sflag:s3] =	ssyncadd.s32 $0xFFFFFF80  }
0x30: {  	[tilespmem:s7], [sflag:$0x1] =	stream.indirect.gather [hbm4b:s5+s6], $0x80, s2, s6, $0xb8;
	[tilespmem:$0x2880] =	vst v63  }
0x31: {  	p0 =	sne.s32 s17, $0x1;
	_ =	swait.ge [sflag:s8], $0x2800  }
.Ltmp0:
0x32: {  	[sflag:s8] =	ssyncset.done $0x0;
	(pc) =	sbr.rel @!p0 .LBB2_2-.Ltmp0, $4  }
0x33: {  	s15 =	sadd.s32 $0x5F00, s16;
	[sflag:s8] =	ssyncadd.s32 $0xFFFFD800  }
0x34: {  	[hbm4b:s15+s2] =	stream.linear.scatter [tilespmem:s7], [sflag:$0x2], $0x2800, $0x38;
	[tilespmem:$0x2880] =	vst v63  }
0x35: {  	_ =	swait.ge [sflag:s3], $0x2800  }
0x36: {  	s16 =	sadd.s32 $0xFFFFFFFF, s17;
	[sflag:s3] =	ssyncset.done $0x0  }
.LBB2_1:
0x37: {  	p0 =	sne.s32 s16, $0x1;
	s16 =	sadd.s32 $0xFFFFFFFF, s16;
	[sflag:s3] =	ssyncadd.s32 $0xFFFFD800  }
0x38: {  	[tilespmem:s2], [sflag:$0x2] =	stream.linear.gather [hbm4b:s4+s2], $0x80, $0x38;
	[tilespmem:$0x2880] =	vst v63  }
0x39: {  	_ =	swait.ge [sflag:s3], $0x80  }
0x3a: {  	[sflag:s3] =	ssyncset.done $0x0  }
0x3b: {  	[sflag:s3] =	ssyncadd.s32 $0xFFFFFF80  }
0x3c: {  	[tilespmem:s7], [sflag:$0x1] =	stream.indirect.gather [hbm4b:s5+s6], $0x80, s2, s6, $0xb8;
	[tilespmem:$0x2880] =	vst v63  }
0x3d: {  	_ =	swait.ge [sflag:s8], $0x2800  }
0x3e: {  	[sflag:s8] =	ssyncset.done $0x0  }
0x3f: {  	[sflag:s8] =	ssyncadd.s32 $0xFFFFD800  }
0x40: {  	[hbm4b:s9+s2] =	stream.linear.scatter [tilespmem:s7], [sflag:$0x2], $0x2800, $0x38;
	[tilespmem:$0x2880] =	vst v63  }
0x41: {  	_ =	swait.ge [sflag:s3], $0x2800  }
0x42: {  	[sflag:s3] =	ssyncset.done $0x0  }
0x43: {  	[sflag:s3] =	ssyncadd.s32 $0xFFFFD800  }
0x44: {  	[tilespmem:s2], [sflag:$0x2] =	stream.linear.gather [hbm4b:s10+s2], $0x80, $0x38;
	[tilespmem:$0x2880] =	vst v63  }
0x45: {  	_ =	swait.ge [sflag:s3], $0x80  }
0x46: {  	[sflag:s3] =	ssyncset.done $0x0  }
0x47: {  	[sflag:s3] =	ssyncadd.s32 $0xFFFFFF80  }
0x48: {  	[tilespmem:s7], [sflag:$0x1] =	stream.indirect.gather [hbm4b:s5+s6], $0x80, s2, s6, $0xb8;
	[tilespmem:$0x2880] =	vst v63  }
0x49: {  	_ =	swait.ge [sflag:s8], $0x2800  }
0x4a: {  	[sflag:s8] =	ssyncset.done $0x0  }
0x4b: {  	[sflag:s8] =	ssyncadd.s32 $0xFFFFD800  }
0x4c: {  	[hbm4b:s11+s2] =	stream.linear.scatter [tilespmem:s7], [sflag:$0x2], $0x2800, $0x38;
	[tilespmem:$0x2880] =	vst v63  }
0x4d: {  	_ =	swait.ge [sflag:s3], $0x2800  }
0x4e: {  	[sflag:s3] =	ssyncset.done $0x0  }
0x4f: {  	[sflag:s3] =	ssyncadd.s32 $0xFFFFD800  }
0x50: {  	[tilespmem:s2], [sflag:$0x2] =	stream.linear.gather [hbm4b:s12+s2], $0x80, $0x38;
	[tilespmem:$0x2880] =	vst v63  }
0x51: {  	_ =	swait.ge [sflag:s3], $0x80  }
0x52: {  	[sflag:s3] =	ssyncset.done $0x0  }
0x53: {  	[sflag:s3] =	ssyncadd.s32 $0xFFFFFF80  }
0x54: {  	[tilespmem:s7], [sflag:$0x1] =	stream.indirect.gather [hbm4b:s5+s6], $0x80, s2, s6, $0xb8;
	[tilespmem:$0x2880] =	vst v63  }
0x55: {  	_ =	swait.ge [sflag:s8], $0x2800  }
0x56: {  	[sflag:s8] =	ssyncset.done $0x0  }
0x57: {  	[sflag:s8] =	ssyncadd.s32 $0xFFFFD800  }
0x58: {  	[hbm4b:s13+s2] =	stream.linear.scatter [tilespmem:s7], [sflag:$0x2], $0x2800, $0x38;
	[tilespmem:$0x2880] =	vst v63  }
0x59: {  	_ =	swait.ge [sflag:s3], $0x2800  }
0x5a: {  	[sflag:s3] =	ssyncset.done $0x0  }
0x5b: {  	[sflag:s3] =	ssyncadd.s32 $0xFFFFD800  }
0x5c: {  	[tilespmem:s2], [sflag:$0x2] =	stream.linear.gather [hbm4b:s14+s2], $0x80, $0x38;
	[tilespmem:$0x2880] =	vst v63  }
0x5d: {  	_ =	swait.ge [sflag:s3], $0x80  }
0x5e: {  	[sflag:s3] =	ssyncset.done $0x0  }
0x5f: {  	[sflag:s3] =	ssyncadd.s32 $0xFFFFFF80  }
0x60: {  	[tilespmem:s7], [sflag:$0x1] =	stream.indirect.gather [hbm4b:s5+s6], $0x80, s2, s6, $0xb8;
	[tilespmem:$0x2880] =	vst v63  }
0x61: {  	_ =	swait.ge [sflag:s8], $0x2800  }
.Ltmp1:
0x62: {  	[sflag:s8] =	ssyncset.done $0x0;
	(pc) =	sbr.rel @p0 .LBB2_1-.Ltmp1, $4  }
0x63: {  	[sflag:s8] =	ssyncadd.s32 $0xFFFFD800  }
0x64: {  	[hbm4b:s15+s2] =	stream.linear.scatter [tilespmem:s7], [sflag:$0x2], $0x2800, $0x38;
	[tilespmem:$0x2880] =	vst v63  }
0x65: {  	_ =	swait.ge [sflag:s3], $0x2800  }
0x66: {  	[sflag:s3] =	ssyncset.done $0x0  }
.LBB2_2:
0x67: {  	[sflag:s3] =	ssyncadd.s32 $0xFFFFD800  }
0x68: {  	_ =	sfence.sel $0x180000  }
0x69: {  	[bflag:$0x0] =	sbarrier.arrive $0xFFFF  }
0x6a: {  	p0 =	sne.s32 s0, $0x0;
	_ =	strace $0x90000047  }
0x6b: {  	s0 =	sadd.s32 @!p0 $0x100000, s1;
	[bflag:$0x2] =	sbarrier.arrive $0xFFFF  }
0x6c: {  	[sflag:s0] =	ssyncadd.tile.s32 @!p0 $0x1;
	_ =	shalt  }
.Lfunc_end2:
_tile_overlayer_lowered:
.L_overlay_start_2:
0x6d: {  	(tag) =	ssettag $0x2  }
0x6e: {  	s0 =	rddreg [dreg:$0x0];
	s2 =	stileid.u32  }
0x6f: {  	s1 =	rddreg [dreg:$0x1];
	p0 =	sne.s32 s2, $0x0  }
0x70: {  	s3 =	rddreg [dreg:$0x2];
	[bflag:$0x3] =	sbarrier.arrive $0xFFFF;
	s2 =	simm.s32 @!p0 $0x1C02  }
0x71: {  	[timem:s3], [sflag:s2] =	dma.local @!p0 [hbm:s0], s1  }
0x72: {  	s0 =	simm.s32 @!p0 $0x2  }
0x73: {  	_ =	swait.ge @!p0 [sflag:s0], s1  }
0x74: {  	s1 =	ssub.s32 @!p0 $0x0, s1;
	[sflag:s0] =	ssyncset.done @!p0 $0x0  }
0x75: {  	[sflag:s0] =	ssyncadd.s32 @!p0 s1  }
0x76: {  	[bflag:$0x3] =	sbarrier.arrive $0xFFFF  }
0x77: {  	_ =	shalt  }

// kernel: kernel.16.cloned.1.call-start
scs
__scs_entry_jumppad:
0x0: {  	(pc) =	sbr.rel $0x88, $3  }
0x1: {  	(tag) =	ssettag $0x0;
	lr =	simm.s32 $0x1  }
0x2: {  	[smem:$0x3F9E] =	sst lr;
	_ =	strace $0xD0000000  }
0x3: {  	_ = 	snop  }
0x4: {  	_ = 	snop  }
0x5: {  	_ = 	snop  }
0x6: {  	_ = 	snop  }
0x7: {  	_ = 	snop  }
__scs_overlays_trampoline_lowered:
0x8: {  	[smem:$0x3FAD] =	sst s0  }
0x9: {  	[smem:$0x3FAE] =	sst s1  }
0xa: {  	[smem:$0x3FAF] =	sst s2  }
0xb: {  	[smem:$0x3FB0] =	sst s3  }
0xc: {  	[smem:$0x3FB1] =	sst s4  }
0xd: {  	[smem:$0x3FB2] =	sst s5  }
0xe: {  	[smem:$0x3FB3] =	sst s6  }
0xf: {  	[smem:$0x3FB4] =	sst s7  }
0x10: {  	[smem:$0x3FB5] =	sst s8  }
0x11: {  	[smem:$0x3FB6] =	sst s9;
	s0 =	simm.s32 @!p0 $0x0  }
0x12: {  	s1 =	sld [smem:$0x3F9C];
	s0 =	simm.s32 @p0 $0x1  }
0x13: {  	[smem:$0x3FB7] =	sst s0;
	s0 =	simm.s32 @!p1 $0x0  }
0x14: {  	s2 =	sld [smem:$0x3F9B];
	s0 =	simm.s32 @p1 $0x1  }
0x15: {  	[smem:$0x3FB8] =	sst s0;
	s0 =	simm.s32 @!p2 $0x0  }
0x16: {  	s3 =	sld [smem:$0x3FDB];
	s0 =	simm.s32 @p2 $0x1  }
0x17: {  	s4 =	simm.s32 $0x1BF5;
	[smem:$0x3FBA] =	sst s0  }
0x18: {  	s0 =	sld [smem:$0x3F9D];
	_ =	swait.ge [sflag:s4], $0x0  }
0x19: {  	s7 =	sld [smem:$0x3F9E]  }
0x1a: {  	s8 =	sadd.s32 $0xFFFFE003, lr  }
0x1b: {  	s9 =	sadd.s32 $0xFFFFFEF7, lr;
	s5 =	simm.s32 $0xFFFFFFFF;
	p2 =	slt.u32 s8, $0xFFFFF086  }
0x1c: {  	p1 =	slt.u32 s9, $0xF7A;
	s5 =	simm.s32 @!p2 $0x0  }
0x1d: {  	s5 =	simm.s32 @p1 $0x1;
	p0 =	seq.s32 s7, s2  }
0x1e: {  	s7 =	smul.u32 @!p0 $0xF7A, s2;
	p2 =	seq.s32 @!p0 s5, $0x0  }
0x1f: {  	s9 =	smul.u32 $0xF7A, s1;
	s8 =	simm.s32 @!p0 $0x1BF5;
	p2 =	por !p2, p0  }
0x20: {  	[sflag:s8] =	ssyncset.s32 @!p0 $0xFFFFF086;
	s6 =	sadd.s32 @!p0 s3, s7;
	s7 =	simm.s32 @!p0 $0x108  }
0x21: {  	s3 =	sadd.s32 s3, s9;
	s6 =	sadd.s32 @!p0 $0x88, s6;
	s7 =	simm.s32 @p2 $0x1082  }
0x22: {  	[simem:s7], [sflag:s8] =	dma.local @!p0 [hbm:s6], $0xF7A  }
0x23: {  	s9 =	sor.u32 $0xD0000000, s2;
	s6 =	simm.s32 $0x108;
	_ =	swait.ge @!p0 [sflag:s8], $0x0  }
0x24: {  	s3 =	sadd.s32 $0x88, s3;
	s6 =	simm.s32 @!p1 $0x1082;
	[sflag:s4] =	ssyncset.s32 $0xFFFFF086  }
0x25: {  	[simem:s6], [sflag:s4] =	dma.local [hbm:s3], $0xF7A  }
0x26: {  	[smem:$0x3F9E] =	sst s1;
	(tag) =	ssettag s2;
	_ =	strace s9  }
0x27: {  	s1 =	sld [smem:$0x3FAE]  }
0x28: {  	s2 =	sld [smem:$0x3FAF]  }
0x29: {  	s4 =	sld [smem:$0x3FB1]  }
0x2a: {  	p0 =	seq.s32 s5, $0x0;
	s5 =	sld [smem:$0x3FB2]  }
0x2b: {  	s6 =	sld [smem:$0x3FB3]  }
0x2c: {  	s7 =	sld [smem:$0x3FB4]  }
0x2d: {  	s3 =	simm.s32 $0x108;
	s8 =	sld [smem:$0x3FB5]  }
0x2e: {  	s3 =	simm.s32 @!p0 $0x1082;
	s9 =	sld [smem:$0x3FB6]  }
0x2f: {  	lr =	sadd.s32 s0, s3;
	s0 =	sld [smem:$0x3FAD]  }
0x30: {  	s3 =	sld [smem:$0x3FB0]  }
0x31: {  	[smem:$0x3FB9] =	sst s10  }
0x32: {  	s10 =	sld [smem:$0x3FB7];
	_ =	sdelay $0x3  }
0x33: {  	p0 =	seq.s32 s10, $0x1;
	s10 =	sld [smem:$0x3FB9];
	_ =	sdelay $0x3  }
0x34: {  	[smem:$0x3FB9] =	sst s10  }
0x35: {  	s10 =	sld [smem:$0x3FB8];
	_ =	sdelay $0x3  }
0x36: {  	p1 =	seq.s32 s10, $0x1;
	s10 =	sld [smem:$0x3FB9];
	_ =	sdelay $0x3  }
0x37: {  	[smem:$0x3FB9] =	sst s10  }
0x38: {  	s10 =	sld [smem:$0x3FBA]  }
0x39: {  	_ = 	snop;
	(pc) =	sbr.ind lr, $3  }
0x3a: {  	_ = 	snop  }
0x3b: {  	_ = 	snop  }
0x3c: {  	p2 =	seq.s32 s10, $0x1;
	s10 =	sld [smem:$0x3FB9]  }
0x3d: {  	_ =	shalt  }
0x3e: {  	_ =	shalt  }
0x3f: {  	_ =	shalt  }
0x40: {  	_ =	shalt  }
0x41: {  	_ =	shalt  }
0x42: {  	_ =	shalt  }
0x43: {  	_ =	shalt  }
0x44: {  	_ =	shalt  }
0x45: {  	_ =	shalt  }
0x46: {  	_ =	shalt  }
0x47: {  	_ =	shalt  }
0x48: {  	_ =	shalt  }
0x49: {  	_ =	shalt  }
0x4a: {  	_ =	shalt  }
0x4b: {  	_ =	shalt  }
0x4c: {  	_ =	shalt  }
0x4d: {  	_ =	shalt  }
0x4e: {  	_ =	shalt  }
0x4f: {  	_ =	shalt  }
0x50: {  	_ =	shalt  }
0x51: {  	_ =	shalt  }
0x52: {  	_ =	shalt  }
0x53: {  	_ =	shalt  }
0x54: {  	_ =	shalt  }
0x55: {  	_ =	shalt  }
0x56: {  	_ =	shalt  }
0x57: {  	_ =	shalt  }
0x58: {  	_ =	shalt  }
0x59: {  	_ =	shalt  }
0x5a: {  	_ =	shalt  }
0x5b: {  	_ =	shalt  }
0x5c: {  	_ =	shalt  }
0x5d: {  	_ =	shalt  }
0x5e: {  	_ =	shalt  }
0x5f: {  	_ =	shalt  }
0x60: {  	_ =	shalt  }
0x61: {  	_ =	shalt  }
0x62: {  	_ =	shalt  }
0x63: {  	_ =	shalt  }
0x64: {  	_ =	shalt  }
0x65: {  	_ =	shalt  }
0x66: {  	_ =	shalt  }
0x67: {  	_ =	shalt  }
0x68: {  	_ =	shalt  }
0x69: {  	_ =	shalt  }
0x6a: {  	_ =	shalt  }
0x6b: {  	_ =	shalt  }
0x6c: {  	_ =	shalt  }
0x6d: {  	_ =	shalt  }
0x6e: {  	_ =	shalt  }
0x6f: {  	_ =	shalt  }
0x70: {  	_ =	shalt  }
0x71: {  	_ =	shalt  }
0x72: {  	_ =	shalt  }
0x73: {  	_ =	shalt  }
0x74: {  	_ =	shalt  }
0x75: {  	_ =	shalt  }
0x76: {  	_ =	shalt  }
0x77: {  	_ =	shalt  }
0x78: {  	_ =	shalt  }
0x79: {  	_ =	shalt  }
0x7a: {  	_ =	shalt  }
0x7b: {  	_ =	shalt  }
0x7c: {  	_ =	shalt  }
0x7d: {  	_ =	shalt  }
0x7e: {  	_ =	shalt  }
0x7f: {  	_ =	shalt  }
0x80: {  	_ =	shalt  }
0x81: {  	_ =	shalt  }
0x82: {  	_ =	shalt  }
0x83: {  	_ =	shalt  }
0x84: {  	_ =	shalt  }
0x85: {  	_ =	shalt  }
0x86: {  	_ =	shalt  }
0x87: {  	_ =	shalt  }
.Lfunc_end0:
.L_simem_size_0:
called_computation.1_lowered:
.L_overlay_start_0:
0x88: {  	s2 =	sld [smem:$0x3FD9]  }
0x89: {  	s3 =	sld [smem:$0x3FFE];
	_ =	sdelay $0x1  }
0x8a: {  	s1 =	srdreg.scid  }
0x8b: {  	s0 =	sand.u32 $0x1, s1  }
0x8c: {  	s17 =	sshll.u32 s0, $0xA;
	s2 =	sadd.s32 s3, s2  }
0x8d: {  	s2 =	sadd.s32 s2, s17  }
0x8e: {  	[smem:$0x3FC5] =	sst s2  }
0x8f: {  	_ = 	snop  }
0x90: {  	s2 =	sld [smem:$0x3FD0];
	(tm) =	ssettm $0x1  }
0x91: {  	s18 =	sld [smem:$0x3FFB];
	_ =	sdelay $0x3  }
0x92: {  	_ =	strace s18  }
0x93: {  	s3 =	sld [smem:$0x3FFC];
	_ =	sdelay $0x3  }
0x94: {  	_ =	strace s3  }
0x95: {  	s3 =	sld [smem:$0x3FFD];
	_ =	sdelay $0x3  }
0x96: {  	_ =	strace s3  }
0x97: {  	_ =	strace $0x8FFFFFFF  }
0x98: {  	s19 =	sld [smem:$0x3FDB];
	_ =	sdelay $0x1  }
0x99: {  	s4 =	simm.s32 $_scs_section_size  }
0x9a: {  	s5 =	simm.s32 $_size__tile_overlayer_lowered;
	s6 =	simm.s32 $_tile_overlayer_lowered  }
0x9b: {  	s22 =	simm.s32 $0x1BFF;
	s21 =	sshll.u32 s6, $0x1;
	s3 =	sadd.s32 s4, s19  }
0x9c: {  	s7 =	simm.s32 $0x0;
	s20 =	sshll.u32 s5, $0x1;
	s5 =	sadd.s32 s21, s3  }
0x9d: {  	[timem:s7], [sflag:s22] =	dma.local [hbm:s5], s20  }
0x9e: {  	_ =	swait.ge [sflag:s22], s20  }
0x9f: {  	s4 =	ssub.s32 $0x0, s20;
	[sflag:s22] =	ssyncset.done $0x0  }
0xa0: {  	[sflag:s22] =	ssyncadd.s32 s4;
	_ =	sdelay $0x1  }
0xa1: {  	s23 =	simm.s32 $0x1B8B  }
0xa2: {  	_ =	swait.ge [sflag:s23], $0x1  }
0xa3: {  	[sflag:s23] =	ssyncset.done $0x0  }
0xa4: {  	s25 =	simm.s32 $0x1B8E;
	s24 =	sld [smem:$0x3FFE];
	[sflag:s23] =	ssyncadd.s32 $0xFFFFFFFF  }
0xa5: {  	s26 =	simm.s32 $execute0_lowered;
	[smem:$0x3FD2] =	sst s25  }
0xa6: {  	s5 =	sshll.u32 s26, $0x1;
	_ =	strace $0x80000049;
	[dreg:$0x1] =	wrdreg $0xFFFFFFFF  }
0xa7: {  	s28 =	simm.s32 $_size_execute0_lowered;
	s3 =	sadd.s32 s3, s5;
	[dreg:$0x0] =	wrdreg $0x0  }
0xa8: {  	s5 =	sshll.u32 s28, $0x1;
	[dreg:$0x2] =	wrdreg s3  }
0xa9: {  	[dreg:$0x3] =	wrdreg s5  }
0xaa: {  	[dreg:$0x4] =	wrdreg $0xC0  }
0xab: {  	_ =	task [dreg:s7], $0x5FFFF  }
0xac: {  	[dreg:$0x1] =	wrdreg $0xFFFFFFFF  }
0xad: {  	[dreg:$0x0] =	wrdreg $0x60  }
0xae: {  	[dreg:$0x2] =	wrdreg s24  }
0xaf: {  	[dreg:$0x3] =	wrdreg s2  }
0xb0: {  	[dreg:$0x4] =	wrdreg $0x88000  }
0xb1: {  	[dreg:$0x5] =	wrdreg $0x9  }
0xb2: {  	_ =	task.clear_ibuf [dreg:s7], $0x6FFFF;
	_ =	strace $0x90000049  }
0xb3: {  	s29 =	simm.s32 $0x9;
	_ =	strace $0x8000004B  }
0xb4: {  	_ =	swait.ge [sflag:s29], $0x1  }
0xb5: {  	[sflag:s29] =	ssyncadd.s32 $0xFFFFFFFF  }
0xb6: {  	_ =	strace $0x9000004B  }
0xb7: {  	_ =	sfence  }
0xb8: {  	s30 =	sld [smem:$0x0];
	_ =	sdelay $0x2  }
0xb9: {  	s31 =	sshll.u32 s1, $0xD;
	s1 =	sshrl.u32 s1, $0x2  }
0xba: {  	s3 =	sand.u32 $0x4000, s31;
	s1 =	sadd.s32 s1, s30  }
0xbb: {  	s0 =	sor.u32 s3, s0;
	s1 =	sshll.u32 s1, $0x11  }
0xbc: {  	s0 =	sor.u32 s1, s0  }
0xbd: {  	s0 =	sadd.s32 $0x8F2B, s0  }
0xbe: {  	[sflag:s0] =	ssyncadd.remote.s32 $0x1  }
0xbf: {  	_ =	sfence.sel $0xFFFF  }
0xc0: {  	[dreg:$0x0] =	wrdreg $0xFFFFFFFF;
	(pc) =	sbr.abs _section_cstart, $3  }
0xc1: {  	[dreg:$0x1] =	wrdreg $0xFFFFFFFF  }
0xc2: {  	_ =	task.clear_ibuf [dreg:s7], $0x2FFFF;
	_ =	strace $0x9FFFFFFF  }
0xc3: {  	(tm) =	ssettm $0x7FFFFFFF  }
tec
execute0_lowered:
.L_overlay_start_1:
0x0: {  	(tag) =	ssettag $0x1  }
0x1: {  	s0 =	rddreg [dreg:$0x0]  }
0x2: {  	s2 =	rddreg [dreg:$0x1];
	s1 =	srdreg.scid  }
0x3: {  	s3 =	rddreg [dreg:$0x2];
	s10 =	stileid.u32;
	s4 =	simm.s32 $0x0  }
0x4: {  	s25 =	simm.s32 $0x100;
	s26 =	simm.s32 $0x80;
	s28 =	simm.s32 $0x300  }
0x5: {  	s29 =	simm.s32 $0x280;
	s30 =	simm.s32 $0x2;
	s6 =	smul.u32 $0x14000, s10  }
0x6: {  	s31 =	simm.s32 $0x380;
	s1 =	sand.u32 $0x1, s1;
	s15 =	smul.u32 $0x5000, s10  }
0x7: {  	[smem:$0x7FF] =	sst s4;
	s5 =	smul.u32 $0x140000, s1;
	s7 =	sshll.u32 s1, $0x4  }
0x8: {  	_ =	strace $0x8000004A;
	s8 =	ssub.s32 $0x2, s1;
	[dreg:$0x5] =	wrdreg s25  }
0x9: {  	s1 =	smul.u32 $0x50000, s1;
	[dreg:$0x6] =	wrdreg s26;
	s25 =	simm.s32 $0x3  }
0xa: {  	s26 =	simm.s32 $0x200;
	s9 =	sor.u32 s10, s7;
	s12 =	sshrl.u32 s8, $0x1  }
0xb: {  	s5 =	sadd.s32 s6, s5;
	s6 =	smul.u32 $0x5000, s9;
	s7 =	ssub.s32 s8, s12  }
0xc: {  	s9 =	smul.u32 $0x50000, s10;
	s19 =	sadd.s32 s15, s1;
	s1 =	simm.s32 $0x480  }
0xd: {  	s10 =	simm.s32 $0x680;
	s12 =	simm.s32 $0x0;
	s11 =	sshrl.u32 s5, $0x3  }
0xe: {  	s5 =	sadd.s32 $0x5000, s0;
	s16 =	smax.u32 s7, $0x1;
	s0 =	sadd.s32 s11, s0  }
0xf: {  	s13 =	sshrl.u32 s6, $0x3;
	s6 =	sor.u32 $0x800, s6;
	[dreg:$0x9] =	wrdreg s16  }
0x10: {  	s14 =	sshrl.u32 s9, $0x2;
	s8 =	sadd.s32 s2, s13;
	[dreg:$0x4] =	wrdreg s6  }
0x11: {  	s0 =	sadd.s32 $0x2D000, s0;
	[dreg:$0x7] =	wrdreg s8;
	s8 =	sadd.s32 s14, s3  }
0x12: {  	s7 =	simm.s32 $0x600;
	[dreg:$0x8] =	wrdreg s0;
	s17 =	sadd.s32 $0x2800, s8  }
0x13: {  	s9 =	simm.s32 $0x700;
	s18 =	sadd.s32 $0x5000, s8;
	[dreg:$0xa] =	wrdreg s17  }
0x14: {  	s11 =	simm.s32 $0x780;
	s20 =	sadd.s32 $0x7800, s8;
	[dreg:$0xb] =	wrdreg s18  }
0x15: {  	s6 =	simm.s32 $0x580;
	s21 =	sadd.s32 $0xA000, s8;
	[dreg:$0xc] =	wrdreg s20  }
0x16: {  	s0 =	sor.u32 $0x400, s19;
	s22 =	sadd.s32 $0xC800, s8;
	[dreg:$0xd] =	wrdreg s21  }
0x17: {  	s19 =	simm.s32 $0x4;
	s23 =	sadd.s32 $0xF000, s8;
	[dreg:$0xe] =	wrdreg s22  }
0x18: {  	s0 =	sshrl.u32 s0, $0x3;
	s24 =	sadd.s32 $0x11800, s8;
	[dreg:$0xf] =	wrdreg s23  }
0x19: {  	[dreg:$0x10] =	wrdreg s24;
	s14 =	sadd.s32 s0, s2;
	s18 =	simm.s32 $0x800  }
0x1a: {  	s20 =	simm.s32 $0x400;
	s21 =	simm.s32 $0x7D;
	s22 =	simm.s32 $0x4800  }
0x1b: {  	v0 =	vimm.f32 $0.0e+00;
	s23 =	simm.s32 $0x1;
	s24 =	simm.s32 $0x180;
	s0 =	simm.s32 $0x500  }
.LBB2_1:
0x1c: {  	s13 =	simm.s32 $0x0;
	s15 =	simm.s32 $0x200  }
.LBB2_2:
0x1d: {  	p0 =	sne.s32 s15, $0x9E00;
	[tilespmem:s13+$0x870] =	vst v0  }
0x1e: {  	[tilespmem:s13+$0x800] =	vst v0  }
0x1f: {  	[tilespmem:s13+$0x810] =	vst v0  }
.Ltmp0:
0x20: {  	[tilespmem:s13+$0x820] =	vst v0;
	(pc) =	sbr.rel @p0 .LBB2_2-.Ltmp0, $4  }
0x21: {  	[tilespmem:s13+$0x830] =	vst v0  }
0x22: {  	[tilespmem:s13+$0x840] =	vst v0  }
0x23: {  	[tilespmem:s13+$0x850] =	vst v0  }
0x24: {  	[tilespmem:s13+$0x860] =	vst v0;
	s13 =	sshra.s32 s15, $0x2;
	s15 =	sadd.s32 $0x200, s15  }
0x25: {  	[tilespmem:s13+$0x870] =	vst v0  }
0x26: {  	[tilespmem:s13+$0x800] =	vst v0  }
0x27: {  	[tilespmem:s13+$0x810] =	vst v0  }
0x28: {  	[tilespmem:s13+$0x820] =	vst v0  }
0x29: {  	[tilespmem:s13+$0x830] =	vst v0  }
0x2a: {  	[tilespmem:s13+$0x840] =	vst v0  }
0x2b: {  	[tilespmem:s13+$0x850] =	vst v0  }
0x2c: {  	[tilespmem:s13+$0x860] =	vst v0  }
0x2d: {  	[spmem:s8] =	stream.linear.scatter [tilespmem:s18], [sflag:$0x4], $0x2800, $0x38;
	[tilespmem:$0x1C800] =	vst v63  }
0x2e: {  	_ =	swait.ge [sflag:s19], $0x2800  }
0x2f: {  	[sflag:s19] =	ssyncset.done $0x0  }
0x30: {  	s16 =	rddreg [dreg:$0xa];
	[sflag:s19] =	ssyncadd.s32 $0xFFFFD800  }
0x31: {  	[spmem:s16] =	stream.linear.scatter [tilespmem:s18], [sflag:$0x4], $0x2800, $0x38;
	[tilespmem:$0x1C800] =	vst v63  }
0x32: {  	_ =	swait.ge [sflag:s19], $0x2800  }
0x33: {  	[sflag:s19] =	ssyncset.done $0x0  }
0x34: {  	s17 =	rddreg [dreg:$0xb];
	[sflag:s19] =	ssyncadd.s32 $0xFFFFD800  }
0x35: {  	[spmem:s17] =	stream.linear.scatter [tilespmem:s18], [sflag:$0x4], $0x2800, $0x38;
	[tilespmem:$0x1C800] =	vst v63  }
0x36: {  	_ =	swait.ge [sflag:s19], $0x2800  }
0x37: {  	[sflag:s19] =	ssyncset.done $0x0  }
0x38: {  	s15 =	rddreg [dreg:$0xc];
	[sflag:s19] =	ssyncadd.s32 $0xFFFFD800  }
0x39: {  	[spmem:s15] =	stream.linear.scatter [tilespmem:s18], [sflag:$0x4], $0x2800, $0x38;
	[tilespmem:$0x1C800] =	vst v63  }
0x3a: {  	_ =	swait.ge [sflag:s19], $0x2800  }
0x3b: {  	[sflag:s19] =	ssyncset.done $0x0  }
0x3c: {  	s16 =	rddreg [dreg:$0xd];
	[sflag:s19] =	ssyncadd.s32 $0xFFFFD800  }
0x3d: {  	[spmem:s16] =	stream.linear.scatter [tilespmem:s18], [sflag:$0x4], $0x2800, $0x38;
	[tilespmem:$0x1C800] =	vst v63  }
0x3e: {  	_ =	swait.ge [sflag:s19], $0x2800  }
0x3f: {  	[sflag:s19] =	ssyncset.done $0x0  }
0x40: {  	s17 =	rddreg [dreg:$0xe];
	[sflag:s19] =	ssyncadd.s32 $0xFFFFD800  }
0x41: {  	[spmem:s17] =	stream.linear.scatter [tilespmem:s18], [sflag:$0x4], $0x2800, $0x38;
	[tilespmem:$0x1C800] =	vst v63  }
0x42: {  	_ =	swait.ge [sflag:s19], $0x2800  }
0x43: {  	[sflag:s19] =	ssyncset.done $0x0  }
0x44: {  	s15 =	rddreg [dreg:$0xf];
	[sflag:s19] =	ssyncadd.s32 $0xFFFFD800  }
0x45: {  	[spmem:s15] =	stream.linear.scatter [tilespmem:s18], [sflag:$0x4], $0x2800, $0x38;
	[tilespmem:$0x1C800] =	vst v63  }
0x46: {  	_ =	swait.ge [sflag:s19], $0x2800  }
0x47: {  	[sflag:s19] =	ssyncset.done $0x0  }
0x48: {  	s16 =	rddreg [dreg:$0x10];
	[sflag:s19] =	ssyncadd.s32 $0xFFFFD800  }
0x49: {  	[spmem:s16] =	stream.linear.scatter [tilespmem:s18], [sflag:$0x4], $0x2800, $0x38;
	[tilespmem:$0x1C800] =	vst v63  }
0x4a: {  	_ =	swait.ge [sflag:s19], $0x2800  }
0x4b: {  	[sflag:s19] =	ssyncset.done $0x0  }
0x4c: {  	[sflag:s19] =	ssyncadd.s32 $0xFFFFD800  }
0x4d: {  	[bflag:$0x0] =	sbarrier.arrive $0xFFFF  }
0x4e: {  	s13 =	simm.s32 $0x0;
	s15 =	rddreg [dreg:$0x7]  }
0x4f: {  	[tilespmem:s13], [sflag:$0x4] =	stream.linear.gather [hbm4b:s15+s13], $0x400, $0x38;
	[tilespmem:$0x1C800] =	vst v63  }
0x50: {  	_ =	swait.ge [sflag:s19], $0x400  }
0x51: {  	[sflag:s19] =	ssyncset.done $0x0  }
0x52: {  	[sflag:s19] =	ssyncadd.s32 $0xFFFFFC00  }
0x53: {  	[tilespmem:s20], [sflag:$0x2] =	stream.linear.gather [hbm4b:s14+s4], $0x400, $0x38;
	[tilespmem:$0x1C800] =	vst v63  }
0x54: {  	_ = 	snop  }
0x55: {  	[tilespmem:s18], [sflag:$0x1] =	stream.indirect.gather [hbm4b:s5+s21], $0x80, s4, s21, $0xb8;
	[tilespmem:$0x1C800] =	vst v63  }
0x56: {  	s17 =	rddreg [dreg:$0x5]  }
0x57: {  	[tilespmem:s22], [sflag:$0x1] =	stream.indirect.gather [hbm4b:s5+s21], $0x80, s17, s21, $0xb8;
	[tilespmem:$0x1C800] =	vst v63  }
0x58: {  	_ =	swait.ge [sflag:s23], $0x3E80  }
0x59: {  	[sflag:s23] =	ssyncset.done $0x0  }
0x5a: {  	s16 =	rddreg [dreg:$0x6];
	[sflag:s23] =	ssyncadd.s32 $0xFFFFC180  }
0x5b: {  	[spmem:s3] =	stream.indirect.scatter.add.f32 [tilespmem:s18], [sflag:$0x3], $0x80, s16, s21, $0xb8;
	[tilespmem:$0x1C800] =	vst v63  }
0x5c: {  	_ =	swait.ge [sflag:s23], $0x3E80  }
0x5d: {  	[sflag:s23] =	ssyncset.done $0x0  }
0x5e: {  	[sflag:s23] =	ssyncadd.s32 $0xFFFFC180  }
0x5f: {  	[spmem:s3] =	stream.indirect.scatter.add.f32 [tilespmem:s22], [sflag:$0x3], $0x80, s24, s21, $0xb8;
	[tilespmem:$0x1C800] =	vst v63  }
0x60: {  	_ =	swait.ge [sflag:s25], $0x3E80  }
0x61: {  	[sflag:s25] =	ssyncset.done $0x0  }
0x62: {  	[sflag:s25] =	ssyncadd.s32 $0xFFFFC180  }
0x63: {  	[tilespmem:s18], [sflag:$0x1] =	stream.indirect.gather [hbm4b:s5+s21], $0x80, s26, s21, $0xb8;
	[tilespmem:$0x1C800] =	vst v63  }
0x64: {  	_ =	swait.ge [sflag:s25], $0x3E80  }
0x65: {  	[sflag:s25] =	ssyncset.done $0x0  }
0x66: {  	[sflag:s25] =	ssyncadd.s32 $0xFFFFC180  }
0x67: {  	[tilespmem:s22], [sflag:$0x1] =	stream.indirect.gather [hbm4b:s5+s21], $0x80, s28, s21, $0xb8;
	[tilespmem:$0x1C800] =	vst v63  }
0x68: {  	_ =	swait.ge [sflag:s23], $0x3E80  }
0x69: {  	[sflag:s23] =	ssyncset.done $0x0  }
0x6a: {  	[sflag:s23] =	ssyncadd.s32 $0xFFFFC180  }
0x6b: {  	[spmem:s3] =	stream.indirect.scatter.add.f32 [tilespmem:s18], [sflag:$0x3], $0x80, s29, s21, $0xb8;
	[tilespmem:$0x1C800] =	vst v63  }
0x6c: {  	_ =	swait.ge [sflag:s30], $0x400  }
0x6d: {  	[sflag:s30] =	ssyncset.done $0x0  }
0x6e: {  	[sflag:s30] =	ssyncadd.s32 $0xFFFFFC00  }
0x6f: {  	_ =	swait.ge [sflag:s23], $0x3E80  }
0x70: {  	[sflag:s23] =	ssyncset.done $0x0  }
0x71: {  	[sflag:s23] =	ssyncadd.s32 $0xFFFFC180  }
0x72: {  	[spmem:s3] =	stream.indirect.scatter.add.f32 [tilespmem:s22], [sflag:$0x3], $0x80, s31, s21, $0xb8;
	[tilespmem:$0x1C800] =	vst v63  }
0x73: {  	_ =	swait.ge [sflag:s25], $0x3E80  }
0x74: {  	[sflag:s25] =	ssyncset.done $0x0  }
0x75: {  	[sflag:s25] =	ssyncadd.s32 $0xFFFFC180  }
0x76: {  	s13 =	smin.u32 s13, $0x11;
	_ =	swait.ge [sflag:s25], $0x3E80  }
0x77: {  	s13 =	sshll.u32 s13, $0xA;
	s17 =	rddreg [dreg:$0x4]  }
0x78: {  	s13 =	sadd.s32 s13, s17  }
0x79: {  	[sflag:s25] =	ssyncset.done $0x0;
	s13 =	sshrl.u32 s13, $0x3  }
0x7a: {  	[sflag:s25] =	ssyncadd.s32 $0xFFFFC180;
	s13 =	sadd.s32 s2, s13  }
0x7b: {  	[tilespmem:s4], [sflag:$0x2] =	stream.linear.gather [hbm4b:s13+s4], $0x400, $0x38;
	[tilespmem:$0x1C800] =	vst v63  }
0x7c: {  	_ = 	snop  }
0x7d: {  	[tilespmem:s18], [sflag:$0x1] =	stream.indirect.gather [hbm4b:s5+s21], $0x80, s20, s21, $0xb8;
	[tilespmem:$0x1C800] =	vst v63  }
0x7e: {  	_ = 	snop  }
0x7f: {  	[tilespmem:s22], [sflag:$0x1] =	stream.indirect.gather [hbm4b:s5+s21], $0x80, s0, s21, $0xb8;
	[tilespmem:$0x1C800] =	vst v63  }
0x80: {  	_ =	swait.ge [sflag:s23], $0x3E80  }
0x81: {  	[sflag:s23] =	ssyncset.done $0x0  }
0x82: {  	[sflag:s23] =	ssyncadd.s32 $0xFFFFC180  }
0x83: {  	[spmem:s3] =	stream.indirect.scatter.add.f32 [tilespmem:s18], [sflag:$0x3], $0x80, s1, s21, $0xb8;
	[tilespmem:$0x1C800] =	vst v63  }
0x84: {  	_ =	swait.ge [sflag:s23], $0x3E80  }
0x85: {  	[sflag:s23] =	ssyncset.done $0x0  }
0x86: {  	[sflag:s23] =	ssyncadd.s32 $0xFFFFC180  }
0x87: {  	[spmem:s3] =	stream.indirect.scatter.add.f32 [tilespmem:s22], [sflag:$0x3], $0x80, s6, s21, $0xb8;
	[tilespmem:$0x1C800] =	vst v63  }
0x88: {  	_ =	swait.ge [sflag:s25], $0x3E80  }
0x89: {  	[sflag:s25] =	ssyncset.done $0x0  }
0x8a: {  	[sflag:s25] =	ssyncadd.s32 $0xFFFFC180  }
0x8b: {  	[tilespmem:s18], [sflag:$0x1] =	stream.indirect.gather [hbm4b:s5+s21], $0x80, s7, s21, $0xb8;
	[tilespmem:$0x1C800] =	vst v63  }
0x8c: {  	_ =	swait.ge [sflag:s25], $0x3E80  }
0x8d: {  	[sflag:s25] =	ssyncset.done $0x0  }
0x8e: {  	[sflag:s25] =	ssyncadd.s32 $0xFFFFC180  }
0x8f: {  	[tilespmem:s22], [sflag:$0x1] =	stream.indirect.gather [hbm4b:s5+s21], $0x80, s9, s21, $0xb8;
	[tilespmem:$0x1C800] =	vst v63  }
0x90: {  	_ =	swait.ge [sflag:s23], $0x3E80  }
0x91: {  	[sflag:s23] =	ssyncset.done $0x0  }
0x92: {  	[sflag:s23] =	ssyncadd.s32 $0xFFFFC180  }
0x93: {  	[spmem:s3] =	stream.indirect.scatter.add.f32 [tilespmem:s18], [sflag:$0x3], $0x80, s10, s21, $0xb8;
	[tilespmem:$0x1C800] =	vst v63  }
0x94: {  	_ =	swait.ge [sflag:s30], $0x400  }
0x95: {  	[sflag:s30] =	ssyncset.done $0x0  }
0x96: {  	[sflag:s30] =	ssyncadd.s32 $0xFFFFFC00  }
0x97: {  	_ =	swait.ge [sflag:s23], $0x3E80  }
0x98: {  	[sflag:s23] =	ssyncset.done $0x0  }
0x99: {  	[sflag:s23] =	ssyncadd.s32 $0xFFFFC180  }
0x9a: {  	[spmem:s3] =	stream.indirect.scatter.add.f32 [tilespmem:s22], [sflag:$0x3], $0x80, s11, s21, $0xb8;
	[tilespmem:$0x1C800] =	vst v63  }
0x9b: {  	_ =	swait.ge [sflag:s25], $0x3E80  }
0x9c: {  	[sflag:s25] =	ssyncset.done $0x0  }
0x9d: {  	[sflag:s25] =	ssyncadd.s32 $0xFFFFC180  }
0x9e: {  	_ =	swait.ge [sflag:s25], $0x3E80  }
0x9f: {  	s17 =	smov.u32 s14;
	s13 =	simm.s32 $0x2;
	[sflag:s25] =	ssyncset.done $0x0  }
.LBB2_4:
0xa0: {  	[sflag:s25] =	ssyncadd.s32 $0xFFFFC180;
	s17 =	sadd.s32 $0x100, s17  }
0xa1: {  	[tilespmem:s20], [sflag:$0x2] =	stream.linear.gather [hbm4b:s17+s4], $0x400, $0x38;
	[tilespmem:$0x1C800] =	vst v63  }
0xa2: {  	_ = 	snop  }
0xa3: {  	[tilespmem:s18], [sflag:$0x1] =	stream.indirect.gather [hbm4b:s5+s21], $0x80, s4, s21, $0xb8;
	[tilespmem:$0x1C800] =	vst v63  }
0xa4: {  	s16 =	rddreg [dreg:$0x5]  }
0xa5: {  	[tilespmem:s22], [sflag:$0x1] =	stream.indirect.gather [hbm4b:s5+s21], $0x80, s16, s21, $0xb8;
	[tilespmem:$0x1C800] =	vst v63  }
0xa6: {  	_ =	swait.ge [sflag:s23], $0x3E80  }
0xa7: {  	[sflag:s23] =	ssyncset.done $0x0  }
0xa8: {  	s16 =	rddreg [dreg:$0x6];
	[sflag:s23] =	ssyncadd.s32 $0xFFFFC180  }
0xa9: {  	[spmem:s3] =	stream.indirect.scatter.add.f32 [tilespmem:s18], [sflag:$0x3], $0x80, s16, s21, $0xb8;
	[tilespmem:$0x1C800] =	vst v63  }
0xaa: {  	_ =	swait.ge [sflag:s23], $0x3E80  }
0xab: {  	[sflag:s23] =	ssyncset.done $0x0  }
0xac: {  	[sflag:s23] =	ssyncadd.s32 $0xFFFFC180  }
0xad: {  	[spmem:s3] =	stream.indirect.scatter.add.f32 [tilespmem:s22], [sflag:$0x3], $0x80, s24, s21, $0xb8;
	[tilespmem:$0x1C800] =	vst v63  }
0xae: {  	_ =	swait.ge [sflag:s25], $0x3E80  }
0xaf: {  	[sflag:s25] =	ssyncset.done $0x0  }
0xb0: {  	[sflag:s25] =	ssyncadd.s32 $0xFFFFC180  }
0xb1: {  	[tilespmem:s18], [sflag:$0x1] =	stream.indirect.gather [hbm4b:s5+s21], $0x80, s26, s21, $0xb8;
	[tilespmem:$0x1C800] =	vst v63  }
0xb2: {  	_ =	swait.ge [sflag:s25], $0x3E80  }
0xb3: {  	[sflag:s25] =	ssyncset.done $0x0  }
0xb4: {  	[sflag:s25] =	ssyncadd.s32 $0xFFFFC180  }
0xb5: {  	[tilespmem:s22], [sflag:$0x1] =	stream.indirect.gather [hbm4b:s5+s21], $0x80, s28, s21, $0xb8;
	[tilespmem:$0x1C800] =	vst v63  }
0xb6: {  	_ =	swait.ge [sflag:s23], $0x3E80  }
0xb7: {  	[sflag:s23] =	ssyncset.done $0x0  }
0xb8: {  	[sflag:s23] =	ssyncadd.s32 $0xFFFFC180  }
0xb9: {  	[spmem:s3] =	stream.indirect.scatter.add.f32 [tilespmem:s18], [sflag:$0x3], $0x80, s29, s21, $0xb8;
	[tilespmem:$0x1C800] =	vst v63  }
0xba: {  	_ =	swait.ge [sflag:s30], $0x400  }
0xbb: {  	[sflag:s30] =	ssyncset.done $0x0  }
0xbc: {  	[sflag:s30] =	ssyncadd.s32 $0xFFFFFC00  }
0xbd: {  	_ =	swait.ge [sflag:s23], $0x3E80  }
0xbe: {  	[sflag:s23] =	ssyncset.done $0x0  }
0xbf: {  	[sflag:s23] =	ssyncadd.s32 $0xFFFFC180  }
0xc0: {  	[spmem:s3] =	stream.indirect.scatter.add.f32 [tilespmem:s22], [sflag:$0x3], $0x80, s31, s21, $0xb8;
	[tilespmem:$0x1C800] =	vst v63  }
0xc1: {  	_ =	swait.ge [sflag:s25], $0x3E80  }
0xc2: {  	[sflag:s25] =	ssyncset.done $0x0  }
0xc3: {  	s15 =	smov.u32 s13;
	[sflag:s25] =	ssyncadd.s32 $0xFFFFC180  }
0xc4: {  	s15 =	smin.u32 s15, $0x11;
	_ =	swait.ge [sflag:s25], $0x3E80  }
0xc5: {  	s15 =	sshll.u32 s15, $0xA;
	s16 =	rddreg [dreg:$0x4]  }
0xc6: {  	s15 =	sadd.s32 s15, s16  }
0xc7: {  	[sflag:s25] =	ssyncset.done $0x0;
	s15 =	sshrl.u32 s15, $0x3  }
0xc8: {  	[sflag:s25] =	ssyncadd.s32 $0xFFFFC180;
	s15 =	sadd.s32 s2, s15  }
0xc9: {  	[tilespmem:s4], [sflag:$0x2] =	stream.linear.gather [hbm4b:s15+s4], $0x400, $0x38;
	[tilespmem:$0x1C800] =	vst v63  }
0xca: {  	_ = 	snop  }
0xcb: {  	[tilespmem:s18], [sflag:$0x1] =	stream.indirect.gather [hbm4b:s5+s21], $0x80, s20, s21, $0xb8;
	[tilespmem:$0x1C800] =	vst v63  }
0xcc: {  	_ = 	snop  }
0xcd: {  	[tilespmem:s22], [sflag:$0x1] =	stream.indirect.gather [hbm4b:s5+s21], $0x80, s0, s21, $0xb8;
	[tilespmem:$0x1C800] =	vst v63  }
0xce: {  	_ =	swait.ge [sflag:s23], $0x3E80  }
0xcf: {  	[sflag:s23] =	ssyncset.done $0x0  }
0xd0: {  	[sflag:s23] =	ssyncadd.s32 $0xFFFFC180  }
0xd1: {  	[spmem:s3] =	stream.indirect.scatter.add.f32 [tilespmem:s18], [sflag:$0x3], $0x80, s1, s21, $0xb8;
	[tilespmem:$0x1C800] =	vst v63  }
0xd2: {  	_ =	swait.ge [sflag:s23], $0x3E80  }
0xd3: {  	[sflag:s23] =	ssyncset.done $0x0  }
0xd4: {  	[sflag:s23] =	ssyncadd.s32 $0xFFFFC180  }
0xd5: {  	[spmem:s3] =	stream.indirect.scatter.add.f32 [tilespmem:s22], [sflag:$0x3], $0x80, s6, s21, $0xb8;
	[tilespmem:$0x1C800] =	vst v63  }
0xd6: {  	_ =	swait.ge [sflag:s25], $0x3E80  }
0xd7: {  	[sflag:s25] =	ssyncset.done $0x0  }
0xd8: {  	[sflag:s25] =	ssyncadd.s32 $0xFFFFC180  }
0xd9: {  	[tilespmem:s18], [sflag:$0x1] =	stream.indirect.gather [hbm4b:s5+s21], $0x80, s7, s21, $0xb8;
	[tilespmem:$0x1C800] =	vst v63  }
0xda: {  	_ =	swait.ge [sflag:s25], $0x3E80  }
0xdb: {  	[sflag:s25] =	ssyncset.done $0x0  }
0xdc: {  	[sflag:s25] =	ssyncadd.s32 $0xFFFFC180  }
0xdd: {  	[tilespmem:s22], [sflag:$0x1] =	stream.indirect.gather [hbm4b:s5+s21], $0x80, s9, s21, $0xb8;
	[tilespmem:$0x1C800] =	vst v63  }
0xde: {  	_ =	swait.ge [sflag:s23], $0x3E80  }
0xdf: {  	[sflag:s23] =	ssyncset.done $0x0  }
0xe0: {  	[sflag:s23] =	ssyncadd.s32 $0xFFFFC180  }
0xe1: {  	[spmem:s3] =	stream.indirect.scatter.add.f32 [tilespmem:s18], [sflag:$0x3], $0x80, s10, s21, $0xb8;
	[tilespmem:$0x1C800] =	vst v63  }
0xe2: {  	_ =	swait.ge [sflag:s30], $0x400  }
0xe3: {  	[sflag:s30] =	ssyncset.done $0x0  }
0xe4: {  	[sflag:s30] =	ssyncadd.s32 $0xFFFFFC00  }
0xe5: {  	_ =	swait.ge [sflag:s23], $0x3E80  }
0xe6: {  	[sflag:s23] =	ssyncset.done $0x0  }
0xe7: {  	p0 =	sne.s32 s13, $0x12;
	[sflag:s23] =	ssyncadd.s32 $0xFFFFC180  }
0xe8: {  	[spmem:s3] =	stream.indirect.scatter.add.f32 [tilespmem:s22], [sflag:$0x3], $0x80, s11, s21, $0xb8;
	[tilespmem:$0x1C800] =	vst v63  }
.Ltmp1:
0xe9: {  	_ =	swait.ge [sflag:s25], $0x3E80;
	(pc) =	sbr.rel @p0 .LBB2_4-.Ltmp1, $4  }
0xea: {  	[sflag:s25] =	ssyncset.done $0x0  }
0xeb: {  	[sflag:s25] =	ssyncadd.s32 $0xFFFFC180  }
0xec: {  	_ =	swait.ge [sflag:s25], $0x3E80  }
0xed: {  	s13 =	sadd.s32 $0x2, s13;
	[sflag:s25] =	ssyncset.done $0x0  }
0xee: {  	[sflag:s25] =	ssyncadd.s32 $0xFFFFC180;
	s13 =	stileid.u32  }
0xef: {  	s13 =	sshll.u32 s13, $0x6;
	[bflag:$0x0] =	sbarrier.arrive $0xFFFF  }
0xf0: {  	s15 =	sshrl.u32 s8, $0x3;
	s13 =	sor.u32 $0x1C04, s13;
	s16 =	rddreg [dreg:$0x8]  }
0xf1: {  	[hbm:s16], [sflag:s13] =	dma.local [spmem:s15], $0x2800  }
0xf2: {  	_ =	swait.ge [sflag:s19], $0x2800  }
0xf3: {  	s12 =	sadd.s32 $0x1, s12;
	s17 =	rddreg [dreg:$0x9]  }
0xf4: {  	p0 =	sne.s32 s12, s17  }
.Ltmp2:
0xf5: {  	_ = 	snop;
	(pc) =	sbr.rel @p0 .LBB2_1-.Ltmp2, $3  }
0xf6: {  	_ =	sdelay $0x1  }
0xf7: {  	[sflag:s19] =	ssyncset.done $0x0  }
0xf8: {  	[sflag:s19] =	ssyncadd.s32 $0xFFFFD800  }
0xf9: {  	_ =	sfence.sel $0x180000  }
0xfa: {  	[bflag:$0x0] =	sbarrier.arrive $0xFFFF  }
0xfb: {  	_ =	strace $0x9000004A  }
0xfc: {  	s0 =	stileid.u32;
	[bflag:$0x2] =	sbarrier.arrive $0xFFFF  }
0xfd: {  	p0 =	sne.s32 s0, $0x0;
	s0 =	rddreg [dreg:$0x3]  }
0xfe: {  	s0 =	sadd.s32 @!p0 $0x100000, s0  }
0xff: {  	[sflag:s0] =	ssyncadd.tile.s32 @!p0 $0x1;
	_ =	shalt  }
.Lfunc_end2:
_tile_overlayer_lowered:
.L_overlay_start_2:
0x100: {  	(tag) =	ssettag $0x2  }
0x101: {  	s0 =	rddreg [dreg:$0x0];
	s2 =	stileid.u32  }
0x102: {  	s1 =	rddreg [dreg:$0x1];
	p0 =	sne.s32 s2, $0x0  }
0x103: {  	s3 =	rddreg [dreg:$0x2];
	[bflag:$0x3] =	sbarrier.arrive $0xFFFF;
	s2 =	simm.s32 @!p0 $0x1C04  }
0x104: {  	[timem:s3], [sflag:s2] =	dma.local @!p0 [hbm:s0], s1  }
0x105: {  	s0 =	simm.s32 @!p0 $0x4  }
0x106: {  	_ =	swait.ge @!p0 [sflag:s0], s1  }
0x107: {  	s1 =	ssub.s32 @!p0 $0x0, s1;
	[sflag:s0] =	ssyncset.done @!p0 $0x0  }
0x108: {  	[sflag:s0] =	ssyncadd.s32 @!p0 s1  }
0x109: {  	[bflag:$0x3] =	sbarrier.arrive $0xFFFF  }
0x10a: {  	_ =	shalt  }

// kernel: kernel.19.cloned.1.call-start
scs
__scs_entry_jumppad:
0x0: {  	(pc) =	sbr.rel $0x88, $3  }
0x1: {  	(tag) =	ssettag $0x0;
	lr =	simm.s32 $0x1  }
0x2: {  	[smem:$0x3F9E] =	sst lr;
	_ =	strace $0xD0000000  }
0x3: {  	_ = 	snop  }
0x4: {  	_ = 	snop  }
0x5: {  	_ = 	snop  }
0x6: {  	_ = 	snop  }
0x7: {  	_ = 	snop  }
__scs_overlays_trampoline_lowered:
0x8: {  	[smem:$0x3FAD] =	sst s0  }
0x9: {  	[smem:$0x3FAE] =	sst s1  }
0xa: {  	[smem:$0x3FAF] =	sst s2  }
0xb: {  	[smem:$0x3FB0] =	sst s3  }
0xc: {  	[smem:$0x3FB1] =	sst s4  }
0xd: {  	[smem:$0x3FB2] =	sst s5  }
0xe: {  	[smem:$0x3FB3] =	sst s6  }
0xf: {  	[smem:$0x3FB4] =	sst s7  }
0x10: {  	[smem:$0x3FB5] =	sst s8  }
0x11: {  	[smem:$0x3FB6] =	sst s9;
	s0 =	simm.s32 @!p0 $0x0  }
0x12: {  	s1 =	sld [smem:$0x3F9C];
	s0 =	simm.s32 @p0 $0x1  }
0x13: {  	[smem:$0x3FB7] =	sst s0;
	s0 =	simm.s32 @!p1 $0x0  }
0x14: {  	s2 =	sld [smem:$0x3F9B];
	s0 =	simm.s32 @p1 $0x1  }
0x15: {  	[smem:$0x3FB8] =	sst s0;
	s0 =	simm.s32 @!p2 $0x0  }
0x16: {  	s3 =	sld [smem:$0x3FDB];
	s0 =	simm.s32 @p2 $0x1  }
0x17: {  	s4 =	simm.s32 $0x1BF5;
	[smem:$0x3FBA] =	sst s0  }
0x18: {  	s0 =	sld [smem:$0x3F9D];
	_ =	swait.ge [sflag:s4], $0x0  }
0x19: {  	s7 =	sld [smem:$0x3F9E]  }
0x1a: {  	s8 =	sadd.s32 $0xFFFFE003, lr  }
0x1b: {  	s9 =	sadd.s32 $0xFFFFFEF7, lr;
	s5 =	simm.s32 $0xFFFFFFFF;
	p2 =	slt.u32 s8, $0xFFFFF086  }
0x1c: {  	p1 =	slt.u32 s9, $0xF7A;
	s5 =	simm.s32 @!p2 $0x0  }
0x1d: {  	s5 =	simm.s32 @p1 $0x1;
	p0 =	seq.s32 s7, s2  }
0x1e: {  	s7 =	smul.u32 @!p0 $0xF7A, s2;
	p2 =	seq.s32 @!p0 s5, $0x0  }
0x1f: {  	s9 =	smul.u32 $0xF7A, s1;
	s8 =	simm.s32 @!p0 $0x1BF5;
	p2 =	por !p2, p0  }
0x20: {  	[sflag:s8] =	ssyncset.s32 @!p0 $0xFFFFF086;
	s6 =	sadd.s32 @!p0 s3, s7;
	s7 =	simm.s32 @!p0 $0x108  }
0x21: {  	s3 =	sadd.s32 s3, s9;
	s6 =	sadd.s32 @!p0 $0x88, s6;
	s7 =	simm.s32 @p2 $0x1082  }
0x22: {  	[simem:s7], [sflag:s8] =	dma.local @!p0 [hbm:s6], $0xF7A  }
0x23: {  	s9 =	sor.u32 $0xD0000000, s2;
	s6 =	simm.s32 $0x108;
	_ =	swait.ge @!p0 [sflag:s8], $0x0  }
0x24: {  	s3 =	sadd.s32 $0x88, s3;
	s6 =	simm.s32 @!p1 $0x1082;
	[sflag:s4] =	ssyncset.s32 $0xFFFFF086  }
0x25: {  	[simem:s6], [sflag:s4] =	dma.local [hbm:s3], $0xF7A  }
0x26: {  	[smem:$0x3F9E] =	sst s1;
	(tag) =	ssettag s2;
	_ =	strace s9  }
0x27: {  	s1 =	sld [smem:$0x3FAE]  }
0x28: {  	s2 =	sld [smem:$0x3FAF]  }
0x29: {  	s4 =	sld [smem:$0x3FB1]  }
0x2a: {  	p0 =	seq.s32 s5, $0x0;
	s5 =	sld [smem:$0x3FB2]  }
0x2b: {  	s6 =	sld [smem:$0x3FB3]  }
0x2c: {  	s7 =	sld [smem:$0x3FB4]  }
0x2d: {  	s3 =	simm.s32 $0x108;
	s8 =	sld [smem:$0x3FB5]  }
0x2e: {  	s3 =	simm.s32 @!p0 $0x1082;
	s9 =	sld [smem:$0x3FB6]  }
0x2f: {  	lr =	sadd.s32 s0, s3;
	s0 =	sld [smem:$0x3FAD]  }
0x30: {  	s3 =	sld [smem:$0x3FB0]  }
0x31: {  	[smem:$0x3FB9] =	sst s10  }
0x32: {  	s10 =	sld [smem:$0x3FB7];
	_ =	sdelay $0x3  }
0x33: {  	p0 =	seq.s32 s10, $0x1;
	s10 =	sld [smem:$0x3FB9];
	_ =	sdelay $0x3  }
0x34: {  	[smem:$0x3FB9] =	sst s10  }
0x35: {  	s10 =	sld [smem:$0x3FB8];
	_ =	sdelay $0x3  }
0x36: {  	p1 =	seq.s32 s10, $0x1;
	s10 =	sld [smem:$0x3FB9];
	_ =	sdelay $0x3  }
0x37: {  	[smem:$0x3FB9] =	sst s10  }
0x38: {  	s10 =	sld [smem:$0x3FBA]  }
0x39: {  	_ = 	snop;
	(pc) =	sbr.ind lr, $3  }
0x3a: {  	_ = 	snop  }
0x3b: {  	_ = 	snop  }
0x3c: {  	p2 =	seq.s32 s10, $0x1;
	s10 =	sld [smem:$0x3FB9]  }
0x3d: {  	_ =	shalt  }
0x3e: {  	_ =	shalt  }
0x3f: {  	_ =	shalt  }
0x40: {  	_ =	shalt  }
0x41: {  	_ =	shalt  }
0x42: {  	_ =	shalt  }
0x43: {  	_ =	shalt  }
0x44: {  	_ =	shalt  }
0x45: {  	_ =	shalt  }
0x46: {  	_ =	shalt  }
0x47: {  	_ =	shalt  }
0x48: {  	_ =	shalt  }
0x49: {  	_ =	shalt  }
0x4a: {  	_ =	shalt  }
0x4b: {  	_ =	shalt  }
0x4c: {  	_ =	shalt  }
0x4d: {  	_ =	shalt  }
0x4e: {  	_ =	shalt  }
0x4f: {  	_ =	shalt  }
0x50: {  	_ =	shalt  }
0x51: {  	_ =	shalt  }
0x52: {  	_ =	shalt  }
0x53: {  	_ =	shalt  }
0x54: {  	_ =	shalt  }
0x55: {  	_ =	shalt  }
0x56: {  	_ =	shalt  }
0x57: {  	_ =	shalt  }
0x58: {  	_ =	shalt  }
0x59: {  	_ =	shalt  }
0x5a: {  	_ =	shalt  }
0x5b: {  	_ =	shalt  }
0x5c: {  	_ =	shalt  }
0x5d: {  	_ =	shalt  }
0x5e: {  	_ =	shalt  }
0x5f: {  	_ =	shalt  }
0x60: {  	_ =	shalt  }
0x61: {  	_ =	shalt  }
0x62: {  	_ =	shalt  }
0x63: {  	_ =	shalt  }
0x64: {  	_ =	shalt  }
0x65: {  	_ =	shalt  }
0x66: {  	_ =	shalt  }
0x67: {  	_ =	shalt  }
0x68: {  	_ =	shalt  }
0x69: {  	_ =	shalt  }
0x6a: {  	_ =	shalt  }
0x6b: {  	_ =	shalt  }
0x6c: {  	_ =	shalt  }
0x6d: {  	_ =	shalt  }
0x6e: {  	_ =	shalt  }
0x6f: {  	_ =	shalt  }
0x70: {  	_ =	shalt  }
0x71: {  	_ =	shalt  }
0x72: {  	_ =	shalt  }
0x73: {  	_ =	shalt  }
0x74: {  	_ =	shalt  }
0x75: {  	_ =	shalt  }
0x76: {  	_ =	shalt  }
0x77: {  	_ =	shalt  }
0x78: {  	_ =	shalt  }
0x79: {  	_ =	shalt  }
0x7a: {  	_ =	shalt  }
0x7b: {  	_ =	shalt  }
0x7c: {  	_ =	shalt  }
0x7d: {  	_ =	shalt  }
0x7e: {  	_ =	shalt  }
0x7f: {  	_ =	shalt  }
0x80: {  	_ =	shalt  }
0x81: {  	_ =	shalt  }
0x82: {  	_ =	shalt  }
0x83: {  	_ =	shalt  }
0x84: {  	_ =	shalt  }
0x85: {  	_ =	shalt  }
0x86: {  	_ =	shalt  }
0x87: {  	_ =	shalt  }
.Lfunc_end0:
.L_simem_size_0:
called_computation.2_lowered:
.L_overlay_start_0:
0x88: {  	s2 =	sld [smem:$0x3FD9]  }
0x89: {  	s3 =	sld [smem:$0x3FFE];
	_ =	sdelay $0x1  }
0x8a: {  	s1 =	srdreg.scid  }
0x8b: {  	s0 =	sand.u32 $0x1, s1  }
0x8c: {  	s17 =	sshll.u32 s0, $0xA;
	s2 =	sadd.s32 s3, s2  }
0x8d: {  	s2 =	sadd.s32 s2, s17  }
0x8e: {  	[smem:$0x3FC5] =	sst s2  }
0x8f: {  	_ = 	snop  }
0x90: {  	s2 =	sld [smem:$0x3FD0];
	(tm) =	ssettm $0x1  }
0x91: {  	s18 =	sld [smem:$0x3FFB];
	_ =	sdelay $0x3  }
0x92: {  	_ =	strace s18  }
0x93: {  	s3 =	sld [smem:$0x3FFC];
	_ =	sdelay $0x3  }
0x94: {  	_ =	strace s3  }
0x95: {  	s3 =	sld [smem:$0x3FFD];
	_ =	sdelay $0x3  }
0x96: {  	_ =	strace s3  }
0x97: {  	_ =	strace $0x8FFFFFFF  }
0x98: {  	s19 =	sld [smem:$0x3FDB];
	_ =	sdelay $0x1  }
0x99: {  	s4 =	simm.s32 $_scs_section_size  }
0x9a: {  	s5 =	simm.s32 $_size__tile_overlayer_lowered;
	s6 =	simm.s32 $_tile_overlayer_lowered  }
0x9b: {  	s22 =	simm.s32 $0x1BFF;
	s21 =	sshll.u32 s6, $0x1;
	s3 =	sadd.s32 s4, s19  }
0x9c: {  	s7 =	simm.s32 $0x0;
	s20 =	sshll.u32 s5, $0x1;
	s5 =	sadd.s32 s21, s3  }
0x9d: {  	[timem:s7], [sflag:s22] =	dma.local [hbm:s5], s20  }
0x9e: {  	_ =	swait.ge [sflag:s22], s20  }
0x9f: {  	s4 =	ssub.s32 $0x0, s20;
	[sflag:s22] =	ssyncset.done $0x0  }
0xa0: {  	[sflag:s22] =	ssyncadd.s32 s4;
	_ =	sdelay $0x1  }
0xa1: {  	s23 =	simm.s32 $0x1B8B  }
0xa2: {  	_ =	swait.ge [sflag:s23], $0x1  }
0xa3: {  	[sflag:s23] =	ssyncset.done $0x0  }
0xa4: {  	s25 =	simm.s32 $0x1B8E;
	s24 =	sld [smem:$0x3FFE];
	[sflag:s23] =	ssyncadd.s32 $0xFFFFFFFF  }
0xa5: {  	s26 =	simm.s32 $execute0_lowered;
	[smem:$0x3FD2] =	sst s25  }
0xa6: {  	s5 =	sshll.u32 s26, $0x1;
	_ =	strace $0x8000004C;
	[dreg:$0x1] =	wrdreg $0xFFFFFFFF  }
0xa7: {  	s28 =	simm.s32 $_size_execute0_lowered;
	s3 =	sadd.s32 s3, s5;
	[dreg:$0x0] =	wrdreg $0x0  }
0xa8: {  	s5 =	sshll.u32 s28, $0x1;
	[dreg:$0x2] =	wrdreg s3  }
0xa9: {  	[dreg:$0x3] =	wrdreg s5  }
0xaa: {  	[dreg:$0x4] =	wrdreg $0xC0  }
0xab: {  	_ =	task [dreg:s7], $0x5FFFF  }
0xac: {  	[dreg:$0x1] =	wrdreg $0xFFFFFFFF  }
0xad: {  	[dreg:$0x0] =	wrdreg $0x60  }
0xae: {  	[dreg:$0x2] =	wrdreg s24  }
0xaf: {  	[dreg:$0x3] =	wrdreg s2  }
0xb0: {  	[dreg:$0x4] =	wrdreg $0x88000  }
0xb1: {  	[dreg:$0x5] =	wrdreg $0x9  }
0xb2: {  	_ =	task.clear_ibuf [dreg:s7], $0x6FFFF;
	_ =	strace $0x9000004C  }
0xb3: {  	s29 =	simm.s32 $0x9;
	_ =	strace $0x8000004E  }
0xb4: {  	_ =	swait.ge [sflag:s29], $0x1  }
0xb5: {  	[sflag:s29] =	ssyncadd.s32 $0xFFFFFFFF  }
0xb6: {  	_ =	strace $0x9000004E  }
0xb7: {  	_ =	sfence  }
0xb8: {  	s30 =	sld [smem:$0x0];
	_ =	sdelay $0x2  }
0xb9: {  	s31 =	sshll.u32 s1, $0xD;
	s1 =	sshrl.u32 s1, $0x2  }
0xba: {  	s3 =	sand.u32 $0x4000, s31;
	s1 =	sadd.s32 s1, s30  }
0xbb: {  	s0 =	sor.u32 s3, s0;
	s1 =	sshll.u32 s1, $0x11  }
0xbc: {  	s0 =	sor.u32 s1, s0  }
0xbd: {  	s0 =	sadd.s32 $0x8F2B, s0  }
0xbe: {  	[sflag:s0] =	ssyncadd.remote.s32 $0x1  }
0xbf: {  	_ =	sfence.sel $0xFFFF  }
0xc0: {  	[dreg:$0x0] =	wrdreg $0xFFFFFFFF;
	(pc) =	sbr.abs _section_cstart, $3  }
0xc1: {  	[dreg:$0x1] =	wrdreg $0xFFFFFFFF  }
0xc2: {  	_ =	task.clear_ibuf [dreg:s7], $0x2FFFF;
	_ =	strace $0x9FFFFFFF  }
0xc3: {  	(tm) =	ssettm $0x7FFFFFFF  }
tec
execute0_lowered:
.L_overlay_start_1:
0x0: {  	(tag) =	ssettag $0x1  }
0x1: {  	s0 =	rddreg [dreg:$0x0]  }
0x2: {  	s2 =	rddreg [dreg:$0x1];
	s1 =	srdreg.scid  }
0x3: {  	s3 =	rddreg [dreg:$0x2];
	s10 =	stileid.u32;
	s4 =	simm.s32 $0x0  }
0x4: {  	s25 =	simm.s32 $0x100;
	s26 =	simm.s32 $0x80;
	s28 =	simm.s32 $0x300  }
0x5: {  	s29 =	simm.s32 $0x280;
	s30 =	simm.s32 $0x2;
	s6 =	smul.u32 $0x14000, s10  }
0x6: {  	s31 =	simm.s32 $0x380;
	s1 =	sand.u32 $0x1, s1;
	s15 =	smul.u32 $0x5000, s10  }
0x7: {  	[smem:$0x7FF] =	sst s4;
	s5 =	smul.u32 $0x140000, s1;
	s7 =	sshll.u32 s1, $0x4  }
0x8: {  	_ =	strace $0x8000004D;
	s8 =	ssub.s32 $0x2, s1;
	[dreg:$0x5] =	wrdreg s25  }
0x9: {  	s1 =	smul.u32 $0x50000, s1;
	[dreg:$0x6] =	wrdreg s26;
	s25 =	simm.s32 $0x3  }
0xa: {  	s26 =	simm.s32 $0x200;
	s9 =	sor.u32 s10, s7;
	s12 =	sshrl.u32 s8, $0x1  }
0xb: {  	s5 =	sadd.s32 s6, s5;
	s6 =	smul.u32 $0x5000, s9;
	s7 =	ssub.s32 s8, s12  }
0xc: {  	s9 =	smul.u32 $0x50000, s10;
	s19 =	sadd.s32 s15, s1;
	s1 =	simm.s32 $0x480  }
0xd: {  	s10 =	simm.s32 $0x680;
	s12 =	simm.s32 $0x0;
	s11 =	sshrl.u32 s5, $0x3  }
0xe: {  	s5 =	sadd.s32 $0x4000, s0;
	s16 =	smax.u32 s7, $0x1;
	s0 =	sadd.s32 s11, s0  }
0xf: {  	s13 =	sshrl.u32 s6, $0x3;
	s6 =	sor.u32 $0x800, s6;
	[dreg:$0x9] =	wrdreg s16  }
0x10: {  	s14 =	sshrl.u32 s9, $0x2;
	s8 =	sadd.s32 s2, s13;
	[dreg:$0x4] =	wrdreg s6  }
0x11: {  	s0 =	sadd.s32 $0x2C000, s0;
	[dreg:$0x7] =	wrdreg s8;
	s8 =	sadd.s32 s14, s3  }
0x12: {  	s7 =	simm.s32 $0x600;
	[dreg:$0x8] =	wrdreg s0;
	s17 =	sadd.s32 $0x2800, s8  }
0x13: {  	s9 =	simm.s32 $0x700;
	s18 =	sadd.s32 $0x5000, s8;
	[dreg:$0xa] =	wrdreg s17  }
0x14: {  	s11 =	simm.s32 $0x780;
	s20 =	sadd.s32 $0x7800, s8;
	[dreg:$0xb] =	wrdreg s18  }
0x15: {  	s6 =	simm.s32 $0x580;
	s21 =	sadd.s32 $0xA000, s8;
	[dreg:$0xc] =	wrdreg s20  }
0x16: {  	s0 =	sor.u32 $0x400, s19;
	s22 =	sadd.s32 $0xC800, s8;
	[dreg:$0xd] =	wrdreg s21  }
0x17: {  	s19 =	simm.s32 $0x4;
	s23 =	sadd.s32 $0xF000, s8;
	[dreg:$0xe] =	wrdreg s22  }
0x18: {  	s0 =	sshrl.u32 s0, $0x3;
	s24 =	sadd.s32 $0x11800, s8;
	[dreg:$0xf] =	wrdreg s23  }
0x19: {  	[dreg:$0x10] =	wrdreg s24;
	s14 =	sadd.s32 s0, s2;
	s18 =	simm.s32 $0x800  }
0x1a: {  	s20 =	simm.s32 $0x400;
	s21 =	simm.s32 $0x7D;
	s22 =	simm.s32 $0x4800  }
0x1b: {  	v0 =	vimm.f32 $0.0e+00;
	s23 =	simm.s32 $0x1;
	s24 =	simm.s32 $0x180;
	s0 =	simm.s32 $0x500  }
.LBB2_1:
0x1c: {  	s13 =	simm.s32 $0x0;
	s15 =	simm.s32 $0x200  }
.LBB2_2:
0x1d: {  	p0 =	sne.s32 s15, $0x9E00;
	[tilespmem:s13+$0x870] =	vst v0  }
0x1e: {  	[tilespmem:s13+$0x800] =	vst v0  }
0x1f: {  	[tilespmem:s13+$0x810] =	vst v0  }
.Ltmp0:
0x20: {  	[tilespmem:s13+$0x820] =	vst v0;
	(pc) =	sbr.rel @p0 .LBB2_2-.Ltmp0, $4  }
0x21: {  	[tilespmem:s13+$0x830] =	vst v0  }
0x22: {  	[tilespmem:s13+$0x840] =	vst v0  }
0x23: {  	[tilespmem:s13+$0x850] =	vst v0  }
0x24: {  	[tilespmem:s13+$0x860] =	vst v0;
	s13 =	sshra.s32 s15, $0x2;
	s15 =	sadd.s32 $0x200, s15  }
0x25: {  	[tilespmem:s13+$0x870] =	vst v0  }
0x26: {  	[tilespmem:s13+$0x800] =	vst v0  }
0x27: {  	[tilespmem:s13+$0x810] =	vst v0  }
0x28: {  	[tilespmem:s13+$0x820] =	vst v0  }
0x29: {  	[tilespmem:s13+$0x830] =	vst v0  }
0x2a: {  	[tilespmem:s13+$0x840] =	vst v0  }
0x2b: {  	[tilespmem:s13+$0x850] =	vst v0  }
0x2c: {  	[tilespmem:s13+$0x860] =	vst v0  }
0x2d: {  	[spmem:s8] =	stream.linear.scatter [tilespmem:s18], [sflag:$0x4], $0x2800, $0x38;
	[tilespmem:$0x1C800] =	vst v63  }
0x2e: {  	_ =	swait.ge [sflag:s19], $0x2800  }
0x2f: {  	[sflag:s19] =	ssyncset.done $0x0  }
0x30: {  	s16 =	rddreg [dreg:$0xa];
	[sflag:s19] =	ssyncadd.s32 $0xFFFFD800  }
0x31: {  	[spmem:s16] =	stream.linear.scatter [tilespmem:s18], [sflag:$0x4], $0x2800, $0x38;
	[tilespmem:$0x1C800] =	vst v63  }
0x32: {  	_ =	swait.ge [sflag:s19], $0x2800  }
0x33: {  	[sflag:s19] =	ssyncset.done $0x0  }
0x34: {  	s17 =	rddreg [dreg:$0xb];
	[sflag:s19] =	ssyncadd.s32 $0xFFFFD800  }
0x35: {  	[spmem:s17] =	stream.linear.scatter [tilespmem:s18], [sflag:$0x4], $0x2800, $0x38;
	[tilespmem:$0x1C800] =	vst v63  }
0x36: {  	_ =	swait.ge [sflag:s19], $0x2800  }
0x37: {  	[sflag:s19] =	ssyncset.done $0x0  }
0x38: {  	s15 =	rddreg [dreg:$0xc];
	[sflag:s19] =	ssyncadd.s32 $0xFFFFD800  }
0x39: {  	[spmem:s15] =	stream.linear.scatter [tilespmem:s18], [sflag:$0x4], $0x2800, $0x38;
	[tilespmem:$0x1C800] =	vst v63  }
0x3a: {  	_ =	swait.ge [sflag:s19], $0x2800  }
0x3b: {  	[sflag:s19] =	ssyncset.done $0x0  }
0x3c: {  	s16 =	rddreg [dreg:$0xd];
	[sflag:s19] =	ssyncadd.s32 $0xFFFFD800  }
0x3d: {  	[spmem:s16] =	stream.linear.scatter [tilespmem:s18], [sflag:$0x4], $0x2800, $0x38;
	[tilespmem:$0x1C800] =	vst v63  }
0x3e: {  	_ =	swait.ge [sflag:s19], $0x2800  }
0x3f: {  	[sflag:s19] =	ssyncset.done $0x0  }
0x40: {  	s17 =	rddreg [dreg:$0xe];
	[sflag:s19] =	ssyncadd.s32 $0xFFFFD800  }
0x41: {  	[spmem:s17] =	stream.linear.scatter [tilespmem:s18], [sflag:$0x4], $0x2800, $0x38;
	[tilespmem:$0x1C800] =	vst v63  }
0x42: {  	_ =	swait.ge [sflag:s19], $0x2800  }
0x43: {  	[sflag:s19] =	ssyncset.done $0x0  }
0x44: {  	s15 =	rddreg [dreg:$0xf];
	[sflag:s19] =	ssyncadd.s32 $0xFFFFD800  }
0x45: {  	[spmem:s15] =	stream.linear.scatter [tilespmem:s18], [sflag:$0x4], $0x2800, $0x38;
	[tilespmem:$0x1C800] =	vst v63  }
0x46: {  	_ =	swait.ge [sflag:s19], $0x2800  }
0x47: {  	[sflag:s19] =	ssyncset.done $0x0  }
0x48: {  	s16 =	rddreg [dreg:$0x10];
	[sflag:s19] =	ssyncadd.s32 $0xFFFFD800  }
0x49: {  	[spmem:s16] =	stream.linear.scatter [tilespmem:s18], [sflag:$0x4], $0x2800, $0x38;
	[tilespmem:$0x1C800] =	vst v63  }
0x4a: {  	_ =	swait.ge [sflag:s19], $0x2800  }
0x4b: {  	[sflag:s19] =	ssyncset.done $0x0  }
0x4c: {  	[sflag:s19] =	ssyncadd.s32 $0xFFFFD800  }
0x4d: {  	[bflag:$0x0] =	sbarrier.arrive $0xFFFF  }
0x4e: {  	s13 =	simm.s32 $0x0;
	s15 =	rddreg [dreg:$0x7]  }
0x4f: {  	[tilespmem:s13], [sflag:$0x4] =	stream.linear.gather [hbm4b:s15+s13], $0x400, $0x38;
	[tilespmem:$0x1C800] =	vst v63  }
0x50: {  	_ =	swait.ge [sflag:s19], $0x400  }
0x51: {  	[sflag:s19] =	ssyncset.done $0x0  }
0x52: {  	[sflag:s19] =	ssyncadd.s32 $0xFFFFFC00  }
0x53: {  	[tilespmem:s20], [sflag:$0x2] =	stream.linear.gather [hbm4b:s14+s4], $0x400, $0x38;
	[tilespmem:$0x1C800] =	vst v63  }
0x54: {  	_ = 	snop  }
0x55: {  	[tilespmem:s18], [sflag:$0x1] =	stream.indirect.gather [hbm4b:s5+s21], $0x80, s4, s21, $0xb8;
	[tilespmem:$0x1C800] =	vst v63  }
0x56: {  	s17 =	rddreg [dreg:$0x5]  }
0x57: {  	[tilespmem:s22], [sflag:$0x1] =	stream.indirect.gather [hbm4b:s5+s21], $0x80, s17, s21, $0xb8;
	[tilespmem:$0x1C800] =	vst v63  }
0x58: {  	_ =	swait.ge [sflag:s23], $0x3E80  }
0x59: {  	[sflag:s23] =	ssyncset.done $0x0  }
0x5a: {  	s16 =	rddreg [dreg:$0x6];
	[sflag:s23] =	ssyncadd.s32 $0xFFFFC180  }
0x5b: {  	[spmem:s3] =	stream.indirect.scatter.add.f32 [tilespmem:s18], [sflag:$0x3], $0x80, s16, s21, $0xb8;
	[tilespmem:$0x1C800] =	vst v63  }
0x5c: {  	_ =	swait.ge [sflag:s23], $0x3E80  }
0x5d: {  	[sflag:s23] =	ssyncset.done $0x0  }
0x5e: {  	[sflag:s23] =	ssyncadd.s32 $0xFFFFC180  }
0x5f: {  	[spmem:s3] =	stream.indirect.scatter.add.f32 [tilespmem:s22], [sflag:$0x3], $0x80, s24, s21, $0xb8;
	[tilespmem:$0x1C800] =	vst v63  }
0x60: {  	_ =	swait.ge [sflag:s25], $0x3E80  }
0x61: {  	[sflag:s25] =	ssyncset.done $0x0  }
0x62: {  	[sflag:s25] =	ssyncadd.s32 $0xFFFFC180  }
0x63: {  	[tilespmem:s18], [sflag:$0x1] =	stream.indirect.gather [hbm4b:s5+s21], $0x80, s26, s21, $0xb8;
	[tilespmem:$0x1C800] =	vst v63  }
0x64: {  	_ =	swait.ge [sflag:s25], $0x3E80  }
0x65: {  	[sflag:s25] =	ssyncset.done $0x0  }
0x66: {  	[sflag:s25] =	ssyncadd.s32 $0xFFFFC180  }
0x67: {  	[tilespmem:s22], [sflag:$0x1] =	stream.indirect.gather [hbm4b:s5+s21], $0x80, s28, s21, $0xb8;
	[tilespmem:$0x1C800] =	vst v63  }
0x68: {  	_ =	swait.ge [sflag:s23], $0x3E80  }
0x69: {  	[sflag:s23] =	ssyncset.done $0x0  }
0x6a: {  	[sflag:s23] =	ssyncadd.s32 $0xFFFFC180  }
0x6b: {  	[spmem:s3] =	stream.indirect.scatter.add.f32 [tilespmem:s18], [sflag:$0x3], $0x80, s29, s21, $0xb8;
	[tilespmem:$0x1C800] =	vst v63  }
0x6c: {  	_ =	swait.ge [sflag:s30], $0x400  }
0x6d: {  	[sflag:s30] =	ssyncset.done $0x0  }
0x6e: {  	[sflag:s30] =	ssyncadd.s32 $0xFFFFFC00  }
0x6f: {  	_ =	swait.ge [sflag:s23], $0x3E80  }
0x70: {  	[sflag:s23] =	ssyncset.done $0x0  }
0x71: {  	[sflag:s23] =	ssyncadd.s32 $0xFFFFC180  }
0x72: {  	[spmem:s3] =	stream.indirect.scatter.add.f32 [tilespmem:s22], [sflag:$0x3], $0x80, s31, s21, $0xb8;
	[tilespmem:$0x1C800] =	vst v63  }
0x73: {  	_ =	swait.ge [sflag:s25], $0x3E80  }
0x74: {  	[sflag:s25] =	ssyncset.done $0x0  }
0x75: {  	[sflag:s25] =	ssyncadd.s32 $0xFFFFC180  }
0x76: {  	s13 =	smin.u32 s13, $0x11;
	_ =	swait.ge [sflag:s25], $0x3E80  }
0x77: {  	s13 =	sshll.u32 s13, $0xA;
	s17 =	rddreg [dreg:$0x4]  }
0x78: {  	s13 =	sadd.s32 s13, s17  }
0x79: {  	[sflag:s25] =	ssyncset.done $0x0;
	s13 =	sshrl.u32 s13, $0x3  }
0x7a: {  	[sflag:s25] =	ssyncadd.s32 $0xFFFFC180;
	s13 =	sadd.s32 s2, s13  }
0x7b: {  	[tilespmem:s4], [sflag:$0x2] =	stream.linear.gather [hbm4b:s13+s4], $0x400, $0x38;
	[tilespmem:$0x1C800] =	vst v63  }
0x7c: {  	_ = 	snop  }
0x7d: {  	[tilespmem:s18], [sflag:$0x1] =	stream.indirect.gather [hbm4b:s5+s21], $0x80, s20, s21, $0xb8;
	[tilespmem:$0x1C800] =	vst v63  }
0x7e: {  	_ = 	snop  }
0x7f: {  	[tilespmem:s22], [sflag:$0x1] =	stream.indirect.gather [hbm4b:s5+s21], $0x80, s0, s21, $0xb8;
	[tilespmem:$0x1C800] =	vst v63  }
0x80: {  	_ =	swait.ge [sflag:s23], $0x3E80  }
0x81: {  	[sflag:s23] =	ssyncset.done $0x0  }
0x82: {  	[sflag:s23] =	ssyncadd.s32 $0xFFFFC180  }
0x83: {  	[spmem:s3] =	stream.indirect.scatter.add.f32 [tilespmem:s18], [sflag:$0x3], $0x80, s1, s21, $0xb8;
	[tilespmem:$0x1C800] =	vst v63  }
0x84: {  	_ =	swait.ge [sflag:s23], $0x3E80  }
0x85: {  	[sflag:s23] =	ssyncset.done $0x0  }
0x86: {  	[sflag:s23] =	ssyncadd.s32 $0xFFFFC180  }
0x87: {  	[spmem:s3] =	stream.indirect.scatter.add.f32 [tilespmem:s22], [sflag:$0x3], $0x80, s6, s21, $0xb8;
	[tilespmem:$0x1C800] =	vst v63  }
0x88: {  	_ =	swait.ge [sflag:s25], $0x3E80  }
0x89: {  	[sflag:s25] =	ssyncset.done $0x0  }
0x8a: {  	[sflag:s25] =	ssyncadd.s32 $0xFFFFC180  }
0x8b: {  	[tilespmem:s18], [sflag:$0x1] =	stream.indirect.gather [hbm4b:s5+s21], $0x80, s7, s21, $0xb8;
	[tilespmem:$0x1C800] =	vst v63  }
0x8c: {  	_ =	swait.ge [sflag:s25], $0x3E80  }
0x8d: {  	[sflag:s25] =	ssyncset.done $0x0  }
0x8e: {  	[sflag:s25] =	ssyncadd.s32 $0xFFFFC180  }
0x8f: {  	[tilespmem:s22], [sflag:$0x1] =	stream.indirect.gather [hbm4b:s5+s21], $0x80, s9, s21, $0xb8;
	[tilespmem:$0x1C800] =	vst v63  }
0x90: {  	_ =	swait.ge [sflag:s23], $0x3E80  }
0x91: {  	[sflag:s23] =	ssyncset.done $0x0  }
0x92: {  	[sflag:s23] =	ssyncadd.s32 $0xFFFFC180  }
0x93: {  	[spmem:s3] =	stream.indirect.scatter.add.f32 [tilespmem:s18], [sflag:$0x3], $0x80, s10, s21, $0xb8;
	[tilespmem:$0x1C800] =	vst v63  }
0x94: {  	_ =	swait.ge [sflag:s30], $0x400  }
0x95: {  	[sflag:s30] =	ssyncset.done $0x0  }
0x96: {  	[sflag:s30] =	ssyncadd.s32 $0xFFFFFC00  }
0x97: {  	_ =	swait.ge [sflag:s23], $0x3E80  }
0x98: {  	[sflag:s23] =	ssyncset.done $0x0  }
0x99: {  	[sflag:s23] =	ssyncadd.s32 $0xFFFFC180  }
0x9a: {  	[spmem:s3] =	stream.indirect.scatter.add.f32 [tilespmem:s22], [sflag:$0x3], $0x80, s11, s21, $0xb8;
	[tilespmem:$0x1C800] =	vst v63  }
0x9b: {  	_ =	swait.ge [sflag:s25], $0x3E80  }
0x9c: {  	[sflag:s25] =	ssyncset.done $0x0  }
0x9d: {  	[sflag:s25] =	ssyncadd.s32 $0xFFFFC180  }
0x9e: {  	_ =	swait.ge [sflag:s25], $0x3E80  }
0x9f: {  	s17 =	smov.u32 s14;
	s13 =	simm.s32 $0x2;
	[sflag:s25] =	ssyncset.done $0x0  }
.LBB2_4:
0xa0: {  	[sflag:s25] =	ssyncadd.s32 $0xFFFFC180;
	s17 =	sadd.s32 $0x100, s17  }
0xa1: {  	[tilespmem:s20], [sflag:$0x2] =	stream.linear.gather [hbm4b:s17+s4], $0x400, $0x38;
	[tilespmem:$0x1C800] =	vst v63  }
0xa2: {  	_ = 	snop  }
0xa3: {  	[tilespmem:s18], [sflag:$0x1] =	stream.indirect.gather [hbm4b:s5+s21], $0x80, s4, s21, $0xb8;
	[tilespmem:$0x1C800] =	vst v63  }
0xa4: {  	s16 =	rddreg [dreg:$0x5]  }
0xa5: {  	[tilespmem:s22], [sflag:$0x1] =	stream.indirect.gather [hbm4b:s5+s21], $0x80, s16, s21, $0xb8;
	[tilespmem:$0x1C800] =	vst v63  }
0xa6: {  	_ =	swait.ge [sflag:s23], $0x3E80  }
0xa7: {  	[sflag:s23] =	ssyncset.done $0x0  }
0xa8: {  	s16 =	rddreg [dreg:$0x6];
	[sflag:s23] =	ssyncadd.s32 $0xFFFFC180  }
0xa9: {  	[spmem:s3] =	stream.indirect.scatter.add.f32 [tilespmem:s18], [sflag:$0x3], $0x80, s16, s21, $0xb8;
	[tilespmem:$0x1C800] =	vst v63  }
0xaa: {  	_ =	swait.ge [sflag:s23], $0x3E80  }
0xab: {  	[sflag:s23] =	ssyncset.done $0x0  }
0xac: {  	[sflag:s23] =	ssyncadd.s32 $0xFFFFC180  }
0xad: {  	[spmem:s3] =	stream.indirect.scatter.add.f32 [tilespmem:s22], [sflag:$0x3], $0x80, s24, s21, $0xb8;
	[tilespmem:$0x1C800] =	vst v63  }
0xae: {  	_ =	swait.ge [sflag:s25], $0x3E80  }
0xaf: {  	[sflag:s25] =	ssyncset.done $0x0  }
0xb0: {  	[sflag:s25] =	ssyncadd.s32 $0xFFFFC180  }
0xb1: {  	[tilespmem:s18], [sflag:$0x1] =	stream.indirect.gather [hbm4b:s5+s21], $0x80, s26, s21, $0xb8;
	[tilespmem:$0x1C800] =	vst v63  }
0xb2: {  	_ =	swait.ge [sflag:s25], $0x3E80  }
0xb3: {  	[sflag:s25] =	ssyncset.done $0x0  }
0xb4: {  	[sflag:s25] =	ssyncadd.s32 $0xFFFFC180  }
0xb5: {  	[tilespmem:s22], [sflag:$0x1] =	stream.indirect.gather [hbm4b:s5+s21], $0x80, s28, s21, $0xb8;
	[tilespmem:$0x1C800] =	vst v63  }
0xb6: {  	_ =	swait.ge [sflag:s23], $0x3E80  }
0xb7: {  	[sflag:s23] =	ssyncset.done $0x0  }
0xb8: {  	[sflag:s23] =	ssyncadd.s32 $0xFFFFC180  }
0xb9: {  	[spmem:s3] =	stream.indirect.scatter.add.f32 [tilespmem:s18], [sflag:$0x3], $0x80, s29, s21, $0xb8;
	[tilespmem:$0x1C800] =	vst v63  }
0xba: {  	_ =	swait.ge [sflag:s30], $0x400  }
0xbb: {  	[sflag:s30] =	ssyncset.done $0x0  }
0xbc: {  	[sflag:s30] =	ssyncadd.s32 $0xFFFFFC00  }
0xbd: {  	_ =	swait.ge [sflag:s23], $0x3E80  }
0xbe: {  	[sflag:s23] =	ssyncset.done $0x0  }
0xbf: {  	[sflag:s23] =	ssyncadd.s32 $0xFFFFC180  }
0xc0: {  	[spmem:s3] =	stream.indirect.scatter.add.f32 [tilespmem:s22], [sflag:$0x3], $0x80, s31, s21, $0xb8;
	[tilespmem:$0x1C800] =	vst v63  }
0xc1: {  	_ =	swait.ge [sflag:s25], $0x3E80  }
0xc2: {  	[sflag:s25] =	ssyncset.done $0x0  }
0xc3: {  	s15 =	smov.u32 s13;
	[sflag:s25] =	ssyncadd.s32 $0xFFFFC180  }
0xc4: {  	s15 =	smin.u32 s15, $0x11;
	_ =	swait.ge [sflag:s25], $0x3E80  }
0xc5: {  	s15 =	sshll.u32 s15, $0xA;
	s16 =	rddreg [dreg:$0x4]  }
0xc6: {  	s15 =	sadd.s32 s15, s16  }
0xc7: {  	[sflag:s25] =	ssyncset.done $0x0;
	s15 =	sshrl.u32 s15, $0x3  }
0xc8: {  	[sflag:s25] =	ssyncadd.s32 $0xFFFFC180;
	s15 =	sadd.s32 s2, s15  }
0xc9: {  	[tilespmem:s4], [sflag:$0x2] =	stream.linear.gather [hbm4b:s15+s4], $0x400, $0x38;
	[tilespmem:$0x1C800] =	vst v63  }
0xca: {  	_ = 	snop  }
0xcb: {  	[tilespmem:s18], [sflag:$0x1] =	stream.indirect.gather [hbm4b:s5+s21], $0x80, s20, s21, $0xb8;
	[tilespmem:$0x1C800] =	vst v63  }
0xcc: {  	_ = 	snop  }
0xcd: {  	[tilespmem:s22], [sflag:$0x1] =	stream.indirect.gather [hbm4b:s5+s21], $0x80, s0, s21, $0xb8;
	[tilespmem:$0x1C800] =	vst v63  }
0xce: {  	_ =	swait.ge [sflag:s23], $0x3E80  }
0xcf: {  	[sflag:s23] =	ssyncset.done $0x0  }
0xd0: {  	[sflag:s23] =	ssyncadd.s32 $0xFFFFC180  }
0xd1: {  	[spmem:s3] =	stream.indirect.scatter.add.f32 [tilespmem:s18], [sflag:$0x3], $0x80, s1, s21, $0xb8;
	[tilespmem:$0x1C800] =	vst v63  }
0xd2: {  	_ =	swait.ge [sflag:s23], $0x3E80  }
0xd3: {  	[sflag:s23] =	ssyncset.done $0x0  }
0xd4: {  	[sflag:s23] =	ssyncadd.s32 $0xFFFFC180  }
0xd5: {  	[spmem:s3] =	stream.indirect.scatter.add.f32 [tilespmem:s22], [sflag:$0x3], $0x80, s6, s21, $0xb8;
	[tilespmem:$0x1C800] =	vst v63  }
0xd6: {  	_ =	swait.ge [sflag:s25], $0x3E80  }
0xd7: {  	[sflag:s25] =	ssyncset.done $0x0  }
0xd8: {  	[sflag:s25] =	ssyncadd.s32 $0xFFFFC180  }
0xd9: {  	[tilespmem:s18], [sflag:$0x1] =	stream.indirect.gather [hbm4b:s5+s21], $0x80, s7, s21, $0xb8;
	[tilespmem:$0x1C800] =	vst v63  }
0xda: {  	_ =	swait.ge [sflag:s25], $0x3E80  }
0xdb: {  	[sflag:s25] =	ssyncset.done $0x0  }
0xdc: {  	[sflag:s25] =	ssyncadd.s32 $0xFFFFC180  }
0xdd: {  	[tilespmem:s22], [sflag:$0x1] =	stream.indirect.gather [hbm4b:s5+s21], $0x80, s9, s21, $0xb8;
	[tilespmem:$0x1C800] =	vst v63  }
0xde: {  	_ =	swait.ge [sflag:s23], $0x3E80  }
0xdf: {  	[sflag:s23] =	ssyncset.done $0x0  }
0xe0: {  	[sflag:s23] =	ssyncadd.s32 $0xFFFFC180  }
0xe1: {  	[spmem:s3] =	stream.indirect.scatter.add.f32 [tilespmem:s18], [sflag:$0x3], $0x80, s10, s21, $0xb8;
	[tilespmem:$0x1C800] =	vst v63  }
0xe2: {  	_ =	swait.ge [sflag:s30], $0x400  }
0xe3: {  	[sflag:s30] =	ssyncset.done $0x0  }
0xe4: {  	[sflag:s30] =	ssyncadd.s32 $0xFFFFFC00  }
0xe5: {  	_ =	swait.ge [sflag:s23], $0x3E80  }
0xe6: {  	[sflag:s23] =	ssyncset.done $0x0  }
0xe7: {  	p0 =	sne.s32 s13, $0x12;
	[sflag:s23] =	ssyncadd.s32 $0xFFFFC180  }
0xe8: {  	[spmem:s3] =	stream.indirect.scatter.add.f32 [tilespmem:s22], [sflag:$0x3], $0x80, s11, s21, $0xb8;
	[tilespmem:$0x1C800] =	vst v63  }
.Ltmp1:
0xe9: {  	_ =	swait.ge [sflag:s25], $0x3E80;
	(pc) =	sbr.rel @p0 .LBB2_4-.Ltmp1, $4  }
0xea: {  	[sflag:s25] =	ssyncset.done $0x0  }
0xeb: {  	[sflag:s25] =	ssyncadd.s32 $0xFFFFC180  }
0xec: {  	_ =	swait.ge [sflag:s25], $0x3E80  }
0xed: {  	s13 =	sadd.s32 $0x2, s13;
	[sflag:s25] =	ssyncset.done $0x0  }
0xee: {  	[sflag:s25] =	ssyncadd.s32 $0xFFFFC180;
	s13 =	stileid.u32  }
0xef: {  	s13 =	sshll.u32 s13, $0x6;
	[bflag:$0x0] =	sbarrier.arrive $0xFFFF  }
0xf0: {  	s15 =	sshrl.u32 s8, $0x3;
	s13 =	sor.u32 $0x1C04, s13;
	s16 =	rddreg [dreg:$0x8]  }
0xf1: {  	[hbm:s16], [sflag:s13] =	dma.local [spmem:s15], $0x2800  }
0xf2: {  	_ =	swait.ge [sflag:s19], $0x2800  }
0xf3: {  	s12 =	sadd.s32 $0x1, s12;
	s17 =	rddreg [dreg:$0x9]  }
0xf4: {  	p0 =	sne.s32 s12, s17  }
.Ltmp2:
0xf5: {  	_ = 	snop;
	(pc) =	sbr.rel @p0 .LBB2_1-.Ltmp2, $3  }
0xf6: {  	_ =	sdelay $0x1  }
0xf7: {  	[sflag:s19] =	ssyncset.done $0x0  }
0xf8: {  	[sflag:s19] =	ssyncadd.s32 $0xFFFFD800  }
0xf9: {  	_ =	sfence.sel $0x180000  }
0xfa: {  	[bflag:$0x0] =	sbarrier.arrive $0xFFFF  }
0xfb: {  	_ =	strace $0x9000004D  }
0xfc: {  	s0 =	stileid.u32;
	[bflag:$0x2] =	sbarrier.arrive $0xFFFF  }
0xfd: {  	p0 =	sne.s32 s0, $0x0;
	s0 =	rddreg [dreg:$0x3]  }
0xfe: {  	s0 =	sadd.s32 @!p0 $0x100000, s0  }
0xff: {  	[sflag:s0] =	ssyncadd.tile.s32 @!p0 $0x1;
	_ =	shalt  }
.Lfunc_end2:
_tile_overlayer_lowered:
.L_overlay_start_2:
0x100: {  	(tag) =	ssettag $0x2  }
0x101: {  	s0 =	rddreg [dreg:$0x0];
	s2 =	stileid.u32  }
0x102: {  	s1 =	rddreg [dreg:$0x1];
	p0 =	sne.s32 s2, $0x0  }
0x103: {  	s3 =	rddreg [dreg:$0x2];
	[bflag:$0x3] =	sbarrier.arrive $0xFFFF;
	s2 =	simm.s32 @!p0 $0x1C04  }
0x104: {  	[timem:s3], [sflag:s2] =	dma.local @!p0 [hbm:s0], s1  }
0x105: {  	s0 =	simm.s32 @!p0 $0x4  }
0x106: {  	_ =	swait.ge @!p0 [sflag:s0], s1  }
0x107: {  	s1 =	ssub.s32 @!p0 $0x0, s1;
	[sflag:s0] =	ssyncset.done @!p0 $0x0  }
0x108: {  	[sflag:s0] =	ssyncadd.s32 @!p0 s1  }
0x109: {  	[bflag:$0x3] =	sbarrier.arrive $0xFFFF  }
0x10a: {  	_ =	shalt  }

// kernel: kernel.22.cloned.1.call-start
scs
__scs_entry_jumppad:
0x0: {  	(pc) =	sbr.rel $0x88, $3  }
0x1: {  	(tag) =	ssettag $0x0;
	lr =	simm.s32 $0x1  }
0x2: {  	[smem:$0x3F9E] =	sst lr;
	_ =	strace $0xD0000000  }
0x3: {  	_ = 	snop  }
0x4: {  	_ = 	snop  }
0x5: {  	_ = 	snop  }
0x6: {  	_ = 	snop  }
0x7: {  	_ = 	snop  }
__scs_overlays_trampoline_lowered:
0x8: {  	[smem:$0x3FAD] =	sst s0  }
0x9: {  	[smem:$0x3FAE] =	sst s1  }
0xa: {  	[smem:$0x3FAF] =	sst s2  }
0xb: {  	[smem:$0x3FB0] =	sst s3  }
0xc: {  	[smem:$0x3FB1] =	sst s4  }
0xd: {  	[smem:$0x3FB2] =	sst s5  }
0xe: {  	[smem:$0x3FB3] =	sst s6  }
0xf: {  	[smem:$0x3FB4] =	sst s7  }
0x10: {  	[smem:$0x3FB5] =	sst s8  }
0x11: {  	[smem:$0x3FB6] =	sst s9;
	s0 =	simm.s32 @!p0 $0x0  }
0x12: {  	s1 =	sld [smem:$0x3F9C];
	s0 =	simm.s32 @p0 $0x1  }
0x13: {  	[smem:$0x3FB7] =	sst s0;
	s0 =	simm.s32 @!p1 $0x0  }
0x14: {  	s2 =	sld [smem:$0x3F9B];
	s0 =	simm.s32 @p1 $0x1  }
0x15: {  	[smem:$0x3FB8] =	sst s0;
	s0 =	simm.s32 @!p2 $0x0  }
0x16: {  	s3 =	sld [smem:$0x3FDB];
	s0 =	simm.s32 @p2 $0x1  }
0x17: {  	s4 =	simm.s32 $0x1BF5;
	[smem:$0x3FBA] =	sst s0  }
0x18: {  	s0 =	sld [smem:$0x3F9D];
	_ =	swait.ge [sflag:s4], $0x0  }
0x19: {  	s7 =	sld [smem:$0x3F9E]  }
0x1a: {  	s8 =	sadd.s32 $0xFFFFE003, lr  }
0x1b: {  	s9 =	sadd.s32 $0xFFFFFEF7, lr;
	s5 =	simm.s32 $0xFFFFFFFF;
	p2 =	slt.u32 s8, $0xFFFFF086  }
0x1c: {  	p1 =	slt.u32 s9, $0xF7A;
	s5 =	simm.s32 @!p2 $0x0  }
0x1d: {  	s5 =	simm.s32 @p1 $0x1;
	p0 =	seq.s32 s7, s2  }
0x1e: {  	s7 =	smul.u32 @!p0 $0xF7A, s2;
	p2 =	seq.s32 @!p0 s5, $0x0  }
0x1f: {  	s9 =	smul.u32 $0xF7A, s1;
	s8 =	simm.s32 @!p0 $0x1BF5;
	p2 =	por !p2, p0  }
0x20: {  	[sflag:s8] =	ssyncset.s32 @!p0 $0xFFFFF086;
	s6 =	sadd.s32 @!p0 s3, s7;
	s7 =	simm.s32 @!p0 $0x108  }
0x21: {  	s3 =	sadd.s32 s3, s9;
	s6 =	sadd.s32 @!p0 $0x88, s6;
	s7 =	simm.s32 @p2 $0x1082  }
0x22: {  	[simem:s7], [sflag:s8] =	dma.local @!p0 [hbm:s6], $0xF7A  }
0x23: {  	s9 =	sor.u32 $0xD0000000, s2;
	s6 =	simm.s32 $0x108;
	_ =	swait.ge @!p0 [sflag:s8], $0x0  }
0x24: {  	s3 =	sadd.s32 $0x88, s3;
	s6 =	simm.s32 @!p1 $0x1082;
	[sflag:s4] =	ssyncset.s32 $0xFFFFF086  }
0x25: {  	[simem:s6], [sflag:s4] =	dma.local [hbm:s3], $0xF7A  }
0x26: {  	[smem:$0x3F9E] =	sst s1;
	(tag) =	ssettag s2;
	_ =	strace s9  }
0x27: {  	s1 =	sld [smem:$0x3FAE]  }
0x28: {  	s2 =	sld [smem:$0x3FAF]  }
0x29: {  	s4 =	sld [smem:$0x3FB1]  }
0x2a: {  	p0 =	seq.s32 s5, $0x0;
	s5 =	sld [smem:$0x3FB2]  }
0x2b: {  	s6 =	sld [smem:$0x3FB3]  }
0x2c: {  	s7 =	sld [smem:$0x3FB4]  }
0x2d: {  	s3 =	simm.s32 $0x108;
	s8 =	sld [smem:$0x3FB5]  }
0x2e: {  	s3 =	simm.s32 @!p0 $0x1082;
	s9 =	sld [smem:$0x3FB6]  }
0x2f: {  	lr =	sadd.s32 s0, s3;
	s0 =	sld [smem:$0x3FAD]  }
0x30: {  	s3 =	sld [smem:$0x3FB0]  }
0x31: {  	[smem:$0x3FB9] =	sst s10  }
0x32: {  	s10 =	sld [smem:$0x3FB7];
	_ =	sdelay $0x3  }
0x33: {  	p0 =	seq.s32 s10, $0x1;
	s10 =	sld [smem:$0x3FB9];
	_ =	sdelay $0x3  }
0x34: {  	[smem:$0x3FB9] =	sst s10  }
0x35: {  	s10 =	sld [smem:$0x3FB8];
	_ =	sdelay $0x3  }
0x36: {  	p1 =	seq.s32 s10, $0x1;
	s10 =	sld [smem:$0x3FB9];
	_ =	sdelay $0x3  }
0x37: {  	[smem:$0x3FB9] =	sst s10  }
0x38: {  	s10 =	sld [smem:$0x3FBA]  }
0x39: {  	_ = 	snop;
	(pc) =	sbr.ind lr, $3  }
0x3a: {  	_ = 	snop  }
0x3b: {  	_ = 	snop  }
0x3c: {  	p2 =	seq.s32 s10, $0x1;
	s10 =	sld [smem:$0x3FB9]  }
0x3d: {  	_ =	shalt  }
0x3e: {  	_ =	shalt  }
0x3f: {  	_ =	shalt  }
0x40: {  	_ =	shalt  }
0x41: {  	_ =	shalt  }
0x42: {  	_ =	shalt  }
0x43: {  	_ =	shalt  }
0x44: {  	_ =	shalt  }
0x45: {  	_ =	shalt  }
0x46: {  	_ =	shalt  }
0x47: {  	_ =	shalt  }
0x48: {  	_ =	shalt  }
0x49: {  	_ =	shalt  }
0x4a: {  	_ =	shalt  }
0x4b: {  	_ =	shalt  }
0x4c: {  	_ =	shalt  }
0x4d: {  	_ =	shalt  }
0x4e: {  	_ =	shalt  }
0x4f: {  	_ =	shalt  }
0x50: {  	_ =	shalt  }
0x51: {  	_ =	shalt  }
0x52: {  	_ =	shalt  }
0x53: {  	_ =	shalt  }
0x54: {  	_ =	shalt  }
0x55: {  	_ =	shalt  }
0x56: {  	_ =	shalt  }
0x57: {  	_ =	shalt  }
0x58: {  	_ =	shalt  }
0x59: {  	_ =	shalt  }
0x5a: {  	_ =	shalt  }
0x5b: {  	_ =	shalt  }
0x5c: {  	_ =	shalt  }
0x5d: {  	_ =	shalt  }
0x5e: {  	_ =	shalt  }
0x5f: {  	_ =	shalt  }
0x60: {  	_ =	shalt  }
0x61: {  	_ =	shalt  }
0x62: {  	_ =	shalt  }
0x63: {  	_ =	shalt  }
0x64: {  	_ =	shalt  }
0x65: {  	_ =	shalt  }
0x66: {  	_ =	shalt  }
0x67: {  	_ =	shalt  }
0x68: {  	_ =	shalt  }
0x69: {  	_ =	shalt  }
0x6a: {  	_ =	shalt  }
0x6b: {  	_ =	shalt  }
0x6c: {  	_ =	shalt  }
0x6d: {  	_ =	shalt  }
0x6e: {  	_ =	shalt  }
0x6f: {  	_ =	shalt  }
0x70: {  	_ =	shalt  }
0x71: {  	_ =	shalt  }
0x72: {  	_ =	shalt  }
0x73: {  	_ =	shalt  }
0x74: {  	_ =	shalt  }
0x75: {  	_ =	shalt  }
0x76: {  	_ =	shalt  }
0x77: {  	_ =	shalt  }
0x78: {  	_ =	shalt  }
0x79: {  	_ =	shalt  }
0x7a: {  	_ =	shalt  }
0x7b: {  	_ =	shalt  }
0x7c: {  	_ =	shalt  }
0x7d: {  	_ =	shalt  }
0x7e: {  	_ =	shalt  }
0x7f: {  	_ =	shalt  }
0x80: {  	_ =	shalt  }
0x81: {  	_ =	shalt  }
0x82: {  	_ =	shalt  }
0x83: {  	_ =	shalt  }
0x84: {  	_ =	shalt  }
0x85: {  	_ =	shalt  }
0x86: {  	_ =	shalt  }
0x87: {  	_ =	shalt  }
.Lfunc_end0:
.L_simem_size_0:
called_computation.3_lowered:
.L_overlay_start_0:
0x88: {  	s2 =	sld [smem:$0x3FD9]  }
0x89: {  	s3 =	sld [smem:$0x3FFE];
	_ =	sdelay $0x1  }
0x8a: {  	s1 =	srdreg.scid  }
0x8b: {  	s0 =	sand.u32 $0x1, s1  }
0x8c: {  	s17 =	sshll.u32 s0, $0xA;
	s2 =	sadd.s32 s3, s2  }
0x8d: {  	s2 =	sadd.s32 s2, s17  }
0x8e: {  	[smem:$0x3FC5] =	sst s2  }
0x8f: {  	_ = 	snop  }
0x90: {  	s2 =	sld [smem:$0x3FD0];
	(tm) =	ssettm $0x1  }
0x91: {  	s18 =	sld [smem:$0x3FFB];
	_ =	sdelay $0x3  }
0x92: {  	_ =	strace s18  }
0x93: {  	s3 =	sld [smem:$0x3FFC];
	_ =	sdelay $0x3  }
0x94: {  	_ =	strace s3  }
0x95: {  	s3 =	sld [smem:$0x3FFD];
	_ =	sdelay $0x3  }
0x96: {  	_ =	strace s3  }
0x97: {  	_ =	strace $0x8FFFFFFF  }
0x98: {  	s19 =	sld [smem:$0x3FDB];
	_ =	sdelay $0x1  }
0x99: {  	s4 =	simm.s32 $_scs_section_size  }
0x9a: {  	s5 =	simm.s32 $_size__tile_overlayer_lowered;
	s6 =	simm.s32 $_tile_overlayer_lowered  }
0x9b: {  	s22 =	simm.s32 $0x1BFF;
	s21 =	sshll.u32 s6, $0x1;
	s3 =	sadd.s32 s4, s19  }
0x9c: {  	s7 =	simm.s32 $0x0;
	s20 =	sshll.u32 s5, $0x1;
	s5 =	sadd.s32 s21, s3  }
0x9d: {  	[timem:s7], [sflag:s22] =	dma.local [hbm:s5], s20  }
0x9e: {  	_ =	swait.ge [sflag:s22], s20  }
0x9f: {  	s4 =	ssub.s32 $0x0, s20;
	[sflag:s22] =	ssyncset.done $0x0  }
0xa0: {  	[sflag:s22] =	ssyncadd.s32 s4;
	_ =	sdelay $0x1  }
0xa1: {  	s23 =	simm.s32 $0x1B8B  }
0xa2: {  	_ =	swait.ge [sflag:s23], $0x1  }
0xa3: {  	[sflag:s23] =	ssyncset.done $0x0  }
0xa4: {  	s25 =	simm.s32 $0x1B8E;
	s24 =	sld [smem:$0x3FFE];
	[sflag:s23] =	ssyncadd.s32 $0xFFFFFFFF  }
0xa5: {  	s26 =	simm.s32 $execute0_lowered;
	[smem:$0x3FD2] =	sst s25  }
0xa6: {  	s5 =	sshll.u32 s26, $0x1;
	_ =	strace $0x8000004F;
	[dreg:$0x1] =	wrdreg $0xFFFFFFFF  }
0xa7: {  	s28 =	simm.s32 $_size_execute0_lowered;
	s3 =	sadd.s32 s3, s5;
	[dreg:$0x0] =	wrdreg $0x0  }
0xa8: {  	s5 =	sshll.u32 s28, $0x1;
	[dreg:$0x2] =	wrdreg s3  }
0xa9: {  	[dreg:$0x3] =	wrdreg s5  }
0xaa: {  	[dreg:$0x4] =	wrdreg $0xC0  }
0xab: {  	_ =	task [dreg:s7], $0x5FFFF  }
0xac: {  	[dreg:$0x1] =	wrdreg $0xFFFFFFFF  }
0xad: {  	[dreg:$0x0] =	wrdreg $0x60  }
0xae: {  	[dreg:$0x2] =	wrdreg s24  }
0xaf: {  	[dreg:$0x3] =	wrdreg s2  }
0xb0: {  	[dreg:$0x4] =	wrdreg $0x88000  }
0xb1: {  	[dreg:$0x5] =	wrdreg $0x9  }
0xb2: {  	_ =	task.clear_ibuf [dreg:s7], $0x6FFFF;
	_ =	strace $0x9000004F  }
0xb3: {  	s29 =	simm.s32 $0x9;
	_ =	strace $0x80000051  }
0xb4: {  	_ =	swait.ge [sflag:s29], $0x1  }
0xb5: {  	[sflag:s29] =	ssyncadd.s32 $0xFFFFFFFF  }
0xb6: {  	_ =	strace $0x90000051  }
0xb7: {  	_ =	sfence  }
0xb8: {  	s30 =	sld [smem:$0x0];
	_ =	sdelay $0x2  }
0xb9: {  	s31 =	sshll.u32 s1, $0xD;
	s1 =	sshrl.u32 s1, $0x2  }
0xba: {  	s3 =	sand.u32 $0x4000, s31;
	s1 =	sadd.s32 s1, s30  }
0xbb: {  	s0 =	sor.u32 s3, s0;
	s1 =	sshll.u32 s1, $0x11  }
0xbc: {  	s0 =	sor.u32 s1, s0  }
0xbd: {  	s0 =	sadd.s32 $0x8F2B, s0  }
0xbe: {  	[sflag:s0] =	ssyncadd.remote.s32 $0x1  }
0xbf: {  	_ =	sfence.sel $0xFFFF  }
0xc0: {  	[dreg:$0x0] =	wrdreg $0xFFFFFFFF;
	(pc) =	sbr.abs _section_cstart, $3  }
0xc1: {  	[dreg:$0x1] =	wrdreg $0xFFFFFFFF  }
0xc2: {  	_ =	task.clear_ibuf [dreg:s7], $0x2FFFF;
	_ =	strace $0x9FFFFFFF  }
0xc3: {  	(tm) =	ssettm $0x7FFFFFFF  }
tec
execute0_lowered:
.L_overlay_start_1:
0x0: {  	(tag) =	ssettag $0x1  }
0x1: {  	s0 =	rddreg [dreg:$0x0]  }
0x2: {  	s2 =	rddreg [dreg:$0x1];
	s1 =	srdreg.scid  }
0x3: {  	s3 =	rddreg [dreg:$0x2];
	s10 =	stileid.u32;
	s4 =	simm.s32 $0x0  }
0x4: {  	s25 =	simm.s32 $0x100;
	s26 =	simm.s32 $0x80;
	s28 =	simm.s32 $0x300  }
0x5: {  	s29 =	simm.s32 $0x280;
	s30 =	simm.s32 $0x2;
	s6 =	smul.u32 $0x14000, s10  }
0x6: {  	s31 =	simm.s32 $0x380;
	s1 =	sand.u32 $0x1, s1;
	s15 =	smul.u32 $0x5000, s10  }
0x7: {  	[smem:$0x7FF] =	sst s4;
	s5 =	smul.u32 $0x140000, s1;
	s7 =	sshll.u32 s1, $0x4  }
0x8: {  	_ =	strace $0x80000050;
	s8 =	ssub.s32 $0x2, s1;
	[dreg:$0x5] =	wrdreg s25  }
0x9: {  	s1 =	smul.u32 $0x50000, s1;
	[dreg:$0x6] =	wrdreg s26;
	s25 =	simm.s32 $0x3  }
0xa: {  	s26 =	simm.s32 $0x200;
	s9 =	sor.u32 s10, s7;
	s12 =	sshrl.u32 s8, $0x1  }
0xb: {  	s5 =	sadd.s32 s6, s5;
	s6 =	smul.u32 $0x5000, s9;
	s7 =	ssub.s32 s8, s12  }
0xc: {  	s9 =	smul.u32 $0x50000, s10;
	s19 =	sadd.s32 s15, s1;
	s1 =	simm.s32 $0x480  }
0xd: {  	s10 =	simm.s32 $0x680;
	s12 =	simm.s32 $0x0;
	s11 =	sshrl.u32 s5, $0x3  }
0xe: {  	s5 =	sadd.s32 $0x4000, s0;
	s16 =	smax.u32 s7, $0x1;
	s0 =	sadd.s32 s11, s0  }
0xf: {  	s13 =	sshrl.u32 s6, $0x3;
	s6 =	sor.u32 $0x800, s6;
	[dreg:$0x9] =	wrdreg s16  }
0x10: {  	s14 =	sshrl.u32 s9, $0x2;
	s8 =	sadd.s32 s2, s13;
	[dreg:$0x4] =	wrdreg s6  }
0x11: {  	s0 =	sadd.s32 $0x2C000, s0;
	[dreg:$0x7] =	wrdreg s8;
	s8 =	sadd.s32 s14, s3  }
0x12: {  	s7 =	simm.s32 $0x600;
	[dreg:$0x8] =	wrdreg s0;
	s17 =	sadd.s32 $0x2800, s8  }
0x13: {  	s9 =	simm.s32 $0x700;
	s18 =	sadd.s32 $0x5000, s8;
	[dreg:$0xa] =	wrdreg s17  }
0x14: {  	s11 =	simm.s32 $0x780;
	s20 =	sadd.s32 $0x7800, s8;
	[dreg:$0xb] =	wrdreg s18  }
0x15: {  	s6 =	simm.s32 $0x580;
	s21 =	sadd.s32 $0xA000, s8;
	[dreg:$0xc] =	wrdreg s20  }
0x16: {  	s0 =	sor.u32 $0x400, s19;
	s22 =	sadd.s32 $0xC800, s8;
	[dreg:$0xd] =	wrdreg s21  }
0x17: {  	s19 =	simm.s32 $0x4;
	s23 =	sadd.s32 $0xF000, s8;
	[dreg:$0xe] =	wrdreg s22  }
0x18: {  	s0 =	sshrl.u32 s0, $0x3;
	s24 =	sadd.s32 $0x11800, s8;
	[dreg:$0xf] =	wrdreg s23  }
0x19: {  	[dreg:$0x10] =	wrdreg s24;
	s14 =	sadd.s32 s0, s2;
	s18 =	simm.s32 $0x800  }
0x1a: {  	s20 =	simm.s32 $0x400;
	s21 =	simm.s32 $0x7D;
	s22 =	simm.s32 $0x4800  }
0x1b: {  	v0 =	vimm.f32 $0.0e+00;
	s23 =	simm.s32 $0x1;
	s24 =	simm.s32 $0x180;
	s0 =	simm.s32 $0x500  }
.LBB2_1:
0x1c: {  	s13 =	simm.s32 $0x0;
	s15 =	simm.s32 $0x200  }
.LBB2_2:
0x1d: {  	p0 =	sne.s32 s15, $0x9E00;
	[tilespmem:s13+$0x870] =	vst v0  }
0x1e: {  	[tilespmem:s13+$0x800] =	vst v0  }
0x1f: {  	[tilespmem:s13+$0x810] =	vst v0  }
.Ltmp0:
0x20: {  	[tilespmem:s13+$0x820] =	vst v0;
	(pc) =	sbr.rel @p0 .LBB2_2-.Ltmp0, $4  }
0x21: {  	[tilespmem:s13+$0x830] =	vst v0  }
0x22: {  	[tilespmem:s13+$0x840] =	vst v0  }
0x23: {  	[tilespmem:s13+$0x850] =	vst v0  }
0x24: {  	[tilespmem:s13+$0x860] =	vst v0;
	s13 =	sshra.s32 s15, $0x2;
	s15 =	sadd.s32 $0x200, s15  }
0x25: {  	[tilespmem:s13+$0x870] =	vst v0  }
0x26: {  	[tilespmem:s13+$0x800] =	vst v0  }
0x27: {  	[tilespmem:s13+$0x810] =	vst v0  }
0x28: {  	[tilespmem:s13+$0x820] =	vst v0  }
0x29: {  	[tilespmem:s13+$0x830] =	vst v0  }
0x2a: {  	[tilespmem:s13+$0x840] =	vst v0  }
0x2b: {  	[tilespmem:s13+$0x850] =	vst v0  }
0x2c: {  	[tilespmem:s13+$0x860] =	vst v0  }
0x2d: {  	[spmem:s8] =	stream.linear.scatter [tilespmem:s18], [sflag:$0x4], $0x2800, $0x38;
	[tilespmem:$0x1C800] =	vst v63  }
0x2e: {  	_ =	swait.ge [sflag:s19], $0x2800  }
0x2f: {  	[sflag:s19] =	ssyncset.done $0x0  }
0x30: {  	s16 =	rddreg [dreg:$0xa];
	[sflag:s19] =	ssyncadd.s32 $0xFFFFD800  }
0x31: {  	[spmem:s16] =	stream.linear.scatter [tilespmem:s18], [sflag:$0x4], $0x2800, $0x38;
	[tilespmem:$0x1C800] =	vst v63  }
0x32: {  	_ =	swait.ge [sflag:s19], $0x2800  }
0x33: {  	[sflag:s19] =	ssyncset.done $0x0  }
0x34: {  	s17 =	rddreg [dreg:$0xb];
	[sflag:s19] =	ssyncadd.s32 $0xFFFFD800  }
0x35: {  	[spmem:s17] =	stream.linear.scatter [tilespmem:s18], [sflag:$0x4], $0x2800, $0x38;
	[tilespmem:$0x1C800] =	vst v63  }
0x36: {  	_ =	swait.ge [sflag:s19], $0x2800  }
0x37: {  	[sflag:s19] =	ssyncset.done $0x0  }
0x38: {  	s15 =	rddreg [dreg:$0xc];
	[sflag:s19] =	ssyncadd.s32 $0xFFFFD800  }
0x39: {  	[spmem:s15] =	stream.linear.scatter [tilespmem:s18], [sflag:$0x4], $0x2800, $0x38;
	[tilespmem:$0x1C800] =	vst v63  }
0x3a: {  	_ =	swait.ge [sflag:s19], $0x2800  }
0x3b: {  	[sflag:s19] =	ssyncset.done $0x0  }
0x3c: {  	s16 =	rddreg [dreg:$0xd];
	[sflag:s19] =	ssyncadd.s32 $0xFFFFD800  }
0x3d: {  	[spmem:s16] =	stream.linear.scatter [tilespmem:s18], [sflag:$0x4], $0x2800, $0x38;
	[tilespmem:$0x1C800] =	vst v63  }
0x3e: {  	_ =	swait.ge [sflag:s19], $0x2800  }
0x3f: {  	[sflag:s19] =	ssyncset.done $0x0  }
0x40: {  	s17 =	rddreg [dreg:$0xe];
	[sflag:s19] =	ssyncadd.s32 $0xFFFFD800  }
0x41: {  	[spmem:s17] =	stream.linear.scatter [tilespmem:s18], [sflag:$0x4], $0x2800, $0x38;
	[tilespmem:$0x1C800] =	vst v63  }
0x42: {  	_ =	swait.ge [sflag:s19], $0x2800  }
0x43: {  	[sflag:s19] =	ssyncset.done $0x0  }
0x44: {  	s15 =	rddreg [dreg:$0xf];
	[sflag:s19] =	ssyncadd.s32 $0xFFFFD800  }
0x45: {  	[spmem:s15] =	stream.linear.scatter [tilespmem:s18], [sflag:$0x4], $0x2800, $0x38;
	[tilespmem:$0x1C800] =	vst v63  }
0x46: {  	_ =	swait.ge [sflag:s19], $0x2800  }
0x47: {  	[sflag:s19] =	ssyncset.done $0x0  }
0x48: {  	s16 =	rddreg [dreg:$0x10];
	[sflag:s19] =	ssyncadd.s32 $0xFFFFD800  }
0x49: {  	[spmem:s16] =	stream.linear.scatter [tilespmem:s18], [sflag:$0x4], $0x2800, $0x38;
	[tilespmem:$0x1C800] =	vst v63  }
0x4a: {  	_ =	swait.ge [sflag:s19], $0x2800  }
0x4b: {  	[sflag:s19] =	ssyncset.done $0x0  }
0x4c: {  	[sflag:s19] =	ssyncadd.s32 $0xFFFFD800  }
0x4d: {  	[bflag:$0x0] =	sbarrier.arrive $0xFFFF  }
0x4e: {  	s13 =	simm.s32 $0x0;
	s15 =	rddreg [dreg:$0x7]  }
0x4f: {  	[tilespmem:s13], [sflag:$0x4] =	stream.linear.gather [hbm4b:s15+s13], $0x400, $0x38;
	[tilespmem:$0x1C800] =	vst v63  }
0x50: {  	_ =	swait.ge [sflag:s19], $0x400  }
0x51: {  	[sflag:s19] =	ssyncset.done $0x0  }
0x52: {  	[sflag:s19] =	ssyncadd.s32 $0xFFFFFC00  }
0x53: {  	[tilespmem:s20], [sflag:$0x2] =	stream.linear.gather [hbm4b:s14+s4], $0x400, $0x38;
	[tilespmem:$0x1C800] =	vst v63  }
0x54: {  	_ = 	snop  }
0x55: {  	[tilespmem:s18], [sflag:$0x1] =	stream.indirect.gather [hbm4b:s5+s21], $0x80, s4, s21, $0xb8;
	[tilespmem:$0x1C800] =	vst v63  }
0x56: {  	s17 =	rddreg [dreg:$0x5]  }
0x57: {  	[tilespmem:s22], [sflag:$0x1] =	stream.indirect.gather [hbm4b:s5+s21], $0x80, s17, s21, $0xb8;
	[tilespmem:$0x1C800] =	vst v63  }
0x58: {  	_ =	swait.ge [sflag:s23], $0x3E80  }
0x59: {  	[sflag:s23] =	ssyncset.done $0x0  }
0x5a: {  	s16 =	rddreg [dreg:$0x6];
	[sflag:s23] =	ssyncadd.s32 $0xFFFFC180  }
0x5b: {  	[spmem:s3] =	stream.indirect.scatter.add.f32 [tilespmem:s18], [sflag:$0x3], $0x80, s16, s21, $0xb8;
	[tilespmem:$0x1C800] =	vst v63  }
0x5c: {  	_ =	swait.ge [sflag:s23], $0x3E80  }
0x5d: {  	[sflag:s23] =	ssyncset.done $0x0  }
0x5e: {  	[sflag:s23] =	ssyncadd.s32 $0xFFFFC180  }
0x5f: {  	[spmem:s3] =	stream.indirect.scatter.add.f32 [tilespmem:s22], [sflag:$0x3], $0x80, s24, s21, $0xb8;
	[tilespmem:$0x1C800] =	vst v63  }
0x60: {  	_ =	swait.ge [sflag:s25], $0x3E80  }
0x61: {  	[sflag:s25] =	ssyncset.done $0x0  }
0x62: {  	[sflag:s25] =	ssyncadd.s32 $0xFFFFC180  }
0x63: {  	[tilespmem:s18], [sflag:$0x1] =	stream.indirect.gather [hbm4b:s5+s21], $0x80, s26, s21, $0xb8;
	[tilespmem:$0x1C800] =	vst v63  }
0x64: {  	_ =	swait.ge [sflag:s25], $0x3E80  }
0x65: {  	[sflag:s25] =	ssyncset.done $0x0  }
0x66: {  	[sflag:s25] =	ssyncadd.s32 $0xFFFFC180  }
0x67: {  	[tilespmem:s22], [sflag:$0x1] =	stream.indirect.gather [hbm4b:s5+s21], $0x80, s28, s21, $0xb8;
	[tilespmem:$0x1C800] =	vst v63  }
0x68: {  	_ =	swait.ge [sflag:s23], $0x3E80  }
0x69: {  	[sflag:s23] =	ssyncset.done $0x0  }
0x6a: {  	[sflag:s23] =	ssyncadd.s32 $0xFFFFC180  }
0x6b: {  	[spmem:s3] =	stream.indirect.scatter.add.f32 [tilespmem:s18], [sflag:$0x3], $0x80, s29, s21, $0xb8;
	[tilespmem:$0x1C800] =	vst v63  }
0x6c: {  	_ =	swait.ge [sflag:s30], $0x400  }
0x6d: {  	[sflag:s30] =	ssyncset.done $0x0  }
0x6e: {  	[sflag:s30] =	ssyncadd.s32 $0xFFFFFC00  }
0x6f: {  	_ =	swait.ge [sflag:s23], $0x3E80  }
0x70: {  	[sflag:s23] =	ssyncset.done $0x0  }
0x71: {  	[sflag:s23] =	ssyncadd.s32 $0xFFFFC180  }
0x72: {  	[spmem:s3] =	stream.indirect.scatter.add.f32 [tilespmem:s22], [sflag:$0x3], $0x80, s31, s21, $0xb8;
	[tilespmem:$0x1C800] =	vst v63  }
0x73: {  	_ =	swait.ge [sflag:s25], $0x3E80  }
0x74: {  	[sflag:s25] =	ssyncset.done $0x0  }
0x75: {  	[sflag:s25] =	ssyncadd.s32 $0xFFFFC180  }
0x76: {  	s13 =	smin.u32 s13, $0x11;
	_ =	swait.ge [sflag:s25], $0x3E80  }
0x77: {  	s13 =	sshll.u32 s13, $0xA;
	s17 =	rddreg [dreg:$0x4]  }
0x78: {  	s13 =	sadd.s32 s13, s17  }
0x79: {  	[sflag:s25] =	ssyncset.done $0x0;
	s13 =	sshrl.u32 s13, $0x3  }
0x7a: {  	[sflag:s25] =	ssyncadd.s32 $0xFFFFC180;
	s13 =	sadd.s32 s2, s13  }
0x7b: {  	[tilespmem:s4], [sflag:$0x2] =	stream.linear.gather [hbm4b:s13+s4], $0x400, $0x38;
	[tilespmem:$0x1C800] =	vst v63  }
0x7c: {  	_ = 	snop  }
0x7d: {  	[tilespmem:s18], [sflag:$0x1] =	stream.indirect.gather [hbm4b:s5+s21], $0x80, s20, s21, $0xb8;
	[tilespmem:$0x1C800] =	vst v63  }
0x7e: {  	_ = 	snop  }
0x7f: {  	[tilespmem:s22], [sflag:$0x1] =	stream.indirect.gather [hbm4b:s5+s21], $0x80, s0, s21, $0xb8;
	[tilespmem:$0x1C800] =	vst v63  }
0x80: {  	_ =	swait.ge [sflag:s23], $0x3E80  }
0x81: {  	[sflag:s23] =	ssyncset.done $0x0  }
0x82: {  	[sflag:s23] =	ssyncadd.s32 $0xFFFFC180  }
0x83: {  	[spmem:s3] =	stream.indirect.scatter.add.f32 [tilespmem:s18], [sflag:$0x3], $0x80, s1, s21, $0xb8;
	[tilespmem:$0x1C800] =	vst v63  }
0x84: {  	_ =	swait.ge [sflag:s23], $0x3E80  }
0x85: {  	[sflag:s23] =	ssyncset.done $0x0  }
0x86: {  	[sflag:s23] =	ssyncadd.s32 $0xFFFFC180  }
0x87: {  	[spmem:s3] =	stream.indirect.scatter.add.f32 [tilespmem:s22], [sflag:$0x3], $0x80, s6, s21, $0xb8;
	[tilespmem:$0x1C800] =	vst v63  }
0x88: {  	_ =	swait.ge [sflag:s25], $0x3E80  }
0x89: {  	[sflag:s25] =	ssyncset.done $0x0  }
0x8a: {  	[sflag:s25] =	ssyncadd.s32 $0xFFFFC180  }
0x8b: {  	[tilespmem:s18], [sflag:$0x1] =	stream.indirect.gather [hbm4b:s5+s21], $0x80, s7, s21, $0xb8;
	[tilespmem:$0x1C800] =	vst v63  }
0x8c: {  	_ =	swait.ge [sflag:s25], $0x3E80  }
0x8d: {  	[sflag:s25] =	ssyncset.done $0x0  }
0x8e: {  	[sflag:s25] =	ssyncadd.s32 $0xFFFFC180  }
0x8f: {  	[tilespmem:s22], [sflag:$0x1] =	stream.indirect.gather [hbm4b:s5+s21], $0x80, s9, s21, $0xb8;
	[tilespmem:$0x1C800] =	vst v63  }
0x90: {  	_ =	swait.ge [sflag:s23], $0x3E80  }
0x91: {  	[sflag:s23] =	ssyncset.done $0x0  }
0x92: {  	[sflag:s23] =	ssyncadd.s32 $0xFFFFC180  }
0x93: {  	[spmem:s3] =	stream.indirect.scatter.add.f32 [tilespmem:s18], [sflag:$0x3], $0x80, s10, s21, $0xb8;
	[tilespmem:$0x1C800] =	vst v63  }
0x94: {  	_ =	swait.ge [sflag:s30], $0x400  }
0x95: {  	[sflag:s30] =	ssyncset.done $0x0  }
0x96: {  	[sflag:s30] =	ssyncadd.s32 $0xFFFFFC00  }
0x97: {  	_ =	swait.ge [sflag:s23], $0x3E80  }
0x98: {  	[sflag:s23] =	ssyncset.done $0x0  }
0x99: {  	[sflag:s23] =	ssyncadd.s32 $0xFFFFC180  }
0x9a: {  	[spmem:s3] =	stream.indirect.scatter.add.f32 [tilespmem:s22], [sflag:$0x3], $0x80, s11, s21, $0xb8;
	[tilespmem:$0x1C800] =	vst v63  }
0x9b: {  	_ =	swait.ge [sflag:s25], $0x3E80  }
0x9c: {  	[sflag:s25] =	ssyncset.done $0x0  }
0x9d: {  	[sflag:s25] =	ssyncadd.s32 $0xFFFFC180  }
0x9e: {  	_ =	swait.ge [sflag:s25], $0x3E80  }
0x9f: {  	s17 =	smov.u32 s14;
	s13 =	simm.s32 $0x2;
	[sflag:s25] =	ssyncset.done $0x0  }
.LBB2_4:
0xa0: {  	[sflag:s25] =	ssyncadd.s32 $0xFFFFC180;
	s17 =	sadd.s32 $0x100, s17  }
0xa1: {  	[tilespmem:s20], [sflag:$0x2] =	stream.linear.gather [hbm4b:s17+s4], $0x400, $0x38;
	[tilespmem:$0x1C800] =	vst v63  }
0xa2: {  	_ = 	snop  }
0xa3: {  	[tilespmem:s18], [sflag:$0x1] =	stream.indirect.gather [hbm4b:s5+s21], $0x80, s4, s21, $0xb8;
	[tilespmem:$0x1C800] =	vst v63  }
0xa4: {  	s16 =	rddreg [dreg:$0x5]  }
0xa5: {  	[tilespmem:s22], [sflag:$0x1] =	stream.indirect.gather [hbm4b:s5+s21], $0x80, s16, s21, $0xb8;
	[tilespmem:$0x1C800] =	vst v63  }
0xa6: {  	_ =	swait.ge [sflag:s23], $0x3E80  }
0xa7: {  	[sflag:s23] =	ssyncset.done $0x0  }
0xa8: {  	s16 =	rddreg [dreg:$0x6];
	[sflag:s23] =	ssyncadd.s32 $0xFFFFC180  }
0xa9: {  	[spmem:s3] =	stream.indirect.scatter.add.f32 [tilespmem:s18], [sflag:$0x3], $0x80, s16, s21, $0xb8;
	[tilespmem:$0x1C800] =	vst v63  }
0xaa: {  	_ =	swait.ge [sflag:s23], $0x3E80  }
0xab: {  	[sflag:s23] =	ssyncset.done $0x0  }
0xac: {  	[sflag:s23] =	ssyncadd.s32 $0xFFFFC180  }
0xad: {  	[spmem:s3] =	stream.indirect.scatter.add.f32 [tilespmem:s22], [sflag:$0x3], $0x80, s24, s21, $0xb8;
	[tilespmem:$0x1C800] =	vst v63  }
0xae: {  	_ =	swait.ge [sflag:s25], $0x3E80  }
0xaf: {  	[sflag:s25] =	ssyncset.done $0x0  }
0xb0: {  	[sflag:s25] =	ssyncadd.s32 $0xFFFFC180  }
0xb1: {  	[tilespmem:s18], [sflag:$0x1] =	stream.indirect.gather [hbm4b:s5+s21], $0x80, s26, s21, $0xb8;
	[tilespmem:$0x1C800] =	vst v63  }
0xb2: {  	_ =	swait.ge [sflag:s25], $0x3E80  }
0xb3: {  	[sflag:s25] =	ssyncset.done $0x0  }
0xb4: {  	[sflag:s25] =	ssyncadd.s32 $0xFFFFC180  }
0xb5: {  	[tilespmem:s22], [sflag:$0x1] =	stream.indirect.gather [hbm4b:s5+s21], $0x80, s28, s21, $0xb8;
	[tilespmem:$0x1C800] =	vst v63  }
0xb6: {  	_ =	swait.ge [sflag:s23], $0x3E80  }
0xb7: {  	[sflag:s23] =	ssyncset.done $0x0  }
0xb8: {  	[sflag:s23] =	ssyncadd.s32 $0xFFFFC180  }
0xb9: {  	[spmem:s3] =	stream.indirect.scatter.add.f32 [tilespmem:s18], [sflag:$0x3], $0x80, s29, s21, $0xb8;
	[tilespmem:$0x1C800] =	vst v63  }
0xba: {  	_ =	swait.ge [sflag:s30], $0x400  }
0xbb: {  	[sflag:s30] =	ssyncset.done $0x0  }
0xbc: {  	[sflag:s30] =	ssyncadd.s32 $0xFFFFFC00  }
0xbd: {  	_ =	swait.ge [sflag:s23], $0x3E80  }
0xbe: {  	[sflag:s23] =	ssyncset.done $0x0  }
0xbf: {  	[sflag:s23] =	ssyncadd.s32 $0xFFFFC180  }
0xc0: {  	[spmem:s3] =	stream.indirect.scatter.add.f32 [tilespmem:s22], [sflag:$0x3], $0x80, s31, s21, $0xb8;
	[tilespmem:$0x1C800] =	vst v63  }
0xc1: {  	_ =	swait.ge [sflag:s25], $0x3E80  }
0xc2: {  	[sflag:s25] =	ssyncset.done $0x0  }
0xc3: {  	s15 =	smov.u32 s13;
	[sflag:s25] =	ssyncadd.s32 $0xFFFFC180  }
0xc4: {  	s15 =	smin.u32 s15, $0x11;
	_ =	swait.ge [sflag:s25], $0x3E80  }
0xc5: {  	s15 =	sshll.u32 s15, $0xA;
	s16 =	rddreg [dreg:$0x4]  }
0xc6: {  	s15 =	sadd.s32 s15, s16  }
0xc7: {  	[sflag:s25] =	ssyncset.done $0x0;
	s15 =	sshrl.u32 s15, $0x3  }
0xc8: {  	[sflag:s25] =	ssyncadd.s32 $0xFFFFC180;
	s15 =	sadd.s32 s2, s15  }
0xc9: {  	[tilespmem:s4], [sflag:$0x2] =	stream.linear.gather [hbm4b:s15+s4], $0x400, $0x38;
	[tilespmem:$0x1C800] =	vst v63  }
0xca: {  	_ = 	snop  }
0xcb: {  	[tilespmem:s18], [sflag:$0x1] =	stream.indirect.gather [hbm4b:s5+s21], $0x80, s20, s21, $0xb8;
	[tilespmem:$0x1C800] =	vst v63  }
0xcc: {  	_ = 	snop  }
0xcd: {  	[tilespmem:s22], [sflag:$0x1] =	stream.indirect.gather [hbm4b:s5+s21], $0x80, s0, s21, $0xb8;
	[tilespmem:$0x1C800] =	vst v63  }
0xce: {  	_ =	swait.ge [sflag:s23], $0x3E80  }
0xcf: {  	[sflag:s23] =	ssyncset.done $0x0  }
0xd0: {  	[sflag:s23] =	ssyncadd.s32 $0xFFFFC180  }
0xd1: {  	[spmem:s3] =	stream.indirect.scatter.add.f32 [tilespmem:s18], [sflag:$0x3], $0x80, s1, s21, $0xb8;
	[tilespmem:$0x1C800] =	vst v63  }
0xd2: {  	_ =	swait.ge [sflag:s23], $0x3E80  }
0xd3: {  	[sflag:s23] =	ssyncset.done $0x0  }
0xd4: {  	[sflag:s23] =	ssyncadd.s32 $0xFFFFC180  }
0xd5: {  	[spmem:s3] =	stream.indirect.scatter.add.f32 [tilespmem:s22], [sflag:$0x3], $0x80, s6, s21, $0xb8;
	[tilespmem:$0x1C800] =	vst v63  }
0xd6: {  	_ =	swait.ge [sflag:s25], $0x3E80  }
0xd7: {  	[sflag:s25] =	ssyncset.done $0x0  }
0xd8: {  	[sflag:s25] =	ssyncadd.s32 $0xFFFFC180  }
0xd9: {  	[tilespmem:s18], [sflag:$0x1] =	stream.indirect.gather [hbm4b:s5+s21], $0x80, s7, s21, $0xb8;
	[tilespmem:$0x1C800] =	vst v63  }
0xda: {  	_ =	swait.ge [sflag:s25], $0x3E80  }
0xdb: {  	[sflag:s25] =	ssyncset.done $0x0  }
0xdc: {  	[sflag:s25] =	ssyncadd.s32 $0xFFFFC180  }
0xdd: {  	[tilespmem:s22], [sflag:$0x1] =	stream.indirect.gather [hbm4b:s5+s21], $0x80, s9, s21, $0xb8;
	[tilespmem:$0x1C800] =	vst v63  }
0xde: {  	_ =	swait.ge [sflag:s23], $0x3E80  }
0xdf: {  	[sflag:s23] =	ssyncset.done $0x0  }
0xe0: {  	[sflag:s23] =	ssyncadd.s32 $0xFFFFC180  }
0xe1: {  	[spmem:s3] =	stream.indirect.scatter.add.f32 [tilespmem:s18], [sflag:$0x3], $0x80, s10, s21, $0xb8;
	[tilespmem:$0x1C800] =	vst v63  }
0xe2: {  	_ =	swait.ge [sflag:s30], $0x400  }
0xe3: {  	[sflag:s30] =	ssyncset.done $0x0  }
0xe4: {  	[sflag:s30] =	ssyncadd.s32 $0xFFFFFC00  }
0xe5: {  	_ =	swait.ge [sflag:s23], $0x3E80  }
0xe6: {  	[sflag:s23] =	ssyncset.done $0x0  }
0xe7: {  	p0 =	sne.s32 s13, $0x12;
	[sflag:s23] =	ssyncadd.s32 $0xFFFFC180  }
0xe8: {  	[spmem:s3] =	stream.indirect.scatter.add.f32 [tilespmem:s22], [sflag:$0x3], $0x80, s11, s21, $0xb8;
	[tilespmem:$0x1C800] =	vst v63  }
.Ltmp1:
0xe9: {  	_ =	swait.ge [sflag:s25], $0x3E80;
	(pc) =	sbr.rel @p0 .LBB2_4-.Ltmp1, $4  }
0xea: {  	[sflag:s25] =	ssyncset.done $0x0  }
0xeb: {  	[sflag:s25] =	ssyncadd.s32 $0xFFFFC180  }
0xec: {  	_ =	swait.ge [sflag:s25], $0x3E80  }
0xed: {  	s13 =	sadd.s32 $0x2, s13;
	[sflag:s25] =	ssyncset.done $0x0  }
0xee: {  	[sflag:s25] =	ssyncadd.s32 $0xFFFFC180;
	s13 =	stileid.u32  }
0xef: {  	s13 =	sshll.u32 s13, $0x6;
	[bflag:$0x0] =	sbarrier.arrive $0xFFFF  }
0xf0: {  	s15 =	sshrl.u32 s8, $0x3;
	s13 =	sor.u32 $0x1C04, s13;
	s16 =	rddreg [dreg:$0x8]  }
0xf1: {  	[hbm:s16], [sflag:s13] =	dma.local [spmem:s15], $0x2800  }
0xf2: {  	_ =	swait.ge [sflag:s19], $0x2800  }
0xf3: {  	s12 =	sadd.s32 $0x1, s12;
	s17 =	rddreg [dreg:$0x9]  }
0xf4: {  	p0 =	sne.s32 s12, s17  }
.Ltmp2:
0xf5: {  	_ = 	snop;
	(pc) =	sbr.rel @p0 .LBB2_1-.Ltmp2, $3  }
0xf6: {  	_ =	sdelay $0x1  }
0xf7: {  	[sflag:s19] =	ssyncset.done $0x0  }
0xf8: {  	[sflag:s19] =	ssyncadd.s32 $0xFFFFD800  }
0xf9: {  	_ =	sfence.sel $0x180000  }
0xfa: {  	[bflag:$0x0] =	sbarrier.arrive $0xFFFF  }
0xfb: {  	_ =	strace $0x90000050  }
0xfc: {  	s0 =	stileid.u32;
	[bflag:$0x2] =	sbarrier.arrive $0xFFFF  }
0xfd: {  	p0 =	sne.s32 s0, $0x0;
	s0 =	rddreg [dreg:$0x3]  }
0xfe: {  	s0 =	sadd.s32 @!p0 $0x100000, s0  }
0xff: {  	[sflag:s0] =	ssyncadd.tile.s32 @!p0 $0x1;
	_ =	shalt  }
.Lfunc_end2:
_tile_overlayer_lowered:
.L_overlay_start_2:
0x100: {  	(tag) =	ssettag $0x2  }
0x101: {  	s0 =	rddreg [dreg:$0x0];
	s2 =	stileid.u32  }
0x102: {  	s1 =	rddreg [dreg:$0x1];
	p0 =	sne.s32 s2, $0x0  }
0x103: {  	s3 =	rddreg [dreg:$0x2];
	[bflag:$0x3] =	sbarrier.arrive $0xFFFF;
	s2 =	simm.s32 @!p0 $0x1C04  }
0x104: {  	[timem:s3], [sflag:s2] =	dma.local @!p0 [hbm:s0], s1  }
0x105: {  	s0 =	simm.s32 @!p0 $0x4  }
0x106: {  	_ =	swait.ge @!p0 [sflag:s0], s1  }
0x107: {  	s1 =	ssub.s32 @!p0 $0x0, s1;
	[sflag:s0] =	ssyncset.done @!p0 $0x0  }
0x108: {  	[sflag:s0] =	ssyncadd.s32 @!p0 s1  }
0x109: {  	[bflag:$0x3] =	sbarrier.arrive $0xFFFF  }
0x10a: {  	_ =	shalt  }

// kernel: kernel.25.cloned.1.call-start
scs
__scs_entry_jumppad:
0x0: {  	(pc) =	sbr.rel $0x88, $3  }
0x1: {  	(tag) =	ssettag $0x0;
	lr =	simm.s32 $0x1  }
0x2: {  	[smem:$0x3F9E] =	sst lr;
	_ =	strace $0xD0000000  }
0x3: {  	_ = 	snop  }
0x4: {  	_ = 	snop  }
0x5: {  	_ = 	snop  }
0x6: {  	_ = 	snop  }
0x7: {  	_ = 	snop  }
__scs_overlays_trampoline_lowered:
0x8: {  	[smem:$0x3FAD] =	sst s0  }
0x9: {  	[smem:$0x3FAE] =	sst s1  }
0xa: {  	[smem:$0x3FAF] =	sst s2  }
0xb: {  	[smem:$0x3FB0] =	sst s3  }
0xc: {  	[smem:$0x3FB1] =	sst s4  }
0xd: {  	[smem:$0x3FB2] =	sst s5  }
0xe: {  	[smem:$0x3FB3] =	sst s6  }
0xf: {  	[smem:$0x3FB4] =	sst s7  }
0x10: {  	[smem:$0x3FB5] =	sst s8  }
0x11: {  	[smem:$0x3FB6] =	sst s9;
	s0 =	simm.s32 @!p0 $0x0  }
0x12: {  	s1 =	sld [smem:$0x3F9C];
	s0 =	simm.s32 @p0 $0x1  }
0x13: {  	[smem:$0x3FB7] =	sst s0;
	s0 =	simm.s32 @!p1 $0x0  }
0x14: {  	s2 =	sld [smem:$0x3F9B];
	s0 =	simm.s32 @p1 $0x1  }
0x15: {  	[smem:$0x3FB8] =	sst s0;
	s0 =	simm.s32 @!p2 $0x0  }
0x16: {  	s3 =	sld [smem:$0x3FDB];
	s0 =	simm.s32 @p2 $0x1  }
0x17: {  	s4 =	simm.s32 $0x1BF5;
	[smem:$0x3FBA] =	sst s0  }
0x18: {  	s0 =	sld [smem:$0x3F9D];
	_ =	swait.ge [sflag:s4], $0x0  }
0x19: {  	s7 =	sld [smem:$0x3F9E]  }
0x1a: {  	s8 =	sadd.s32 $0xFFFFE003, lr  }
0x1b: {  	s9 =	sadd.s32 $0xFFFFFEF7, lr;
	s5 =	simm.s32 $0xFFFFFFFF;
	p2 =	slt.u32 s8, $0xFFFFF086  }
0x1c: {  	p1 =	slt.u32 s9, $0xF7A;
	s5 =	simm.s32 @!p2 $0x0  }
0x1d: {  	s5 =	simm.s32 @p1 $0x1;
	p0 =	seq.s32 s7, s2  }
0x1e: {  	s7 =	smul.u32 @!p0 $0xF7A, s2;
	p2 =	seq.s32 @!p0 s5, $0x0  }
0x1f: {  	s9 =	smul.u32 $0xF7A, s1;
	s8 =	simm.s32 @!p0 $0x1BF5;
	p2 =	por !p2, p0  }
0x20: {  	[sflag:s8] =	ssyncset.s32 @!p0 $0xFFFFF086;
	s6 =	sadd.s32 @!p0 s3, s7;
	s7 =	simm.s32 @!p0 $0x108  }
0x21: {  	s3 =	sadd.s32 s3, s9;
	s6 =	sadd.s32 @!p0 $0x88, s6;
	s7 =	simm.s32 @p2 $0x1082  }
0x22: {  	[simem:s7], [sflag:s8] =	dma.local @!p0 [hbm:s6], $0xF7A  }
0x23: {  	s9 =	sor.u32 $0xD0000000, s2;
	s6 =	simm.s32 $0x108;
	_ =	swait.ge @!p0 [sflag:s8], $0x0  }
0x24: {  	s3 =	sadd.s32 $0x88, s3;
	s6 =	simm.s32 @!p1 $0x1082;
	[sflag:s4] =	ssyncset.s32 $0xFFFFF086  }
0x25: {  	[simem:s6], [sflag:s4] =	dma.local [hbm:s3], $0xF7A  }
0x26: {  	[smem:$0x3F9E] =	sst s1;
	(tag) =	ssettag s2;
	_ =	strace s9  }
0x27: {  	s1 =	sld [smem:$0x3FAE]  }
0x28: {  	s2 =	sld [smem:$0x3FAF]  }
0x29: {  	s4 =	sld [smem:$0x3FB1]  }
0x2a: {  	p0 =	seq.s32 s5, $0x0;
	s5 =	sld [smem:$0x3FB2]  }
0x2b: {  	s6 =	sld [smem:$0x3FB3]  }
0x2c: {  	s7 =	sld [smem:$0x3FB4]  }
0x2d: {  	s3 =	simm.s32 $0x108;
	s8 =	sld [smem:$0x3FB5]  }
0x2e: {  	s3 =	simm.s32 @!p0 $0x1082;
	s9 =	sld [smem:$0x3FB6]  }
0x2f: {  	lr =	sadd.s32 s0, s3;
	s0 =	sld [smem:$0x3FAD]  }
0x30: {  	s3 =	sld [smem:$0x3FB0]  }
0x31: {  	[smem:$0x3FB9] =	sst s10  }
0x32: {  	s10 =	sld [smem:$0x3FB7];
	_ =	sdelay $0x3  }
0x33: {  	p0 =	seq.s32 s10, $0x1;
	s10 =	sld [smem:$0x3FB9];
	_ =	sdelay $0x3  }
0x34: {  	[smem:$0x3FB9] =	sst s10  }
0x35: {  	s10 =	sld [smem:$0x3FB8];
	_ =	sdelay $0x3  }
0x36: {  	p1 =	seq.s32 s10, $0x1;
	s10 =	sld [smem:$0x3FB9];
	_ =	sdelay $0x3  }
0x37: {  	[smem:$0x3FB9] =	sst s10  }
0x38: {  	s10 =	sld [smem:$0x3FBA]  }
0x39: {  	_ = 	snop;
	(pc) =	sbr.ind lr, $3  }
0x3a: {  	_ = 	snop  }
0x3b: {  	_ = 	snop  }
0x3c: {  	p2 =	seq.s32 s10, $0x1;
	s10 =	sld [smem:$0x3FB9]  }
0x3d: {  	_ =	shalt  }
0x3e: {  	_ =	shalt  }
0x3f: {  	_ =	shalt  }
0x40: {  	_ =	shalt  }
0x41: {  	_ =	shalt  }
0x42: {  	_ =	shalt  }
0x43: {  	_ =	shalt  }
0x44: {  	_ =	shalt  }
0x45: {  	_ =	shalt  }
0x46: {  	_ =	shalt  }
0x47: {  	_ =	shalt  }
0x48: {  	_ =	shalt  }
0x49: {  	_ =	shalt  }
0x4a: {  	_ =	shalt  }
0x4b: {  	_ =	shalt  }
0x4c: {  	_ =	shalt  }
0x4d: {  	_ =	shalt  }
0x4e: {  	_ =	shalt  }
0x4f: {  	_ =	shalt  }
0x50: {  	_ =	shalt  }
0x51: {  	_ =	shalt  }
0x52: {  	_ =	shalt  }
0x53: {  	_ =	shalt  }
0x54: {  	_ =	shalt  }
0x55: {  	_ =	shalt  }
0x56: {  	_ =	shalt  }
0x57: {  	_ =	shalt  }
0x58: {  	_ =	shalt  }
0x59: {  	_ =	shalt  }
0x5a: {  	_ =	shalt  }
0x5b: {  	_ =	shalt  }
0x5c: {  	_ =	shalt  }
0x5d: {  	_ =	shalt  }
0x5e: {  	_ =	shalt  }
0x5f: {  	_ =	shalt  }
0x60: {  	_ =	shalt  }
0x61: {  	_ =	shalt  }
0x62: {  	_ =	shalt  }
0x63: {  	_ =	shalt  }
0x64: {  	_ =	shalt  }
0x65: {  	_ =	shalt  }
0x66: {  	_ =	shalt  }
0x67: {  	_ =	shalt  }
0x68: {  	_ =	shalt  }
0x69: {  	_ =	shalt  }
0x6a: {  	_ =	shalt  }
0x6b: {  	_ =	shalt  }
0x6c: {  	_ =	shalt  }
0x6d: {  	_ =	shalt  }
0x6e: {  	_ =	shalt  }
0x6f: {  	_ =	shalt  }
0x70: {  	_ =	shalt  }
0x71: {  	_ =	shalt  }
0x72: {  	_ =	shalt  }
0x73: {  	_ =	shalt  }
0x74: {  	_ =	shalt  }
0x75: {  	_ =	shalt  }
0x76: {  	_ =	shalt  }
0x77: {  	_ =	shalt  }
0x78: {  	_ =	shalt  }
0x79: {  	_ =	shalt  }
0x7a: {  	_ =	shalt  }
0x7b: {  	_ =	shalt  }
0x7c: {  	_ =	shalt  }
0x7d: {  	_ =	shalt  }
0x7e: {  	_ =	shalt  }
0x7f: {  	_ =	shalt  }
0x80: {  	_ =	shalt  }
0x81: {  	_ =	shalt  }
0x82: {  	_ =	shalt  }
0x83: {  	_ =	shalt  }
0x84: {  	_ =	shalt  }
0x85: {  	_ =	shalt  }
0x86: {  	_ =	shalt  }
0x87: {  	_ =	shalt  }
.Lfunc_end0:
.L_simem_size_0:
called_computation.4_lowered:
.L_overlay_start_0:
0x88: {  	s2 =	sld [smem:$0x3FD9]  }
0x89: {  	s3 =	sld [smem:$0x3FFE];
	_ =	sdelay $0x1  }
0x8a: {  	s1 =	srdreg.scid  }
0x8b: {  	s0 =	sand.u32 $0x1, s1  }
0x8c: {  	s17 =	sshll.u32 s0, $0xA;
	s2 =	sadd.s32 s3, s2  }
0x8d: {  	s2 =	sadd.s32 s2, s17  }
0x8e: {  	[smem:$0x3FC5] =	sst s2  }
0x8f: {  	_ = 	snop  }
0x90: {  	s2 =	sld [smem:$0x3FD0];
	(tm) =	ssettm $0x1  }
0x91: {  	s18 =	sld [smem:$0x3FFB];
	_ =	sdelay $0x3  }
0x92: {  	_ =	strace s18  }
0x93: {  	s3 =	sld [smem:$0x3FFC];
	_ =	sdelay $0x3  }
0x94: {  	_ =	strace s3  }
0x95: {  	s3 =	sld [smem:$0x3FFD];
	_ =	sdelay $0x3  }
0x96: {  	_ =	strace s3  }
0x97: {  	_ =	strace $0x8FFFFFFF  }
0x98: {  	s19 =	sld [smem:$0x3FDB];
	_ =	sdelay $0x1  }
0x99: {  	s4 =	simm.s32 $_scs_section_size  }
0x9a: {  	s5 =	simm.s32 $_size__tile_overlayer_lowered;
	s6 =	simm.s32 $_tile_overlayer_lowered  }
0x9b: {  	s22 =	simm.s32 $0x1BFF;
	s21 =	sshll.u32 s6, $0x1;
	s3 =	sadd.s32 s4, s19  }
0x9c: {  	s7 =	simm.s32 $0x0;
	s20 =	sshll.u32 s5, $0x1;
	s5 =	sadd.s32 s21, s3  }
0x9d: {  	[timem:s7], [sflag:s22] =	dma.local [hbm:s5], s20  }
0x9e: {  	_ =	swait.ge [sflag:s22], s20  }
0x9f: {  	s4 =	ssub.s32 $0x0, s20;
	[sflag:s22] =	ssyncset.done $0x0  }
0xa0: {  	[sflag:s22] =	ssyncadd.s32 s4;
	_ =	sdelay $0x1  }
0xa1: {  	s23 =	simm.s32 $0x1B8B  }
0xa2: {  	_ =	swait.ge [sflag:s23], $0x1  }
0xa3: {  	[sflag:s23] =	ssyncset.done $0x0  }
0xa4: {  	s25 =	simm.s32 $0x1B8E;
	s24 =	sld [smem:$0x3FFE];
	[sflag:s23] =	ssyncadd.s32 $0xFFFFFFFF  }
0xa5: {  	s26 =	simm.s32 $execute0_lowered;
	[smem:$0x3FD2] =	sst s25  }
0xa6: {  	s5 =	sshll.u32 s26, $0x1;
	_ =	strace $0x80000052;
	[dreg:$0x1] =	wrdreg $0xFFFFFFFF  }
0xa7: {  	s28 =	simm.s32 $_size_execute0_lowered;
	s3 =	sadd.s32 s3, s5;
	[dreg:$0x0] =	wrdreg $0x0  }
0xa8: {  	s5 =	sshll.u32 s28, $0x1;
	[dreg:$0x2] =	wrdreg s3  }
0xa9: {  	[dreg:$0x3] =	wrdreg s5  }
0xaa: {  	[dreg:$0x4] =	wrdreg $0xC0  }
0xab: {  	_ =	task [dreg:s7], $0x5FFFF  }
0xac: {  	[dreg:$0x1] =	wrdreg $0xFFFFFFFF  }
0xad: {  	[dreg:$0x0] =	wrdreg $0x60  }
0xae: {  	[dreg:$0x2] =	wrdreg s24  }
0xaf: {  	[dreg:$0x3] =	wrdreg s2  }
0xb0: {  	[dreg:$0x4] =	wrdreg $0x88000  }
0xb1: {  	[dreg:$0x5] =	wrdreg $0x9  }
0xb2: {  	_ =	task.clear_ibuf [dreg:s7], $0x6FFFF;
	_ =	strace $0x90000052  }
0xb3: {  	s29 =	simm.s32 $0x9;
	_ =	strace $0x80000054  }
0xb4: {  	_ =	swait.ge [sflag:s29], $0x1  }
0xb5: {  	[sflag:s29] =	ssyncadd.s32 $0xFFFFFFFF  }
0xb6: {  	_ =	strace $0x90000054  }
0xb7: {  	_ =	sfence  }
0xb8: {  	s30 =	sld [smem:$0x0];
	_ =	sdelay $0x2  }
0xb9: {  	s31 =	sshll.u32 s1, $0xD;
	s1 =	sshrl.u32 s1, $0x2  }
0xba: {  	s3 =	sand.u32 $0x4000, s31;
	s1 =	sadd.s32 s1, s30  }
0xbb: {  	s0 =	sor.u32 s3, s0;
	s1 =	sshll.u32 s1, $0x11  }
0xbc: {  	s0 =	sor.u32 s1, s0  }
0xbd: {  	s0 =	sadd.s32 $0x8F2B, s0  }
0xbe: {  	[sflag:s0] =	ssyncadd.remote.s32 $0x1  }
0xbf: {  	_ =	sfence.sel $0xFFFF  }
0xc0: {  	[dreg:$0x0] =	wrdreg $0xFFFFFFFF;
	(pc) =	sbr.abs _section_cstart, $3  }
0xc1: {  	[dreg:$0x1] =	wrdreg $0xFFFFFFFF  }
0xc2: {  	_ =	task.clear_ibuf [dreg:s7], $0x2FFFF;
	_ =	strace $0x9FFFFFFF  }
0xc3: {  	(tm) =	ssettm $0x7FFFFFFF  }
tec
execute0_lowered:
.L_overlay_start_1:
0x0: {  	(tag) =	ssettag $0x1  }
0x1: {  	s0 =	rddreg [dreg:$0x0]  }
0x2: {  	s2 =	rddreg [dreg:$0x1];
	s1 =	srdreg.scid  }
0x3: {  	s3 =	rddreg [dreg:$0x2];
	s10 =	stileid.u32;
	s4 =	simm.s32 $0x0  }
0x4: {  	s25 =	simm.s32 $0x100;
	s26 =	simm.s32 $0x80;
	s28 =	simm.s32 $0x300  }
0x5: {  	s29 =	simm.s32 $0x280;
	s30 =	simm.s32 $0x2;
	s6 =	smul.u32 $0x14000, s10  }
0x6: {  	s31 =	simm.s32 $0x380;
	s1 =	sand.u32 $0x1, s1;
	s15 =	smul.u32 $0x5000, s10  }
0x7: {  	[smem:$0x7FF] =	sst s4;
	s5 =	smul.u32 $0x140000, s1;
	s7 =	sshll.u32 s1, $0x4  }
0x8: {  	_ =	strace $0x80000053;
	s8 =	ssub.s32 $0x2, s1;
	[dreg:$0x5] =	wrdreg s25  }
0x9: {  	s1 =	smul.u32 $0x50000, s1;
	[dreg:$0x6] =	wrdreg s26;
	s25 =	simm.s32 $0x3  }
0xa: {  	s26 =	simm.s32 $0x200;
	s9 =	sor.u32 s10, s7;
	s12 =	sshrl.u32 s8, $0x1  }
0xb: {  	s5 =	sadd.s32 s6, s5;
	s6 =	smul.u32 $0x5000, s9;
	s7 =	ssub.s32 s8, s12  }
0xc: {  	s9 =	smul.u32 $0x50000, s10;
	s19 =	sadd.s32 s15, s1;
	s1 =	simm.s32 $0x480  }
0xd: {  	s10 =	simm.s32 $0x680;
	s12 =	simm.s32 $0x0;
	s11 =	sshrl.u32 s5, $0x3  }
0xe: {  	s5 =	sadd.s32 $0x4000, s0;
	s16 =	smax.u32 s7, $0x1;
	s0 =	sadd.s32 s11, s0  }
0xf: {  	s13 =	sshrl.u32 s6, $0x3;
	s6 =	sor.u32 $0x800, s6;
	[dreg:$0x9] =	wrdreg s16  }
0x10: {  	s14 =	sshrl.u32 s9, $0x2;
	s8 =	sadd.s32 s2, s13;
	[dreg:$0x4] =	wrdreg s6  }
0x11: {  	s0 =	sadd.s32 $0x2C000, s0;
	[dreg:$0x7] =	wrdreg s8;
	s8 =	sadd.s32 s14, s3  }
0x12: {  	s7 =	simm.s32 $0x600;
	[dreg:$0x8] =	wrdreg s0;
	s17 =	sadd.s32 $0x2800, s8  }
0x13: {  	s9 =	simm.s32 $0x700;
	s18 =	sadd.s32 $0x5000, s8;
	[dreg:$0xa] =	wrdreg s17  }
0x14: {  	s11 =	simm.s32 $0x780;
	s20 =	sadd.s32 $0x7800, s8;
	[dreg:$0xb] =	wrdreg s18  }
0x15: {  	s6 =	simm.s32 $0x580;
	s21 =	sadd.s32 $0xA000, s8;
	[dreg:$0xc] =	wrdreg s20  }
0x16: {  	s0 =	sor.u32 $0x400, s19;
	s22 =	sadd.s32 $0xC800, s8;
	[dreg:$0xd] =	wrdreg s21  }
0x17: {  	s19 =	simm.s32 $0x4;
	s23 =	sadd.s32 $0xF000, s8;
	[dreg:$0xe] =	wrdreg s22  }
0x18: {  	s0 =	sshrl.u32 s0, $0x3;
	s24 =	sadd.s32 $0x11800, s8;
	[dreg:$0xf] =	wrdreg s23  }
0x19: {  	[dreg:$0x10] =	wrdreg s24;
	s14 =	sadd.s32 s0, s2;
	s18 =	simm.s32 $0x800  }
0x1a: {  	s20 =	simm.s32 $0x400;
	s21 =	simm.s32 $0x7D;
	s22 =	simm.s32 $0x4800  }
0x1b: {  	v0 =	vimm.f32 $0.0e+00;
	s23 =	simm.s32 $0x1;
	s24 =	simm.s32 $0x180;
	s0 =	simm.s32 $0x500  }
.LBB2_1:
0x1c: {  	s13 =	simm.s32 $0x0;
	s15 =	simm.s32 $0x200  }
.LBB2_2:
0x1d: {  	p0 =	sne.s32 s15, $0x9E00;
	[tilespmem:s13+$0x870] =	vst v0  }
0x1e: {  	[tilespmem:s13+$0x800] =	vst v0  }
0x1f: {  	[tilespmem:s13+$0x810] =	vst v0  }
.Ltmp0:
0x20: {  	[tilespmem:s13+$0x820] =	vst v0;
	(pc) =	sbr.rel @p0 .LBB2_2-.Ltmp0, $4  }
0x21: {  	[tilespmem:s13+$0x830] =	vst v0  }
0x22: {  	[tilespmem:s13+$0x840] =	vst v0  }
0x23: {  	[tilespmem:s13+$0x850] =	vst v0  }
0x24: {  	[tilespmem:s13+$0x860] =	vst v0;
	s13 =	sshra.s32 s15, $0x2;
	s15 =	sadd.s32 $0x200, s15  }
0x25: {  	[tilespmem:s13+$0x870] =	vst v0  }
0x26: {  	[tilespmem:s13+$0x800] =	vst v0  }
0x27: {  	[tilespmem:s13+$0x810] =	vst v0  }
0x28: {  	[tilespmem:s13+$0x820] =	vst v0  }
0x29: {  	[tilespmem:s13+$0x830] =	vst v0  }
0x2a: {  	[tilespmem:s13+$0x840] =	vst v0  }
0x2b: {  	[tilespmem:s13+$0x850] =	vst v0  }
0x2c: {  	[tilespmem:s13+$0x860] =	vst v0  }
0x2d: {  	[spmem:s8] =	stream.linear.scatter [tilespmem:s18], [sflag:$0x4], $0x2800, $0x38;
	[tilespmem:$0x1C800] =	vst v63  }
0x2e: {  	_ =	swait.ge [sflag:s19], $0x2800  }
0x2f: {  	[sflag:s19] =	ssyncset.done $0x0  }
0x30: {  	s16 =	rddreg [dreg:$0xa];
	[sflag:s19] =	ssyncadd.s32 $0xFFFFD800  }
0x31: {  	[spmem:s16] =	stream.linear.scatter [tilespmem:s18], [sflag:$0x4], $0x2800, $0x38;
	[tilespmem:$0x1C800] =	vst v63  }
0x32: {  	_ =	swait.ge [sflag:s19], $0x2800  }
0x33: {  	[sflag:s19] =	ssyncset.done $0x0  }
0x34: {  	s17 =	rddreg [dreg:$0xb];
	[sflag:s19] =	ssyncadd.s32 $0xFFFFD800  }
0x35: {  	[spmem:s17] =	stream.linear.scatter [tilespmem:s18], [sflag:$0x4], $0x2800, $0x38;
	[tilespmem:$0x1C800] =	vst v63  }
0x36: {  	_ =	swait.ge [sflag:s19], $0x2800  }
0x37: {  	[sflag:s19] =	ssyncset.done $0x0  }
0x38: {  	s15 =	rddreg [dreg:$0xc];
	[sflag:s19] =	ssyncadd.s32 $0xFFFFD800  }
0x39: {  	[spmem:s15] =	stream.linear.scatter [tilespmem:s18], [sflag:$0x4], $0x2800, $0x38;
	[tilespmem:$0x1C800] =	vst v63  }
0x3a: {  	_ =	swait.ge [sflag:s19], $0x2800  }
0x3b: {  	[sflag:s19] =	ssyncset.done $0x0  }
0x3c: {  	s16 =	rddreg [dreg:$0xd];
	[sflag:s19] =	ssyncadd.s32 $0xFFFFD800  }
0x3d: {  	[spmem:s16] =	stream.linear.scatter [tilespmem:s18], [sflag:$0x4], $0x2800, $0x38;
	[tilespmem:$0x1C800] =	vst v63  }
0x3e: {  	_ =	swait.ge [sflag:s19], $0x2800  }
0x3f: {  	[sflag:s19] =	ssyncset.done $0x0  }
0x40: {  	s17 =	rddreg [dreg:$0xe];
	[sflag:s19] =	ssyncadd.s32 $0xFFFFD800  }
0x41: {  	[spmem:s17] =	stream.linear.scatter [tilespmem:s18], [sflag:$0x4], $0x2800, $0x38;
	[tilespmem:$0x1C800] =	vst v63  }
0x42: {  	_ =	swait.ge [sflag:s19], $0x2800  }
0x43: {  	[sflag:s19] =	ssyncset.done $0x0  }
0x44: {  	s15 =	rddreg [dreg:$0xf];
	[sflag:s19] =	ssyncadd.s32 $0xFFFFD800  }
0x45: {  	[spmem:s15] =	stream.linear.scatter [tilespmem:s18], [sflag:$0x4], $0x2800, $0x38;
	[tilespmem:$0x1C800] =	vst v63  }
0x46: {  	_ =	swait.ge [sflag:s19], $0x2800  }
0x47: {  	[sflag:s19] =	ssyncset.done $0x0  }
0x48: {  	s16 =	rddreg [dreg:$0x10];
	[sflag:s19] =	ssyncadd.s32 $0xFFFFD800  }
0x49: {  	[spmem:s16] =	stream.linear.scatter [tilespmem:s18], [sflag:$0x4], $0x2800, $0x38;
	[tilespmem:$0x1C800] =	vst v63  }
0x4a: {  	_ =	swait.ge [sflag:s19], $0x2800  }
0x4b: {  	[sflag:s19] =	ssyncset.done $0x0  }
0x4c: {  	[sflag:s19] =	ssyncadd.s32 $0xFFFFD800  }
0x4d: {  	[bflag:$0x0] =	sbarrier.arrive $0xFFFF  }
0x4e: {  	s13 =	simm.s32 $0x0;
	s15 =	rddreg [dreg:$0x7]  }
0x4f: {  	[tilespmem:s13], [sflag:$0x4] =	stream.linear.gather [hbm4b:s15+s13], $0x400, $0x38;
	[tilespmem:$0x1C800] =	vst v63  }
0x50: {  	_ =	swait.ge [sflag:s19], $0x400  }
0x51: {  	[sflag:s19] =	ssyncset.done $0x0  }
0x52: {  	[sflag:s19] =	ssyncadd.s32 $0xFFFFFC00  }
0x53: {  	[tilespmem:s20], [sflag:$0x2] =	stream.linear.gather [hbm4b:s14+s4], $0x400, $0x38;
	[tilespmem:$0x1C800] =	vst v63  }
0x54: {  	_ = 	snop  }
0x55: {  	[tilespmem:s18], [sflag:$0x1] =	stream.indirect.gather [hbm4b:s5+s21], $0x80, s4, s21, $0xb8;
	[tilespmem:$0x1C800] =	vst v63  }
0x56: {  	s17 =	rddreg [dreg:$0x5]  }
0x57: {  	[tilespmem:s22], [sflag:$0x1] =	stream.indirect.gather [hbm4b:s5+s21], $0x80, s17, s21, $0xb8;
	[tilespmem:$0x1C800] =	vst v63  }
0x58: {  	_ =	swait.ge [sflag:s23], $0x3E80  }
0x59: {  	[sflag:s23] =	ssyncset.done $0x0  }
0x5a: {  	s16 =	rddreg [dreg:$0x6];
	[sflag:s23] =	ssyncadd.s32 $0xFFFFC180  }
0x5b: {  	[spmem:s3] =	stream.indirect.scatter.add.f32 [tilespmem:s18], [sflag:$0x3], $0x80, s16, s21, $0xb8;
	[tilespmem:$0x1C800] =	vst v63  }
0x5c: {  	_ =	swait.ge [sflag:s23], $0x3E80  }
0x5d: {  	[sflag:s23] =	ssyncset.done $0x0  }
0x5e: {  	[sflag:s23] =	ssyncadd.s32 $0xFFFFC180  }
0x5f: {  	[spmem:s3] =	stream.indirect.scatter.add.f32 [tilespmem:s22], [sflag:$0x3], $0x80, s24, s21, $0xb8;
	[tilespmem:$0x1C800] =	vst v63  }
0x60: {  	_ =	swait.ge [sflag:s25], $0x3E80  }
0x61: {  	[sflag:s25] =	ssyncset.done $0x0  }
0x62: {  	[sflag:s25] =	ssyncadd.s32 $0xFFFFC180  }
0x63: {  	[tilespmem:s18], [sflag:$0x1] =	stream.indirect.gather [hbm4b:s5+s21], $0x80, s26, s21, $0xb8;
	[tilespmem:$0x1C800] =	vst v63  }
0x64: {  	_ =	swait.ge [sflag:s25], $0x3E80  }
0x65: {  	[sflag:s25] =	ssyncset.done $0x0  }
0x66: {  	[sflag:s25] =	ssyncadd.s32 $0xFFFFC180  }
0x67: {  	[tilespmem:s22], [sflag:$0x1] =	stream.indirect.gather [hbm4b:s5+s21], $0x80, s28, s21, $0xb8;
	[tilespmem:$0x1C800] =	vst v63  }
0x68: {  	_ =	swait.ge [sflag:s23], $0x3E80  }
0x69: {  	[sflag:s23] =	ssyncset.done $0x0  }
0x6a: {  	[sflag:s23] =	ssyncadd.s32 $0xFFFFC180  }
0x6b: {  	[spmem:s3] =	stream.indirect.scatter.add.f32 [tilespmem:s18], [sflag:$0x3], $0x80, s29, s21, $0xb8;
	[tilespmem:$0x1C800] =	vst v63  }
0x6c: {  	_ =	swait.ge [sflag:s30], $0x400  }
0x6d: {  	[sflag:s30] =	ssyncset.done $0x0  }
0x6e: {  	[sflag:s30] =	ssyncadd.s32 $0xFFFFFC00  }
0x6f: {  	_ =	swait.ge [sflag:s23], $0x3E80  }
0x70: {  	[sflag:s23] =	ssyncset.done $0x0  }
0x71: {  	[sflag:s23] =	ssyncadd.s32 $0xFFFFC180  }
0x72: {  	[spmem:s3] =	stream.indirect.scatter.add.f32 [tilespmem:s22], [sflag:$0x3], $0x80, s31, s21, $0xb8;
	[tilespmem:$0x1C800] =	vst v63  }
0x73: {  	_ =	swait.ge [sflag:s25], $0x3E80  }
0x74: {  	[sflag:s25] =	ssyncset.done $0x0  }
0x75: {  	[sflag:s25] =	ssyncadd.s32 $0xFFFFC180  }
0x76: {  	s13 =	smin.u32 s13, $0x11;
	_ =	swait.ge [sflag:s25], $0x3E80  }
0x77: {  	s13 =	sshll.u32 s13, $0xA;
	s17 =	rddreg [dreg:$0x4]  }
0x78: {  	s13 =	sadd.s32 s13, s17  }
0x79: {  	[sflag:s25] =	ssyncset.done $0x0;
	s13 =	sshrl.u32 s13, $0x3  }
0x7a: {  	[sflag:s25] =	ssyncadd.s32 $0xFFFFC180;
	s13 =	sadd.s32 s2, s13  }
0x7b: {  	[tilespmem:s4], [sflag:$0x2] =	stream.linear.gather [hbm4b:s13+s4], $0x400, $0x38;
	[tilespmem:$0x1C800] =	vst v63  }
0x7c: {  	_ = 	snop  }
0x7d: {  	[tilespmem:s18], [sflag:$0x1] =	stream.indirect.gather [hbm4b:s5+s21], $0x80, s20, s21, $0xb8;
	[tilespmem:$0x1C800] =	vst v63  }
0x7e: {  	_ = 	snop  }
0x7f: {  	[tilespmem:s22], [sflag:$0x1] =	stream.indirect.gather [hbm4b:s5+s21], $0x80, s0, s21, $0xb8;
	[tilespmem:$0x1C800] =	vst v63  }
0x80: {  	_ =	swait.ge [sflag:s23], $0x3E80  }
0x81: {  	[sflag:s23] =	ssyncset.done $0x0  }
0x82: {  	[sflag:s23] =	ssyncadd.s32 $0xFFFFC180  }
0x83: {  	[spmem:s3] =	stream.indirect.scatter.add.f32 [tilespmem:s18], [sflag:$0x3], $0x80, s1, s21, $0xb8;
	[tilespmem:$0x1C800] =	vst v63  }
0x84: {  	_ =	swait.ge [sflag:s23], $0x3E80  }
0x85: {  	[sflag:s23] =	ssyncset.done $0x0  }
0x86: {  	[sflag:s23] =	ssyncadd.s32 $0xFFFFC180  }
0x87: {  	[spmem:s3] =	stream.indirect.scatter.add.f32 [tilespmem:s22], [sflag:$0x3], $0x80, s6, s21, $0xb8;
	[tilespmem:$0x1C800] =	vst v63  }
0x88: {  	_ =	swait.ge [sflag:s25], $0x3E80  }
0x89: {  	[sflag:s25] =	ssyncset.done $0x0  }
0x8a: {  	[sflag:s25] =	ssyncadd.s32 $0xFFFFC180  }
0x8b: {  	[tilespmem:s18], [sflag:$0x1] =	stream.indirect.gather [hbm4b:s5+s21], $0x80, s7, s21, $0xb8;
	[tilespmem:$0x1C800] =	vst v63  }
0x8c: {  	_ =	swait.ge [sflag:s25], $0x3E80  }
0x8d: {  	[sflag:s25] =	ssyncset.done $0x0  }
0x8e: {  	[sflag:s25] =	ssyncadd.s32 $0xFFFFC180  }
0x8f: {  	[tilespmem:s22], [sflag:$0x1] =	stream.indirect.gather [hbm4b:s5+s21], $0x80, s9, s21, $0xb8;
	[tilespmem:$0x1C800] =	vst v63  }
0x90: {  	_ =	swait.ge [sflag:s23], $0x3E80  }
0x91: {  	[sflag:s23] =	ssyncset.done $0x0  }
0x92: {  	[sflag:s23] =	ssyncadd.s32 $0xFFFFC180  }
0x93: {  	[spmem:s3] =	stream.indirect.scatter.add.f32 [tilespmem:s18], [sflag:$0x3], $0x80, s10, s21, $0xb8;
	[tilespmem:$0x1C800] =	vst v63  }
0x94: {  	_ =	swait.ge [sflag:s30], $0x400  }
0x95: {  	[sflag:s30] =	ssyncset.done $0x0  }
0x96: {  	[sflag:s30] =	ssyncadd.s32 $0xFFFFFC00  }
0x97: {  	_ =	swait.ge [sflag:s23], $0x3E80  }
0x98: {  	[sflag:s23] =	ssyncset.done $0x0  }
0x99: {  	[sflag:s23] =	ssyncadd.s32 $0xFFFFC180  }
0x9a: {  	[spmem:s3] =	stream.indirect.scatter.add.f32 [tilespmem:s22], [sflag:$0x3], $0x80, s11, s21, $0xb8;
	[tilespmem:$0x1C800] =	vst v63  }
0x9b: {  	_ =	swait.ge [sflag:s25], $0x3E80  }
0x9c: {  	[sflag:s25] =	ssyncset.done $0x0  }
0x9d: {  	[sflag:s25] =	ssyncadd.s32 $0xFFFFC180  }
0x9e: {  	_ =	swait.ge [sflag:s25], $0x3E80  }
0x9f: {  	s17 =	smov.u32 s14;
	s13 =	simm.s32 $0x2;
	[sflag:s25] =	ssyncset.done $0x0  }
.LBB2_4:
0xa0: {  	[sflag:s25] =	ssyncadd.s32 $0xFFFFC180;
	s17 =	sadd.s32 $0x100, s17  }
0xa1: {  	[tilespmem:s20], [sflag:$0x2] =	stream.linear.gather [hbm4b:s17+s4], $0x400, $0x38;
	[tilespmem:$0x1C800] =	vst v63  }
0xa2: {  	_ = 	snop  }
0xa3: {  	[tilespmem:s18], [sflag:$0x1] =	stream.indirect.gather [hbm4b:s5+s21], $0x80, s4, s21, $0xb8;
	[tilespmem:$0x1C800] =	vst v63  }
0xa4: {  	s16 =	rddreg [dreg:$0x5]  }
0xa5: {  	[tilespmem:s22], [sflag:$0x1] =	stream.indirect.gather [hbm4b:s5+s21], $0x80, s16, s21, $0xb8;
	[tilespmem:$0x1C800] =	vst v63  }
0xa6: {  	_ =	swait.ge [sflag:s23], $0x3E80  }
0xa7: {  	[sflag:s23] =	ssyncset.done $0x0  }
0xa8: {  	s16 =	rddreg [dreg:$0x6];
	[sflag:s23] =	ssyncadd.s32 $0xFFFFC180  }
0xa9: {  	[spmem:s3] =	stream.indirect.scatter.add.f32 [tilespmem:s18], [sflag:$0x3], $0x80, s16, s21, $0xb8;
	[tilespmem:$0x1C800] =	vst v63  }
0xaa: {  	_ =	swait.ge [sflag:s23], $0x3E80  }
0xab: {  	[sflag:s23] =	ssyncset.done $0x0  }
0xac: {  	[sflag:s23] =	ssyncadd.s32 $0xFFFFC180  }
0xad: {  	[spmem:s3] =	stream.indirect.scatter.add.f32 [tilespmem:s22], [sflag:$0x3], $0x80, s24, s21, $0xb8;
	[tilespmem:$0x1C800] =	vst v63  }
0xae: {  	_ =	swait.ge [sflag:s25], $0x3E80  }
0xaf: {  	[sflag:s25] =	ssyncset.done $0x0  }
0xb0: {  	[sflag:s25] =	ssyncadd.s32 $0xFFFFC180  }
0xb1: {  	[tilespmem:s18], [sflag:$0x1] =	stream.indirect.gather [hbm4b:s5+s21], $0x80, s26, s21, $0xb8;
	[tilespmem:$0x1C800] =	vst v63  }
0xb2: {  	_ =	swait.ge [sflag:s25], $0x3E80  }
0xb3: {  	[sflag:s25] =	ssyncset.done $0x0  }
0xb4: {  	[sflag:s25] =	ssyncadd.s32 $0xFFFFC180  }
0xb5: {  	[tilespmem:s22], [sflag:$0x1] =	stream.indirect.gather [hbm4b:s5+s21], $0x80, s28, s21, $0xb8;
	[tilespmem:$0x1C800] =	vst v63  }
0xb6: {  	_ =	swait.ge [sflag:s23], $0x3E80  }
0xb7: {  	[sflag:s23] =	ssyncset.done $0x0  }
0xb8: {  	[sflag:s23] =	ssyncadd.s32 $0xFFFFC180  }
0xb9: {  	[spmem:s3] =	stream.indirect.scatter.add.f32 [tilespmem:s18], [sflag:$0x3], $0x80, s29, s21, $0xb8;
	[tilespmem:$0x1C800] =	vst v63  }
0xba: {  	_ =	swait.ge [sflag:s30], $0x400  }
0xbb: {  	[sflag:s30] =	ssyncset.done $0x0  }
0xbc: {  	[sflag:s30] =	ssyncadd.s32 $0xFFFFFC00  }
0xbd: {  	_ =	swait.ge [sflag:s23], $0x3E80  }
0xbe: {  	[sflag:s23] =	ssyncset.done $0x0  }
0xbf: {  	[sflag:s23] =	ssyncadd.s32 $0xFFFFC180  }
0xc0: {  	[spmem:s3] =	stream.indirect.scatter.add.f32 [tilespmem:s22], [sflag:$0x3], $0x80, s31, s21, $0xb8;
	[tilespmem:$0x1C800] =	vst v63  }
0xc1: {  	_ =	swait.ge [sflag:s25], $0x3E80  }
0xc2: {  	[sflag:s25] =	ssyncset.done $0x0  }
0xc3: {  	s15 =	smov.u32 s13;
	[sflag:s25] =	ssyncadd.s32 $0xFFFFC180  }
0xc4: {  	s15 =	smin.u32 s15, $0x11;
	_ =	swait.ge [sflag:s25], $0x3E80  }
0xc5: {  	s15 =	sshll.u32 s15, $0xA;
	s16 =	rddreg [dreg:$0x4]  }
0xc6: {  	s15 =	sadd.s32 s15, s16  }
0xc7: {  	[sflag:s25] =	ssyncset.done $0x0;
	s15 =	sshrl.u32 s15, $0x3  }
0xc8: {  	[sflag:s25] =	ssyncadd.s32 $0xFFFFC180;
	s15 =	sadd.s32 s2, s15  }
0xc9: {  	[tilespmem:s4], [sflag:$0x2] =	stream.linear.gather [hbm4b:s15+s4], $0x400, $0x38;
	[tilespmem:$0x1C800] =	vst v63  }
0xca: {  	_ = 	snop  }
0xcb: {  	[tilespmem:s18], [sflag:$0x1] =	stream.indirect.gather [hbm4b:s5+s21], $0x80, s20, s21, $0xb8;
	[tilespmem:$0x1C800] =	vst v63  }
0xcc: {  	_ = 	snop  }
0xcd: {  	[tilespmem:s22], [sflag:$0x1] =	stream.indirect.gather [hbm4b:s5+s21], $0x80, s0, s21, $0xb8;
	[tilespmem:$0x1C800] =	vst v63  }
0xce: {  	_ =	swait.ge [sflag:s23], $0x3E80  }
0xcf: {  	[sflag:s23] =	ssyncset.done $0x0  }
0xd0: {  	[sflag:s23] =	ssyncadd.s32 $0xFFFFC180  }
0xd1: {  	[spmem:s3] =	stream.indirect.scatter.add.f32 [tilespmem:s18], [sflag:$0x3], $0x80, s1, s21, $0xb8;
	[tilespmem:$0x1C800] =	vst v63  }
0xd2: {  	_ =	swait.ge [sflag:s23], $0x3E80  }
0xd3: {  	[sflag:s23] =	ssyncset.done $0x0  }
0xd4: {  	[sflag:s23] =	ssyncadd.s32 $0xFFFFC180  }
0xd5: {  	[spmem:s3] =	stream.indirect.scatter.add.f32 [tilespmem:s22], [sflag:$0x3], $0x80, s6, s21, $0xb8;
	[tilespmem:$0x1C800] =	vst v63  }
0xd6: {  	_ =	swait.ge [sflag:s25], $0x3E80  }
0xd7: {  	[sflag:s25] =	ssyncset.done $0x0  }
0xd8: {  	[sflag:s25] =	ssyncadd.s32 $0xFFFFC180  }
0xd9: {  	[tilespmem:s18], [sflag:$0x1] =	stream.indirect.gather [hbm4b:s5+s21], $0x80, s7, s21, $0xb8;
	[tilespmem:$0x1C800] =	vst v63  }
0xda: {  	_ =	swait.ge [sflag:s25], $0x3E80  }
0xdb: {  	[sflag:s25] =	ssyncset.done $0x0  }
0xdc: {  	[sflag:s25] =	ssyncadd.s32 $0xFFFFC180  }
0xdd: {  	[tilespmem:s22], [sflag:$0x1] =	stream.indirect.gather [hbm4b:s5+s21], $0x80, s9, s21, $0xb8;
	[tilespmem:$0x1C800] =	vst v63  }
0xde: {  	_ =	swait.ge [sflag:s23], $0x3E80  }
0xdf: {  	[sflag:s23] =	ssyncset.done $0x0  }
0xe0: {  	[sflag:s23] =	ssyncadd.s32 $0xFFFFC180  }
0xe1: {  	[spmem:s3] =	stream.indirect.scatter.add.f32 [tilespmem:s18], [sflag:$0x3], $0x80, s10, s21, $0xb8;
	[tilespmem:$0x1C800] =	vst v63  }
0xe2: {  	_ =	swait.ge [sflag:s30], $0x400  }
0xe3: {  	[sflag:s30] =	ssyncset.done $0x0  }
0xe4: {  	[sflag:s30] =	ssyncadd.s32 $0xFFFFFC00  }
0xe5: {  	_ =	swait.ge [sflag:s23], $0x3E80  }
0xe6: {  	[sflag:s23] =	ssyncset.done $0x0  }
0xe7: {  	p0 =	sne.s32 s13, $0x12;
	[sflag:s23] =	ssyncadd.s32 $0xFFFFC180  }
0xe8: {  	[spmem:s3] =	stream.indirect.scatter.add.f32 [tilespmem:s22], [sflag:$0x3], $0x80, s11, s21, $0xb8;
	[tilespmem:$0x1C800] =	vst v63  }
.Ltmp1:
0xe9: {  	_ =	swait.ge [sflag:s25], $0x3E80;
	(pc) =	sbr.rel @p0 .LBB2_4-.Ltmp1, $4  }
0xea: {  	[sflag:s25] =	ssyncset.done $0x0  }
0xeb: {  	[sflag:s25] =	ssyncadd.s32 $0xFFFFC180  }
0xec: {  	_ =	swait.ge [sflag:s25], $0x3E80  }
0xed: {  	s13 =	sadd.s32 $0x2, s13;
	[sflag:s25] =	ssyncset.done $0x0  }
0xee: {  	[sflag:s25] =	ssyncadd.s32 $0xFFFFC180;
	s13 =	stileid.u32  }
0xef: {  	s13 =	sshll.u32 s13, $0x6;
	[bflag:$0x0] =	sbarrier.arrive $0xFFFF  }
0xf0: {  	s15 =	sshrl.u32 s8, $0x3;
	s13 =	sor.u32 $0x1C04, s13;
	s16 =	rddreg [dreg:$0x8]  }
0xf1: {  	[hbm:s16], [sflag:s13] =	dma.local [spmem:s15], $0x2800  }
0xf2: {  	_ =	swait.ge [sflag:s19], $0x2800  }
0xf3: {  	s12 =	sadd.s32 $0x1, s12;
	s17 =	rddreg [dreg:$0x9]  }
0xf4: {  	p0 =	sne.s32 s12, s17  }
.Ltmp2:
0xf5: {  	_ = 	snop;
	(pc) =	sbr.rel @p0 .LBB2_1-.Ltmp2, $3  }
0xf6: {  	_ =	sdelay $0x1  }
0xf7: {  	[sflag:s19] =	ssyncset.done $0x0  }
0xf8: {  	[sflag:s19] =	ssyncadd.s32 $0xFFFFD800  }
0xf9: {  	_ =	sfence.sel $0x180000  }
0xfa: {  	[bflag:$0x0] =	sbarrier.arrive $0xFFFF  }
0xfb: {  	_ =	strace $0x90000053  }
0xfc: {  	s0 =	stileid.u32;
	[bflag:$0x2] =	sbarrier.arrive $0xFFFF  }
0xfd: {  	p0 =	sne.s32 s0, $0x0;
	s0 =	rddreg [dreg:$0x3]  }
0xfe: {  	s0 =	sadd.s32 @!p0 $0x100000, s0  }
0xff: {  	[sflag:s0] =	ssyncadd.tile.s32 @!p0 $0x1;
	_ =	shalt  }
.Lfunc_end2:
_tile_overlayer_lowered:
.L_overlay_start_2:
0x100: {  	(tag) =	ssettag $0x2  }
0x101: {  	s0 =	rddreg [dreg:$0x0];
	s2 =	stileid.u32  }
0x102: {  	s1 =	rddreg [dreg:$0x1];
	p0 =	sne.s32 s2, $0x0  }
0x103: {  	s3 =	rddreg [dreg:$0x2];
	[bflag:$0x3] =	sbarrier.arrive $0xFFFF;
	s2 =	simm.s32 @!p0 $0x1C04  }
0x104: {  	[timem:s3], [sflag:s2] =	dma.local @!p0 [hbm:s0], s1  }
0x105: {  	s0 =	simm.s32 @!p0 $0x4  }
0x106: {  	_ =	swait.ge @!p0 [sflag:s0], s1  }
0x107: {  	s1 =	ssub.s32 @!p0 $0x0, s1;
	[sflag:s0] =	ssyncset.done @!p0 $0x0  }
0x108: {  	[sflag:s0] =	ssyncadd.s32 @!p0 s1  }
0x109: {  	[bflag:$0x3] =	sbarrier.arrive $0xFFFF  }
0x10a: {  	_ =	shalt  }

// kernel: kernel.28.cloned.1.call-start
scs
__scs_entry_jumppad:
0x0: {  	(pc) =	sbr.rel $0x88, $3  }
0x1: {  	(tag) =	ssettag $0x0;
	lr =	simm.s32 $0x1  }
0x2: {  	[smem:$0x3F9E] =	sst lr;
	_ =	strace $0xD0000000  }
0x3: {  	_ = 	snop  }
0x4: {  	_ = 	snop  }
0x5: {  	_ = 	snop  }
0x6: {  	_ = 	snop  }
0x7: {  	_ = 	snop  }
__scs_overlays_trampoline_lowered:
0x8: {  	[smem:$0x3FAD] =	sst s0  }
0x9: {  	[smem:$0x3FAE] =	sst s1  }
0xa: {  	[smem:$0x3FAF] =	sst s2  }
0xb: {  	[smem:$0x3FB0] =	sst s3  }
0xc: {  	[smem:$0x3FB1] =	sst s4  }
0xd: {  	[smem:$0x3FB2] =	sst s5  }
0xe: {  	[smem:$0x3FB3] =	sst s6  }
0xf: {  	[smem:$0x3FB4] =	sst s7  }
0x10: {  	[smem:$0x3FB5] =	sst s8  }
0x11: {  	[smem:$0x3FB6] =	sst s9;
	s0 =	simm.s32 @!p0 $0x0  }
0x12: {  	s1 =	sld [smem:$0x3F9C];
	s0 =	simm.s32 @p0 $0x1  }
0x13: {  	[smem:$0x3FB7] =	sst s0;
	s0 =	simm.s32 @!p1 $0x0  }
0x14: {  	s2 =	sld [smem:$0x3F9B];
	s0 =	simm.s32 @p1 $0x1  }
0x15: {  	[smem:$0x3FB8] =	sst s0;
	s0 =	simm.s32 @!p2 $0x0  }
0x16: {  	s3 =	sld [smem:$0x3FDB];
	s0 =	simm.s32 @p2 $0x1  }
0x17: {  	s4 =	simm.s32 $0x1BF5;
	[smem:$0x3FBA] =	sst s0  }
0x18: {  	s0 =	sld [smem:$0x3F9D];
	_ =	swait.ge [sflag:s4], $0x0  }
0x19: {  	s7 =	sld [smem:$0x3F9E]  }
0x1a: {  	s8 =	sadd.s32 $0xFFFFE003, lr  }
0x1b: {  	s9 =	sadd.s32 $0xFFFFFEF7, lr;
	s5 =	simm.s32 $0xFFFFFFFF;
	p2 =	slt.u32 s8, $0xFFFFF086  }
0x1c: {  	p1 =	slt.u32 s9, $0xF7A;
	s5 =	simm.s32 @!p2 $0x0  }
0x1d: {  	s5 =	simm.s32 @p1 $0x1;
	p0 =	seq.s32 s7, s2  }
0x1e: {  	s7 =	smul.u32 @!p0 $0xF7A, s2;
	p2 =	seq.s32 @!p0 s5, $0x0  }
0x1f: {  	s9 =	smul.u32 $0xF7A, s1;
	s8 =	simm.s32 @!p0 $0x1BF5;
	p2 =	por !p2, p0  }
0x20: {  	[sflag:s8] =	ssyncset.s32 @!p0 $0xFFFFF086;
	s6 =	sadd.s32 @!p0 s3, s7;
	s7 =	simm.s32 @!p0 $0x108  }
0x21: {  	s3 =	sadd.s32 s3, s9;
	s6 =	sadd.s32 @!p0 $0x88, s6;
	s7 =	simm.s32 @p2 $0x1082  }
0x22: {  	[simem:s7], [sflag:s8] =	dma.local @!p0 [hbm:s6], $0xF7A  }
0x23: {  	s9 =	sor.u32 $0xD0000000, s2;
	s6 =	simm.s32 $0x108;
	_ =	swait.ge @!p0 [sflag:s8], $0x0  }
0x24: {  	s3 =	sadd.s32 $0x88, s3;
	s6 =	simm.s32 @!p1 $0x1082;
	[sflag:s4] =	ssyncset.s32 $0xFFFFF086  }
0x25: {  	[simem:s6], [sflag:s4] =	dma.local [hbm:s3], $0xF7A  }
0x26: {  	[smem:$0x3F9E] =	sst s1;
	(tag) =	ssettag s2;
	_ =	strace s9  }
0x27: {  	s1 =	sld [smem:$0x3FAE]  }
0x28: {  	s2 =	sld [smem:$0x3FAF]  }
0x29: {  	s4 =	sld [smem:$0x3FB1]  }
0x2a: {  	p0 =	seq.s32 s5, $0x0;
	s5 =	sld [smem:$0x3FB2]  }
0x2b: {  	s6 =	sld [smem:$0x3FB3]  }
0x2c: {  	s7 =	sld [smem:$0x3FB4]  }
0x2d: {  	s3 =	simm.s32 $0x108;
	s8 =	sld [smem:$0x3FB5]  }
0x2e: {  	s3 =	simm.s32 @!p0 $0x1082;
	s9 =	sld [smem:$0x3FB6]  }
0x2f: {  	lr =	sadd.s32 s0, s3;
	s0 =	sld [smem:$0x3FAD]  }
0x30: {  	s3 =	sld [smem:$0x3FB0]  }
0x31: {  	[smem:$0x3FB9] =	sst s10  }
0x32: {  	s10 =	sld [smem:$0x3FB7];
	_ =	sdelay $0x3  }
0x33: {  	p0 =	seq.s32 s10, $0x1;
	s10 =	sld [smem:$0x3FB9];
	_ =	sdelay $0x3  }
0x34: {  	[smem:$0x3FB9] =	sst s10  }
0x35: {  	s10 =	sld [smem:$0x3FB8];
	_ =	sdelay $0x3  }
0x36: {  	p1 =	seq.s32 s10, $0x1;
	s10 =	sld [smem:$0x3FB9];
	_ =	sdelay $0x3  }
0x37: {  	[smem:$0x3FB9] =	sst s10  }
0x38: {  	s10 =	sld [smem:$0x3FBA]  }
0x39: {  	_ = 	snop;
	(pc) =	sbr.ind lr, $3  }
0x3a: {  	_ = 	snop  }
0x3b: {  	_ = 	snop  }
0x3c: {  	p2 =	seq.s32 s10, $0x1;
	s10 =	sld [smem:$0x3FB9]  }
0x3d: {  	_ =	shalt  }
0x3e: {  	_ =	shalt  }
0x3f: {  	_ =	shalt  }
0x40: {  	_ =	shalt  }
0x41: {  	_ =	shalt  }
0x42: {  	_ =	shalt  }
0x43: {  	_ =	shalt  }
0x44: {  	_ =	shalt  }
0x45: {  	_ =	shalt  }
0x46: {  	_ =	shalt  }
0x47: {  	_ =	shalt  }
0x48: {  	_ =	shalt  }
0x49: {  	_ =	shalt  }
0x4a: {  	_ =	shalt  }
0x4b: {  	_ =	shalt  }
0x4c: {  	_ =	shalt  }
0x4d: {  	_ =	shalt  }
0x4e: {  	_ =	shalt  }
0x4f: {  	_ =	shalt  }
0x50: {  	_ =	shalt  }
0x51: {  	_ =	shalt  }
0x52: {  	_ =	shalt  }
0x53: {  	_ =	shalt  }
0x54: {  	_ =	shalt  }
0x55: {  	_ =	shalt  }
0x56: {  	_ =	shalt  }
0x57: {  	_ =	shalt  }
0x58: {  	_ =	shalt  }
0x59: {  	_ =	shalt  }
0x5a: {  	_ =	shalt  }
0x5b: {  	_ =	shalt  }
0x5c: {  	_ =	shalt  }
0x5d: {  	_ =	shalt  }
0x5e: {  	_ =	shalt  }
0x5f: {  	_ =	shalt  }
0x60: {  	_ =	shalt  }
0x61: {  	_ =	shalt  }
0x62: {  	_ =	shalt  }
0x63: {  	_ =	shalt  }
0x64: {  	_ =	shalt  }
0x65: {  	_ =	shalt  }
0x66: {  	_ =	shalt  }
0x67: {  	_ =	shalt  }
0x68: {  	_ =	shalt  }
0x69: {  	_ =	shalt  }
0x6a: {  	_ =	shalt  }
0x6b: {  	_ =	shalt  }
0x6c: {  	_ =	shalt  }
0x6d: {  	_ =	shalt  }
0x6e: {  	_ =	shalt  }
0x6f: {  	_ =	shalt  }
0x70: {  	_ =	shalt  }
0x71: {  	_ =	shalt  }
0x72: {  	_ =	shalt  }
0x73: {  	_ =	shalt  }
0x74: {  	_ =	shalt  }
0x75: {  	_ =	shalt  }
0x76: {  	_ =	shalt  }
0x77: {  	_ =	shalt  }
0x78: {  	_ =	shalt  }
0x79: {  	_ =	shalt  }
0x7a: {  	_ =	shalt  }
0x7b: {  	_ =	shalt  }
0x7c: {  	_ =	shalt  }
0x7d: {  	_ =	shalt  }
0x7e: {  	_ =	shalt  }
0x7f: {  	_ =	shalt  }
0x80: {  	_ =	shalt  }
0x81: {  	_ =	shalt  }
0x82: {  	_ =	shalt  }
0x83: {  	_ =	shalt  }
0x84: {  	_ =	shalt  }
0x85: {  	_ =	shalt  }
0x86: {  	_ =	shalt  }
0x87: {  	_ =	shalt  }
.Lfunc_end0:
.L_simem_size_0:
called_computation.5_lowered:
.L_overlay_start_0:
0x88: {  	s2 =	sld [smem:$0x3FD9]  }
0x89: {  	s3 =	sld [smem:$0x3FFE];
	_ =	sdelay $0x1  }
0x8a: {  	s1 =	srdreg.scid  }
0x8b: {  	s0 =	sand.u32 $0x1, s1  }
0x8c: {  	s17 =	sshll.u32 s0, $0xA;
	s2 =	sadd.s32 s3, s2  }
0x8d: {  	s2 =	sadd.s32 s2, s17  }
0x8e: {  	[smem:$0x3FC5] =	sst s2  }
0x8f: {  	_ = 	snop  }
0x90: {  	s2 =	sld [smem:$0x3FD0];
	(tm) =	ssettm $0x1  }
0x91: {  	s18 =	sld [smem:$0x3FFB];
	_ =	sdelay $0x3  }
0x92: {  	_ =	strace s18  }
0x93: {  	s3 =	sld [smem:$0x3FFC];
	_ =	sdelay $0x3  }
0x94: {  	_ =	strace s3  }
0x95: {  	s3 =	sld [smem:$0x3FFD];
	_ =	sdelay $0x3  }
0x96: {  	_ =	strace s3  }
0x97: {  	_ =	strace $0x8FFFFFFF  }
0x98: {  	s19 =	sld [smem:$0x3FDB];
	_ =	sdelay $0x1  }
0x99: {  	s4 =	simm.s32 $_scs_section_size  }
0x9a: {  	s5 =	simm.s32 $_size__tile_overlayer_lowered;
	s6 =	simm.s32 $_tile_overlayer_lowered  }
0x9b: {  	s22 =	simm.s32 $0x1BFF;
	s21 =	sshll.u32 s6, $0x1;
	s3 =	sadd.s32 s4, s19  }
0x9c: {  	s7 =	simm.s32 $0x0;
	s20 =	sshll.u32 s5, $0x1;
	s5 =	sadd.s32 s21, s3  }
0x9d: {  	[timem:s7], [sflag:s22] =	dma.local [hbm:s5], s20  }
0x9e: {  	_ =	swait.ge [sflag:s22], s20  }
0x9f: {  	s4 =	ssub.s32 $0x0, s20;
	[sflag:s22] =	ssyncset.done $0x0  }
0xa0: {  	[sflag:s22] =	ssyncadd.s32 s4;
	_ =	sdelay $0x1  }
0xa1: {  	s23 =	simm.s32 $0x1B8B  }
0xa2: {  	_ =	swait.ge [sflag:s23], $0x1  }
0xa3: {  	[sflag:s23] =	ssyncset.done $0x0  }
0xa4: {  	s25 =	simm.s32 $0x1B8E;
	s24 =	sld [smem:$0x3FFE];
	[sflag:s23] =	ssyncadd.s32 $0xFFFFFFFF  }
0xa5: {  	s26 =	simm.s32 $execute0_lowered;
	[smem:$0x3FD2] =	sst s25  }
0xa6: {  	s5 =	sshll.u32 s26, $0x1;
	_ =	strace $0x80000055;
	[dreg:$0x1] =	wrdreg $0xFFFFFFFF  }
0xa7: {  	s28 =	simm.s32 $_size_execute0_lowered;
	s3 =	sadd.s32 s3, s5;
	[dreg:$0x0] =	wrdreg $0x0  }
0xa8: {  	s5 =	sshll.u32 s28, $0x1;
	[dreg:$0x2] =	wrdreg s3  }
0xa9: {  	[dreg:$0x3] =	wrdreg s5  }
0xaa: {  	[dreg:$0x4] =	wrdreg $0xC0  }
0xab: {  	_ =	task [dreg:s7], $0x5FFFF  }
0xac: {  	[dreg:$0x1] =	wrdreg $0xFFFFFFFF  }
0xad: {  	[dreg:$0x0] =	wrdreg $0x60  }
0xae: {  	[dreg:$0x2] =	wrdreg s24  }
0xaf: {  	[dreg:$0x3] =	wrdreg s2  }
0xb0: {  	[dreg:$0x4] =	wrdreg $0x88000  }
0xb1: {  	[dreg:$0x5] =	wrdreg $0x9  }
0xb2: {  	_ =	task.clear_ibuf [dreg:s7], $0x6FFFF;
	_ =	strace $0x90000055  }
0xb3: {  	s29 =	simm.s32 $0x9;
	_ =	strace $0x80000057  }
0xb4: {  	_ =	swait.ge [sflag:s29], $0x1  }
0xb5: {  	[sflag:s29] =	ssyncadd.s32 $0xFFFFFFFF  }
0xb6: {  	_ =	strace $0x90000057  }
0xb7: {  	_ =	sfence  }
0xb8: {  	s30 =	sld [smem:$0x0];
	_ =	sdelay $0x2  }
0xb9: {  	s31 =	sshll.u32 s1, $0xD;
	s1 =	sshrl.u32 s1, $0x2  }
0xba: {  	s3 =	sand.u32 $0x4000, s31;
	s1 =	sadd.s32 s1, s30  }
0xbb: {  	s0 =	sor.u32 s3, s0;
	s1 =	sshll.u32 s1, $0x11  }
0xbc: {  	s0 =	sor.u32 s1, s0  }
0xbd: {  	s0 =	sadd.s32 $0x8F2B, s0  }
0xbe: {  	[sflag:s0] =	ssyncadd.remote.s32 $0x1  }
0xbf: {  	_ =	sfence.sel $0xFFFF  }
0xc0: {  	[dreg:$0x0] =	wrdreg $0xFFFFFFFF;
	(pc) =	sbr.abs _section_cstart, $3  }
0xc1: {  	[dreg:$0x1] =	wrdreg $0xFFFFFFFF  }
0xc2: {  	_ =	task.clear_ibuf [dreg:s7], $0x2FFFF;
	_ =	strace $0x9FFFFFFF  }
0xc3: {  	(tm) =	ssettm $0x7FFFFFFF  }
tec
execute0_lowered:
.L_overlay_start_1:
0x0: {  	(tag) =	ssettag $0x1  }
0x1: {  	s0 =	rddreg [dreg:$0x0]  }
0x2: {  	s2 =	rddreg [dreg:$0x1];
	s1 =	srdreg.scid  }
0x3: {  	s3 =	rddreg [dreg:$0x2];
	s10 =	stileid.u32;
	s4 =	simm.s32 $0x0  }
0x4: {  	s25 =	simm.s32 $0x100;
	s26 =	simm.s32 $0x80;
	s28 =	simm.s32 $0x300  }
0x5: {  	s29 =	simm.s32 $0x280;
	s30 =	simm.s32 $0x2;
	s6 =	smul.u32 $0x14000, s10  }
0x6: {  	s31 =	simm.s32 $0x380;
	s1 =	sand.u32 $0x1, s1;
	s15 =	smul.u32 $0x5000, s10  }
0x7: {  	[smem:$0x7FF] =	sst s4;
	s5 =	smul.u32 $0x140000, s1;
	s7 =	sshll.u32 s1, $0x4  }
0x8: {  	_ =	strace $0x80000056;
	s8 =	ssub.s32 $0x2, s1;
	[dreg:$0x5] =	wrdreg s25  }
0x9: {  	s1 =	smul.u32 $0x50000, s1;
	[dreg:$0x6] =	wrdreg s26;
	s25 =	simm.s32 $0x3  }
0xa: {  	s26 =	simm.s32 $0x200;
	s9 =	sor.u32 s10, s7;
	s12 =	sshrl.u32 s8, $0x1  }
0xb: {  	s5 =	sadd.s32 s6, s5;
	s6 =	smul.u32 $0x5000, s9;
	s7 =	ssub.s32 s8, s12  }
0xc: {  	s9 =	smul.u32 $0x50000, s10;
	s19 =	sadd.s32 s15, s1;
	s1 =	simm.s32 $0x480  }
0xd: {  	s10 =	simm.s32 $0x680;
	s12 =	simm.s32 $0x0;
	s11 =	sshrl.u32 s5, $0x3  }
0xe: {  	s5 =	sadd.s32 $0x4000, s0;
	s16 =	smax.u32 s7, $0x1;
	s0 =	sadd.s32 s11, s0  }
0xf: {  	s13 =	sshrl.u32 s6, $0x3;
	s6 =	sor.u32 $0x800, s6;
	[dreg:$0x9] =	wrdreg s16  }
0x10: {  	s14 =	sshrl.u32 s9, $0x2;
	s8 =	sadd.s32 s2, s13;
	[dreg:$0x4] =	wrdreg s6  }
0x11: {  	s0 =	sadd.s32 $0x2C000, s0;
	[dreg:$0x7] =	wrdreg s8;
	s8 =	sadd.s32 s14, s3  }
0x12: {  	s7 =	simm.s32 $0x600;
	[dreg:$0x8] =	wrdreg s0;
	s17 =	sadd.s32 $0x2800, s8  }
0x13: {  	s9 =	simm.s32 $0x700;
	s18 =	sadd.s32 $0x5000, s8;
	[dreg:$0xa] =	wrdreg s17  }
0x14: {  	s11 =	simm.s32 $0x780;
	s20 =	sadd.s32 $0x7800, s8;
	[dreg:$0xb] =	wrdreg s18  }
0x15: {  	s6 =	simm.s32 $0x580;
	s21 =	sadd.s32 $0xA000, s8;
	[dreg:$0xc] =	wrdreg s20  }
0x16: {  	s0 =	sor.u32 $0x400, s19;
	s22 =	sadd.s32 $0xC800, s8;
	[dreg:$0xd] =	wrdreg s21  }
0x17: {  	s19 =	simm.s32 $0x4;
	s23 =	sadd.s32 $0xF000, s8;
	[dreg:$0xe] =	wrdreg s22  }
0x18: {  	s0 =	sshrl.u32 s0, $0x3;
	s24 =	sadd.s32 $0x11800, s8;
	[dreg:$0xf] =	wrdreg s23  }
0x19: {  	[dreg:$0x10] =	wrdreg s24;
	s14 =	sadd.s32 s0, s2;
	s18 =	simm.s32 $0x800  }
0x1a: {  	s20 =	simm.s32 $0x400;
	s21 =	simm.s32 $0x7D;
	s22 =	simm.s32 $0x4800  }
0x1b: {  	v0 =	vimm.f32 $0.0e+00;
	s23 =	simm.s32 $0x1;
	s24 =	simm.s32 $0x180;
	s0 =	simm.s32 $0x500  }
.LBB2_1:
0x1c: {  	s13 =	simm.s32 $0x0;
	s15 =	simm.s32 $0x200  }
.LBB2_2:
0x1d: {  	p0 =	sne.s32 s15, $0x9E00;
	[tilespmem:s13+$0x870] =	vst v0  }
0x1e: {  	[tilespmem:s13+$0x800] =	vst v0  }
0x1f: {  	[tilespmem:s13+$0x810] =	vst v0  }
.Ltmp0:
0x20: {  	[tilespmem:s13+$0x820] =	vst v0;
	(pc) =	sbr.rel @p0 .LBB2_2-.Ltmp0, $4  }
0x21: {  	[tilespmem:s13+$0x830] =	vst v0  }
0x22: {  	[tilespmem:s13+$0x840] =	vst v0  }
0x23: {  	[tilespmem:s13+$0x850] =	vst v0  }
0x24: {  	[tilespmem:s13+$0x860] =	vst v0;
	s13 =	sshra.s32 s15, $0x2;
	s15 =	sadd.s32 $0x200, s15  }
0x25: {  	[tilespmem:s13+$0x870] =	vst v0  }
0x26: {  	[tilespmem:s13+$0x800] =	vst v0  }
0x27: {  	[tilespmem:s13+$0x810] =	vst v0  }
0x28: {  	[tilespmem:s13+$0x820] =	vst v0  }
0x29: {  	[tilespmem:s13+$0x830] =	vst v0  }
0x2a: {  	[tilespmem:s13+$0x840] =	vst v0  }
0x2b: {  	[tilespmem:s13+$0x850] =	vst v0  }
0x2c: {  	[tilespmem:s13+$0x860] =	vst v0  }
0x2d: {  	[spmem:s8] =	stream.linear.scatter [tilespmem:s18], [sflag:$0x4], $0x2800, $0x38;
	[tilespmem:$0x1C800] =	vst v63  }
0x2e: {  	_ =	swait.ge [sflag:s19], $0x2800  }
0x2f: {  	[sflag:s19] =	ssyncset.done $0x0  }
0x30: {  	s16 =	rddreg [dreg:$0xa];
	[sflag:s19] =	ssyncadd.s32 $0xFFFFD800  }
0x31: {  	[spmem:s16] =	stream.linear.scatter [tilespmem:s18], [sflag:$0x4], $0x2800, $0x38;
	[tilespmem:$0x1C800] =	vst v63  }
0x32: {  	_ =	swait.ge [sflag:s19], $0x2800  }
0x33: {  	[sflag:s19] =	ssyncset.done $0x0  }
0x34: {  	s17 =	rddreg [dreg:$0xb];
	[sflag:s19] =	ssyncadd.s32 $0xFFFFD800  }
0x35: {  	[spmem:s17] =	stream.linear.scatter [tilespmem:s18], [sflag:$0x4], $0x2800, $0x38;
	[tilespmem:$0x1C800] =	vst v63  }
0x36: {  	_ =	swait.ge [sflag:s19], $0x2800  }
0x37: {  	[sflag:s19] =	ssyncset.done $0x0  }
0x38: {  	s15 =	rddreg [dreg:$0xc];
	[sflag:s19] =	ssyncadd.s32 $0xFFFFD800  }
0x39: {  	[spmem:s15] =	stream.linear.scatter [tilespmem:s18], [sflag:$0x4], $0x2800, $0x38;
	[tilespmem:$0x1C800] =	vst v63  }
0x3a: {  	_ =	swait.ge [sflag:s19], $0x2800  }
0x3b: {  	[sflag:s19] =	ssyncset.done $0x0  }
0x3c: {  	s16 =	rddreg [dreg:$0xd];
	[sflag:s19] =	ssyncadd.s32 $0xFFFFD800  }
0x3d: {  	[spmem:s16] =	stream.linear.scatter [tilespmem:s18], [sflag:$0x4], $0x2800, $0x38;
	[tilespmem:$0x1C800] =	vst v63  }
0x3e: {  	_ =	swait.ge [sflag:s19], $0x2800  }
0x3f: {  	[sflag:s19] =	ssyncset.done $0x0  }
0x40: {  	s17 =	rddreg [dreg:$0xe];
	[sflag:s19] =	ssyncadd.s32 $0xFFFFD800  }
0x41: {  	[spmem:s17] =	stream.linear.scatter [tilespmem:s18], [sflag:$0x4], $0x2800, $0x38;
	[tilespmem:$0x1C800] =	vst v63  }
0x42: {  	_ =	swait.ge [sflag:s19], $0x2800  }
0x43: {  	[sflag:s19] =	ssyncset.done $0x0  }
0x44: {  	s15 =	rddreg [dreg:$0xf];
	[sflag:s19] =	ssyncadd.s32 $0xFFFFD800  }
0x45: {  	[spmem:s15] =	stream.linear.scatter [tilespmem:s18], [sflag:$0x4], $0x2800, $0x38;
	[tilespmem:$0x1C800] =	vst v63  }
0x46: {  	_ =	swait.ge [sflag:s19], $0x2800  }
0x47: {  	[sflag:s19] =	ssyncset.done $0x0  }
0x48: {  	s16 =	rddreg [dreg:$0x10];
	[sflag:s19] =	ssyncadd.s32 $0xFFFFD800  }
0x49: {  	[spmem:s16] =	stream.linear.scatter [tilespmem:s18], [sflag:$0x4], $0x2800, $0x38;
	[tilespmem:$0x1C800] =	vst v63  }
0x4a: {  	_ =	swait.ge [sflag:s19], $0x2800  }
0x4b: {  	[sflag:s19] =	ssyncset.done $0x0  }
0x4c: {  	[sflag:s19] =	ssyncadd.s32 $0xFFFFD800  }
0x4d: {  	[bflag:$0x0] =	sbarrier.arrive $0xFFFF  }
0x4e: {  	s13 =	simm.s32 $0x0;
	s15 =	rddreg [dreg:$0x7]  }
0x4f: {  	[tilespmem:s13], [sflag:$0x4] =	stream.linear.gather [hbm4b:s15+s13], $0x400, $0x38;
	[tilespmem:$0x1C800] =	vst v63  }
0x50: {  	_ =	swait.ge [sflag:s19], $0x400  }
0x51: {  	[sflag:s19] =	ssyncset.done $0x0  }
0x52: {  	[sflag:s19] =	ssyncadd.s32 $0xFFFFFC00  }
0x53: {  	[tilespmem:s20], [sflag:$0x2] =	stream.linear.gather [hbm4b:s14+s4], $0x400, $0x38;
	[tilespmem:$0x1C800] =	vst v63  }
0x54: {  	_ = 	snop  }
0x55: {  	[tilespmem:s18], [sflag:$0x1] =	stream.indirect.gather [hbm4b:s5+s21], $0x80, s4, s21, $0xb8;
	[tilespmem:$0x1C800] =	vst v63  }
0x56: {  	s17 =	rddreg [dreg:$0x5]  }
0x57: {  	[tilespmem:s22], [sflag:$0x1] =	stream.indirect.gather [hbm4b:s5+s21], $0x80, s17, s21, $0xb8;
	[tilespmem:$0x1C800] =	vst v63  }
0x58: {  	_ =	swait.ge [sflag:s23], $0x3E80  }
0x59: {  	[sflag:s23] =	ssyncset.done $0x0  }
0x5a: {  	s16 =	rddreg [dreg:$0x6];
	[sflag:s23] =	ssyncadd.s32 $0xFFFFC180  }
0x5b: {  	[spmem:s3] =	stream.indirect.scatter.add.f32 [tilespmem:s18], [sflag:$0x3], $0x80, s16, s21, $0xb8;
	[tilespmem:$0x1C800] =	vst v63  }
0x5c: {  	_ =	swait.ge [sflag:s23], $0x3E80  }
0x5d: {  	[sflag:s23] =	ssyncset.done $0x0  }
0x5e: {  	[sflag:s23] =	ssyncadd.s32 $0xFFFFC180  }
0x5f: {  	[spmem:s3] =	stream.indirect.scatter.add.f32 [tilespmem:s22], [sflag:$0x3], $0x80, s24, s21, $0xb8;
	[tilespmem:$0x1C800] =	vst v63  }
0x60: {  	_ =	swait.ge [sflag:s25], $0x3E80  }
0x61: {  	[sflag:s25] =	ssyncset.done $0x0  }
0x62: {  	[sflag:s25] =	ssyncadd.s32 $0xFFFFC180  }
0x63: {  	[tilespmem:s18], [sflag:$0x1] =	stream.indirect.gather [hbm4b:s5+s21], $0x80, s26, s21, $0xb8;
	[tilespmem:$0x1C800] =	vst v63  }
0x64: {  	_ =	swait.ge [sflag:s25], $0x3E80  }
0x65: {  	[sflag:s25] =	ssyncset.done $0x0  }
0x66: {  	[sflag:s25] =	ssyncadd.s32 $0xFFFFC180  }
0x67: {  	[tilespmem:s22], [sflag:$0x1] =	stream.indirect.gather [hbm4b:s5+s21], $0x80, s28, s21, $0xb8;
	[tilespmem:$0x1C800] =	vst v63  }
0x68: {  	_ =	swait.ge [sflag:s23], $0x3E80  }
0x69: {  	[sflag:s23] =	ssyncset.done $0x0  }
0x6a: {  	[sflag:s23] =	ssyncadd.s32 $0xFFFFC180  }
0x6b: {  	[spmem:s3] =	stream.indirect.scatter.add.f32 [tilespmem:s18], [sflag:$0x3], $0x80, s29, s21, $0xb8;
	[tilespmem:$0x1C800] =	vst v63  }
0x6c: {  	_ =	swait.ge [sflag:s30], $0x400  }
0x6d: {  	[sflag:s30] =	ssyncset.done $0x0  }
0x6e: {  	[sflag:s30] =	ssyncadd.s32 $0xFFFFFC00  }
0x6f: {  	_ =	swait.ge [sflag:s23], $0x3E80  }
0x70: {  	[sflag:s23] =	ssyncset.done $0x0  }
0x71: {  	[sflag:s23] =	ssyncadd.s32 $0xFFFFC180  }
0x72: {  	[spmem:s3] =	stream.indirect.scatter.add.f32 [tilespmem:s22], [sflag:$0x3], $0x80, s31, s21, $0xb8;
	[tilespmem:$0x1C800] =	vst v63  }
0x73: {  	_ =	swait.ge [sflag:s25], $0x3E80  }
0x74: {  	[sflag:s25] =	ssyncset.done $0x0  }
0x75: {  	[sflag:s25] =	ssyncadd.s32 $0xFFFFC180  }
0x76: {  	s13 =	smin.u32 s13, $0x11;
	_ =	swait.ge [sflag:s25], $0x3E80  }
0x77: {  	s13 =	sshll.u32 s13, $0xA;
	s17 =	rddreg [dreg:$0x4]  }
0x78: {  	s13 =	sadd.s32 s13, s17  }
0x79: {  	[sflag:s25] =	ssyncset.done $0x0;
	s13 =	sshrl.u32 s13, $0x3  }
0x7a: {  	[sflag:s25] =	ssyncadd.s32 $0xFFFFC180;
	s13 =	sadd.s32 s2, s13  }
0x7b: {  	[tilespmem:s4], [sflag:$0x2] =	stream.linear.gather [hbm4b:s13+s4], $0x400, $0x38;
	[tilespmem:$0x1C800] =	vst v63  }
0x7c: {  	_ = 	snop  }
0x7d: {  	[tilespmem:s18], [sflag:$0x1] =	stream.indirect.gather [hbm4b:s5+s21], $0x80, s20, s21, $0xb8;
	[tilespmem:$0x1C800] =	vst v63  }
0x7e: {  	_ = 	snop  }
0x7f: {  	[tilespmem:s22], [sflag:$0x1] =	stream.indirect.gather [hbm4b:s5+s21], $0x80, s0, s21, $0xb8;
	[tilespmem:$0x1C800] =	vst v63  }
0x80: {  	_ =	swait.ge [sflag:s23], $0x3E80  }
0x81: {  	[sflag:s23] =	ssyncset.done $0x0  }
0x82: {  	[sflag:s23] =	ssyncadd.s32 $0xFFFFC180  }
0x83: {  	[spmem:s3] =	stream.indirect.scatter.add.f32 [tilespmem:s18], [sflag:$0x3], $0x80, s1, s21, $0xb8;
	[tilespmem:$0x1C800] =	vst v63  }
0x84: {  	_ =	swait.ge [sflag:s23], $0x3E80  }
0x85: {  	[sflag:s23] =	ssyncset.done $0x0  }
0x86: {  	[sflag:s23] =	ssyncadd.s32 $0xFFFFC180  }
0x87: {  	[spmem:s3] =	stream.indirect.scatter.add.f32 [tilespmem:s22], [sflag:$0x3], $0x80, s6, s21, $0xb8;
	[tilespmem:$0x1C800] =	vst v63  }
0x88: {  	_ =	swait.ge [sflag:s25], $0x3E80  }
0x89: {  	[sflag:s25] =	ssyncset.done $0x0  }
0x8a: {  	[sflag:s25] =	ssyncadd.s32 $0xFFFFC180  }
0x8b: {  	[tilespmem:s18], [sflag:$0x1] =	stream.indirect.gather [hbm4b:s5+s21], $0x80, s7, s21, $0xb8;
	[tilespmem:$0x1C800] =	vst v63  }
0x8c: {  	_ =	swait.ge [sflag:s25], $0x3E80  }
0x8d: {  	[sflag:s25] =	ssyncset.done $0x0  }
0x8e: {  	[sflag:s25] =	ssyncadd.s32 $0xFFFFC180  }
0x8f: {  	[tilespmem:s22], [sflag:$0x1] =	stream.indirect.gather [hbm4b:s5+s21], $0x80, s9, s21, $0xb8;
	[tilespmem:$0x1C800] =	vst v63  }
0x90: {  	_ =	swait.ge [sflag:s23], $0x3E80  }
0x91: {  	[sflag:s23] =	ssyncset.done $0x0  }
0x92: {  	[sflag:s23] =	ssyncadd.s32 $0xFFFFC180  }
0x93: {  	[spmem:s3] =	stream.indirect.scatter.add.f32 [tilespmem:s18], [sflag:$0x3], $0x80, s10, s21, $0xb8;
	[tilespmem:$0x1C800] =	vst v63  }
0x94: {  	_ =	swait.ge [sflag:s30], $0x400  }
0x95: {  	[sflag:s30] =	ssyncset.done $0x0  }
0x96: {  	[sflag:s30] =	ssyncadd.s32 $0xFFFFFC00  }
0x97: {  	_ =	swait.ge [sflag:s23], $0x3E80  }
0x98: {  	[sflag:s23] =	ssyncset.done $0x0  }
0x99: {  	[sflag:s23] =	ssyncadd.s32 $0xFFFFC180  }
0x9a: {  	[spmem:s3] =	stream.indirect.scatter.add.f32 [tilespmem:s22], [sflag:$0x3], $0x80, s11, s21, $0xb8;
	[tilespmem:$0x1C800] =	vst v63  }
0x9b: {  	_ =	swait.ge [sflag:s25], $0x3E80  }
0x9c: {  	[sflag:s25] =	ssyncset.done $0x0  }
0x9d: {  	[sflag:s25] =	ssyncadd.s32 $0xFFFFC180  }
0x9e: {  	_ =	swait.ge [sflag:s25], $0x3E80  }
0x9f: {  	s17 =	smov.u32 s14;
	s13 =	simm.s32 $0x2;
	[sflag:s25] =	ssyncset.done $0x0  }
.LBB2_4:
0xa0: {  	[sflag:s25] =	ssyncadd.s32 $0xFFFFC180;
	s17 =	sadd.s32 $0x100, s17  }
0xa1: {  	[tilespmem:s20], [sflag:$0x2] =	stream.linear.gather [hbm4b:s17+s4], $0x400, $0x38;
	[tilespmem:$0x1C800] =	vst v63  }
0xa2: {  	_ = 	snop  }
0xa3: {  	[tilespmem:s18], [sflag:$0x1] =	stream.indirect.gather [hbm4b:s5+s21], $0x80, s4, s21, $0xb8;
	[tilespmem:$0x1C800] =	vst v63  }
0xa4: {  	s16 =	rddreg [dreg:$0x5]  }
0xa5: {  	[tilespmem:s22], [sflag:$0x1] =	stream.indirect.gather [hbm4b:s5+s21], $0x80, s16, s21, $0xb8;
	[tilespmem:$0x1C800] =	vst v63  }
0xa6: {  	_ =	swait.ge [sflag:s23], $0x3E80  }
0xa7: {  	[sflag:s23] =	ssyncset.done $0x0  }
0xa8: {  	s16 =	rddreg [dreg:$0x6];
	[sflag:s23] =	ssyncadd.s32 $0xFFFFC180  }
0xa9: {  	[spmem:s3] =	stream.indirect.scatter.add.f32 [tilespmem:s18], [sflag:$0x3], $0x80, s16, s21, $0xb8;
	[tilespmem:$0x1C800] =	vst v63  }
0xaa: {  	_ =	swait.ge [sflag:s23], $0x3E80  }
0xab: {  	[sflag:s23] =	ssyncset.done $0x0  }
0xac: {  	[sflag:s23] =	ssyncadd.s32 $0xFFFFC180  }
0xad: {  	[spmem:s3] =	stream.indirect.scatter.add.f32 [tilespmem:s22], [sflag:$0x3], $0x80, s24, s21, $0xb8;
	[tilespmem:$0x1C800] =	vst v63  }
0xae: {  	_ =	swait.ge [sflag:s25], $0x3E80  }
0xaf: {  	[sflag:s25] =	ssyncset.done $0x0  }
0xb0: {  	[sflag:s25] =	ssyncadd.s32 $0xFFFFC180  }
0xb1: {  	[tilespmem:s18], [sflag:$0x1] =	stream.indirect.gather [hbm4b:s5+s21], $0x80, s26, s21, $0xb8;
	[tilespmem:$0x1C800] =	vst v63  }
0xb2: {  	_ =	swait.ge [sflag:s25], $0x3E80  }
0xb3: {  	[sflag:s25] =	ssyncset.done $0x0  }
0xb4: {  	[sflag:s25] =	ssyncadd.s32 $0xFFFFC180  }
0xb5: {  	[tilespmem:s22], [sflag:$0x1] =	stream.indirect.gather [hbm4b:s5+s21], $0x80, s28, s21, $0xb8;
	[tilespmem:$0x1C800] =	vst v63  }
0xb6: {  	_ =	swait.ge [sflag:s23], $0x3E80  }
0xb7: {  	[sflag:s23] =	ssyncset.done $0x0  }
0xb8: {  	[sflag:s23] =	ssyncadd.s32 $0xFFFFC180  }
0xb9: {  	[spmem:s3] =	stream.indirect.scatter.add.f32 [tilespmem:s18], [sflag:$0x3], $0x80, s29, s21, $0xb8;
	[tilespmem:$0x1C800] =	vst v63  }
0xba: {  	_ =	swait.ge [sflag:s30], $0x400  }
0xbb: {  	[sflag:s30] =	ssyncset.done $0x0  }
0xbc: {  	[sflag:s30] =	ssyncadd.s32 $0xFFFFFC00  }
0xbd: {  	_ =	swait.ge [sflag:s23], $0x3E80  }
0xbe: {  	[sflag:s23] =	ssyncset.done $0x0  }
0xbf: {  	[sflag:s23] =	ssyncadd.s32 $0xFFFFC180  }
0xc0: {  	[spmem:s3] =	stream.indirect.scatter.add.f32 [tilespmem:s22], [sflag:$0x3], $0x80, s31, s21, $0xb8;
	[tilespmem:$0x1C800] =	vst v63  }
0xc1: {  	_ =	swait.ge [sflag:s25], $0x3E80  }
0xc2: {  	[sflag:s25] =	ssyncset.done $0x0  }
0xc3: {  	s15 =	smov.u32 s13;
	[sflag:s25] =	ssyncadd.s32 $0xFFFFC180  }
0xc4: {  	s15 =	smin.u32 s15, $0x11;
	_ =	swait.ge [sflag:s25], $0x3E80  }
0xc5: {  	s15 =	sshll.u32 s15, $0xA;
	s16 =	rddreg [dreg:$0x4]  }
0xc6: {  	s15 =	sadd.s32 s15, s16  }
0xc7: {  	[sflag:s25] =	ssyncset.done $0x0;
	s15 =	sshrl.u32 s15, $0x3  }
0xc8: {  	[sflag:s25] =	ssyncadd.s32 $0xFFFFC180;
	s15 =	sadd.s32 s2, s15  }
0xc9: {  	[tilespmem:s4], [sflag:$0x2] =	stream.linear.gather [hbm4b:s15+s4], $0x400, $0x38;
	[tilespmem:$0x1C800] =	vst v63  }
0xca: {  	_ = 	snop  }
0xcb: {  	[tilespmem:s18], [sflag:$0x1] =	stream.indirect.gather [hbm4b:s5+s21], $0x80, s20, s21, $0xb8;
	[tilespmem:$0x1C800] =	vst v63  }
0xcc: {  	_ = 	snop  }
0xcd: {  	[tilespmem:s22], [sflag:$0x1] =	stream.indirect.gather [hbm4b:s5+s21], $0x80, s0, s21, $0xb8;
	[tilespmem:$0x1C800] =	vst v63  }
0xce: {  	_ =	swait.ge [sflag:s23], $0x3E80  }
0xcf: {  	[sflag:s23] =	ssyncset.done $0x0  }
0xd0: {  	[sflag:s23] =	ssyncadd.s32 $0xFFFFC180  }
0xd1: {  	[spmem:s3] =	stream.indirect.scatter.add.f32 [tilespmem:s18], [sflag:$0x3], $0x80, s1, s21, $0xb8;
	[tilespmem:$0x1C800] =	vst v63  }
0xd2: {  	_ =	swait.ge [sflag:s23], $0x3E80  }
0xd3: {  	[sflag:s23] =	ssyncset.done $0x0  }
0xd4: {  	[sflag:s23] =	ssyncadd.s32 $0xFFFFC180  }
0xd5: {  	[spmem:s3] =	stream.indirect.scatter.add.f32 [tilespmem:s22], [sflag:$0x3], $0x80, s6, s21, $0xb8;
	[tilespmem:$0x1C800] =	vst v63  }
0xd6: {  	_ =	swait.ge [sflag:s25], $0x3E80  }
0xd7: {  	[sflag:s25] =	ssyncset.done $0x0  }
0xd8: {  	[sflag:s25] =	ssyncadd.s32 $0xFFFFC180  }
0xd9: {  	[tilespmem:s18], [sflag:$0x1] =	stream.indirect.gather [hbm4b:s5+s21], $0x80, s7, s21, $0xb8;
	[tilespmem:$0x1C800] =	vst v63  }
0xda: {  	_ =	swait.ge [sflag:s25], $0x3E80  }
0xdb: {  	[sflag:s25] =	ssyncset.done $0x0  }
0xdc: {  	[sflag:s25] =	ssyncadd.s32 $0xFFFFC180  }
0xdd: {  	[tilespmem:s22], [sflag:$0x1] =	stream.indirect.gather [hbm4b:s5+s21], $0x80, s9, s21, $0xb8;
	[tilespmem:$0x1C800] =	vst v63  }
0xde: {  	_ =	swait.ge [sflag:s23], $0x3E80  }
0xdf: {  	[sflag:s23] =	ssyncset.done $0x0  }
0xe0: {  	[sflag:s23] =	ssyncadd.s32 $0xFFFFC180  }
0xe1: {  	[spmem:s3] =	stream.indirect.scatter.add.f32 [tilespmem:s18], [sflag:$0x3], $0x80, s10, s21, $0xb8;
	[tilespmem:$0x1C800] =	vst v63  }
0xe2: {  	_ =	swait.ge [sflag:s30], $0x400  }
0xe3: {  	[sflag:s30] =	ssyncset.done $0x0  }
0xe4: {  	[sflag:s30] =	ssyncadd.s32 $0xFFFFFC00  }
0xe5: {  	_ =	swait.ge [sflag:s23], $0x3E80  }
0xe6: {  	[sflag:s23] =	ssyncset.done $0x0  }
0xe7: {  	p0 =	sne.s32 s13, $0x12;
	[sflag:s23] =	ssyncadd.s32 $0xFFFFC180  }
0xe8: {  	[spmem:s3] =	stream.indirect.scatter.add.f32 [tilespmem:s22], [sflag:$0x3], $0x80, s11, s21, $0xb8;
	[tilespmem:$0x1C800] =	vst v63  }
.Ltmp1:
0xe9: {  	_ =	swait.ge [sflag:s25], $0x3E80;
	(pc) =	sbr.rel @p0 .LBB2_4-.Ltmp1, $4  }
0xea: {  	[sflag:s25] =	ssyncset.done $0x0  }
0xeb: {  	[sflag:s25] =	ssyncadd.s32 $0xFFFFC180  }
0xec: {  	_ =	swait.ge [sflag:s25], $0x3E80  }
0xed: {  	s13 =	sadd.s32 $0x2, s13;
	[sflag:s25] =	ssyncset.done $0x0  }
0xee: {  	[sflag:s25] =	ssyncadd.s32 $0xFFFFC180;
	s13 =	stileid.u32  }
0xef: {  	s13 =	sshll.u32 s13, $0x6;
	[bflag:$0x0] =	sbarrier.arrive $0xFFFF  }
0xf0: {  	s15 =	sshrl.u32 s8, $0x3;
	s13 =	sor.u32 $0x1C04, s13;
	s16 =	rddreg [dreg:$0x8]  }
0xf1: {  	[hbm:s16], [sflag:s13] =	dma.local [spmem:s15], $0x2800  }
0xf2: {  	_ =	swait.ge [sflag:s19], $0x2800  }
0xf3: {  	s12 =	sadd.s32 $0x1, s12;
	s17 =	rddreg [dreg:$0x9]  }
0xf4: {  	p0 =	sne.s32 s12, s17  }
.Ltmp2:
0xf5: {  	_ = 	snop;
	(pc) =	sbr.rel @p0 .LBB2_1-.Ltmp2, $3  }
0xf6: {  	_ =	sdelay $0x1  }
0xf7: {  	[sflag:s19] =	ssyncset.done $0x0  }
0xf8: {  	[sflag:s19] =	ssyncadd.s32 $0xFFFFD800  }
0xf9: {  	_ =	sfence.sel $0x180000  }
0xfa: {  	[bflag:$0x0] =	sbarrier.arrive $0xFFFF  }
0xfb: {  	_ =	strace $0x90000056  }
0xfc: {  	s0 =	stileid.u32;
	[bflag:$0x2] =	sbarrier.arrive $0xFFFF  }
0xfd: {  	p0 =	sne.s32 s0, $0x0;
	s0 =	rddreg [dreg:$0x3]  }
0xfe: {  	s0 =	sadd.s32 @!p0 $0x100000, s0  }
0xff: {  	[sflag:s0] =	ssyncadd.tile.s32 @!p0 $0x1;
	_ =	shalt  }
.Lfunc_end2:
_tile_overlayer_lowered:
.L_overlay_start_2:
0x100: {  	(tag) =	ssettag $0x2  }
0x101: {  	s0 =	rddreg [dreg:$0x0];
	s2 =	stileid.u32  }
0x102: {  	s1 =	rddreg [dreg:$0x1];
	p0 =	sne.s32 s2, $0x0  }
0x103: {  	s3 =	rddreg [dreg:$0x2];
	[bflag:$0x3] =	sbarrier.arrive $0xFFFF;
	s2 =	simm.s32 @!p0 $0x1C04  }
0x104: {  	[timem:s3], [sflag:s2] =	dma.local @!p0 [hbm:s0], s1  }
0x105: {  	s0 =	simm.s32 @!p0 $0x4  }
0x106: {  	_ =	swait.ge @!p0 [sflag:s0], s1  }
0x107: {  	s1 =	ssub.s32 @!p0 $0x0, s1;
	[sflag:s0] =	ssyncset.done @!p0 $0x0  }
0x108: {  	[sflag:s0] =	ssyncadd.s32 @!p0 s1  }
0x109: {  	[bflag:$0x3] =	sbarrier.arrive $0xFFFF  }
0x10a: {  	_ =	shalt  }

</sc_bundles>
